<compile_context>
chip_gen: v7x
topology: tpu7x:2x2x1
jax: 0.10.2.dev20260603
libtpu: 0.0.44.dev20260713+nightly
codegen_flags: <defaults>
</compile_context>

<pallas_src>
import functools

import jax
import jax.numpy as jnp
from jax import lax
from jax.experimental import pallas as pl
from jax.experimental.pallas import tpu as pltpu
from jax.experimental.pallas import tpu_sc as plsc

EMB = 1024
EPS = 1e-6
LANES = 16
NCHUNK = EMB // LANES

NUM_CORES = 2
NUM_SUBCORES = 16
NW = NUM_CORES * NUM_SUBCORES

R = 32


def _allreduce_sum(x):
    iota = lax.iota(jnp.int32, LANES)
    dnums = lax.GatherDimensionNumbers(
        offset_dims=(), collapsed_slice_dims=(0,), start_index_map=(0,))
    for stride in (1, 2, 4, 8):
        idx = iota ^ stride
        x = x + lax.gather(
            x, idx[:, None], dnums, slice_sizes=(1,),
            mode=lax.GatherScatterMode.PROMISE_IN_BOUNDS)
    return x


def _rsqrt_newton(v):
    i = lax.bitcast_convert_type(v, jnp.int32)
    i = jnp.int32(0x5F3759DF) - (i >> 1)
    y = lax.bitcast_convert_type(i, jnp.float32)
    for _ in range(2):
        y = y * (1.5 - 0.5 * v * y * y)
    return y


def _normalize_chunk(buf, g_v, b_v):
    def row(r, rc):
        acc = jnp.zeros((LANES,), jnp.float32)
        acc2 = jnp.zeros((LANES,), jnp.float32)
        for j in range(NCHUNK):
            x = buf[r, pl.ds(j * LANES, LANES)]
            acc = acc + x
            acc2 = acc2 + x * x
        s1 = _allreduce_sum(acc)
        s2 = _allreduce_sum(acc2)
        mvec = s1 * (1.0 / EMB)
        var = s2 * (1.0 / EMB) - mvec * mvec
        scale = _rsqrt_newton(var + EPS)
        for j in range(NCHUNK):
            sl = pl.ds(j * LANES, LANES)
            x = buf[r, sl]
            a = scale * g_v[sl]
            buf[r, sl] = (x - mvec) * a + b_v[sl]
        return rc

    lax.fori_loop(0, R, row, 0)


def _body(src_ref, table_ref, gamma_ref, beta_ref, out_ref,
          idx0, idx1, buf0, buf1, g_v, b_v, gsem0, gsem1, osem0, osem1):
    idxs = (idx0, idx1)
    bufs = (buf0, buf1)
    gsems = (gsem0, gsem1)
    osems = (osem0, osem1)

    wid = lax.axis_index("s") * NUM_CORES + lax.axis_index("c")
    rows_per_w = src_ref.shape[0] // NW
    base = wid * rows_per_w
    nch = rows_per_w // R

    pltpu.sync_copy(gamma_ref, g_v)
    pltpu.sync_copy(beta_ref, b_v)

    pltpu.sync_copy(src_ref.at[pl.ds(base, R)], idx0)
    pltpu.make_async_copy(table_ref.at[idx0], buf0, gsem0).start()

    def super_step(s, carry):
        for p in range(2):
            q = 1 - p
            c = 2 * s + p
            row0 = base + c * R
            pltpu.make_async_copy(table_ref.at[idxs[p]], bufs[p], gsems[p]).wait()

            @pl.when(c >= 1)
            def _():
                pltpu.make_async_copy(
                    bufs[q], out_ref.at[pl.ds(row0 - R, R)], osems[q]).wait()

            @pl.when(c < nch - 1)
            def _():
                pltpu.sync_copy(src_ref.at[pl.ds(row0 + R, R)], idxs[q])
                pltpu.make_async_copy(table_ref.at[idxs[q]], bufs[q], gsems[q]).start()

            _normalize_chunk(bufs[p], g_v, b_v)
            pltpu.make_async_copy(bufs[p], out_ref.at[pl.ds(row0, R)], osems[p]).start()
        return carry

    lax.fori_loop(0, nch // 2, super_step, 0)
    pltpu.make_async_copy(
        bufs[1], out_ref.at[pl.ds(base + (nch - 1) * R, R)], osems[1]).wait()


def kernel(src, table, gamma, beta):
    b, s = src.shape
    n = b * s
    src_flat = src.reshape(n)
    mesh = plsc.VectorSubcoreMesh(core_axis_name="c", subcore_axis_name="s")
    run = functools.partial(
        pl.kernel,
        mesh=mesh,
        out_type=jax.ShapeDtypeStruct((n, EMB), jnp.float32),
        scratch_types=[
            pltpu.VMEM((R,), jnp.int32),
            pltpu.VMEM((R,), jnp.int32),
            pltpu.VMEM((R, EMB), jnp.float32),
            pltpu.VMEM((R, EMB), jnp.float32),
            pltpu.VMEM((EMB,), jnp.float32),
            pltpu.VMEM((EMB,), jnp.float32),
            pltpu.SemaphoreType.DMA,
            pltpu.SemaphoreType.DMA,
            pltpu.SemaphoreType.DMA,
            pltpu.SemaphoreType.DMA,
        ],
    )(_body)
    out = run(src_flat, table, gamma, beta)
    return out.reshape(b, s, EMB)

# --- scband reference (transcript-rebuilt; emitter-appended) ---
"""Pipeline reference for scband-word-embedding-996432413332 (READ-ONLY COPY).

The authoritative reference and input builder live on the scoring server;
editing this copy changes nothing except your own understanding.
"""

import jax, jax.numpy as jnp
import numpy as np

VOCAB = 100000
EMB = 1024
EPS = 1e-6

def setup_inputs(seed: int = 0) -> dict:
    key = jax.random.key(seed)
    k_src, k_tab = jax.random.split(key, 2)
    src = jax.random.randint(k_src, (4, 4096), 0, VOCAB, dtype=jnp.int64 if jax.config.jax_enable_x64 else jnp.int32).astype(jnp.int32)
    table = jax.random.normal(k_tab, (VOCAB, EMB), dtype=jnp.float32) * 0.02
    gamma = jnp.ones((EMB,), dtype=jnp.float32)
    beta = jnp.zeros((EMB,), dtype=jnp.float32)
    return {"src": src, "table": table, "gamma": gamma, "beta": beta}

def reference(src, table, gamma, beta):
    # emb = self.word_embedding(src)
    emb = jnp.take(table, src, axis=0)  # [B, S, EMB]
    # LayerNorm (UER-style): gamma * (x - mean) / sqrt(var + eps) + beta
    mean = jnp.mean(emb, axis=-1, keepdims=True)
    var = jnp.mean((emb - mean) ** 2, axis=-1, keepdims=True)
    emb = gamma * (emb - mean) / jnp.sqrt(var + EPS) + beta
    # dropout is identity in eval mode
    return emb

if __name__ == "__main__":
    import jax
    _d = setup_inputs()
    print(jax.jit(kernel)(*tuple(_d.values())))

</pallas_src>

<mosaic_0001>
#map = affine_map<(d0, d1) -> (0)>
#map1 = affine_map<(d0, d1) -> (0, 0)>
module attributes {stable_mosaic.version = 14 : i64} {
  func.func @_body(%arg0: i32, %arg1: i32, %arg2: memref<16384xi32, #tpu.memory_space<hbm>>, %arg3: memref<100000x1024xf32, #tpu.memory_space<hbm>>, %arg4: memref<1024xf32, #tpu.memory_space<hbm>>, %arg5: memref<1024xf32, #tpu.memory_space<hbm>>, %arg6: memref<16384x1024xf32, #tpu.memory_space<hbm>>, %arg7: memref<32xi32, #tpu.memory_space<vmem>>, %arg8: memref<32xi32, #tpu.memory_space<vmem>>, %arg9: memref<32x1024xf32, #tpu.memory_space<vmem>>, %arg10: memref<32x1024xf32, #tpu.memory_space<vmem>>, %arg11: memref<1024xf32, #tpu.memory_space<vmem>>, %arg12: memref<1024xf32, #tpu.memory_space<vmem>>, %arg13: memref<!tpu.dma_semaphore, #tpu.memory_space<semaphore_mem>>, %arg14: memref<!tpu.dma_semaphore, #tpu.memory_space<semaphore_mem>>, %arg15: memref<!tpu.dma_semaphore, #tpu.memory_space<semaphore_mem>>, %arg16: memref<!tpu.dma_semaphore, #tpu.memory_space<semaphore_mem>>) attributes {dimension_semantics = [#tpu.dimension_semantics<core_parallel>, #tpu.dimension_semantics<subcore_parallel>], iteration_bounds = array<i64: 2, 16>, scalar_prefetch = 0 : i64, scratch_operands = 10 : i64, tpu.core_type = #tpu.core_type<sc_vector_subcore>, window_params = [{transform_indices = #map}, {transform_indices = #map1}, {transform_indices = #map}, {transform_indices = #map}, {transform_indices = #map1}]} {
    %mul3A = arith.constant 2 : i32
    %mul3A_0 = arith.muli %arg1, %mul3A : i32
    %add3A = arith.addi %mul3A_0, %arg0 : i32
    %mul3A_1 = arith.constant 512 : i32
    %mul3A_2 = arith.muli %add3A, %mul3A_1 : i32
    "tpu.region"() ({
      %run_scoped3A = tpu.sem_alloc : memref<!tpu.dma_semaphore, #tpu.memory_space<semaphore_mem>>
      tpu.enqueue_dma source(%arg4 : memref<1024xf32, #tpu.memory_space<hbm>>) target(%arg11 : memref<1024xf32, #tpu.memory_space<vmem>>) target_semaphore(%run_scoped3A : memref<!tpu.dma_semaphore, #tpu.memory_space<semaphore_mem>>)
      tpu.wait_dma2 semaphore(%run_scoped3A : memref<!tpu.dma_semaphore, #tpu.memory_space<semaphore_mem>>) src(%arg4 : memref<1024xf32, #tpu.memory_space<hbm>>) dst(%arg11 : memref<1024xf32, #tpu.memory_space<vmem>>)
      tpu.yield
    }) : () -> ()
    "tpu.region"() ({
      %run_scoped3A = tpu.sem_alloc : memref<!tpu.dma_semaphore, #tpu.memory_space<semaphore_mem>>
      tpu.enqueue_dma source(%arg5 : memref<1024xf32, #tpu.memory_space<hbm>>) target(%arg12 : memref<1024xf32, #tpu.memory_space<vmem>>) target_semaphore(%run_scoped3A : memref<!tpu.dma_semaphore, #tpu.memory_space<semaphore_mem>>)
      tpu.wait_dma2 semaphore(%run_scoped3A : memref<!tpu.dma_semaphore, #tpu.memory_space<semaphore_mem>>) src(%arg5 : memref<1024xf32, #tpu.memory_space<hbm>>) dst(%arg12 : memref<1024xf32, #tpu.memory_space<vmem>>)
      tpu.yield
    }) : () -> ()
    "tpu.region"() ({
      %run_scoped3A = tpu.sem_alloc : memref<!tpu.dma_semaphore, #tpu.memory_space<semaphore_mem>>
      %dma_start3A_15 = tpu.memref_slice %arg2[%mul3A_2] : memref<16384xi32, #tpu.memory_space<hbm>> -> memref<32xi32, #tpu.memory_space<hbm>>
      %dma_start3A_16 = tpu.memref_slice %arg2[%mul3A_2] : memref<16384xi32, #tpu.memory_space<hbm>> -> memref<32xi32, #tpu.memory_space<hbm>>
      tpu.enqueue_dma source(%dma_start3A_16 : memref<32xi32, #tpu.memory_space<hbm>>) target(%arg7 : memref<32xi32, #tpu.memory_space<vmem>>) target_semaphore(%run_scoped3A : memref<!tpu.dma_semaphore, #tpu.memory_space<semaphore_mem>>)
      %dma_wait3A_17 = tpu.memref_slice %arg2[%mul3A_2] : memref<16384xi32, #tpu.memory_space<hbm>> -> memref<32xi32, #tpu.memory_space<hbm>>
      %dma_wait3A_18 = tpu.memref_slice %arg2[%mul3A_2] : memref<16384xi32, #tpu.memory_space<hbm>> -> memref<32xi32, #tpu.memory_space<hbm>>
      tpu.wait_dma2 semaphore(%run_scoped3A : memref<!tpu.dma_semaphore, #tpu.memory_space<semaphore_mem>>) src(%dma_wait3A_18 : memref<32xi32, #tpu.memory_space<hbm>>) dst(%arg7 : memref<32xi32, #tpu.memory_space<vmem>>)
      tpu.yield
    }) : () -> ()
    %dma_start3A = arith.constant 0 : i32
    %dma_start3A_3 = arith.constant 0 : i32
    %dma_start3A_4 = tpu.memref_slice %arg3[%dma_start3A, %dma_start3A_3] : memref<100000x1024xf32, #tpu.memory_space<hbm>> -> memref<100000x1024xf32, #tpu.memory_space<hbm>>
    tpu.enqueue_indirect_dma source(%dma_start3A_4 : memref<100000x1024xf32, #tpu.memory_space<hbm>>) target(%arg9 : memref<32x1024xf32, #tpu.memory_space<vmem>>) offsets(%arg7 : memref<32xi32, #tpu.memory_space<vmem>>) semaphore(%arg13 : memref<!tpu.dma_semaphore, #tpu.memory_space<semaphore_mem>>)
    %scan3A = arith.constant 0 : i32
    %scan3A_5 = arith.constant 0 : i32
    %scan3A_6 = arith.constant 8 : i32
    %scan3A_7 = arith.addi %scan3A_5, %scan3A_6 : i32
    %scan3A_8 = arith.constant 1 : i32
    scf.for %scan3A_15 = %scan3A_5 to %scan3A_7 step %scan3A_8  : i32 {
      %mul3A_16 = arith.constant 2 : i32
      %mul3A_17 = arith.muli %mul3A_16, %scan3A_15 : i32
      %add3A_18 = arith.constant 0 : i32
      %add3A_19 = arith.addi %mul3A_17, %add3A_18 : i32
      %mul3A_20 = arith.constant 32 : i32
      %mul3A_21 = arith.muli %add3A_19, %mul3A_20 : i32
      %add3A_22 = arith.addi %mul3A_2, %mul3A_21 : i32
      %dma_wait3A_23 = arith.constant 0 : i32
      %dma_wait3A_24 = arith.constant 0 : i32
      %dma_wait3A_25 = tpu.memref_slice %arg3[%dma_wait3A_23, %dma_wait3A_24] : memref<100000x1024xf32, #tpu.memory_space<hbm>> -> memref<100000x1024xf32, #tpu.memory_space<hbm>>
      tpu.wait_indirect_dma semaphore(%arg13 : memref<!tpu.dma_semaphore, #tpu.memory_space<semaphore_mem>>) src(%dma_wait3A_25 : memref<100000x1024xf32, #tpu.memory_space<hbm>>) dst(%arg9 : memref<32x1024xf32, #tpu.memory_space<vmem>>)
      %ge3A = arith.constant 1 : i32
      %ge3A_26 = arith.cmpi sge, %add3A_19, %ge3A : i32
      %convert_element_type3A = arith.extui %ge3A_26 : i1 to i32
      %cond3A = arith.constant 0 : i32
      %cond3A_27 = arith.cmpi ne, %convert_element_type3A, %cond3A : i32
      scf.if %cond3A_27 {
        %sub3A = arith.constant 32 : i32
        %sub3A_72 = arith.subi %add3A_22, %sub3A : i32
        %dma_wait3A_73 = arith.constant 0 : i32
        %dma_wait3A_74 = tpu.memref_slice %arg6[%sub3A_72, %dma_wait3A_73] : memref<16384x1024xf32, #tpu.memory_space<hbm>> -> memref<32x1024xf32, #tpu.memory_space<hbm>>
        %dma_wait3A_75 = arith.constant 0 : i32
        %dma_wait3A_76 = tpu.memref_slice %arg6[%sub3A_72, %dma_wait3A_75] : memref<16384x1024xf32, #tpu.memory_space<hbm>> -> memref<32x1024xf32, #tpu.memory_space<hbm>>
        tpu.wait_dma2 semaphore(%arg16 : memref<!tpu.dma_semaphore, #tpu.memory_space<semaphore_mem>>) src(%arg10 : memref<32x1024xf32, #tpu.memory_space<vmem>>) dst(%dma_wait3A_76 : memref<32x1024xf32, #tpu.memory_space<hbm>>)
      } else {
      }
      %lt3A = arith.constant 15 : i32
      %lt3A_28 = arith.cmpi slt, %add3A_19, %lt3A : i32
      %convert_element_type3A_29 = arith.extui %lt3A_28 : i1 to i32
      %cond3A_30 = arith.constant 0 : i32
      %cond3A_31 = arith.cmpi ne, %convert_element_type3A_29, %cond3A_30 : i32
      scf.if %cond3A_31 {
        %add3A_72 = arith.constant 32 : i32
        %add3A_73 = arith.addi %add3A_22, %add3A_72 : i32
        "tpu.region"() ({
          %run_scoped3A = tpu.sem_alloc : memref<!tpu.dma_semaphore, #tpu.memory_space<semaphore_mem>>
          %dma_start3A_77 = tpu.memref_slice %arg2[%add3A_73] : memref<16384xi32, #tpu.memory_space<hbm>> -> memref<32xi32, #tpu.memory_space<hbm>>
          %dma_start3A_78 = tpu.memref_slice %arg2[%add3A_73] : memref<16384xi32, #tpu.memory_space<hbm>> -> memref<32xi32, #tpu.memory_space<hbm>>
          tpu.enqueue_dma source(%dma_start3A_78 : memref<32xi32, #tpu.memory_space<hbm>>) target(%arg8 : memref<32xi32, #tpu.memory_space<vmem>>) target_semaphore(%run_scoped3A : memref<!tpu.dma_semaphore, #tpu.memory_space<semaphore_mem>>)
          %dma_wait3A_79 = tpu.memref_slice %arg2[%add3A_73] : memref<16384xi32, #tpu.memory_space<hbm>> -> memref<32xi32, #tpu.memory_space<hbm>>
          %dma_wait3A_80 = tpu.memref_slice %arg2[%add3A_73] : memref<16384xi32, #tpu.memory_space<hbm>> -> memref<32xi32, #tpu.memory_space<hbm>>
          tpu.wait_dma2 semaphore(%run_scoped3A : memref<!tpu.dma_semaphore, #tpu.memory_space<semaphore_mem>>) src(%dma_wait3A_80 : memref<32xi32, #tpu.memory_space<hbm>>) dst(%arg8 : memref<32xi32, #tpu.memory_space<vmem>>)
          tpu.yield
        }) : () -> ()
        %dma_start3A_74 = arith.constant 0 : i32
        %dma_start3A_75 = arith.constant 0 : i32
        %dma_start3A_76 = tpu.memref_slice %arg3[%dma_start3A_74, %dma_start3A_75] : memref<100000x1024xf32, #tpu.memory_space<hbm>> -> memref<100000x1024xf32, #tpu.memory_space<hbm>>
        tpu.enqueue_indirect_dma source(%dma_start3A_76 : memref<100000x1024xf32, #tpu.memory_space<hbm>>) target(%arg10 : memref<32x1024xf32, #tpu.memory_space<vmem>>) offsets(%arg8 : memref<32xi32, #tpu.memory_space<vmem>>) semaphore(%arg14 : memref<!tpu.dma_semaphore, #tpu.memory_space<semaphore_mem>>)
      } else {
      }
      %scan3A_32 = arith.constant 0 : i32
      %scan3A_33 = arith.constant 0 : i32
      %scan3A_34 = arith.constant 32 : i32
      %scan3A_35 = arith.addi %scan3A_33, %scan3A_34 : i32
      %scan3A_36 = arith.constant 1 : i32
      scf.for %scan3A_72 = %scan3A_33 to %scan3A_35 step %scan3A_36  : i32 {
        %broadcast_in_dim3A = arith.constant 0.000000e+00 : f32
        %broadcast_in_dim3A_73 = vector.broadcast %broadcast_in_dim3A : f32 to vector<16xf32>
        %broadcast_in_dim3A_74 = arith.constant 0.000000e+00 : f32
        %broadcast_in_dim3A_75 = vector.broadcast %broadcast_in_dim3A_74 : f32 to vector<16xf32>
        %get3A = arith.index_cast %scan3A_72 : i32 to index
        %get3A_76 = arith.constant 0 : index
        %get3A_77 = tpu.vector_load %arg9[%get3A, %get3A_76] {strides = array<i32>} : memref<32x1024xf32, #tpu.memory_space<vmem>>, vector<1x16xf32>,
        %get3A_78 = vector.shape_cast %get3A_77 : vector<1x16xf32> to vector<16xf32>
        %add3A_79 = arith.addf %broadcast_in_dim3A_73, %get3A_78 : vector<16xf32>
        %mul3A_80 = arith.mulf %get3A_78, %get3A_78 : vector<16xf32>
        %add3A_81 = arith.addf %broadcast_in_dim3A_75, %mul3A_80 : vector<16xf32>
        %get3A_82 = arith.index_cast %scan3A_72 : i32 to index
        %get3A_83 = arith.constant 16 : index
        %get3A_84 = tpu.vector_load %arg9[%get3A_82, %get3A_83] {strides = array<i32>} : memref<32x1024xf32, #tpu.memory_space<vmem>>, vector<1x16xf32>,
        %get3A_85 = vector.shape_cast %get3A_84 : vector<1x16xf32> to vector<16xf32>
        %add3A_86 = arith.addf %add3A_79, %get3A_85 : vector<16xf32>
        %mul3A_87 = arith.mulf %get3A_85, %get3A_85 : vector<16xf32>
        %add3A_88 = arith.addf %add3A_81, %mul3A_87 : vector<16xf32>
        %get3A_89 = arith.index_cast %scan3A_72 : i32 to index
        %get3A_90 = arith.constant 32 : index
        %get3A_91 = tpu.vector_load %arg9[%get3A_89, %get3A_90] {strides = array<i32>} : memref<32x1024xf32, #tpu.memory_space<vmem>>, vector<1x16xf32>,
        %get3A_92 = vector.shape_cast %get3A_91 : vector<1x16xf32> to vector<16xf32>
        %add3A_93 = arith.addf %add3A_86, %get3A_92 : vector<16xf32>
        %mul3A_94 = arith.mulf %get3A_92, %get3A_92 : vector<16xf32>
        %add3A_95 = arith.addf %add3A_88, %mul3A_94 : vector<16xf32>
        %get3A_96 = arith.index_cast %scan3A_72 : i32 to index
        %get3A_97 = arith.constant 48 : index
        %get3A_98 = tpu.vector_load %arg9[%get3A_96, %get3A_97] {strides = array<i32>} : memref<32x1024xf32, #tpu.memory_space<vmem>>, vector<1x16xf32>,
        %get3A_99 = vector.shape_cast %get3A_98 : vector<1x16xf32> to vector<16xf32>
        %add3A_100 = arith.addf %add3A_93, %get3A_99 : vector<16xf32>
        %mul3A_101 = arith.mulf %get3A_99, %get3A_99 : vector<16xf32>
        %add3A_102 = arith.addf %add3A_95, %mul3A_101 : vector<16xf32>
        %get3A_103 = arith.index_cast %scan3A_72 : i32 to index
        %get3A_104 = arith.constant 64 : index
        %get3A_105 = tpu.vector_load %arg9[%get3A_103, %get3A_104] {strides = array<i32>} : memref<32x1024xf32, #tpu.memory_space<vmem>>, vector<1x16xf32>,
        %get3A_106 = vector.shape_cast %get3A_105 : vector<1x16xf32> to vector<16xf32>
        %add3A_107 = arith.addf %add3A_100, %get3A_106 : vector<16xf32>
        %mul3A_108 = arith.mulf %get3A_106, %get3A_106 : vector<16xf32>
        %add3A_109 = arith.addf %add3A_102, %mul3A_108 : vector<16xf32>
        %get3A_110 = arith.index_cast %scan3A_72 : i32 to index
        %get3A_111 = arith.constant 80 : index
        %get3A_112 = tpu.vector_load %arg9[%get3A_110, %get3A_111] {strides = array<i32>} : memref<32x1024xf32, #tpu.memory_space<vmem>>, vector<1x16xf32>,
        %get3A_113 = vector.shape_cast %get3A_112 : vector<1x16xf32> to vector<16xf32>
        %add3A_114 = arith.addf %add3A_107, %get3A_113 : vector<16xf32>
        %mul3A_115 = arith.mulf %get3A_113, %get3A_113 : vector<16xf32>
        %add3A_116 = arith.addf %add3A_109, %mul3A_115 : vector<16xf32>
        %get3A_117 = arith.index_cast %scan3A_72 : i32 to index
        %get3A_118 = arith.constant 96 : index
        %get3A_119 = tpu.vector_load %arg9[%get3A_117, %get3A_118] {strides = array<i32>} : memref<32x1024xf32, #tpu.memory_space<vmem>>, vector<1x16xf32>,
        %get3A_120 = vector.shape_cast %get3A_119 : vector<1x16xf32> to vector<16xf32>
        %add3A_121 = arith.addf %add3A_114, %get3A_120 : vector<16xf32>
        %mul3A_122 = arith.mulf %get3A_120, %get3A_120 : vector<16xf32>
        %add3A_123 = arith.addf %add3A_116, %mul3A_122 : vector<16xf32>
        %get3A_124 = arith.index_cast %scan3A_72 : i32 to index
        %get3A_125 = arith.constant 112 : index
        %get3A_126 = tpu.vector_load %arg9[%get3A_124, %get3A_125] {strides = array<i32>} : memref<32x1024xf32, #tpu.memory_space<vmem>>, vector<1x16xf32>,
        %get3A_127 = vector.shape_cast %get3A_126 : vector<1x16xf32> to vector<16xf32>
        %add3A_128 = arith.addf %add3A_121, %get3A_127 : vector<16xf32>
        %mul3A_129 = arith.mulf %get3A_127, %get3A_127 : vector<16xf32>
        %add3A_130 = arith.addf %add3A_123, %mul3A_129 : vector<16xf32>
        %get3A_131 = arith.index_cast %scan3A_72 : i32 to index
        %get3A_132 = arith.constant 128 : index
        %get3A_133 = tpu.vector_load %arg9[%get3A_131, %get3A_132] {strides = array<i32>} : memref<32x1024xf32, #tpu.memory_space<vmem>>, vector<1x16xf32>,
        %get3A_134 = vector.shape_cast %get3A_133 : vector<1x16xf32> to vector<16xf32>
        %add3A_135 = arith.addf %add3A_128, %get3A_134 : vector<16xf32>
        %mul3A_136 = arith.mulf %get3A_134, %get3A_134 : vector<16xf32>
        %add3A_137 = arith.addf %add3A_130, %mul3A_136 : vector<16xf32>
        %get3A_138 = arith.index_cast %scan3A_72 : i32 to index
        %get3A_139 = arith.constant 144 : index
        %get3A_140 = tpu.vector_load %arg9[%get3A_138, %get3A_139] {strides = array<i32>} : memref<32x1024xf32, #tpu.memory_space<vmem>>, vector<1x16xf32>,
        %get3A_141 = vector.shape_cast %get3A_140 : vector<1x16xf32> to vector<16xf32>
        %add3A_142 = arith.addf %add3A_135, %get3A_141 : vector<16xf32>
        %mul3A_143 = arith.mulf %get3A_141, %get3A_141 : vector<16xf32>
        %add3A_144 = arith.addf %add3A_137, %mul3A_143 : vector<16xf32>
        %get3A_145 = arith.index_cast %scan3A_72 : i32 to index
        %get3A_146 = arith.constant 160 : index
        %get3A_147 = tpu.vector_load %arg9[%get3A_145, %get3A_146] {strides = array<i32>} : memref<32x1024xf32, #tpu.memory_space<vmem>>, vector<1x16xf32>,
        %get3A_148 = vector.shape_cast %get3A_147 : vector<1x16xf32> to vector<16xf32>
        %add3A_149 = arith.addf %add3A_142, %get3A_148 : vector<16xf32>
        %mul3A_150 = arith.mulf %get3A_148, %get3A_148 : vector<16xf32>
        %add3A_151 = arith.addf %add3A_144, %mul3A_150 : vector<16xf32>
        %get3A_152 = arith.index_cast %scan3A_72 : i32 to index
        %get3A_153 = arith.constant 176 : index
        %get3A_154 = tpu.vector_load %arg9[%get3A_152, %get3A_153] {strides = array<i32>} : memref<32x1024xf32, #tpu.memory_space<vmem>>, vector<1x16xf32>,
        %get3A_155 = vector.shape_cast %get3A_154 : vector<1x16xf32> to vector<16xf32>
        %add3A_156 = arith.addf %add3A_149, %get3A_155 : vector<16xf32>
        %mul3A_157 = arith.mulf %get3A_155, %get3A_155 : vector<16xf32>
        %add3A_158 = arith.addf %add3A_151, %mul3A_157 : vector<16xf32>
        %get3A_159 = arith.index_cast %scan3A_72 : i32 to index
        %get3A_160 = arith.constant 192 : index
        %get3A_161 = tpu.vector_load %arg9[%get3A_159, %get3A_160] {strides = array<i32>} : memref<32x1024xf32, #tpu.memory_space<vmem>>, vector<1x16xf32>,
        %get3A_162 = vector.shape_cast %get3A_161 : vector<1x16xf32> to vector<16xf32>
        %add3A_163 = arith.addf %add3A_156, %get3A_162 : vector<16xf32>
        %mul3A_164 = arith.mulf %get3A_162, %get3A_162 : vector<16xf32>
        %add3A_165 = arith.addf %add3A_158, %mul3A_164 : vector<16xf32>
        %get3A_166 = arith.index_cast %scan3A_72 : i32 to index
        %get3A_167 = arith.constant 208 : index
        %get3A_168 = tpu.vector_load %arg9[%get3A_166, %get3A_167] {strides = array<i32>} : memref<32x1024xf32, #tpu.memory_space<vmem>>, vector<1x16xf32>,
        %get3A_169 = vector.shape_cast %get3A_168 : vector<1x16xf32> to vector<16xf32>
        %add3A_170 = arith.addf %add3A_163, %get3A_169 : vector<16xf32>
        %mul3A_171 = arith.mulf %get3A_169, %get3A_169 : vector<16xf32>
        %add3A_172 = arith.addf %add3A_165, %mul3A_171 : vector<16xf32>
        %get3A_173 = arith.index_cast %scan3A_72 : i32 to index
        %get3A_174 = arith.constant 224 : index
        %get3A_175 = tpu.vector_load %arg9[%get3A_173, %get3A_174] {strides = array<i32>} : memref<32x1024xf32, #tpu.memory_space<vmem>>, vector<1x16xf32>,
        %get3A_176 = vector.shape_cast %get3A_175 : vector<1x16xf32> to vector<16xf32>
        %add3A_177 = arith.addf %add3A_170, %get3A_176 : vector<16xf32>
        %mul3A_178 = arith.mulf %get3A_176, %get3A_176 : vector<16xf32>
        %add3A_179 = arith.addf %add3A_172, %mul3A_178 : vector<16xf32>
        %get3A_180 = arith.index_cast %scan3A_72 : i32 to index
        %get3A_181 = arith.constant 240 : index
        %get3A_182 = tpu.vector_load %arg9[%get3A_180, %get3A_181] {strides = array<i32>} : memref<32x1024xf32, #tpu.memory_space<vmem>>, vector<1x16xf32>,
        %get3A_183 = vector.shape_cast %get3A_182 : vector<1x16xf32> to vector<16xf32>
        %add3A_184 = arith.addf %add3A_177, %get3A_183 : vector<16xf32>
        %mul3A_185 = arith.mulf %get3A_183, %get3A_183 : vector<16xf32>
        %add3A_186 = arith.addf %add3A_179, %mul3A_185 : vector<16xf32>
        %get3A_187 = arith.index_cast %scan3A_72 : i32 to index
        %get3A_188 = arith.constant 256 : index
        %get3A_189 = tpu.vector_load %arg9[%get3A_187, %get3A_188] {strides = array<i32>} : memref<32x1024xf32, #tpu.memory_space<vmem>>, vector<1x16xf32>,
        %get3A_190 = vector.shape_cast %get3A_189 : vector<1x16xf32> to vector<16xf32>
        %add3A_191 = arith.addf %add3A_184, %get3A_190 : vector<16xf32>
        %mul3A_192 = arith.mulf %get3A_190, %get3A_190 : vector<16xf32>
        %add3A_193 = arith.addf %add3A_186, %mul3A_192 : vector<16xf32>
        %get3A_194 = arith.index_cast %scan3A_72 : i32 to index
        %get3A_195 = arith.constant 272 : index
        %get3A_196 = tpu.vector_load %arg9[%get3A_194, %get3A_195] {strides = array<i32>} : memref<32x1024xf32, #tpu.memory_space<vmem>>, vector<1x16xf32>,
        %get3A_197 = vector.shape_cast %get3A_196 : vector<1x16xf32> to vector<16xf32>
        %add3A_198 = arith.addf %add3A_191, %get3A_197 : vector<16xf32>
        %mul3A_199 = arith.mulf %get3A_197, %get3A_197 : vector<16xf32>
        %add3A_200 = arith.addf %add3A_193, %mul3A_199 : vector<16xf32>
        %get3A_201 = arith.index_cast %scan3A_72 : i32 to index
        %get3A_202 = arith.constant 288 : index
        %get3A_203 = tpu.vector_load %arg9[%get3A_201, %get3A_202] {strides = array<i32>} : memref<32x1024xf32, #tpu.memory_space<vmem>>, vector<1x16xf32>,
        %get3A_204 = vector.shape_cast %get3A_203 : vector<1x16xf32> to vector<16xf32>
        %add3A_205 = arith.addf %add3A_198, %get3A_204 : vector<16xf32>
        %mul3A_206 = arith.mulf %get3A_204, %get3A_204 : vector<16xf32>
        %add3A_207 = arith.addf %add3A_200, %mul3A_206 : vector<16xf32>
        %get3A_208 = arith.index_cast %scan3A_72 : i32 to index
        %get3A_209 = arith.constant 304 : index
        %get3A_210 = tpu.vector_load %arg9[%get3A_208, %get3A_209] {strides = array<i32>} : memref<32x1024xf32, #tpu.memory_space<vmem>>, vector<1x16xf32>,
        %get3A_211 = vector.shape_cast %get3A_210 : vector<1x16xf32> to vector<16xf32>
        %add3A_212 = arith.addf %add3A_205, %get3A_211 : vector<16xf32>
        %mul3A_213 = arith.mulf %get3A_211, %get3A_211 : vector<16xf32>
        %add3A_214 = arith.addf %add3A_207, %mul3A_213 : vector<16xf32>
        %get3A_215 = arith.index_cast %scan3A_72 : i32 to index
        %get3A_216 = arith.constant 320 : index
        %get3A_217 = tpu.vector_load %arg9[%get3A_215, %get3A_216] {strides = array<i32>} : memref<32x1024xf32, #tpu.memory_space<vmem>>, vector<1x16xf32>,
        %get3A_218 = vector.shape_cast %get3A_217 : vector<1x16xf32> to vector<16xf32>
        %add3A_219 = arith.addf %add3A_212, %get3A_218 : vector<16xf32>
        %mul3A_220 = arith.mulf %get3A_218, %get3A_218 : vector<16xf32>
        %add3A_221 = arith.addf %add3A_214, %mul3A_220 : vector<16xf32>
        %get3A_222 = arith.index_cast %scan3A_72 : i32 to index
        %get3A_223 = arith.constant 336 : index
        %get3A_224 = tpu.vector_load %arg9[%get3A_222, %get3A_223] {strides = array<i32>} : memref<32x1024xf32, #tpu.memory_space<vmem>>, vector<1x16xf32>,
        %get3A_225 = vector.shape_cast %get3A_224 : vector<1x16xf32> to vector<16xf32>
        %add3A_226 = arith.addf %add3A_219, %get3A_225 : vector<16xf32>
        %mul3A_227 = arith.mulf %get3A_225, %get3A_225 : vector<16xf32>
        %add3A_228 = arith.addf %add3A_221, %mul3A_227 : vector<16xf32>
        %get3A_229 = arith.index_cast %scan3A_72 : i32 to index
        %get3A_230 = arith.constant 352 : index
        %get3A_231 = tpu.vector_load %arg9[%get3A_229, %get3A_230] {strides = array<i32>} : memref<32x1024xf32, #tpu.memory_space<vmem>>, vector<1x16xf32>,
        %get3A_232 = vector.shape_cast %get3A_231 : vector<1x16xf32> to vector<16xf32>
        %add3A_233 = arith.addf %add3A_226, %get3A_232 : vector<16xf32>
        %mul3A_234 = arith.mulf %get3A_232, %get3A_232 : vector<16xf32>
        %add3A_235 = arith.addf %add3A_228, %mul3A_234 : vector<16xf32>
        %get3A_236 = arith.index_cast %scan3A_72 : i32 to index
        %get3A_237 = arith.constant 368 : index
        %get3A_238 = tpu.vector_load %arg9[%get3A_236, %get3A_237] {strides = array<i32>} : memref<32x1024xf32, #tpu.memory_space<vmem>>, vector<1x16xf32>,
        %get3A_239 = vector.shape_cast %get3A_238 : vector<1x16xf32> to vector<16xf32>
        %add3A_240 = arith.addf %add3A_233, %get3A_239 : vector<16xf32>
        %mul3A_241 = arith.mulf %get3A_239, %get3A_239 : vector<16xf32>
        %add3A_242 = arith.addf %add3A_235, %mul3A_241 : vector<16xf32>
        %get3A_243 = arith.index_cast %scan3A_72 : i32 to index
        %get3A_244 = arith.constant 384 : index
        %get3A_245 = tpu.vector_load %arg9[%get3A_243, %get3A_244] {strides = array<i32>} : memref<32x1024xf32, #tpu.memory_space<vmem>>, vector<1x16xf32>,
        %get3A_246 = vector.shape_cast %get3A_245 : vector<1x16xf32> to vector<16xf32>
        %add3A_247 = arith.addf %add3A_240, %get3A_246 : vector<16xf32>
        %mul3A_248 = arith.mulf %get3A_246, %get3A_246 : vector<16xf32>
        %add3A_249 = arith.addf %add3A_242, %mul3A_248 : vector<16xf32>
        %get3A_250 = arith.index_cast %scan3A_72 : i32 to index
        %get3A_251 = arith.constant 400 : index
        %get3A_252 = tpu.vector_load %arg9[%get3A_250, %get3A_251] {strides = array<i32>} : memref<32x1024xf32, #tpu.memory_space<vmem>>, vector<1x16xf32>,
        %get3A_253 = vector.shape_cast %get3A_252 : vector<1x16xf32> to vector<16xf32>
        %add3A_254 = arith.addf %add3A_247, %get3A_253 : vector<16xf32>
        %mul3A_255 = arith.mulf %get3A_253, %get3A_253 : vector<16xf32>
        %add3A_256 = arith.addf %add3A_249, %mul3A_255 : vector<16xf32>
        %get3A_257 = arith.index_cast %scan3A_72 : i32 to index
        %get3A_258 = arith.constant 416 : index
        %get3A_259 = tpu.vector_load %arg9[%get3A_257, %get3A_258] {strides = array<i32>} : memref<32x1024xf32, #tpu.memory_space<vmem>>, vector<1x16xf32>,
        %get3A_260 = vector.shape_cast %get3A_259 : vector<1x16xf32> to vector<16xf32>
        %add3A_261 = arith.addf %add3A_254, %get3A_260 : vector<16xf32>
        %mul3A_262 = arith.mulf %get3A_260, %get3A_260 : vector<16xf32>
        %add3A_263 = arith.addf %add3A_256, %mul3A_262 : vector<16xf32>
        %get3A_264 = arith.index_cast %scan3A_72 : i32 to index
        %get3A_265 = arith.constant 432 : index
        %get3A_266 = tpu.vector_load %arg9[%get3A_264, %get3A_265] {strides = array<i32>} : memref<32x1024xf32, #tpu.memory_space<vmem>>, vector<1x16xf32>,
        %get3A_267 = vector.shape_cast %get3A_266 : vector<1x16xf32> to vector<16xf32>
        %add3A_268 = arith.addf %add3A_261, %get3A_267 : vector<16xf32>
        %mul3A_269 = arith.mulf %get3A_267, %get3A_267 : vector<16xf32>
        %add3A_270 = arith.addf %add3A_263, %mul3A_269 : vector<16xf32>
        %get3A_271 = arith.index_cast %scan3A_72 : i32 to index
        %get3A_272 = arith.constant 448 : index
        %get3A_273 = tpu.vector_load %arg9[%get3A_271, %get3A_272] {strides = array<i32>} : memref<32x1024xf32, #tpu.memory_space<vmem>>, vector<1x16xf32>,
        %get3A_274 = vector.shape_cast %get3A_273 : vector<1x16xf32> to vector<16xf32>
        %add3A_275 = arith.addf %add3A_268, %get3A_274 : vector<16xf32>
        %mul3A_276 = arith.mulf %get3A_274, %get3A_274 : vector<16xf32>
        %add3A_277 = arith.addf %add3A_270, %mul3A_276 : vector<16xf32>
        %get3A_278 = arith.index_cast %scan3A_72 : i32 to index
        %get3A_279 = arith.constant 464 : index
        %get3A_280 = tpu.vector_load %arg9[%get3A_278, %get3A_279] {strides = array<i32>} : memref<32x1024xf32, #tpu.memory_space<vmem>>, vector<1x16xf32>,
        %get3A_281 = vector.shape_cast %get3A_280 : vector<1x16xf32> to vector<16xf32>
        %add3A_282 = arith.addf %add3A_275, %get3A_281 : vector<16xf32>
        %mul3A_283 = arith.mulf %get3A_281, %get3A_281 : vector<16xf32>
        %add3A_284 = arith.addf %add3A_277, %mul3A_283 : vector<16xf32>
        %get3A_285 = arith.index_cast %scan3A_72 : i32 to index
        %get3A_286 = arith.constant 480 : index
        %get3A_287 = tpu.vector_load %arg9[%get3A_285, %get3A_286] {strides = array<i32>} : memref<32x1024xf32, #tpu.memory_space<vmem>>, vector<1x16xf32>,
        %get3A_288 = vector.shape_cast %get3A_287 : vector<1x16xf32> to vector<16xf32>
        %add3A_289 = arith.addf %add3A_282, %get3A_288 : vector<16xf32>
        %mul3A_290 = arith.mulf %get3A_288, %get3A_288 : vector<16xf32>
        %add3A_291 = arith.addf %add3A_284, %mul3A_290 : vector<16xf32>
        %get3A_292 = arith.index_cast %scan3A_72 : i32 to index
        %get3A_293 = arith.constant 496 : index
        %get3A_294 = tpu.vector_load %arg9[%get3A_292, %get3A_293] {strides = array<i32>} : memref<32x1024xf32, #tpu.memory_space<vmem>>, vector<1x16xf32>,
        %get3A_295 = vector.shape_cast %get3A_294 : vector<1x16xf32> to vector<16xf32>
        %add3A_296 = arith.addf %add3A_289, %get3A_295 : vector<16xf32>
        %mul3A_297 = arith.mulf %get3A_295, %get3A_295 : vector<16xf32>
        %add3A_298 = arith.addf %add3A_291, %mul3A_297 : vector<16xf32>
        %get3A_299 = arith.index_cast %scan3A_72 : i32 to index
        %get3A_300 = arith.constant 512 : index
        %get3A_301 = tpu.vector_load %arg9[%get3A_299, %get3A_300] {strides = array<i32>} : memref<32x1024xf32, #tpu.memory_space<vmem>>, vector<1x16xf32>,
        %get3A_302 = vector.shape_cast %get3A_301 : vector<1x16xf32> to vector<16xf32>
        %add3A_303 = arith.addf %add3A_296, %get3A_302 : vector<16xf32>
        %mul3A_304 = arith.mulf %get3A_302, %get3A_302 : vector<16xf32>
        %add3A_305 = arith.addf %add3A_298, %mul3A_304 : vector<16xf32>
        %get3A_306 = arith.index_cast %scan3A_72 : i32 to index
        %get3A_307 = arith.constant 528 : index
        %get3A_308 = tpu.vector_load %arg9[%get3A_306, %get3A_307] {strides = array<i32>} : memref<32x1024xf32, #tpu.memory_space<vmem>>, vector<1x16xf32>,
        %get3A_309 = vector.shape_cast %get3A_308 : vector<1x16xf32> to vector<16xf32>
        %add3A_310 = arith.addf %add3A_303, %get3A_309 : vector<16xf32>
        %mul3A_311 = arith.mulf %get3A_309, %get3A_309 : vector<16xf32>
        %add3A_312 = arith.addf %add3A_305, %mul3A_311 : vector<16xf32>
        %get3A_313 = arith.index_cast %scan3A_72 : i32 to index
        %get3A_314 = arith.constant 544 : index
        %get3A_315 = tpu.vector_load %arg9[%get3A_313, %get3A_314] {strides = array<i32>} : memref<32x1024xf32, #tpu.memory_space<vmem>>, vector<1x16xf32>,
        %get3A_316 = vector.shape_cast %get3A_315 : vector<1x16xf32> to vector<16xf32>
        %add3A_317 = arith.addf %add3A_310, %get3A_316 : vector<16xf32>
        %mul3A_318 = arith.mulf %get3A_316, %get3A_316 : vector<16xf32>
        %add3A_319 = arith.addf %add3A_312, %mul3A_318 : vector<16xf32>
        %get3A_320 = arith.index_cast %scan3A_72 : i32 to index
        %get3A_321 = arith.constant 560 : index
        %get3A_322 = tpu.vector_load %arg9[%get3A_320, %get3A_321] {strides = array<i32>} : memref<32x1024xf32, #tpu.memory_space<vmem>>, vector<1x16xf32>,
        %get3A_323 = vector.shape_cast %get3A_322 : vector<1x16xf32> to vector<16xf32>
        %add3A_324 = arith.addf %add3A_317, %get3A_323 : vector<16xf32>
        %mul3A_325 = arith.mulf %get3A_323, %get3A_323 : vector<16xf32>
        %add3A_326 = arith.addf %add3A_319, %mul3A_325 : vector<16xf32>
        %get3A_327 = arith.index_cast %scan3A_72 : i32 to index
        %get3A_328 = arith.constant 576 : index
        %get3A_329 = tpu.vector_load %arg9[%get3A_327, %get3A_328] {strides = array<i32>} : memref<32x1024xf32, #tpu.memory_space<vmem>>, vector<1x16xf32>,
        %get3A_330 = vector.shape_cast %get3A_329 : vector<1x16xf32> to vector<16xf32>
        %add3A_331 = arith.addf %add3A_324, %get3A_330 : vector<16xf32>
        %mul3A_332 = arith.mulf %get3A_330, %get3A_330 : vector<16xf32>
        %add3A_333 = arith.addf %add3A_326, %mul3A_332 : vector<16xf32>
        %get3A_334 = arith.index_cast %scan3A_72 : i32 to index
        %get3A_335 = arith.constant 592 : index
        %get3A_336 = tpu.vector_load %arg9[%get3A_334, %get3A_335] {strides = array<i32>} : memref<32x1024xf32, #tpu.memory_space<vmem>>, vector<1x16xf32>,
        %get3A_337 = vector.shape_cast %get3A_336 : vector<1x16xf32> to vector<16xf32>
        %add3A_338 = arith.addf %add3A_331, %get3A_337 : vector<16xf32>
        %mul3A_339 = arith.mulf %get3A_337, %get3A_337 : vector<16xf32>
        %add3A_340 = arith.addf %add3A_333, %mul3A_339 : vector<16xf32>
        %get3A_341 = arith.index_cast %scan3A_72 : i32 to index
        %get3A_342 = arith.constant 608 : index
        %get3A_343 = tpu.vector_load %arg9[%get3A_341, %get3A_342] {strides = array<i32>} : memref<32x1024xf32, #tpu.memory_space<vmem>>, vector<1x16xf32>,
        %get3A_344 = vector.shape_cast %get3A_343 : vector<1x16xf32> to vector<16xf32>
        %add3A_345 = arith.addf %add3A_338, %get3A_344 : vector<16xf32>
        %mul3A_346 = arith.mulf %get3A_344, %get3A_344 : vector<16xf32>
        %add3A_347 = arith.addf %add3A_340, %mul3A_346 : vector<16xf32>
        %get3A_348 = arith.index_cast %scan3A_72 : i32 to index
        %get3A_349 = arith.constant 624 : index
        %get3A_350 = tpu.vector_load %arg9[%get3A_348, %get3A_349] {strides = array<i32>} : memref<32x1024xf32, #tpu.memory_space<vmem>>, vector<1x16xf32>,
        %get3A_351 = vector.shape_cast %get3A_350 : vector<1x16xf32> to vector<16xf32>
        %add3A_352 = arith.addf %add3A_345, %get3A_351 : vector<16xf32>
        %mul3A_353 = arith.mulf %get3A_351, %get3A_351 : vector<16xf32>
        %add3A_354 = arith.addf %add3A_347, %mul3A_353 : vector<16xf32>
        %get3A_355 = arith.index_cast %scan3A_72 : i32 to index
        %get3A_356 = arith.constant 640 : index
        %get3A_357 = tpu.vector_load %arg9[%get3A_355, %get3A_356] {strides = array<i32>} : memref<32x1024xf32, #tpu.memory_space<vmem>>, vector<1x16xf32>,
        %get3A_358 = vector.shape_cast %get3A_357 : vector<1x16xf32> to vector<16xf32>
        %add3A_359 = arith.addf %add3A_352, %get3A_358 : vector<16xf32>
        %mul3A_360 = arith.mulf %get3A_358, %get3A_358 : vector<16xf32>
        %add3A_361 = arith.addf %add3A_354, %mul3A_360 : vector<16xf32>
        %get3A_362 = arith.index_cast %scan3A_72 : i32 to index
        %get3A_363 = arith.constant 656 : index
        %get3A_364 = tpu.vector_load %arg9[%get3A_362, %get3A_363] {strides = array<i32>} : memref<32x1024xf32, #tpu.memory_space<vmem>>, vector<1x16xf32>,
        %get3A_365 = vector.shape_cast %get3A_364 : vector<1x16xf32> to vector<16xf32>
        %add3A_366 = arith.addf %add3A_359, %get3A_365 : vector<16xf32>
        %mul3A_367 = arith.mulf %get3A_365, %get3A_365 : vector<16xf32>
        %add3A_368 = arith.addf %add3A_361, %mul3A_367 : vector<16xf32>
        %get3A_369 = arith.index_cast %scan3A_72 : i32 to index
        %get3A_370 = arith.constant 672 : index
        %get3A_371 = tpu.vector_load %arg9[%get3A_369, %get3A_370] {strides = array<i32>} : memref<32x1024xf32, #tpu.memory_space<vmem>>, vector<1x16xf32>,
        %get3A_372 = vector.shape_cast %get3A_371 : vector<1x16xf32> to vector<16xf32>
        %add3A_373 = arith.addf %add3A_366, %get3A_372 : vector<16xf32>
        %mul3A_374 = arith.mulf %get3A_372, %get3A_372 : vector<16xf32>
        %add3A_375 = arith.addf %add3A_368, %mul3A_374 : vector<16xf32>
        %get3A_376 = arith.index_cast %scan3A_72 : i32 to index
        %get3A_377 = arith.constant 688 : index
        %get3A_378 = tpu.vector_load %arg9[%get3A_376, %get3A_377] {strides = array<i32>} : memref<32x1024xf32, #tpu.memory_space<vmem>>, vector<1x16xf32>,
        %get3A_379 = vector.shape_cast %get3A_378 : vector<1x16xf32> to vector<16xf32>
        %add3A_380 = arith.addf %add3A_373, %get3A_379 : vector<16xf32>
        %mul3A_381 = arith.mulf %get3A_379, %get3A_379 : vector<16xf32>
        %add3A_382 = arith.addf %add3A_375, %mul3A_381 : vector<16xf32>
        %get3A_383 = arith.index_cast %scan3A_72 : i32 to index
        %get3A_384 = arith.constant 704 : index
        %get3A_385 = tpu.vector_load %arg9[%get3A_383, %get3A_384] {strides = array<i32>} : memref<32x1024xf32, #tpu.memory_space<vmem>>, vector<1x16xf32>,
        %get3A_386 = vector.shape_cast %get3A_385 : vector<1x16xf32> to vector<16xf32>
        %add3A_387 = arith.addf %add3A_380, %get3A_386 : vector<16xf32>
        %mul3A_388 = arith.mulf %get3A_386, %get3A_386 : vector<16xf32>
        %add3A_389 = arith.addf %add3A_382, %mul3A_388 : vector<16xf32>
        %get3A_390 = arith.index_cast %scan3A_72 : i32 to index
        %get3A_391 = arith.constant 720 : index
        %get3A_392 = tpu.vector_load %arg9[%get3A_390, %get3A_391] {strides = array<i32>} : memref<32x1024xf32, #tpu.memory_space<vmem>>, vector<1x16xf32>,
        %get3A_393 = vector.shape_cast %get3A_392 : vector<1x16xf32> to vector<16xf32>
        %add3A_394 = arith.addf %add3A_387, %get3A_393 : vector<16xf32>
        %mul3A_395 = arith.mulf %get3A_393, %get3A_393 : vector<16xf32>
        %add3A_396 = arith.addf %add3A_389, %mul3A_395 : vector<16xf32>
        %get3A_397 = arith.index_cast %scan3A_72 : i32 to index
        %get3A_398 = arith.constant 736 : index
        %get3A_399 = tpu.vector_load %arg9[%get3A_397, %get3A_398] {strides = array<i32>} : memref<32x1024xf32, #tpu.memory_space<vmem>>, vector<1x16xf32>,
        %get3A_400 = vector.shape_cast %get3A_399 : vector<1x16xf32> to vector<16xf32>
        %add3A_401 = arith.addf %add3A_394, %get3A_400 : vector<16xf32>
        %mul3A_402 = arith.mulf %get3A_400, %get3A_400 : vector<16xf32>
        %add3A_403 = arith.addf %add3A_396, %mul3A_402 : vector<16xf32>
        %get3A_404 = arith.index_cast %scan3A_72 : i32 to index
        %get3A_405 = arith.constant 752 : index
        %get3A_406 = tpu.vector_load %arg9[%get3A_404, %get3A_405] {strides = array<i32>} : memref<32x1024xf32, #tpu.memory_space<vmem>>, vector<1x16xf32>,
        %get3A_407 = vector.shape_cast %get3A_406 : vector<1x16xf32> to vector<16xf32>
        %add3A_408 = arith.addf %add3A_401, %get3A_407 : vector<16xf32>
        %mul3A_409 = arith.mulf %get3A_407, %get3A_407 : vector<16xf32>
        %add3A_410 = arith.addf %add3A_403, %mul3A_409 : vector<16xf32>
        %get3A_411 = arith.index_cast %scan3A_72 : i32 to index
        %get3A_412 = arith.constant 768 : index
        %get3A_413 = tpu.vector_load %arg9[%get3A_411, %get3A_412] {strides = array<i32>} : memref<32x1024xf32, #tpu.memory_space<vmem>>, vector<1x16xf32>,
        %get3A_414 = vector.shape_cast %get3A_413 : vector<1x16xf32> to vector<16xf32>
        %add3A_415 = arith.addf %add3A_408, %get3A_414 : vector<16xf32>
        %mul3A_416 = arith.mulf %get3A_414, %get3A_414 : vector<16xf32>
        %add3A_417 = arith.addf %add3A_410, %mul3A_416 : vector<16xf32>
        %get3A_418 = arith.index_cast %scan3A_72 : i32 to index
        %get3A_419 = arith.constant 784 : index
        %get3A_420 = tpu.vector_load %arg9[%get3A_418, %get3A_419] {strides = array<i32>} : memref<32x1024xf32, #tpu.memory_space<vmem>>, vector<1x16xf32>,
        %get3A_421 = vector.shape_cast %get3A_420 : vector<1x16xf32> to vector<16xf32>
        %add3A_422 = arith.addf %add3A_415, %get3A_421 : vector<16xf32>
        %mul3A_423 = arith.mulf %get3A_421, %get3A_421 : vector<16xf32>
        %add3A_424 = arith.addf %add3A_417, %mul3A_423 : vector<16xf32>
        %get3A_425 = arith.index_cast %scan3A_72 : i32 to index
        %get3A_426 = arith.constant 800 : index
        %get3A_427 = tpu.vector_load %arg9[%get3A_425, %get3A_426] {strides = array<i32>} : memref<32x1024xf32, #tpu.memory_space<vmem>>, vector<1x16xf32>,
        %get3A_428 = vector.shape_cast %get3A_427 : vector<1x16xf32> to vector<16xf32>
        %add3A_429 = arith.addf %add3A_422, %get3A_428 : vector<16xf32>
        %mul3A_430 = arith.mulf %get3A_428, %get3A_428 : vector<16xf32>
        %add3A_431 = arith.addf %add3A_424, %mul3A_430 : vector<16xf32>
        %get3A_432 = arith.index_cast %scan3A_72 : i32 to index
        %get3A_433 = arith.constant 816 : index
        %get3A_434 = tpu.vector_load %arg9[%get3A_432, %get3A_433] {strides = array<i32>} : memref<32x1024xf32, #tpu.memory_space<vmem>>, vector<1x16xf32>,
        %get3A_435 = vector.shape_cast %get3A_434 : vector<1x16xf32> to vector<16xf32>
        %add3A_436 = arith.addf %add3A_429, %get3A_435 : vector<16xf32>
        %mul3A_437 = arith.mulf %get3A_435, %get3A_435 : vector<16xf32>
        %add3A_438 = arith.addf %add3A_431, %mul3A_437 : vector<16xf32>
        %get3A_439 = arith.index_cast %scan3A_72 : i32 to index
        %get3A_440 = arith.constant 832 : index
        %get3A_441 = tpu.vector_load %arg9[%get3A_439, %get3A_440] {strides = array<i32>} : memref<32x1024xf32, #tpu.memory_space<vmem>>, vector<1x16xf32>,
        %get3A_442 = vector.shape_cast %get3A_441 : vector<1x16xf32> to vector<16xf32>
        %add3A_443 = arith.addf %add3A_436, %get3A_442 : vector<16xf32>
        %mul3A_444 = arith.mulf %get3A_442, %get3A_442 : vector<16xf32>
        %add3A_445 = arith.addf %add3A_438, %mul3A_444 : vector<16xf32>
        %get3A_446 = arith.index_cast %scan3A_72 : i32 to index
        %get3A_447 = arith.constant 848 : index
        %get3A_448 = tpu.vector_load %arg9[%get3A_446, %get3A_447] {strides = array<i32>} : memref<32x1024xf32, #tpu.memory_space<vmem>>, vector<1x16xf32>,
        %get3A_449 = vector.shape_cast %get3A_448 : vector<1x16xf32> to vector<16xf32>
        %add3A_450 = arith.addf %add3A_443, %get3A_449 : vector<16xf32>
        %mul3A_451 = arith.mulf %get3A_449, %get3A_449 : vector<16xf32>
        %add3A_452 = arith.addf %add3A_445, %mul3A_451 : vector<16xf32>
        %get3A_453 = arith.index_cast %scan3A_72 : i32 to index
        %get3A_454 = arith.constant 864 : index
        %get3A_455 = tpu.vector_load %arg9[%get3A_453, %get3A_454] {strides = array<i32>} : memref<32x1024xf32, #tpu.memory_space<vmem>>, vector<1x16xf32>,
        %get3A_456 = vector.shape_cast %get3A_455 : vector<1x16xf32> to vector<16xf32>
        %add3A_457 = arith.addf %add3A_450, %get3A_456 : vector<16xf32>
        %mul3A_458 = arith.mulf %get3A_456, %get3A_456 : vector<16xf32>
        %add3A_459 = arith.addf %add3A_452, %mul3A_458 : vector<16xf32>
        %get3A_460 = arith.index_cast %scan3A_72 : i32 to index
        %get3A_461 = arith.constant 880 : index
        %get3A_462 = tpu.vector_load %arg9[%get3A_460, %get3A_461] {strides = array<i32>} : memref<32x1024xf32, #tpu.memory_space<vmem>>, vector<1x16xf32>,
        %get3A_463 = vector.shape_cast %get3A_462 : vector<1x16xf32> to vector<16xf32>
        %add3A_464 = arith.addf %add3A_457, %get3A_463 : vector<16xf32>
        %mul3A_465 = arith.mulf %get3A_463, %get3A_463 : vector<16xf32>
        %add3A_466 = arith.addf %add3A_459, %mul3A_465 : vector<16xf32>
        %get3A_467 = arith.index_cast %scan3A_72 : i32 to index
        %get3A_468 = arith.constant 896 : index
        %get3A_469 = tpu.vector_load %arg9[%get3A_467, %get3A_468] {strides = array<i32>} : memref<32x1024xf32, #tpu.memory_space<vmem>>, vector<1x16xf32>,
        %get3A_470 = vector.shape_cast %get3A_469 : vector<1x16xf32> to vector<16xf32>
        %add3A_471 = arith.addf %add3A_464, %get3A_470 : vector<16xf32>
        %mul3A_472 = arith.mulf %get3A_470, %get3A_470 : vector<16xf32>
        %add3A_473 = arith.addf %add3A_466, %mul3A_472 : vector<16xf32>
        %get3A_474 = arith.index_cast %scan3A_72 : i32 to index
        %get3A_475 = arith.constant 912 : index
        %get3A_476 = tpu.vector_load %arg9[%get3A_474, %get3A_475] {strides = array<i32>} : memref<32x1024xf32, #tpu.memory_space<vmem>>, vector<1x16xf32>,
        %get3A_477 = vector.shape_cast %get3A_476 : vector<1x16xf32> to vector<16xf32>
        %add3A_478 = arith.addf %add3A_471, %get3A_477 : vector<16xf32>
        %mul3A_479 = arith.mulf %get3A_477, %get3A_477 : vector<16xf32>
        %add3A_480 = arith.addf %add3A_473, %mul3A_479 : vector<16xf32>
        %get3A_481 = arith.index_cast %scan3A_72 : i32 to index
        %get3A_482 = arith.constant 928 : index
        %get3A_483 = tpu.vector_load %arg9[%get3A_481, %get3A_482] {strides = array<i32>} : memref<32x1024xf32, #tpu.memory_space<vmem>>, vector<1x16xf32>,
        %get3A_484 = vector.shape_cast %get3A_483 : vector<1x16xf32> to vector<16xf32>
        %add3A_485 = arith.addf %add3A_478, %get3A_484 : vector<16xf32>
        %mul3A_486 = arith.mulf %get3A_484, %get3A_484 : vector<16xf32>
        %add3A_487 = arith.addf %add3A_480, %mul3A_486 : vector<16xf32>
        %get3A_488 = arith.index_cast %scan3A_72 : i32 to index
        %get3A_489 = arith.constant 944 : index
        %get3A_490 = tpu.vector_load %arg9[%get3A_488, %get3A_489] {strides = array<i32>} : memref<32x1024xf32, #tpu.memory_space<vmem>>, vector<1x16xf32>,
        %get3A_491 = vector.shape_cast %get3A_490 : vector<1x16xf32> to vector<16xf32>
        %add3A_492 = arith.addf %add3A_485, %get3A_491 : vector<16xf32>
        %mul3A_493 = arith.mulf %get3A_491, %get3A_491 : vector<16xf32>
        %add3A_494 = arith.addf %add3A_487, %mul3A_493 : vector<16xf32>
        %get3A_495 = arith.index_cast %scan3A_72 : i32 to index
        %get3A_496 = arith.constant 960 : index
        %get3A_497 = tpu.vector_load %arg9[%get3A_495, %get3A_496] {strides = array<i32>} : memref<32x1024xf32, #tpu.memory_space<vmem>>, vector<1x16xf32>,
        %get3A_498 = vector.shape_cast %get3A_497 : vector<1x16xf32> to vector<16xf32>
        %add3A_499 = arith.addf %add3A_492, %get3A_498 : vector<16xf32>
        %mul3A_500 = arith.mulf %get3A_498, %get3A_498 : vector<16xf32>
        %add3A_501 = arith.addf %add3A_494, %mul3A_500 : vector<16xf32>
        %get3A_502 = arith.index_cast %scan3A_72 : i32 to index
        %get3A_503 = arith.constant 976 : index
        %get3A_504 = tpu.vector_load %arg9[%get3A_502, %get3A_503] {strides = array<i32>} : memref<32x1024xf32, #tpu.memory_space<vmem>>, vector<1x16xf32>,
        %get3A_505 = vector.shape_cast %get3A_504 : vector<1x16xf32> to vector<16xf32>
        %add3A_506 = arith.addf %add3A_499, %get3A_505 : vector<16xf32>
        %mul3A_507 = arith.mulf %get3A_505, %get3A_505 : vector<16xf32>
        %add3A_508 = arith.addf %add3A_501, %mul3A_507 : vector<16xf32>
        %get3A_509 = arith.index_cast %scan3A_72 : i32 to index
        %get3A_510 = arith.constant 992 : index
        %get3A_511 = tpu.vector_load %arg9[%get3A_509, %get3A_510] {strides = array<i32>} : memref<32x1024xf32, #tpu.memory_space<vmem>>, vector<1x16xf32>,
        %get3A_512 = vector.shape_cast %get3A_511 : vector<1x16xf32> to vector<16xf32>
        %add3A_513 = arith.addf %add3A_506, %get3A_512 : vector<16xf32>
        %mul3A_514 = arith.mulf %get3A_512, %get3A_512 : vector<16xf32>
        %add3A_515 = arith.addf %add3A_508, %mul3A_514 : vector<16xf32>
        %get3A_516 = arith.index_cast %scan3A_72 : i32 to index
        %get3A_517 = arith.constant 1008 : index
        %get3A_518 = tpu.vector_load %arg9[%get3A_516, %get3A_517] {strides = array<i32>} : memref<32x1024xf32, #tpu.memory_space<vmem>>, vector<1x16xf32>,
        %get3A_519 = vector.shape_cast %get3A_518 : vector<1x16xf32> to vector<16xf32>
        %add3A_520 = arith.addf %add3A_513, %get3A_519 : vector<16xf32>
        %mul3A_521 = arith.mulf %get3A_519, %get3A_519 : vector<16xf32>
        %add3A_522 = arith.addf %add3A_515, %mul3A_521 : vector<16xf32>
        %iota3A = tpu.iota {dimensions = array<i32: 0>} : vector<16xi32>
        %xor3A = arith.constant 1 : i32
        %xor3A_523 = vector.broadcast %xor3A : i32 to vector<16xi32>
        %xor3A_524 = arith.xori %iota3A, %xor3A_523 : vector<16xi32>
        %broadcast_in_dim3A_525 = vector.shape_cast %xor3A_524 : vector<16xi32> to vector<16x1xi32>
        %gather3A = vector.shape_cast %broadcast_in_dim3A_525 : vector<16x1xi32> to vector<16xi32>
        %gather3A_526 = tpu.dynamic_gather %add3A_520[%gather3A] in [0] : vector<16xf32>, vector<16xi32> -> vector<16xf32>
        %add3A_527 = arith.addf %add3A_520, %gather3A_526 : vector<16xf32>
        %xor3A_528 = arith.constant 2 : i32
        %xor3A_529 = vector.broadcast %xor3A_528 : i32 to vector<16xi32>
        %xor3A_530 = arith.xori %iota3A, %xor3A_529 : vector<16xi32>
        %broadcast_in_dim3A_531 = vector.shape_cast %xor3A_530 : vector<16xi32> to vector<16x1xi32>
        %gather3A_532 = vector.shape_cast %broadcast_in_dim3A_531 : vector<16x1xi32> to vector<16xi32>
        %gather3A_533 = tpu.dynamic_gather %add3A_527[%gather3A_532] in [0] : vector<16xf32>, vector<16xi32> -> vector<16xf32>
        %add3A_534 = arith.addf %add3A_527, %gather3A_533 : vector<16xf32>
        %xor3A_535 = arith.constant 4 : i32
        %xor3A_536 = vector.broadcast %xor3A_535 : i32 to vector<16xi32>
        %xor3A_537 = arith.xori %iota3A, %xor3A_536 : vector<16xi32>
        %broadcast_in_dim3A_538 = vector.shape_cast %xor3A_537 : vector<16xi32> to vector<16x1xi32>
        %gather3A_539 = vector.shape_cast %broadcast_in_dim3A_538 : vector<16x1xi32> to vector<16xi32>
        %gather3A_540 = tpu.dynamic_gather %add3A_534[%gather3A_539] in [0] : vector<16xf32>, vector<16xi32> -> vector<16xf32>
        %add3A_541 = arith.addf %add3A_534, %gather3A_540 : vector<16xf32>
        %xor3A_542 = arith.constant 8 : i32
        %xor3A_543 = vector.broadcast %xor3A_542 : i32 to vector<16xi32>
        %xor3A_544 = arith.xori %iota3A, %xor3A_543 : vector<16xi32>
        %broadcast_in_dim3A_545 = vector.shape_cast %xor3A_544 : vector<16xi32> to vector<16x1xi32>
        %gather3A_546 = vector.shape_cast %broadcast_in_dim3A_545 : vector<16x1xi32> to vector<16xi32>
        %gather3A_547 = tpu.dynamic_gather %add3A_541[%gather3A_546] in [0] : vector<16xf32>, vector<16xi32> -> vector<16xf32>
        %add3A_548 = arith.addf %add3A_541, %gather3A_547 : vector<16xf32>
        %iota3A_549 = tpu.iota {dimensions = array<i32: 0>} : vector<16xi32>
        %xor3A_550 = arith.constant 1 : i32
        %xor3A_551 = vector.broadcast %xor3A_550 : i32 to vector<16xi32>
        %xor3A_552 = arith.xori %iota3A_549, %xor3A_551 : vector<16xi32>
        %broadcast_in_dim3A_553 = vector.shape_cast %xor3A_552 : vector<16xi32> to vector<16x1xi32>
        %gather3A_554 = vector.shape_cast %broadcast_in_dim3A_553 : vector<16x1xi32> to vector<16xi32>
        %gather3A_555 = tpu.dynamic_gather %add3A_522[%gather3A_554] in [0] : vector<16xf32>, vector<16xi32> -> vector<16xf32>
        %add3A_556 = arith.addf %add3A_522, %gather3A_555 : vector<16xf32>
        %xor3A_557 = arith.constant 2 : i32
        %xor3A_558 = vector.broadcast %xor3A_557 : i32 to vector<16xi32>
        %xor3A_559 = arith.xori %iota3A_549, %xor3A_558 : vector<16xi32>
        %broadcast_in_dim3A_560 = vector.shape_cast %xor3A_559 : vector<16xi32> to vector<16x1xi32>
        %gather3A_561 = vector.shape_cast %broadcast_in_dim3A_560 : vector<16x1xi32> to vector<16xi32>
        %gather3A_562 = tpu.dynamic_gather %add3A_556[%gather3A_561] in [0] : vector<16xf32>, vector<16xi32> -> vector<16xf32>
        %add3A_563 = arith.addf %add3A_556, %gather3A_562 : vector<16xf32>
        %xor3A_564 = arith.constant 4 : i32
        %xor3A_565 = vector.broadcast %xor3A_564 : i32 to vector<16xi32>
        %xor3A_566 = arith.xori %iota3A_549, %xor3A_565 : vector<16xi32>
        %broadcast_in_dim3A_567 = vector.shape_cast %xor3A_566 : vector<16xi32> to vector<16x1xi32>
        %gather3A_568 = vector.shape_cast %broadcast_in_dim3A_567 : vector<16x1xi32> to vector<16xi32>
        %gather3A_569 = tpu.dynamic_gather %add3A_563[%gather3A_568] in [0] : vector<16xf32>, vector<16xi32> -> vector<16xf32>
        %add3A_570 = arith.addf %add3A_563, %gather3A_569 : vector<16xf32>
        %xor3A_571 = arith.constant 8 : i32
        %xor3A_572 = vector.broadcast %xor3A_571 : i32 to vector<16xi32>
        %xor3A_573 = arith.xori %iota3A_549, %xor3A_572 : vector<16xi32>
        %broadcast_in_dim3A_574 = vector.shape_cast %xor3A_573 : vector<16xi32> to vector<16x1xi32>
        %gather3A_575 = vector.shape_cast %broadcast_in_dim3A_574 : vector<16x1xi32> to vector<16xi32>
        %gather3A_576 = tpu.dynamic_gather %add3A_570[%gather3A_575] in [0] : vector<16xf32>, vector<16xi32> -> vector<16xf32>
        %add3A_577 = arith.addf %add3A_570, %gather3A_576 : vector<16xf32>
        %mul3A_578 = arith.constant 9.765625E-4 : f32
        %mul3A_579 = vector.broadcast %mul3A_578 : f32 to vector<16xf32>
        %mul3A_580 = arith.mulf %add3A_548, %mul3A_579 : vector<16xf32>
        %mul3A_581 = arith.constant 9.765625E-4 : f32
        %mul3A_582 = vector.broadcast %mul3A_581 : f32 to vector<16xf32>
        %mul3A_583 = arith.mulf %add3A_577, %mul3A_582 : vector<16xf32>
        %mul3A_584 = arith.mulf %mul3A_580, %mul3A_580 : vector<16xf32>
        %sub3A = arith.subf %mul3A_583, %mul3A_584 : vector<16xf32>
        %add3A_585 = arith.constant 9.99999997E-7 : f32
        %add3A_586 = vector.broadcast %add3A_585 : f32 to vector<16xf32>
        %add3A_587 = arith.addf %sub3A, %add3A_586 : vector<16xf32>
        %bitcast_convert_type3A = tpu.bitcast %add3A_587 : vector<16xf32> -> vector<16xi32>
        %shift_right_arithmetic3A = arith.constant 1 : i32
        %shift_right_arithmetic3A_588 = vector.broadcast %shift_right_arithmetic3A : i32 to vector<16xi32>
        %shift_right_arithmetic3A_589 = arith.shrsi %bitcast_convert_type3A, %shift_right_arithmetic3A_588 : vector<16xi32>
        %sub3A_590 = arith.constant 1597463007 : i32
        %sub3A_591 = vector.broadcast %sub3A_590 : i32 to vector<16xi32>
        %sub3A_592 = arith.subi %sub3A_591, %shift_right_arithmetic3A_589 : vector<16xi32>
        %bitcast_convert_type3A_593 = tpu.bitcast %sub3A_592 : vector<16xi32> -> vector<16xf32>
        %mul3A_594 = arith.constant 5.000000e-01 : f32
        %mul3A_595 = vector.broadcast %mul3A_594 : f32 to vector<16xf32>
        %mul3A_596 = arith.mulf %mul3A_595, %add3A_587 : vector<16xf32>
        %mul3A_597 = arith.mulf %mul3A_596, %bitcast_convert_type3A_593 : vector<16xf32>
        %mul3A_598 = arith.mulf %mul3A_597, %bitcast_convert_type3A_593 : vector<16xf32>
        %sub3A_599 = arith.constant 1.500000e+00 : f32
        %sub3A_600 = vector.broadcast %sub3A_599 : f32 to vector<16xf32>
        %sub3A_601 = arith.subf %sub3A_600, %mul3A_598 : vector<16xf32>
        %mul3A_602 = arith.mulf %bitcast_convert_type3A_593, %sub3A_601 : vector<16xf32>
        %mul3A_603 = arith.constant 5.000000e-01 : f32
        %mul3A_604 = vector.broadcast %mul3A_603 : f32 to vector<16xf32>
        %mul3A_605 = arith.mulf %mul3A_604, %add3A_587 : vector<16xf32>
        %mul3A_606 = arith.mulf %mul3A_605, %mul3A_602 : vector<16xf32>
        %mul3A_607 = arith.mulf %mul3A_606, %mul3A_602 : vector<16xf32>
        %sub3A_608 = arith.constant 1.500000e+00 : f32
        %sub3A_609 = vector.broadcast %sub3A_608 : f32 to vector<16xf32>
        %sub3A_610 = arith.subf %sub3A_609, %mul3A_607 : vector<16xf32>
        %mul3A_611 = arith.mulf %mul3A_602, %sub3A_610 : vector<16xf32>
        %get3A_612 = arith.index_cast %scan3A_72 : i32 to index
        %get3A_613 = arith.constant 0 : index
        %get3A_614 = tpu.vector_load %arg9[%get3A_612, %get3A_613] {strides = array<i32>} : memref<32x1024xf32, #tpu.memory_space<vmem>>, vector<1x16xf32>,
        %get3A_615 = vector.shape_cast %get3A_614 : vector<1x16xf32> to vector<16xf32>
        %get3A_616 = arith.constant 0 : index
        %get3A_617 = tpu.vector_load %arg11[%get3A_616] {strides = array<i32>} : memref<1024xf32, #tpu.memory_space<vmem>>, vector<16xf32>,
        %get3A_618 = vector.shape_cast %get3A_617 : vector<16xf32> to vector<16xf32>
        %mul3A_619 = arith.mulf %mul3A_611, %get3A_618 : vector<16xf32>
        %sub3A_620 = arith.subf %get3A_615, %mul3A_580 : vector<16xf32>
        %mul3A_621 = arith.mulf %sub3A_620, %mul3A_619 : vector<16xf32>
        %get3A_622 = arith.constant 0 : index
        %get3A_623 = tpu.vector_load %arg12[%get3A_622] {strides = array<i32>} : memref<1024xf32, #tpu.memory_space<vmem>>, vector<16xf32>,
        %get3A_624 = vector.shape_cast %get3A_623 : vector<16xf32> to vector<16xf32>
        %add3A_625 = arith.addf %mul3A_621, %get3A_624 : vector<16xf32>
        %swap3A = arith.index_cast %scan3A_72 : i32 to index
        %swap3A_626 = arith.constant 0 : index
        %swap3A_627 = tpu.vector_load %arg9[%swap3A, %swap3A_626] {strides = array<i32>} : memref<32x1024xf32, #tpu.memory_space<vmem>>, vector<1x16xf32>,
        %swap3A_628 = vector.shape_cast %swap3A_627 : vector<1x16xf32> to vector<16xf32>
        %swap3A_629 = vector.shape_cast %add3A_625 : vector<16xf32> to vector<1x16xf32>
        tpu.vector_store %arg9[%swap3A, %swap3A_626], %swap3A_629 {strides = array<i32>} : memref<32x1024xf32, #tpu.memory_space<vmem>>, vector<1x16xf32>,
        %get3A_630 = arith.index_cast %scan3A_72 : i32 to index
        %get3A_631 = arith.constant 16 : index
        %get3A_632 = tpu.vector_load %arg9[%get3A_630, %get3A_631] {strides = array<i32>} : memref<32x1024xf32, #tpu.memory_space<vmem>>, vector<1x16xf32>,
        %get3A_633 = vector.shape_cast %get3A_632 : vector<1x16xf32> to vector<16xf32>
        %get3A_634 = arith.constant 16 : index
        %get3A_635 = tpu.vector_load %arg11[%get3A_634] {strides = array<i32>} : memref<1024xf32, #tpu.memory_space<vmem>>, vector<16xf32>,
        %get3A_636 = vector.shape_cast %get3A_635 : vector<16xf32> to vector<16xf32>
        %mul3A_637 = arith.mulf %mul3A_611, %get3A_636 : vector<16xf32>
        %sub3A_638 = arith.subf %get3A_633, %mul3A_580 : vector<16xf32>
        %mul3A_639 = arith.mulf %sub3A_638, %mul3A_637 : vector<16xf32>
        %get3A_640 = arith.constant 16 : index
        %get3A_641 = tpu.vector_load %arg12[%get3A_640] {strides = array<i32>} : memref<1024xf32, #tpu.memory_space<vmem>>, vector<16xf32>,
        %get3A_642 = vector.shape_cast %get3A_641 : vector<16xf32> to vector<16xf32>
        %add3A_643 = arith.addf %mul3A_639, %get3A_642 : vector<16xf32>
        %swap3A_644 = arith.index_cast %scan3A_72 : i32 to index
        %swap3A_645 = arith.constant 16 : index
        %swap3A_646 = tpu.vector_load %arg9[%swap3A_644, %swap3A_645] {strides = array<i32>} : memref<32x1024xf32, #tpu.memory_space<vmem>>, vector<1x16xf32>,
        %swap3A_647 = vector.shape_cast %swap3A_646 : vector<1x16xf32> to vector<16xf32>
        %swap3A_648 = vector.shape_cast %add3A_643 : vector<16xf32> to vector<1x16xf32>
        tpu.vector_store %arg9[%swap3A_644, %swap3A_645], %swap3A_648 {strides = array<i32>} : memref<32x1024xf32, #tpu.memory_space<vmem>>, vector<1x16xf32>,
        %get3A_649 = arith.index_cast %scan3A_72 : i32 to index
        %get3A_650 = arith.constant 32 : index
        %get3A_651 = tpu.vector_load %arg9[%get3A_649, %get3A_650] {strides = array<i32>} : memref<32x1024xf32, #tpu.memory_space<vmem>>, vector<1x16xf32>,
        %get3A_652 = vector.shape_cast %get3A_651 : vector<1x16xf32> to vector<16xf32>
        %get3A_653 = arith.constant 32 : index
        %get3A_654 = tpu.vector_load %arg11[%get3A_653] {strides = array<i32>} : memref<1024xf32, #tpu.memory_space<vmem>>, vector<16xf32>,
        %get3A_655 = vector.shape_cast %get3A_654 : vector<16xf32> to vector<16xf32>
        %mul3A_656 = arith.mulf %mul3A_611, %get3A_655 : vector<16xf32>
        %sub3A_657 = arith.subf %get3A_652, %mul3A_580 : vector<16xf32>
        %mul3A_658 = arith.mulf %sub3A_657, %mul3A_656 : vector<16xf32>
        %get3A_659 = arith.constant 32 : index
        %get3A_660 = tpu.vector_load %arg12[%get3A_659] {strides = array<i32>} : memref<1024xf32, #tpu.memory_space<vmem>>, vector<16xf32>,
        %get3A_661 = vector.shape_cast %get3A_660 : vector<16xf32> to vector<16xf32>
        %add3A_662 = arith.addf %mul3A_658, %get3A_661 : vector<16xf32>
        %swap3A_663 = arith.index_cast %scan3A_72 : i32 to index
        %swap3A_664 = arith.constant 32 : index
        %swap3A_665 = tpu.vector_load %arg9[%swap3A_663, %swap3A_664] {strides = array<i32>} : memref<32x1024xf32, #tpu.memory_space<vmem>>, vector<1x16xf32>,
        %swap3A_666 = vector.shape_cast %swap3A_665 : vector<1x16xf32> to vector<16xf32>
        %swap3A_667 = vector.shape_cast %add3A_662 : vector<16xf32> to vector<1x16xf32>
        tpu.vector_store %arg9[%swap3A_663, %swap3A_664], %swap3A_667 {strides = array<i32>} : memref<32x1024xf32, #tpu.memory_space<vmem>>, vector<1x16xf32>,
        %get3A_668 = arith.index_cast %scan3A_72 : i32 to index
        %get3A_669 = arith.constant 48 : index
        %get3A_670 = tpu.vector_load %arg9[%get3A_668, %get3A_669] {strides = array<i32>} : memref<32x1024xf32, #tpu.memory_space<vmem>>, vector<1x16xf32>,
        %get3A_671 = vector.shape_cast %get3A_670 : vector<1x16xf32> to vector<16xf32>
        %get3A_672 = arith.constant 48 : index
        %get3A_673 = tpu.vector_load %arg11[%get3A_672] {strides = array<i32>} : memref<1024xf32, #tpu.memory_space<vmem>>, vector<16xf32>,
        %get3A_674 = vector.shape_cast %get3A_673 : vector<16xf32> to vector<16xf32>
        %mul3A_675 = arith.mulf %mul3A_611, %get3A_674 : vector<16xf32>
        %sub3A_676 = arith.subf %get3A_671, %mul3A_580 : vector<16xf32>
        %mul3A_677 = arith.mulf %sub3A_676, %mul3A_675 : vector<16xf32>
        %get3A_678 = arith.constant 48 : index
        %get3A_679 = tpu.vector_load %arg12[%get3A_678] {strides = array<i32>} : memref<1024xf32, #tpu.memory_space<vmem>>, vector<16xf32>,
        %get3A_680 = vector.shape_cast %get3A_679 : vector<16xf32> to vector<16xf32>
        %add3A_681 = arith.addf %mul3A_677, %get3A_680 : vector<16xf32>
        %swap3A_682 = arith.index_cast %scan3A_72 : i32 to index
        %swap3A_683 = arith.constant 48 : index
        %swap3A_684 = tpu.vector_load %arg9[%swap3A_682, %swap3A_683] {strides = array<i32>} : memref<32x1024xf32, #tpu.memory_space<vmem>>, vector<1x16xf32>,
        %swap3A_685 = vector.shape_cast %swap3A_684 : vector<1x16xf32> to vector<16xf32>
        %swap3A_686 = vector.shape_cast %add3A_681 : vector<16xf32> to vector<1x16xf32>
        tpu.vector_store %arg9[%swap3A_682, %swap3A_683], %swap3A_686 {strides = array<i32>} : memref<32x1024xf32, #tpu.memory_space<vmem>>, vector<1x16xf32>,
        %get3A_687 = arith.index_cast %scan3A_72 : i32 to index
        %get3A_688 = arith.constant 64 : index
        %get3A_689 = tpu.vector_load %arg9[%get3A_687, %get3A_688] {strides = array<i32>} : memref<32x1024xf32, #tpu.memory_space<vmem>>, vector<1x16xf32>,
        %get3A_690 = vector.shape_cast %get3A_689 : vector<1x16xf32> to vector<16xf32>
        %get3A_691 = arith.constant 64 : index
        %get3A_692 = tpu.vector_load %arg11[%get3A_691] {strides = array<i32>} : memref<1024xf32, #tpu.memory_space<vmem>>, vector<16xf32>,
        %get3A_693 = vector.shape_cast %get3A_692 : vector<16xf32> to vector<16xf32>
        %mul3A_694 = arith.mulf %mul3A_611, %get3A_693 : vector<16xf32>
        %sub3A_695 = arith.subf %get3A_690, %mul3A_580 : vector<16xf32>
        %mul3A_696 = arith.mulf %sub3A_695, %mul3A_694 : vector<16xf32>
        %get3A_697 = arith.constant 64 : index
        %get3A_698 = tpu.vector_load %arg12[%get3A_697] {strides = array<i32>} : memref<1024xf32, #tpu.memory_space<vmem>>, vector<16xf32>,
        %get3A_699 = vector.shape_cast %get3A_698 : vector<16xf32> to vector<16xf32>
        %add3A_700 = arith.addf %mul3A_696, %get3A_699 : vector<16xf32>
        %swap3A_701 = arith.index_cast %scan3A_72 : i32 to index
        %swap3A_702 = arith.constant 64 : index
        %swap3A_703 = tpu.vector_load %arg9[%swap3A_701, %swap3A_702] {strides = array<i32>} : memref<32x1024xf32, #tpu.memory_space<vmem>>, vector<1x16xf32>,
        %swap3A_704 = vector.shape_cast %swap3A_703 : vector<1x16xf32> to vector<16xf32>
        %swap3A_705 = vector.shape_cast %add3A_700 : vector<16xf32> to vector<1x16xf32>
        tpu.vector_store %arg9[%swap3A_701, %swap3A_702], %swap3A_705 {strides = array<i32>} : memref<32x1024xf32, #tpu.memory_space<vmem>>, vector<1x16xf32>,
        %get3A_706 = arith.index_cast %scan3A_72 : i32 to index
        %get3A_707 = arith.constant 80 : index
        %get3A_708 = tpu.vector_load %arg9[%get3A_706, %get3A_707] {strides = array<i32>} : memref<32x1024xf32, #tpu.memory_space<vmem>>, vector<1x16xf32>,
        %get3A_709 = vector.shape_cast %get3A_708 : vector<1x16xf32> to vector<16xf32>
        %get3A_710 = arith.constant 80 : index
        %get3A_711 = tpu.vector_load %arg11[%get3A_710] {strides = array<i32>} : memref<1024xf32, #tpu.memory_space<vmem>>, vector<16xf32>,
        %get3A_712 = vector.shape_cast %get3A_711 : vector<16xf32> to vector<16xf32>
        %mul3A_713 = arith.mulf %mul3A_611, %get3A_712 : vector<16xf32>
        %sub3A_714 = arith.subf %get3A_709, %mul3A_580 : vector<16xf32>
        %mul3A_715 = arith.mulf %sub3A_714, %mul3A_713 : vector<16xf32>
        %get3A_716 = arith.constant 80 : index
        %get3A_717 = tpu.vector_load %arg12[%get3A_716] {strides = array<i32>} : memref<1024xf32, #tpu.memory_space<vmem>>, vector<16xf32>,
        %get3A_718 = vector.shape_cast %get3A_717 : vector<16xf32> to vector<16xf32>
        %add3A_719 = arith.addf %mul3A_715, %get3A_718 : vector<16xf32>
        %swap3A_720 = arith.index_cast %scan3A_72 : i32 to index
        %swap3A_721 = arith.constant 80 : index
        %swap3A_722 = tpu.vector_load %arg9[%swap3A_720, %swap3A_721] {strides = array<i32>} : memref<32x1024xf32, #tpu.memory_space<vmem>>, vector<1x16xf32>,
        %swap3A_723 = vector.shape_cast %swap3A_722 : vector<1x16xf32> to vector<16xf32>
        %swap3A_724 = vector.shape_cast %add3A_719 : vector<16xf32> to vector<1x16xf32>
        tpu.vector_store %arg9[%swap3A_720, %swap3A_721], %swap3A_724 {strides = array<i32>} : memref<32x1024xf32, #tpu.memory_space<vmem>>, vector<1x16xf32>,
        %get3A_725 = arith.index_cast %scan3A_72 : i32 to index
        %get3A_726 = arith.constant 96 : index
        %get3A_727 = tpu.vector_load %arg9[%get3A_725, %get3A_726] {strides = array<i32>} : memref<32x1024xf32, #tpu.memory_space<vmem>>, vector<1x16xf32>,
        %get3A_728 = vector.shape_cast %get3A_727 : vector<1x16xf32> to vector<16xf32>
        %get3A_729 = arith.constant 96 : index
        %get3A_730 = tpu.vector_load %arg11[%get3A_729] {strides = array<i32>} : memref<1024xf32, #tpu.memory_space<vmem>>, vector<16xf32>,
        %get3A_731 = vector.shape_cast %get3A_730 : vector<16xf32> to vector<16xf32>
        %mul3A_732 = arith.mulf %mul3A_611, %get3A_731 : vector<16xf32>
        %sub3A_733 = arith.subf %get3A_728, %mul3A_580 : vector<16xf32>
        %mul3A_734 = arith.mulf %sub3A_733, %mul3A_732 : vector<16xf32>
        %get3A_735 = arith.constant 96 : index
        %get3A_736 = tpu.vector_load %arg12[%get3A_735] {strides = array<i32>} : memref<1024xf32, #tpu.memory_space<vmem>>, vector<16xf32>,
        %get3A_737 = vector.shape_cast %get3A_736 : vector<16xf32> to vector<16xf32>
        %add3A_738 = arith.addf %mul3A_734, %get3A_737 : vector<16xf32>
        %swap3A_739 = arith.index_cast %scan3A_72 : i32 to index
        %swap3A_740 = arith.constant 96 : index
        %swap3A_741 = tpu.vector_load %arg9[%swap3A_739, %swap3A_740] {strides = array<i32>} : memref<32x1024xf32, #tpu.memory_space<vmem>>, vector<1x16xf32>,
        %swap3A_742 = vector.shape_cast %swap3A_741 : vector<1x16xf32> to vector<16xf32>
        %swap3A_743 = vector.shape_cast %add3A_738 : vector<16xf32> to vector<1x16xf32>
        tpu.vector_store %arg9[%swap3A_739, %swap3A_740], %swap3A_743 {strides = array<i32>} : memref<32x1024xf32, #tpu.memory_space<vmem>>, vector<1x16xf32>,
        %get3A_744 = arith.index_cast %scan3A_72 : i32 to index
        %get3A_745 = arith.constant 112 : index
        %get3A_746 = tpu.vector_load %arg9[%get3A_744, %get3A_745] {strides = array<i32>} : memref<32x1024xf32, #tpu.memory_space<vmem>>, vector<1x16xf32>,
        %get3A_747 = vector.shape_cast %get3A_746 : vector<1x16xf32> to vector<16xf32>
        %get3A_748 = arith.constant 112 : index
        %get3A_749 = tpu.vector_load %arg11[%get3A_748] {strides = array<i32>} : memref<1024xf32, #tpu.memory_space<vmem>>, vector<16xf32>,
        %get3A_750 = vector.shape_cast %get3A_749 : vector<16xf32> to vector<16xf32>
        %mul3A_751 = arith.mulf %mul3A_611, %get3A_750 : vector<16xf32>
        %sub3A_752 = arith.subf %get3A_747, %mul3A_580 : vector<16xf32>
        %mul3A_753 = arith.mulf %sub3A_752, %mul3A_751 : vector<16xf32>
        %get3A_754 = arith.constant 112 : index
        %get3A_755 = tpu.vector_load %arg12[%get3A_754] {strides = array<i32>} : memref<1024xf32, #tpu.memory_space<vmem>>, vector<16xf32>,
        %get3A_756 = vector.shape_cast %get3A_755 : vector<16xf32> to vector<16xf32>
        %add3A_757 = arith.addf %mul3A_753, %get3A_756 : vector<16xf32>
        %swap3A_758 = arith.index_cast %scan3A_72 : i32 to index
        %swap3A_759 = arith.constant 112 : index
        %swap3A_760 = tpu.vector_load %arg9[%swap3A_758, %swap3A_759] {strides = array<i32>} : memref<32x1024xf32, #tpu.memory_space<vmem>>, vector<1x16xf32>,
        %swap3A_761 = vector.shape_cast %swap3A_760 : vector<1x16xf32> to vector<16xf32>
        %swap3A_762 = vector.shape_cast %add3A_757 : vector<16xf32> to vector<1x16xf32>
        tpu.vector_store %arg9[%swap3A_758, %swap3A_759], %swap3A_762 {strides = array<i32>} : memref<32x1024xf32, #tpu.memory_space<vmem>>, vector<1x16xf32>,
        %get3A_763 = arith.index_cast %scan3A_72 : i32 to index
        %get3A_764 = arith.constant 128 : index
        %get3A_765 = tpu.vector_load %arg9[%get3A_763, %get3A_764] {strides = array<i32>} : memref<32x1024xf32, #tpu.memory_space<vmem>>, vector<1x16xf32>,
        %get3A_766 = vector.shape_cast %get3A_765 : vector<1x16xf32> to vector<16xf32>
        %get3A_767 = arith.constant 128 : index
        %get3A_768 = tpu.vector_load %arg11[%get3A_767] {strides = array<i32>} : memref<1024xf32, #tpu.memory_space<vmem>>, vector<16xf32>,
        %get3A_769 = vector.shape_cast %get3A_768 : vector<16xf32> to vector<16xf32>
        %mul3A_770 = arith.mulf %mul3A_611, %get3A_769 : vector<16xf32>
        %sub3A_771 = arith.subf %get3A_766, %mul3A_580 : vector<16xf32>
        %mul3A_772 = arith.mulf %sub3A_771, %mul3A_770 : vector<16xf32>
        %get3A_773 = arith.constant 128 : index
        %get3A_774 = tpu.vector_load %arg12[%get3A_773] {strides = array<i32>} : memref<1024xf32, #tpu.memory_space<vmem>>, vector<16xf32>,
        %get3A_775 = vector.shape_cast %get3A_774 : vector<16xf32> to vector<16xf32>
        %add3A_776 = arith.addf %mul3A_772, %get3A_775 : vector<16xf32>
        %swap3A_777 = arith.index_cast %scan3A_72 : i32 to index
        %swap3A_778 = arith.constant 128 : index
        %swap3A_779 = tpu.vector_load %arg9[%swap3A_777, %swap3A_778] {strides = array<i32>} : memref<32x1024xf32, #tpu.memory_space<vmem>>, vector<1x16xf32>,
        %swap3A_780 = vector.shape_cast %swap3A_779 : vector<1x16xf32> to vector<16xf32>
        %swap3A_781 = vector.shape_cast %add3A_776 : vector<16xf32> to vector<1x16xf32>
        tpu.vector_store %arg9[%swap3A_777, %swap3A_778], %swap3A_781 {strides = array<i32>} : memref<32x1024xf32, #tpu.memory_space<vmem>>, vector<1x16xf32>,
        %get3A_782 = arith.index_cast %scan3A_72 : i32 to index
        %get3A_783 = arith.constant 144 : index
        %get3A_784 = tpu.vector_load %arg9[%get3A_782, %get3A_783] {strides = array<i32>} : memref<32x1024xf32, #tpu.memory_space<vmem>>, vector<1x16xf32>,
        %get3A_785 = vector.shape_cast %get3A_784 : vector<1x16xf32> to vector<16xf32>
        %get3A_786 = arith.constant 144 : index
        %get3A_787 = tpu.vector_load %arg11[%get3A_786] {strides = array<i32>} : memref<1024xf32, #tpu.memory_space<vmem>>, vector<16xf32>,
        %get3A_788 = vector.shape_cast %get3A_787 : vector<16xf32> to vector<16xf32>
        %mul3A_789 = arith.mulf %mul3A_611, %get3A_788 : vector<16xf32>
        %sub3A_790 = arith.subf %get3A_785, %mul3A_580 : vector<16xf32>
        %mul3A_791 = arith.mulf %sub3A_790, %mul3A_789 : vector<16xf32>
        %get3A_792 = arith.constant 144 : index
        %get3A_793 = tpu.vector_load %arg12[%get3A_792] {strides = array<i32>} : memref<1024xf32, #tpu.memory_space<vmem>>, vector<16xf32>,
        %get3A_794 = vector.shape_cast %get3A_793 : vector<16xf32> to vector<16xf32>
        %add3A_795 = arith.addf %mul3A_791, %get3A_794 : vector<16xf32>
        %swap3A_796 = arith.index_cast %scan3A_72 : i32 to index
        %swap3A_797 = arith.constant 144 : index
        %swap3A_798 = tpu.vector_load %arg9[%swap3A_796, %swap3A_797] {strides = array<i32>} : memref<32x1024xf32, #tpu.memory_space<vmem>>, vector<1x16xf32>,
        %swap3A_799 = vector.shape_cast %swap3A_798 : vector<1x16xf32> to vector<16xf32>
        %swap3A_800 = vector.shape_cast %add3A_795 : vector<16xf32> to vector<1x16xf32>
        tpu.vector_store %arg9[%swap3A_796, %swap3A_797], %swap3A_800 {strides = array<i32>} : memref<32x1024xf32, #tpu.memory_space<vmem>>, vector<1x16xf32>,
        %get3A_801 = arith.index_cast %scan3A_72 : i32 to index
        %get3A_802 = arith.constant 160 : index
        %get3A_803 = tpu.vector_load %arg9[%get3A_801, %get3A_802] {strides = array<i32>} : memref<32x1024xf32, #tpu.memory_space<vmem>>, vector<1x16xf32>,
        %get3A_804 = vector.shape_cast %get3A_803 : vector<1x16xf32> to vector<16xf32>
        %get3A_805 = arith.constant 160 : index
        %get3A_806 = tpu.vector_load %arg11[%get3A_805] {strides = array<i32>} : memref<1024xf32, #tpu.memory_space<vmem>>, vector<16xf32>,
        %get3A_807 = vector.shape_cast %get3A_806 : vector<16xf32> to vector<16xf32>
        %mul3A_808 = arith.mulf %mul3A_611, %get3A_807 : vector<16xf32>
        %sub3A_809 = arith.subf %get3A_804, %mul3A_580 : vector<16xf32>
        %mul3A_810 = arith.mulf %sub3A_809, %mul3A_808 : vector<16xf32>
        %get3A_811 = arith.constant 160 : index
        %get3A_812 = tpu.vector_load %arg12[%get3A_811] {strides = array<i32>} : memref<1024xf32, #tpu.memory_space<vmem>>, vector<16xf32>,
        %get3A_813 = vector.shape_cast %get3A_812 : vector<16xf32> to vector<16xf32>
        %add3A_814 = arith.addf %mul3A_810, %get3A_813 : vector<16xf32>
        %swap3A_815 = arith.index_cast %scan3A_72 : i32 to index
        %swap3A_816 = arith.constant 160 : index
        %swap3A_817 = tpu.vector_load %arg9[%swap3A_815, %swap3A_816] {strides = array<i32>} : memref<32x1024xf32, #tpu.memory_space<vmem>>, vector<1x16xf32>,
        %swap3A_818 = vector.shape_cast %swap3A_817 : vector<1x16xf32> to vector<16xf32>
        %swap3A_819 = vector.shape_cast %add3A_814 : vector<16xf32> to vector<1x16xf32>
        tpu.vector_store %arg9[%swap3A_815, %swap3A_816], %swap3A_819 {strides = array<i32>} : memref<32x1024xf32, #tpu.memory_space<vmem>>, vector<1x16xf32>,
        %get3A_820 = arith.index_cast %scan3A_72 : i32 to index
        %get3A_821 = arith.constant 176 : index
        %get3A_822 = tpu.vector_load %arg9[%get3A_820, %get3A_821] {strides = array<i32>} : memref<32x1024xf32, #tpu.memory_space<vmem>>, vector<1x16xf32>,
        %get3A_823 = vector.shape_cast %get3A_822 : vector<1x16xf32> to vector<16xf32>
        %get3A_824 = arith.constant 176 : index
        %get3A_825 = tpu.vector_load %arg11[%get3A_824] {strides = array<i32>} : memref<1024xf32, #tpu.memory_space<vmem>>, vector<16xf32>,
        %get3A_826 = vector.shape_cast %get3A_825 : vector<16xf32> to vector<16xf32>
        %mul3A_827 = arith.mulf %mul3A_611, %get3A_826 : vector<16xf32>
        %sub3A_828 = arith.subf %get3A_823, %mul3A_580 : vector<16xf32>
        %mul3A_829 = arith.mulf %sub3A_828, %mul3A_827 : vector<16xf32>
        %get3A_830 = arith.constant 176 : index
        %get3A_831 = tpu.vector_load %arg12[%get3A_830] {strides = array<i32>} : memref<1024xf32, #tpu.memory_space<vmem>>, vector<16xf32>,
        %get3A_832 = vector.shape_cast %get3A_831 : vector<16xf32> to vector<16xf32>
        %add3A_833 = arith.addf %mul3A_829, %get3A_832 : vector<16xf32>
        %swap3A_834 = arith.index_cast %scan3A_72 : i32 to index
        %swap3A_835 = arith.constant 176 : index
        %swap3A_836 = tpu.vector_load %arg9[%swap3A_834, %swap3A_835] {strides = array<i32>} : memref<32x1024xf32, #tpu.memory_space<vmem>>, vector<1x16xf32>,
        %swap3A_837 = vector.shape_cast %swap3A_836 : vector<1x16xf32> to vector<16xf32>
        %swap3A_838 = vector.shape_cast %add3A_833 : vector<16xf32> to vector<1x16xf32>
        tpu.vector_store %arg9[%swap3A_834, %swap3A_835], %swap3A_838 {strides = array<i32>} : memref<32x1024xf32, #tpu.memory_space<vmem>>, vector<1x16xf32>,
        %get3A_839 = arith.index_cast %scan3A_72 : i32 to index
        %get3A_840 = arith.constant 192 : index
        %get3A_841 = tpu.vector_load %arg9[%get3A_839, %get3A_840] {strides = array<i32>} : memref<32x1024xf32, #tpu.memory_space<vmem>>, vector<1x16xf32>,
        %get3A_842 = vector.shape_cast %get3A_841 : vector<1x16xf32> to vector<16xf32>
        %get3A_843 = arith.constant 192 : index
        %get3A_844 = tpu.vector_load %arg11[%get3A_843] {strides = array<i32>} : memref<1024xf32, #tpu.memory_space<vmem>>, vector<16xf32>,
        %get3A_845 = vector.shape_cast %get3A_844 : vector<16xf32> to vector<16xf32>
        %mul3A_846 = arith.mulf %mul3A_611, %get3A_845 : vector<16xf32>
        %sub3A_847 = arith.subf %get3A_842, %mul3A_580 : vector<16xf32>
        %mul3A_848 = arith.mulf %sub3A_847, %mul3A_846 : vector<16xf32>
        %get3A_849 = arith.constant 192 : index
        %get3A_850 = tpu.vector_load %arg12[%get3A_849] {strides = array<i32>} : memref<1024xf32, #tpu.memory_space<vmem>>, vector<16xf32>,
        %get3A_851 = vector.shape_cast %get3A_850 : vector<16xf32> to vector<16xf32>
        %add3A_852 = arith.addf %mul3A_848, %get3A_851 : vector<16xf32>
        %swap3A_853 = arith.index_cast %scan3A_72 : i32 to index
        %swap3A_854 = arith.constant 192 : index
        %swap3A_855 = tpu.vector_load %arg9[%swap3A_853, %swap3A_854] {strides = array<i32>} : memref<32x1024xf32, #tpu.memory_space<vmem>>, vector<1x16xf32>,
        %swap3A_856 = vector.shape_cast %swap3A_855 : vector<1x16xf32> to vector<16xf32>
        %swap3A_857 = vector.shape_cast %add3A_852 : vector<16xf32> to vector<1x16xf32>
        tpu.vector_store %arg9[%swap3A_853, %swap3A_854], %swap3A_857 {strides = array<i32>} : memref<32x1024xf32, #tpu.memory_space<vmem>>, vector<1x16xf32>,
        %get3A_858 = arith.index_cast %scan3A_72 : i32 to index
        %get3A_859 = arith.constant 208 : index
        %get3A_860 = tpu.vector_load %arg9[%get3A_858, %get3A_859] {strides = array<i32>} : memref<32x1024xf32, #tpu.memory_space<vmem>>, vector<1x16xf32>,
        %get3A_861 = vector.shape_cast %get3A_860 : vector<1x16xf32> to vector<16xf32>
        %get3A_862 = arith.constant 208 : index
        %get3A_863 = tpu.vector_load %arg11[%get3A_862] {strides = array<i32>} : memref<1024xf32, #tpu.memory_space<vmem>>, vector<16xf32>,
        %get3A_864 = vector.shape_cast %get3A_863 : vector<16xf32> to vector<16xf32>
        %mul3A_865 = arith.mulf %mul3A_611, %get3A_864 : vector<16xf32>
        %sub3A_866 = arith.subf %get3A_861, %mul3A_580 : vector<16xf32>
        %mul3A_867 = arith.mulf %sub3A_866, %mul3A_865 : vector<16xf32>
        %get3A_868 = arith.constant 208 : index
        %get3A_869 = tpu.vector_load %arg12[%get3A_868] {strides = array<i32>} : memref<1024xf32, #tpu.memory_space<vmem>>, vector<16xf32>,
        %get3A_870 = vector.shape_cast %get3A_869 : vector<16xf32> to vector<16xf32>
        %add3A_871 = arith.addf %mul3A_867, %get3A_870 : vector<16xf32>
        %swap3A_872 = arith.index_cast %scan3A_72 : i32 to index
        %swap3A_873 = arith.constant 208 : index
        %swap3A_874 = tpu.vector_load %arg9[%swap3A_872, %swap3A_873] {strides = array<i32>} : memref<32x1024xf32, #tpu.memory_space<vmem>>, vector<1x16xf32>,
        %swap3A_875 = vector.shape_cast %swap3A_874 : vector<1x16xf32> to vector<16xf32>
        %swap3A_876 = vector.shape_cast %add3A_871 : vector<16xf32> to vector<1x16xf32>
        tpu.vector_store %arg9[%swap3A_872, %swap3A_873], %swap3A_876 {strides = array<i32>} : memref<32x1024xf32, #tpu.memory_space<vmem>>, vector<1x16xf32>,
        %get3A_877 = arith.index_cast %scan3A_72 : i32 to index
        %get3A_878 = arith.constant 224 : index
        %get3A_879 = tpu.vector_load %arg9[%get3A_877, %get3A_878] {strides = array<i32>} : memref<32x1024xf32, #tpu.memory_space<vmem>>, vector<1x16xf32>,
        %get3A_880 = vector.shape_cast %get3A_879 : vector<1x16xf32> to vector<16xf32>
        %get3A_881 = arith.constant 224 : index
        %get3A_882 = tpu.vector_load %arg11[%get3A_881] {strides = array<i32>} : memref<1024xf32, #tpu.memory_space<vmem>>, vector<16xf32>,
        %get3A_883 = vector.shape_cast %get3A_882 : vector<16xf32> to vector<16xf32>
        %mul3A_884 = arith.mulf %mul3A_611, %get3A_883 : vector<16xf32>
        %sub3A_885 = arith.subf %get3A_880, %mul3A_580 : vector<16xf32>
        %mul3A_886 = arith.mulf %sub3A_885, %mul3A_884 : vector<16xf32>
        %get3A_887 = arith.constant 224 : index
        %get3A_888 = tpu.vector_load %arg12[%get3A_887] {strides = array<i32>} : memref<1024xf32, #tpu.memory_space<vmem>>, vector<16xf32>,
        %get3A_889 = vector.shape_cast %get3A_888 : vector<16xf32> to vector<16xf32>
        %add3A_890 = arith.addf %mul3A_886, %get3A_889 : vector<16xf32>
        %swap3A_891 = arith.index_cast %scan3A_72 : i32 to index
        %swap3A_892 = arith.constant 224 : index
        %swap3A_893 = tpu.vector_load %arg9[%swap3A_891, %swap3A_892] {strides = array<i32>} : memref<32x1024xf32, #tpu.memory_space<vmem>>, vector<1x16xf32>,
        %swap3A_894 = vector.shape_cast %swap3A_893 : vector<1x16xf32> to vector<16xf32>
        %swap3A_895 = vector.shape_cast %add3A_890 : vector<16xf32> to vector<1x16xf32>
        tpu.vector_store %arg9[%swap3A_891, %swap3A_892], %swap3A_895 {strides = array<i32>} : memref<32x1024xf32, #tpu.memory_space<vmem>>, vector<1x16xf32>,
        %get3A_896 = arith.index_cast %scan3A_72 : i32 to index
        %get3A_897 = arith.constant 240 : index
        %get3A_898 = tpu.vector_load %arg9[%get3A_896, %get3A_897] {strides = array<i32>} : memref<32x1024xf32, #tpu.memory_space<vmem>>, vector<1x16xf32>,
        %get3A_899 = vector.shape_cast %get3A_898 : vector<1x16xf32> to vector<16xf32>
        %get3A_900 = arith.constant 240 : index
        %get3A_901 = tpu.vector_load %arg11[%get3A_900] {strides = array<i32>} : memref<1024xf32, #tpu.memory_space<vmem>>, vector<16xf32>,
        %get3A_902 = vector.shape_cast %get3A_901 : vector<16xf32> to vector<16xf32>
        %mul3A_903 = arith.mulf %mul3A_611, %get3A_902 : vector<16xf32>
        %sub3A_904 = arith.subf %get3A_899, %mul3A_580 : vector<16xf32>
        %mul3A_905 = arith.mulf %sub3A_904, %mul3A_903 : vector<16xf32>
        %get3A_906 = arith.constant 240 : index
        %get3A_907 = tpu.vector_load %arg12[%get3A_906] {strides = array<i32>} : memref<1024xf32, #tpu.memory_space<vmem>>, vector<16xf32>,
        %get3A_908 = vector.shape_cast %get3A_907 : vector<16xf32> to vector<16xf32>
        %add3A_909 = arith.addf %mul3A_905, %get3A_908 : vector<16xf32>
        %swap3A_910 = arith.index_cast %scan3A_72 : i32 to index
        %swap3A_911 = arith.constant 240 : index
        %swap3A_912 = tpu.vector_load %arg9[%swap3A_910, %swap3A_911] {strides = array<i32>} : memref<32x1024xf32, #tpu.memory_space<vmem>>, vector<1x16xf32>,
        %swap3A_913 = vector.shape_cast %swap3A_912 : vector<1x16xf32> to vector<16xf32>
        %swap3A_914 = vector.shape_cast %add3A_909 : vector<16xf32> to vector<1x16xf32>
        tpu.vector_store %arg9[%swap3A_910, %swap3A_911], %swap3A_914 {strides = array<i32>} : memref<32x1024xf32, #tpu.memory_space<vmem>>, vector<1x16xf32>,
        %get3A_915 = arith.index_cast %scan3A_72 : i32 to index
        %get3A_916 = arith.constant 256 : index
        %get3A_917 = tpu.vector_load %arg9[%get3A_915, %get3A_916] {strides = array<i32>} : memref<32x1024xf32, #tpu.memory_space<vmem>>, vector<1x16xf32>,
        %get3A_918 = vector.shape_cast %get3A_917 : vector<1x16xf32> to vector<16xf32>
        %get3A_919 = arith.constant 256 : index
        %get3A_920 = tpu.vector_load %arg11[%get3A_919] {strides = array<i32>} : memref<1024xf32, #tpu.memory_space<vmem>>, vector<16xf32>,
        %get3A_921 = vector.shape_cast %get3A_920 : vector<16xf32> to vector<16xf32>
        %mul3A_922 = arith.mulf %mul3A_611, %get3A_921 : vector<16xf32>
        %sub3A_923 = arith.subf %get3A_918, %mul3A_580 : vector<16xf32>
        %mul3A_924 = arith.mulf %sub3A_923, %mul3A_922 : vector<16xf32>
        %get3A_925 = arith.constant 256 : index
        %get3A_926 = tpu.vector_load %arg12[%get3A_925] {strides = array<i32>} : memref<1024xf32, #tpu.memory_space<vmem>>, vector<16xf32>,
        %get3A_927 = vector.shape_cast %get3A_926 : vector<16xf32> to vector<16xf32>
        %add3A_928 = arith.addf %mul3A_924, %get3A_927 : vector<16xf32>
        %swap3A_929 = arith.index_cast %scan3A_72 : i32 to index
        %swap3A_930 = arith.constant 256 : index
        %swap3A_931 = tpu.vector_load %arg9[%swap3A_929, %swap3A_930] {strides = array<i32>} : memref<32x1024xf32, #tpu.memory_space<vmem>>, vector<1x16xf32>,
        %swap3A_932 = vector.shape_cast %swap3A_931 : vector<1x16xf32> to vector<16xf32>
        %swap3A_933 = vector.shape_cast %add3A_928 : vector<16xf32> to vector<1x16xf32>
        tpu.vector_store %arg9[%swap3A_929, %swap3A_930], %swap3A_933 {strides = array<i32>} : memref<32x1024xf32, #tpu.memory_space<vmem>>, vector<1x16xf32>,
        %get3A_934 = arith.index_cast %scan3A_72 : i32 to index
        %get3A_935 = arith.constant 272 : index
        %get3A_936 = tpu.vector_load %arg9[%get3A_934, %get3A_935] {strides = array<i32>} : memref<32x1024xf32, #tpu.memory_space<vmem>>, vector<1x16xf32>,
        %get3A_937 = vector.shape_cast %get3A_936 : vector<1x16xf32> to vector<16xf32>
        %get3A_938 = arith.constant 272 : index
        %get3A_939 = tpu.vector_load %arg11[%get3A_938] {strides = array<i32>} : memref<1024xf32, #tpu.memory_space<vmem>>, vector<16xf32>,
        %get3A_940 = vector.shape_cast %get3A_939 : vector<16xf32> to vector<16xf32>
        %mul3A_941 = arith.mulf %mul3A_611, %get3A_940 : vector<16xf32>
        %sub3A_942 = arith.subf %get3A_937, %mul3A_580 : vector<16xf32>
        %mul3A_943 = arith.mulf %sub3A_942, %mul3A_941 : vector<16xf32>
        %get3A_944 = arith.constant 272 : index
        %get3A_945 = tpu.vector_load %arg12[%get3A_944] {strides = array<i32>} : memref<1024xf32, #tpu.memory_space<vmem>>, vector<16xf32>,
        %get3A_946 = vector.shape_cast %get3A_945 : vector<16xf32> to vector<16xf32>
        %add3A_947 = arith.addf %mul3A_943, %get3A_946 : vector<16xf32>
        %swap3A_948 = arith.index_cast %scan3A_72 : i32 to index
        %swap3A_949 = arith.constant 272 : index
        %swap3A_950 = tpu.vector_load %arg9[%swap3A_948, %swap3A_949] {strides = array<i32>} : memref<32x1024xf32, #tpu.memory_space<vmem>>, vector<1x16xf32>,
        %swap3A_951 = vector.shape_cast %swap3A_950 : vector<1x16xf32> to vector<16xf32>
        %swap3A_952 = vector.shape_cast %add3A_947 : vector<16xf32> to vector<1x16xf32>
        tpu.vector_store %arg9[%swap3A_948, %swap3A_949], %swap3A_952 {strides = array<i32>} : memref<32x1024xf32, #tpu.memory_space<vmem>>, vector<1x16xf32>,
        %get3A_953 = arith.index_cast %scan3A_72 : i32 to index
        %get3A_954 = arith.constant 288 : index
        %get3A_955 = tpu.vector_load %arg9[%get3A_953, %get3A_954] {strides = array<i32>} : memref<32x1024xf32, #tpu.memory_space<vmem>>, vector<1x16xf32>,
        %get3A_956 = vector.shape_cast %get3A_955 : vector<1x16xf32> to vector<16xf32>
        %get3A_957 = arith.constant 288 : index
        %get3A_958 = tpu.vector_load %arg11[%get3A_957] {strides = array<i32>} : memref<1024xf32, #tpu.memory_space<vmem>>, vector<16xf32>,
        %get3A_959 = vector.shape_cast %get3A_958 : vector<16xf32> to vector<16xf32>
        %mul3A_960 = arith.mulf %mul3A_611, %get3A_959 : vector<16xf32>
        %sub3A_961 = arith.subf %get3A_956, %mul3A_580 : vector<16xf32>
        %mul3A_962 = arith.mulf %sub3A_961, %mul3A_960 : vector<16xf32>
        %get3A_963 = arith.constant 288 : index
        %get3A_964 = tpu.vector_load %arg12[%get3A_963] {strides = array<i32>} : memref<1024xf32, #tpu.memory_space<vmem>>, vector<16xf32>,
        %get3A_965 = vector.shape_cast %get3A_964 : vector<16xf32> to vector<16xf32>
        %add3A_966 = arith.addf %mul3A_962, %get3A_965 : vector<16xf32>
        %swap3A_967 = arith.index_cast %scan3A_72 : i32 to index
        %swap3A_968 = arith.constant 288 : index
        %swap3A_969 = tpu.vector_load %arg9[%swap3A_967, %swap3A_968] {strides = array<i32>} : memref<32x1024xf32, #tpu.memory_space<vmem>>, vector<1x16xf32>,
        %swap3A_970 = vector.shape_cast %swap3A_969 : vector<1x16xf32> to vector<16xf32>
        %swap3A_971 = vector.shape_cast %add3A_966 : vector<16xf32> to vector<1x16xf32>
        tpu.vector_store %arg9[%swap3A_967, %swap3A_968], %swap3A_971 {strides = array<i32>} : memref<32x1024xf32, #tpu.memory_space<vmem>>, vector<1x16xf32>,
        %get3A_972 = arith.index_cast %scan3A_72 : i32 to index
        %get3A_973 = arith.constant 304 : index
        %get3A_974 = tpu.vector_load %arg9[%get3A_972, %get3A_973] {strides = array<i32>} : memref<32x1024xf32, #tpu.memory_space<vmem>>, vector<1x16xf32>,
        %get3A_975 = vector.shape_cast %get3A_974 : vector<1x16xf32> to vector<16xf32>
        %get3A_976 = arith.constant 304 : index
        %get3A_977 = tpu.vector_load %arg11[%get3A_976] {strides = array<i32>} : memref<1024xf32, #tpu.memory_space<vmem>>, vector<16xf32>,
        %get3A_978 = vector.shape_cast %get3A_977 : vector<16xf32> to vector<16xf32>
        %mul3A_979 = arith.mulf %mul3A_611, %get3A_978 : vector<16xf32>
        %sub3A_980 = arith.subf %get3A_975, %mul3A_580 : vector<16xf32>
        %mul3A_981 = arith.mulf %sub3A_980, %mul3A_979 : vector<16xf32>
        %get3A_982 = arith.constant 304 : index
        %get3A_983 = tpu.vector_load %arg12[%get3A_982] {strides = array<i32>} : memref<1024xf32, #tpu.memory_space<vmem>>, vector<16xf32>,
        %get3A_984 = vector.shape_cast %get3A_983 : vector<16xf32> to vector<16xf32>
        %add3A_985 = arith.addf %mul3A_981, %get3A_984 : vector<16xf32>
        %swap3A_986 = arith.index_cast %scan3A_72 : i32 to index
        %swap3A_987 = arith.constant 304 : index
        %swap3A_988 = tpu.vector_load %arg9[%swap3A_986, %swap3A_987] {strides = array<i32>} : memref<32x1024xf32, #tpu.memory_space<vmem>>, vector<1x16xf32>,
        %swap3A_989 = vector.shape_cast %swap3A_988 : vector<1x16xf32> to vector<16xf32>
        %swap3A_990 = vector.shape_cast %add3A_985 : vector<16xf32> to vector<1x16xf32>
        tpu.vector_store %arg9[%swap3A_986, %swap3A_987], %swap3A_990 {strides = array<i32>} : memref<32x1024xf32, #tpu.memory_space<vmem>>, vector<1x16xf32>,
        %get3A_991 = arith.index_cast %scan3A_72 : i32 to index
        %get3A_992 = arith.constant 320 : index
        %get3A_993 = tpu.vector_load %arg9[%get3A_991, %get3A_992] {strides = array<i32>} : memref<32x1024xf32, #tpu.memory_space<vmem>>, vector<1x16xf32>,
        %get3A_994 = vector.shape_cast %get3A_993 : vector<1x16xf32> to vector<16xf32>
        %get3A_995 = arith.constant 320 : index
        %get3A_996 = tpu.vector_load %arg11[%get3A_995] {strides = array<i32>} : memref<1024xf32, #tpu.memory_space<vmem>>, vector<16xf32>,
        %get3A_997 = vector.shape_cast %get3A_996 : vector<16xf32> to vector<16xf32>
        %mul3A_998 = arith.mulf %mul3A_611, %get3A_997 : vector<16xf32>
        %sub3A_999 = arith.subf %get3A_994, %mul3A_580 : vector<16xf32>
        %mul3A_1000 = arith.mulf %sub3A_999, %mul3A_998 : vector<16xf32>
        %get3A_1001 = arith.constant 320 : index
        %get3A_1002 = tpu.vector_load %arg12[%get3A_1001] {strides = array<i32>} : memref<1024xf32, #tpu.memory_space<vmem>>, vector<16xf32>,
        %get3A_1003 = vector.shape_cast %get3A_1002 : vector<16xf32> to vector<16xf32>
        %add3A_1004 = arith.addf %mul3A_1000, %get3A_1003 : vector<16xf32>
        %swap3A_1005 = arith.index_cast %scan3A_72 : i32 to index
        %swap3A_1006 = arith.constant 320 : index
        %swap3A_1007 = tpu.vector_load %arg9[%swap3A_1005, %swap3A_1006] {strides = array<i32>} : memref<32x1024xf32, #tpu.memory_space<vmem>>, vector<1x16xf32>,
        %swap3A_1008 = vector.shape_cast %swap3A_1007 : vector<1x16xf32> to vector<16xf32>
        %swap3A_1009 = vector.shape_cast %add3A_1004 : vector<16xf32> to vector<1x16xf32>
        tpu.vector_store %arg9[%swap3A_1005, %swap3A_1006], %swap3A_1009 {strides = array<i32>} : memref<32x1024xf32, #tpu.memory_space<vmem>>, vector<1x16xf32>,
        %get3A_1010 = arith.index_cast %scan3A_72 : i32 to index
        %get3A_1011 = arith.constant 336 : index
        %get3A_1012 = tpu.vector_load %arg9[%get3A_1010, %get3A_1011] {strides = array<i32>} : memref<32x1024xf32, #tpu.memory_space<vmem>>, vector<1x16xf32>,
        %get3A_1013 = vector.shape_cast %get3A_1012 : vector<1x16xf32> to vector<16xf32>
        %get3A_1014 = arith.constant 336 : index
        %get3A_1015 = tpu.vector_load %arg11[%get3A_1014] {strides = array<i32>} : memref<1024xf32, #tpu.memory_space<vmem>>, vector<16xf32>,
        %get3A_1016 = vector.shape_cast %get3A_1015 : vector<16xf32> to vector<16xf32>
        %mul3A_1017 = arith.mulf %mul3A_611, %get3A_1016 : vector<16xf32>
        %sub3A_1018 = arith.subf %get3A_1013, %mul3A_580 : vector<16xf32>
        %mul3A_1019 = arith.mulf %sub3A_1018, %mul3A_1017 : vector<16xf32>
        %get3A_1020 = arith.constant 336 : index
        %get3A_1021 = tpu.vector_load %arg12[%get3A_1020] {strides = array<i32>} : memref<1024xf32, #tpu.memory_space<vmem>>, vector<16xf32>,
        %get3A_1022 = vector.shape_cast %get3A_1021 : vector<16xf32> to vector<16xf32>
        %add3A_1023 = arith.addf %mul3A_1019, %get3A_1022 : vector<16xf32>
        %swap3A_1024 = arith.index_cast %scan3A_72 : i32 to index
        %swap3A_1025 = arith.constant 336 : index
        %swap3A_1026 = tpu.vector_load %arg9[%swap3A_1024, %swap3A_1025] {strides = array<i32>} : memref<32x1024xf32, #tpu.memory_space<vmem>>, vector<1x16xf32>,
        %swap3A_1027 = vector.shape_cast %swap3A_1026 : vector<1x16xf32> to vector<16xf32>
        %swap3A_1028 = vector.shape_cast %add3A_1023 : vector<16xf32> to vector<1x16xf32>
        tpu.vector_store %arg9[%swap3A_1024, %swap3A_1025], %swap3A_1028 {strides = array<i32>} : memref<32x1024xf32, #tpu.memory_space<vmem>>, vector<1x16xf32>,
        %get3A_1029 = arith.index_cast %scan3A_72 : i32 to index
        %get3A_1030 = arith.constant 352 : index
        %get3A_1031 = tpu.vector_load %arg9[%get3A_1029, %get3A_1030] {strides = array<i32>} : memref<32x1024xf32, #tpu.memory_space<vmem>>, vector<1x16xf32>,
        %get3A_1032 = vector.shape_cast %get3A_1031 : vector<1x16xf32> to vector<16xf32>
        %get3A_1033 = arith.constant 352 : index
        %get3A_1034 = tpu.vector_load %arg11[%get3A_1033] {strides = array<i32>} : memref<1024xf32, #tpu.memory_space<vmem>>, vector<16xf32>,
        %get3A_1035 = vector.shape_cast %get3A_1034 : vector<16xf32> to vector<16xf32>
        %mul3A_1036 = arith.mulf %mul3A_611, %get3A_1035 : vector<16xf32>
        %sub3A_1037 = arith.subf %get3A_1032, %mul3A_580 : vector<16xf32>
        %mul3A_1038 = arith.mulf %sub3A_1037, %mul3A_1036 : vector<16xf32>
        %get3A_1039 = arith.constant 352 : index
        %get3A_1040 = tpu.vector_load %arg12[%get3A_1039] {strides = array<i32>} : memref<1024xf32, #tpu.memory_space<vmem>>, vector<16xf32>,
        %get3A_1041 = vector.shape_cast %get3A_1040 : vector<16xf32> to vector<16xf32>
        %add3A_1042 = arith.addf %mul3A_1038, %get3A_1041 : vector<16xf32>
        %swap3A_1043 = arith.index_cast %scan3A_72 : i32 to index
        %swap3A_1044 = arith.constant 352 : index
        %swap3A_1045 = tpu.vector_load %arg9[%swap3A_1043, %swap3A_1044] {strides = array<i32>} : memref<32x1024xf32, #tpu.memory_space<vmem>>, vector<1x16xf32>,
        %swap3A_1046 = vector.shape_cast %swap3A_1045 : vector<1x16xf32> to vector<16xf32>
        %swap3A_1047 = vector.shape_cast %add3A_1042 : vector<16xf32> to vector<1x16xf32>
        tpu.vector_store %arg9[%swap3A_1043, %swap3A_1044], %swap3A_1047 {strides = array<i32>} : memref<32x1024xf32, #tpu.memory_space<vmem>>, vector<1x16xf32>,
        %get3A_1048 = arith.index_cast %scan3A_72 : i32 to index
        %get3A_1049 = arith.constant 368 : index
        %get3A_1050 = tpu.vector_load %arg9[%get3A_1048, %get3A_1049] {strides = array<i32>} : memref<32x1024xf32, #tpu.memory_space<vmem>>, vector<1x16xf32>,
        %get3A_1051 = vector.shape_cast %get3A_1050 : vector<1x16xf32> to vector<16xf32>
        %get3A_1052 = arith.constant 368 : index
        %get3A_1053 = tpu.vector_load %arg11[%get3A_1052] {strides = array<i32>} : memref<1024xf32, #tpu.memory_space<vmem>>, vector<16xf32>,
        %get3A_1054 = vector.shape_cast %get3A_1053 : vector<16xf32> to vector<16xf32>
        %mul3A_1055 = arith.mulf %mul3A_611, %get3A_1054 : vector<16xf32>
        %sub3A_1056 = arith.subf %get3A_1051, %mul3A_580 : vector<16xf32>
        %mul3A_1057 = arith.mulf %sub3A_1056, %mul3A_1055 : vector<16xf32>
        %get3A_1058 = arith.constant 368 : index
        %get3A_1059 = tpu.vector_load %arg12[%get3A_1058] {strides = array<i32>} : memref<1024xf32, #tpu.memory_space<vmem>>, vector<16xf32>,
        %get3A_1060 = vector.shape_cast %get3A_1059 : vector<16xf32> to vector<16xf32>
        %add3A_1061 = arith.addf %mul3A_1057, %get3A_1060 : vector<16xf32>
        %swap3A_1062 = arith.index_cast %scan3A_72 : i32 to index
        %swap3A_1063 = arith.constant 368 : index
        %swap3A_1064 = tpu.vector_load %arg9[%swap3A_1062, %swap3A_1063] {strides = array<i32>} : memref<32x1024xf32, #tpu.memory_space<vmem>>, vector<1x16xf32>,
        %swap3A_1065 = vector.shape_cast %swap3A_1064 : vector<1x16xf32> to vector<16xf32>
        %swap3A_1066 = vector.shape_cast %add3A_1061 : vector<16xf32> to vector<1x16xf32>
        tpu.vector_store %arg9[%swap3A_1062, %swap3A_1063], %swap3A_1066 {strides = array<i32>} : memref<32x1024xf32, #tpu.memory_space<vmem>>, vector<1x16xf32>,
        %get3A_1067 = arith.index_cast %scan3A_72 : i32 to index
        %get3A_1068 = arith.constant 384 : index
        %get3A_1069 = tpu.vector_load %arg9[%get3A_1067, %get3A_1068] {strides = array<i32>} : memref<32x1024xf32, #tpu.memory_space<vmem>>, vector<1x16xf32>,
        %get3A_1070 = vector.shape_cast %get3A_1069 : vector<1x16xf32> to vector<16xf32>
        %get3A_1071 = arith.constant 384 : index
        %get3A_1072 = tpu.vector_load %arg11[%get3A_1071] {strides = array<i32>} : memref<1024xf32, #tpu.memory_space<vmem>>, vector<16xf32>,
        %get3A_1073 = vector.shape_cast %get3A_1072 : vector<16xf32> to vector<16xf32>
        %mul3A_1074 = arith.mulf %mul3A_611, %get3A_1073 : vector<16xf32>
        %sub3A_1075 = arith.subf %get3A_1070, %mul3A_580 : vector<16xf32>
        %mul3A_1076 = arith.mulf %sub3A_1075, %mul3A_1074 : vector<16xf32>
        %get3A_1077 = arith.constant 384 : index
        %get3A_1078 = tpu.vector_load %arg12[%get3A_1077] {strides = array<i32>} : memref<1024xf32, #tpu.memory_space<vmem>>, vector<16xf32>,
        %get3A_1079 = vector.shape_cast %get3A_1078 : vector<16xf32> to vector<16xf32>
        %add3A_1080 = arith.addf %mul3A_1076, %get3A_1079 : vector<16xf32>
        %swap3A_1081 = arith.index_cast %scan3A_72 : i32 to index
        %swap3A_1082 = arith.constant 384 : index
        %swap3A_1083 = tpu.vector_load %arg9[%swap3A_1081, %swap3A_1082] {strides = array<i32>} : memref<32x1024xf32, #tpu.memory_space<vmem>>, vector<1x16xf32>,
        %swap3A_1084 = vector.shape_cast %swap3A_1083 : vector<1x16xf32> to vector<16xf32>
        %swap3A_1085 = vector.shape_cast %add3A_1080 : vector<16xf32> to vector<1x16xf32>
        tpu.vector_store %arg9[%swap3A_1081, %swap3A_1082], %swap3A_1085 {strides = array<i32>} : memref<32x1024xf32, #tpu.memory_space<vmem>>, vector<1x16xf32>,
        %get3A_1086 = arith.index_cast %scan3A_72 : i32 to index
        %get3A_1087 = arith.constant 400 : index
        %get3A_1088 = tpu.vector_load %arg9[%get3A_1086, %get3A_1087] {strides = array<i32>} : memref<32x1024xf32, #tpu.memory_space<vmem>>, vector<1x16xf32>,
        %get3A_1089 = vector.shape_cast %get3A_1088 : vector<1x16xf32> to vector<16xf32>
        %get3A_1090 = arith.constant 400 : index
        %get3A_1091 = tpu.vector_load %arg11[%get3A_1090] {strides = array<i32>} : memref<1024xf32, #tpu.memory_space<vmem>>, vector<16xf32>,
        %get3A_1092 = vector.shape_cast %get3A_1091 : vector<16xf32> to vector<16xf32>
        %mul3A_1093 = arith.mulf %mul3A_611, %get3A_1092 : vector<16xf32>
        %sub3A_1094 = arith.subf %get3A_1089, %mul3A_580 : vector<16xf32>
        %mul3A_1095 = arith.mulf %sub3A_1094, %mul3A_1093 : vector<16xf32>
        %get3A_1096 = arith.constant 400 : index
        %get3A_1097 = tpu.vector_load %arg12[%get3A_1096] {strides = array<i32>} : memref<1024xf32, #tpu.memory_space<vmem>>, vector<16xf32>,
        %get3A_1098 = vector.shape_cast %get3A_1097 : vector<16xf32> to vector<16xf32>
        %add3A_1099 = arith.addf %mul3A_1095, %get3A_1098 : vector<16xf32>
        %swap3A_1100 = arith.index_cast %scan3A_72 : i32 to index
        %swap3A_1101 = arith.constant 400 : index
        %swap3A_1102 = tpu.vector_load %arg9[%swap3A_1100, %swap3A_1101] {strides = array<i32>} : memref<32x1024xf32, #tpu.memory_space<vmem>>, vector<1x16xf32>,
        %swap3A_1103 = vector.shape_cast %swap3A_1102 : vector<1x16xf32> to vector<16xf32>
        %swap3A_1104 = vector.shape_cast %add3A_1099 : vector<16xf32> to vector<1x16xf32>
        tpu.vector_store %arg9[%swap3A_1100, %swap3A_1101], %swap3A_1104 {strides = array<i32>} : memref<32x1024xf32, #tpu.memory_space<vmem>>, vector<1x16xf32>,
        %get3A_1105 = arith.index_cast %scan3A_72 : i32 to index
        %get3A_1106 = arith.constant 416 : index
        %get3A_1107 = tpu.vector_load %arg9[%get3A_1105, %get3A_1106] {strides = array<i32>} : memref<32x1024xf32, #tpu.memory_space<vmem>>, vector<1x16xf32>,
        %get3A_1108 = vector.shape_cast %get3A_1107 : vector<1x16xf32> to vector<16xf32>
        %get3A_1109 = arith.constant 416 : index
        %get3A_1110 = tpu.vector_load %arg11[%get3A_1109] {strides = array<i32>} : memref<1024xf32, #tpu.memory_space<vmem>>, vector<16xf32>,
        %get3A_1111 = vector.shape_cast %get3A_1110 : vector<16xf32> to vector<16xf32>
        %mul3A_1112 = arith.mulf %mul3A_611, %get3A_1111 : vector<16xf32>
        %sub3A_1113 = arith.subf %get3A_1108, %mul3A_580 : vector<16xf32>
        %mul3A_1114 = arith.mulf %sub3A_1113, %mul3A_1112 : vector<16xf32>
        %get3A_1115 = arith.constant 416 : index
        %get3A_1116 = tpu.vector_load %arg12[%get3A_1115] {strides = array<i32>} : memref<1024xf32, #tpu.memory_space<vmem>>, vector<16xf32>,
        %get3A_1117 = vector.shape_cast %get3A_1116 : vector<16xf32> to vector<16xf32>
        %add3A_1118 = arith.addf %mul3A_1114, %get3A_1117 : vector<16xf32>
        %swap3A_1119 = arith.index_cast %scan3A_72 : i32 to index
        %swap3A_1120 = arith.constant 416 : index
        %swap3A_1121 = tpu.vector_load %arg9[%swap3A_1119, %swap3A_1120] {strides = array<i32>} : memref<32x1024xf32, #tpu.memory_space<vmem>>, vector<1x16xf32>,
        %swap3A_1122 = vector.shape_cast %swap3A_1121 : vector<1x16xf32> to vector<16xf32>
        %swap3A_1123 = vector.shape_cast %add3A_1118 : vector<16xf32> to vector<1x16xf32>
        tpu.vector_store %arg9[%swap3A_1119, %swap3A_1120], %swap3A_1123 {strides = array<i32>} : memref<32x1024xf32, #tpu.memory_space<vmem>>, vector<1x16xf32>,
        %get3A_1124 = arith.index_cast %scan3A_72 : i32 to index
        %get3A_1125 = arith.constant 432 : index
        %get3A_1126 = tpu.vector_load %arg9[%get3A_1124, %get3A_1125] {strides = array<i32>} : memref<32x1024xf32, #tpu.memory_space<vmem>>, vector<1x16xf32>,
        %get3A_1127 = vector.shape_cast %get3A_1126 : vector<1x16xf32> to vector<16xf32>
        %get3A_1128 = arith.constant 432 : index
        %get3A_1129 = tpu.vector_load %arg11[%get3A_1128] {strides = array<i32>} : memref<1024xf32, #tpu.memory_space<vmem>>, vector<16xf32>,
        %get3A_1130 = vector.shape_cast %get3A_1129 : vector<16xf32> to vector<16xf32>
        %mul3A_1131 = arith.mulf %mul3A_611, %get3A_1130 : vector<16xf32>
        %sub3A_1132 = arith.subf %get3A_1127, %mul3A_580 : vector<16xf32>
        %mul3A_1133 = arith.mulf %sub3A_1132, %mul3A_1131 : vector<16xf32>
        %get3A_1134 = arith.constant 432 : index
        %get3A_1135 = tpu.vector_load %arg12[%get3A_1134] {strides = array<i32>} : memref<1024xf32, #tpu.memory_space<vmem>>, vector<16xf32>,
        %get3A_1136 = vector.shape_cast %get3A_1135 : vector<16xf32> to vector<16xf32>
        %add3A_1137 = arith.addf %mul3A_1133, %get3A_1136 : vector<16xf32>
        %swap3A_1138 = arith.index_cast %scan3A_72 : i32 to index
        %swap3A_1139 = arith.constant 432 : index
        %swap3A_1140 = tpu.vector_load %arg9[%swap3A_1138, %swap3A_1139] {strides = array<i32>} : memref<32x1024xf32, #tpu.memory_space<vmem>>, vector<1x16xf32>,
        %swap3A_1141 = vector.shape_cast %swap3A_1140 : vector<1x16xf32> to vector<16xf32>
        %swap3A_1142 = vector.shape_cast %add3A_1137 : vector<16xf32> to vector<1x16xf32>
        tpu.vector_store %arg9[%swap3A_1138, %swap3A_1139], %swap3A_1142 {strides = array<i32>} : memref<32x1024xf32, #tpu.memory_space<vmem>>, vector<1x16xf32>,
        %get3A_1143 = arith.index_cast %scan3A_72 : i32 to index
        %get3A_1144 = arith.constant 448 : index
        %get3A_1145 = tpu.vector_load %arg9[%get3A_1143, %get3A_1144] {strides = array<i32>} : memref<32x1024xf32, #tpu.memory_space<vmem>>, vector<1x16xf32>,
        %get3A_1146 = vector.shape_cast %get3A_1145 : vector<1x16xf32> to vector<16xf32>
        %get3A_1147 = arith.constant 448 : index
        %get3A_1148 = tpu.vector_load %arg11[%get3A_1147] {strides = array<i32>} : memref<1024xf32, #tpu.memory_space<vmem>>, vector<16xf32>,
        %get3A_1149 = vector.shape_cast %get3A_1148 : vector<16xf32> to vector<16xf32>
        %mul3A_1150 = arith.mulf %mul3A_611, %get3A_1149 : vector<16xf32>
        %sub3A_1151 = arith.subf %get3A_1146, %mul3A_580 : vector<16xf32>
        %mul3A_1152 = arith.mulf %sub3A_1151, %mul3A_1150 : vector<16xf32>
        %get3A_1153 = arith.constant 448 : index
        %get3A_1154 = tpu.vector_load %arg12[%get3A_1153] {strides = array<i32>} : memref<1024xf32, #tpu.memory_space<vmem>>, vector<16xf32>,
        %get3A_1155 = vector.shape_cast %get3A_1154 : vector<16xf32> to vector<16xf32>
        %add3A_1156 = arith.addf %mul3A_1152, %get3A_1155 : vector<16xf32>
        %swap3A_1157 = arith.index_cast %scan3A_72 : i32 to index
        %swap3A_1158 = arith.constant 448 : index
        %swap3A_1159 = tpu.vector_load %arg9[%swap3A_1157, %swap3A_1158] {strides = array<i32>} : memref<32x1024xf32, #tpu.memory_space<vmem>>, vector<1x16xf32>,
        %swap3A_1160 = vector.shape_cast %swap3A_1159 : vector<1x16xf32> to vector<16xf32>
        %swap3A_1161 = vector.shape_cast %add3A_1156 : vector<16xf32> to vector<1x16xf32>
        tpu.vector_store %arg9[%swap3A_1157, %swap3A_1158], %swap3A_1161 {strides = array<i32>} : memref<32x1024xf32, #tpu.memory_space<vmem>>, vector<1x16xf32>,
        %get3A_1162 = arith.index_cast %scan3A_72 : i32 to index
        %get3A_1163 = arith.constant 464 : index
        %get3A_1164 = tpu.vector_load %arg9[%get3A_1162, %get3A_1163] {strides = array<i32>} : memref<32x1024xf32, #tpu.memory_space<vmem>>, vector<1x16xf32>,
        %get3A_1165 = vector.shape_cast %get3A_1164 : vector<1x16xf32> to vector<16xf32>
        %get3A_1166 = arith.constant 464 : index
        %get3A_1167 = tpu.vector_load %arg11[%get3A_1166] {strides = array<i32>} : memref<1024xf32, #tpu.memory_space<vmem>>, vector<16xf32>,
        %get3A_1168 = vector.shape_cast %get3A_1167 : vector<16xf32> to vector<16xf32>
        %mul3A_1169 = arith.mulf %mul3A_611, %get3A_1168 : vector<16xf32>
        %sub3A_1170 = arith.subf %get3A_1165, %mul3A_580 : vector<16xf32>
        %mul3A_1171 = arith.mulf %sub3A_1170, %mul3A_1169 : vector<16xf32>
        %get3A_1172 = arith.constant 464 : index
        %get3A_1173 = tpu.vector_load %arg12[%get3A_1172] {strides = array<i32>} : memref<1024xf32, #tpu.memory_space<vmem>>, vector<16xf32>,
        %get3A_1174 = vector.shape_cast %get3A_1173 : vector<16xf32> to vector<16xf32>
        %add3A_1175 = arith.addf %mul3A_1171, %get3A_1174 : vector<16xf32>
        %swap3A_1176 = arith.index_cast %scan3A_72 : i32 to index
        %swap3A_1177 = arith.constant 464 : index
        %swap3A_1178 = tpu.vector_load %arg9[%swap3A_1176, %swap3A_1177] {strides = array<i32>} : memref<32x1024xf32, #tpu.memory_space<vmem>>, vector<1x16xf32>,
        %swap3A_1179 = vector.shape_cast %swap3A_1178 : vector<1x16xf32> to vector<16xf32>
        %swap3A_1180 = vector.shape_cast %add3A_1175 : vector<16xf32> to vector<1x16xf32>
        tpu.vector_store %arg9[%swap3A_1176, %swap3A_1177], %swap3A_1180 {strides = array<i32>} : memref<32x1024xf32, #tpu.memory_space<vmem>>, vector<1x16xf32>,
        %get3A_1181 = arith.index_cast %scan3A_72 : i32 to index
        %get3A_1182 = arith.constant 480 : index
        %get3A_1183 = tpu.vector_load %arg9[%get3A_1181, %get3A_1182] {strides = array<i32>} : memref<32x1024xf32, #tpu.memory_space<vmem>>, vector<1x16xf32>,
        %get3A_1184 = vector.shape_cast %get3A_1183 : vector<1x16xf32> to vector<16xf32>
        %get3A_1185 = arith.constant 480 : index
        %get3A_1186 = tpu.vector_load %arg11[%get3A_1185] {strides = array<i32>} : memref<1024xf32, #tpu.memory_space<vmem>>, vector<16xf32>,
        %get3A_1187 = vector.shape_cast %get3A_1186 : vector<16xf32> to vector<16xf32>
        %mul3A_1188 = arith.mulf %mul3A_611, %get3A_1187 : vector<16xf32>
        %sub3A_1189 = arith.subf %get3A_1184, %mul3A_580 : vector<16xf32>
        %mul3A_1190 = arith.mulf %sub3A_1189, %mul3A_1188 : vector<16xf32>
        %get3A_1191 = arith.constant 480 : index
        %get3A_1192 = tpu.vector_load %arg12[%get3A_1191] {strides = array<i32>} : memref<1024xf32, #tpu.memory_space<vmem>>, vector<16xf32>,
        %get3A_1193 = vector.shape_cast %get3A_1192 : vector<16xf32> to vector<16xf32>
        %add3A_1194 = arith.addf %mul3A_1190, %get3A_1193 : vector<16xf32>
        %swap3A_1195 = arith.index_cast %scan3A_72 : i32 to index
        %swap3A_1196 = arith.constant 480 : index
        %swap3A_1197 = tpu.vector_load %arg9[%swap3A_1195, %swap3A_1196] {strides = array<i32>} : memref<32x1024xf32, #tpu.memory_space<vmem>>, vector<1x16xf32>,
        %swap3A_1198 = vector.shape_cast %swap3A_1197 : vector<1x16xf32> to vector<16xf32>
        %swap3A_1199 = vector.shape_cast %add3A_1194 : vector<16xf32> to vector<1x16xf32>
        tpu.vector_store %arg9[%swap3A_1195, %swap3A_1196], %swap3A_1199 {strides = array<i32>} : memref<32x1024xf32, #tpu.memory_space<vmem>>, vector<1x16xf32>,
        %get3A_1200 = arith.index_cast %scan3A_72 : i32 to index
        %get3A_1201 = arith.constant 496 : index
        %get3A_1202 = tpu.vector_load %arg9[%get3A_1200, %get3A_1201] {strides = array<i32>} : memref<32x1024xf32, #tpu.memory_space<vmem>>, vector<1x16xf32>,
        %get3A_1203 = vector.shape_cast %get3A_1202 : vector<1x16xf32> to vector<16xf32>
        %get3A_1204 = arith.constant 496 : index
        %get3A_1205 = tpu.vector_load %arg11[%get3A_1204] {strides = array<i32>} : memref<1024xf32, #tpu.memory_space<vmem>>, vector<16xf32>,
        %get3A_1206 = vector.shape_cast %get3A_1205 : vector<16xf32> to vector<16xf32>
        %mul3A_1207 = arith.mulf %mul3A_611, %get3A_1206 : vector<16xf32>
        %sub3A_1208 = arith.subf %get3A_1203, %mul3A_580 : vector<16xf32>
        %mul3A_1209 = arith.mulf %sub3A_1208, %mul3A_1207 : vector<16xf32>
        %get3A_1210 = arith.constant 496 : index
        %get3A_1211 = tpu.vector_load %arg12[%get3A_1210] {strides = array<i32>} : memref<1024xf32, #tpu.memory_space<vmem>>, vector<16xf32>,
        %get3A_1212 = vector.shape_cast %get3A_1211 : vector<16xf32> to vector<16xf32>
        %add3A_1213 = arith.addf %mul3A_1209, %get3A_1212 : vector<16xf32>
        %swap3A_1214 = arith.index_cast %scan3A_72 : i32 to index
        %swap3A_1215 = arith.constant 496 : index
        %swap3A_1216 = tpu.vector_load %arg9[%swap3A_1214, %swap3A_1215] {strides = array<i32>} : memref<32x1024xf32, #tpu.memory_space<vmem>>, vector<1x16xf32>,
        %swap3A_1217 = vector.shape_cast %swap3A_1216 : vector<1x16xf32> to vector<16xf32>
        %swap3A_1218 = vector.shape_cast %add3A_1213 : vector<16xf32> to vector<1x16xf32>
        tpu.vector_store %arg9[%swap3A_1214, %swap3A_1215], %swap3A_1218 {strides = array<i32>} : memref<32x1024xf32, #tpu.memory_space<vmem>>, vector<1x16xf32>,
        %get3A_1219 = arith.index_cast %scan3A_72 : i32 to index
        %get3A_1220 = arith.constant 512 : index
        %get3A_1221 = tpu.vector_load %arg9[%get3A_1219, %get3A_1220] {strides = array<i32>} : memref<32x1024xf32, #tpu.memory_space<vmem>>, vector<1x16xf32>,
        %get3A_1222 = vector.shape_cast %get3A_1221 : vector<1x16xf32> to vector<16xf32>
        %get3A_1223 = arith.constant 512 : index
        %get3A_1224 = tpu.vector_load %arg11[%get3A_1223] {strides = array<i32>} : memref<1024xf32, #tpu.memory_space<vmem>>, vector<16xf32>,
        %get3A_1225 = vector.shape_cast %get3A_1224 : vector<16xf32> to vector<16xf32>
        %mul3A_1226 = arith.mulf %mul3A_611, %get3A_1225 : vector<16xf32>
        %sub3A_1227 = arith.subf %get3A_1222, %mul3A_580 : vector<16xf32>
        %mul3A_1228 = arith.mulf %sub3A_1227, %mul3A_1226 : vector<16xf32>
        %get3A_1229 = arith.constant 512 : index
        %get3A_1230 = tpu.vector_load %arg12[%get3A_1229] {strides = array<i32>} : memref<1024xf32, #tpu.memory_space<vmem>>, vector<16xf32>,
        %get3A_1231 = vector.shape_cast %get3A_1230 : vector<16xf32> to vector<16xf32>
        %add3A_1232 = arith.addf %mul3A_1228, %get3A_1231 : vector<16xf32>
        %swap3A_1233 = arith.index_cast %scan3A_72 : i32 to index
        %swap3A_1234 = arith.constant 512 : index
        %swap3A_1235 = tpu.vector_load %arg9[%swap3A_1233, %swap3A_1234] {strides = array<i32>} : memref<32x1024xf32, #tpu.memory_space<vmem>>, vector<1x16xf32>,
        %swap3A_1236 = vector.shape_cast %swap3A_1235 : vector<1x16xf32> to vector<16xf32>
        %swap3A_1237 = vector.shape_cast %add3A_1232 : vector<16xf32> to vector<1x16xf32>
        tpu.vector_store %arg9[%swap3A_1233, %swap3A_1234], %swap3A_1237 {strides = array<i32>} : memref<32x1024xf32, #tpu.memory_space<vmem>>, vector<1x16xf32>,
        %get3A_1238 = arith.index_cast %scan3A_72 : i32 to index
        %get3A_1239 = arith.constant 528 : index
        %get3A_1240 = tpu.vector_load %arg9[%get3A_1238, %get3A_1239] {strides = array<i32>} : memref<32x1024xf32, #tpu.memory_space<vmem>>, vector<1x16xf32>,
        %get3A_1241 = vector.shape_cast %get3A_1240 : vector<1x16xf32> to vector<16xf32>
        %get3A_1242 = arith.constant 528 : index
        %get3A_1243 = tpu.vector_load %arg11[%get3A_1242] {strides = array<i32>} : memref<1024xf32, #tpu.memory_space<vmem>>, vector<16xf32>,
        %get3A_1244 = vector.shape_cast %get3A_1243 : vector<16xf32> to vector<16xf32>
        %mul3A_1245 = arith.mulf %mul3A_611, %get3A_1244 : vector<16xf32>
        %sub3A_1246 = arith.subf %get3A_1241, %mul3A_580 : vector<16xf32>
        %mul3A_1247 = arith.mulf %sub3A_1246, %mul3A_1245 : vector<16xf32>
        %get3A_1248 = arith.constant 528 : index
        %get3A_1249 = tpu.vector_load %arg12[%get3A_1248] {strides = array<i32>} : memref<1024xf32, #tpu.memory_space<vmem>>, vector<16xf32>,
        %get3A_1250 = vector.shape_cast %get3A_1249 : vector<16xf32> to vector<16xf32>
        %add3A_1251 = arith.addf %mul3A_1247, %get3A_1250 : vector<16xf32>
        %swap3A_1252 = arith.index_cast %scan3A_72 : i32 to index
        %swap3A_1253 = arith.constant 528 : index
        %swap3A_1254 = tpu.vector_load %arg9[%swap3A_1252, %swap3A_1253] {strides = array<i32>} : memref<32x1024xf32, #tpu.memory_space<vmem>>, vector<1x16xf32>,
        %swap3A_1255 = vector.shape_cast %swap3A_1254 : vector<1x16xf32> to vector<16xf32>
        %swap3A_1256 = vector.shape_cast %add3A_1251 : vector<16xf32> to vector<1x16xf32>
        tpu.vector_store %arg9[%swap3A_1252, %swap3A_1253], %swap3A_1256 {strides = array<i32>} : memref<32x1024xf32, #tpu.memory_space<vmem>>, vector<1x16xf32>,
        %get3A_1257 = arith.index_cast %scan3A_72 : i32 to index
        %get3A_1258 = arith.constant 544 : index
        %get3A_1259 = tpu.vector_load %arg9[%get3A_1257, %get3A_1258] {strides = array<i32>} : memref<32x1024xf32, #tpu.memory_space<vmem>>, vector<1x16xf32>,
        %get3A_1260 = vector.shape_cast %get3A_1259 : vector<1x16xf32> to vector<16xf32>
        %get3A_1261 = arith.constant 544 : index
        %get3A_1262 = tpu.vector_load %arg11[%get3A_1261] {strides = array<i32>} : memref<1024xf32, #tpu.memory_space<vmem>>, vector<16xf32>,
        %get3A_1263 = vector.shape_cast %get3A_1262 : vector<16xf32> to vector<16xf32>
        %mul3A_1264 = arith.mulf %mul3A_611, %get3A_1263 : vector<16xf32>
        %sub3A_1265 = arith.subf %get3A_1260, %mul3A_580 : vector<16xf32>
        %mul3A_1266 = arith.mulf %sub3A_1265, %mul3A_1264 : vector<16xf32>
        %get3A_1267 = arith.constant 544 : index
        %get3A_1268 = tpu.vector_load %arg12[%get3A_1267] {strides = array<i32>} : memref<1024xf32, #tpu.memory_space<vmem>>, vector<16xf32>,
        %get3A_1269 = vector.shape_cast %get3A_1268 : vector<16xf32> to vector<16xf32>
        %add3A_1270 = arith.addf %mul3A_1266, %get3A_1269 : vector<16xf32>
        %swap3A_1271 = arith.index_cast %scan3A_72 : i32 to index
        %swap3A_1272 = arith.constant 544 : index
        %swap3A_1273 = tpu.vector_load %arg9[%swap3A_1271, %swap3A_1272] {strides = array<i32>} : memref<32x1024xf32, #tpu.memory_space<vmem>>, vector<1x16xf32>,
        %swap3A_1274 = vector.shape_cast %swap3A_1273 : vector<1x16xf32> to vector<16xf32>
        %swap3A_1275 = vector.shape_cast %add3A_1270 : vector<16xf32> to vector<1x16xf32>
        tpu.vector_store %arg9[%swap3A_1271, %swap3A_1272], %swap3A_1275 {strides = array<i32>} : memref<32x1024xf32, #tpu.memory_space<vmem>>, vector<1x16xf32>,
        %get3A_1276 = arith.index_cast %scan3A_72 : i32 to index
        %get3A_1277 = arith.constant 560 : index
        %get3A_1278 = tpu.vector_load %arg9[%get3A_1276, %get3A_1277] {strides = array<i32>} : memref<32x1024xf32, #tpu.memory_space<vmem>>, vector<1x16xf32>,
        %get3A_1279 = vector.shape_cast %get3A_1278 : vector<1x16xf32> to vector<16xf32>
        %get3A_1280 = arith.constant 560 : index
        %get3A_1281 = tpu.vector_load %arg11[%get3A_1280] {strides = array<i32>} : memref<1024xf32, #tpu.memory_space<vmem>>, vector<16xf32>,
        %get3A_1282 = vector.shape_cast %get3A_1281 : vector<16xf32> to vector<16xf32>
        %mul3A_1283 = arith.mulf %mul3A_611, %get3A_1282 : vector<16xf32>
        %sub3A_1284 = arith.subf %get3A_1279, %mul3A_580 : vector<16xf32>
        %mul3A_1285 = arith.mulf %sub3A_1284, %mul3A_1283 : vector<16xf32>
        %get3A_1286 = arith.constant 560 : index
        %get3A_1287 = tpu.vector_load %arg12[%get3A_1286] {strides = array<i32>} : memref<1024xf32, #tpu.memory_space<vmem>>, vector<16xf32>,
        %get3A_1288 = vector.shape_cast %get3A_1287 : vector<16xf32> to vector<16xf32>
        %add3A_1289 = arith.addf %mul3A_1285, %get3A_1288 : vector<16xf32>
        %swap3A_1290 = arith.index_cast %scan3A_72 : i32 to index
        %swap3A_1291 = arith.constant 560 : index
        %swap3A_1292 = tpu.vector_load %arg9[%swap3A_1290, %swap3A_1291] {strides = array<i32>} : memref<32x1024xf32, #tpu.memory_space<vmem>>, vector<1x16xf32>,
        %swap3A_1293 = vector.shape_cast %swap3A_1292 : vector<1x16xf32> to vector<16xf32>
        %swap3A_1294 = vector.shape_cast %add3A_1289 : vector<16xf32> to vector<1x16xf32>
        tpu.vector_store %arg9[%swap3A_1290, %swap3A_1291], %swap3A_1294 {strides = array<i32>} : memref<32x1024xf32, #tpu.memory_space<vmem>>, vector<1x16xf32>,
        %get3A_1295 = arith.index_cast %scan3A_72 : i32 to index
        %get3A_1296 = arith.constant 576 : index
        %get3A_1297 = tpu.vector_load %arg9[%get3A_1295, %get3A_1296] {strides = array<i32>} : memref<32x1024xf32, #tpu.memory_space<vmem>>, vector<1x16xf32>,
        %get3A_1298 = vector.shape_cast %get3A_1297 : vector<1x16xf32> to vector<16xf32>
        %get3A_1299 = arith.constant 576 : index
        %get3A_1300 = tpu.vector_load %arg11[%get3A_1299] {strides = array<i32>} : memref<1024xf32, #tpu.memory_space<vmem>>, vector<16xf32>,
        %get3A_1301 = vector.shape_cast %get3A_1300 : vector<16xf32> to vector<16xf32>
        %mul3A_1302 = arith.mulf %mul3A_611, %get3A_1301 : vector<16xf32>
        %sub3A_1303 = arith.subf %get3A_1298, %mul3A_580 : vector<16xf32>
        %mul3A_1304 = arith.mulf %sub3A_1303, %mul3A_1302 : vector<16xf32>
        %get3A_1305 = arith.constant 576 : index
        %get3A_1306 = tpu.vector_load %arg12[%get3A_1305] {strides = array<i32>} : memref<1024xf32, #tpu.memory_space<vmem>>, vector<16xf32>,
        %get3A_1307 = vector.shape_cast %get3A_1306 : vector<16xf32> to vector<16xf32>
        %add3A_1308 = arith.addf %mul3A_1304, %get3A_1307 : vector<16xf32>
        %swap3A_1309 = arith.index_cast %scan3A_72 : i32 to index
        %swap3A_1310 = arith.constant 576 : index
        %swap3A_1311 = tpu.vector_load %arg9[%swap3A_1309, %swap3A_1310] {strides = array<i32>} : memref<32x1024xf32, #tpu.memory_space<vmem>>, vector<1x16xf32>,
        %swap3A_1312 = vector.shape_cast %swap3A_1311 : vector<1x16xf32> to vector<16xf32>
        %swap3A_1313 = vector.shape_cast %add3A_1308 : vector<16xf32> to vector<1x16xf32>
        tpu.vector_store %arg9[%swap3A_1309, %swap3A_1310], %swap3A_1313 {strides = array<i32>} : memref<32x1024xf32, #tpu.memory_space<vmem>>, vector<1x16xf32>,
        %get3A_1314 = arith.index_cast %scan3A_72 : i32 to index
        %get3A_1315 = arith.constant 592 : index
        %get3A_1316 = tpu.vector_load %arg9[%get3A_1314, %get3A_1315] {strides = array<i32>} : memref<32x1024xf32, #tpu.memory_space<vmem>>, vector<1x16xf32>,
        %get3A_1317 = vector.shape_cast %get3A_1316 : vector<1x16xf32> to vector<16xf32>
        %get3A_1318 = arith.constant 592 : index
        %get3A_1319 = tpu.vector_load %arg11[%get3A_1318] {strides = array<i32>} : memref<1024xf32, #tpu.memory_space<vmem>>, vector<16xf32>,
        %get3A_1320 = vector.shape_cast %get3A_1319 : vector<16xf32> to vector<16xf32>
        %mul3A_1321 = arith.mulf %mul3A_611, %get3A_1320 : vector<16xf32>
        %sub3A_1322 = arith.subf %get3A_1317, %mul3A_580 : vector<16xf32>
        %mul3A_1323 = arith.mulf %sub3A_1322, %mul3A_1321 : vector<16xf32>
        %get3A_1324 = arith.constant 592 : index
        %get3A_1325 = tpu.vector_load %arg12[%get3A_1324] {strides = array<i32>} : memref<1024xf32, #tpu.memory_space<vmem>>, vector<16xf32>,
        %get3A_1326 = vector.shape_cast %get3A_1325 : vector<16xf32> to vector<16xf32>
        %add3A_1327 = arith.addf %mul3A_1323, %get3A_1326 : vector<16xf32>
        %swap3A_1328 = arith.index_cast %scan3A_72 : i32 to index
        %swap3A_1329 = arith.constant 592 : index
        %swap3A_1330 = tpu.vector_load %arg9[%swap3A_1328, %swap3A_1329] {strides = array<i32>} : memref<32x1024xf32, #tpu.memory_space<vmem>>, vector<1x16xf32>,
        %swap3A_1331 = vector.shape_cast %swap3A_1330 : vector<1x16xf32> to vector<16xf32>
        %swap3A_1332 = vector.shape_cast %add3A_1327 : vector<16xf32> to vector<1x16xf32>
        tpu.vector_store %arg9[%swap3A_1328, %swap3A_1329], %swap3A_1332 {strides = array<i32>} : memref<32x1024xf32, #tpu.memory_space<vmem>>, vector<1x16xf32>,
        %get3A_1333 = arith.index_cast %scan3A_72 : i32 to index
        %get3A_1334 = arith.constant 608 : index
        %get3A_1335 = tpu.vector_load %arg9[%get3A_1333, %get3A_1334] {strides = array<i32>} : memref<32x1024xf32, #tpu.memory_space<vmem>>, vector<1x16xf32>,
        %get3A_1336 = vector.shape_cast %get3A_1335 : vector<1x16xf32> to vector<16xf32>
        %get3A_1337 = arith.constant 608 : index
        %get3A_1338 = tpu.vector_load %arg11[%get3A_1337] {strides = array<i32>} : memref<1024xf32, #tpu.memory_space<vmem>>, vector<16xf32>,
        %get3A_1339 = vector.shape_cast %get3A_1338 : vector<16xf32> to vector<16xf32>
        %mul3A_1340 = arith.mulf %mul3A_611, %get3A_1339 : vector<16xf32>
        %sub3A_1341 = arith.subf %get3A_1336, %mul3A_580 : vector<16xf32>
        %mul3A_1342 = arith.mulf %sub3A_1341, %mul3A_1340 : vector<16xf32>
        %get3A_1343 = arith.constant 608 : index
        %get3A_1344 = tpu.vector_load %arg12[%get3A_1343] {strides = array<i32>} : memref<1024xf32, #tpu.memory_space<vmem>>, vector<16xf32>,
        %get3A_1345 = vector.shape_cast %get3A_1344 : vector<16xf32> to vector<16xf32>
        %add3A_1346 = arith.addf %mul3A_1342, %get3A_1345 : vector<16xf32>
        %swap3A_1347 = arith.index_cast %scan3A_72 : i32 to index
        %swap3A_1348 = arith.constant 608 : index
        %swap3A_1349 = tpu.vector_load %arg9[%swap3A_1347, %swap3A_1348] {strides = array<i32>} : memref<32x1024xf32, #tpu.memory_space<vmem>>, vector<1x16xf32>,
        %swap3A_1350 = vector.shape_cast %swap3A_1349 : vector<1x16xf32> to vector<16xf32>
        %swap3A_1351 = vector.shape_cast %add3A_1346 : vector<16xf32> to vector<1x16xf32>
        tpu.vector_store %arg9[%swap3A_1347, %swap3A_1348], %swap3A_1351 {strides = array<i32>} : memref<32x1024xf32, #tpu.memory_space<vmem>>, vector<1x16xf32>,
        %get3A_1352 = arith.index_cast %scan3A_72 : i32 to index
        %get3A_1353 = arith.constant 624 : index
        %get3A_1354 = tpu.vector_load %arg9[%get3A_1352, %get3A_1353] {strides = array<i32>} : memref<32x1024xf32, #tpu.memory_space<vmem>>, vector<1x16xf32>,
        %get3A_1355 = vector.shape_cast %get3A_1354 : vector<1x16xf32> to vector<16xf32>
        %get3A_1356 = arith.constant 624 : index
        %get3A_1357 = tpu.vector_load %arg11[%get3A_1356] {strides = array<i32>} : memref<1024xf32, #tpu.memory_space<vmem>>, vector<16xf32>,
        %get3A_1358 = vector.shape_cast %get3A_1357 : vector<16xf32> to vector<16xf32>
        %mul3A_1359 = arith.mulf %mul3A_611, %get3A_1358 : vector<16xf32>
        %sub3A_1360 = arith.subf %get3A_1355, %mul3A_580 : vector<16xf32>
        %mul3A_1361 = arith.mulf %sub3A_1360, %mul3A_1359 : vector<16xf32>
        %get3A_1362 = arith.constant 624 : index
        %get3A_1363 = tpu.vector_load %arg12[%get3A_1362] {strides = array<i32>} : memref<1024xf32, #tpu.memory_space<vmem>>, vector<16xf32>,
        %get3A_1364 = vector.shape_cast %get3A_1363 : vector<16xf32> to vector<16xf32>
        %add3A_1365 = arith.addf %mul3A_1361, %get3A_1364 : vector<16xf32>
        %swap3A_1366 = arith.index_cast %scan3A_72 : i32 to index
        %swap3A_1367 = arith.constant 624 : index
        %swap3A_1368 = tpu.vector_load %arg9[%swap3A_1366, %swap3A_1367] {strides = array<i32>} : memref<32x1024xf32, #tpu.memory_space<vmem>>, vector<1x16xf32>,
        %swap3A_1369 = vector.shape_cast %swap3A_1368 : vector<1x16xf32> to vector<16xf32>
        %swap3A_1370 = vector.shape_cast %add3A_1365 : vector<16xf32> to vector<1x16xf32>
        tpu.vector_store %arg9[%swap3A_1366, %swap3A_1367], %swap3A_1370 {strides = array<i32>} : memref<32x1024xf32, #tpu.memory_space<vmem>>, vector<1x16xf32>,
        %get3A_1371 = arith.index_cast %scan3A_72 : i32 to index
        %get3A_1372 = arith.constant 640 : index
        %get3A_1373 = tpu.vector_load %arg9[%get3A_1371, %get3A_1372] {strides = array<i32>} : memref<32x1024xf32, #tpu.memory_space<vmem>>, vector<1x16xf32>,
        %get3A_1374 = vector.shape_cast %get3A_1373 : vector<1x16xf32> to vector<16xf32>
        %get3A_1375 = arith.constant 640 : index
        %get3A_1376 = tpu.vector_load %arg11[%get3A_1375] {strides = array<i32>} : memref<1024xf32, #tpu.memory_space<vmem>>, vector<16xf32>,
        %get3A_1377 = vector.shape_cast %get3A_1376 : vector<16xf32> to vector<16xf32>
        %mul3A_1378 = arith.mulf %mul3A_611, %get3A_1377 : vector<16xf32>
        %sub3A_1379 = arith.subf %get3A_1374, %mul3A_580 : vector<16xf32>
        %mul3A_1380 = arith.mulf %sub3A_1379, %mul3A_1378 : vector<16xf32>
        %get3A_1381 = arith.constant 640 : index
        %get3A_1382 = tpu.vector_load %arg12[%get3A_1381] {strides = array<i32>} : memref<1024xf32, #tpu.memory_space<vmem>>, vector<16xf32>,
        %get3A_1383 = vector.shape_cast %get3A_1382 : vector<16xf32> to vector<16xf32>
        %add3A_1384 = arith.addf %mul3A_1380, %get3A_1383 : vector<16xf32>
        %swap3A_1385 = arith.index_cast %scan3A_72 : i32 to index
        %swap3A_1386 = arith.constant 640 : index
        %swap3A_1387 = tpu.vector_load %arg9[%swap3A_1385, %swap3A_1386] {strides = array<i32>} : memref<32x1024xf32, #tpu.memory_space<vmem>>, vector<1x16xf32>,
        %swap3A_1388 = vector.shape_cast %swap3A_1387 : vector<1x16xf32> to vector<16xf32>
        %swap3A_1389 = vector.shape_cast %add3A_1384 : vector<16xf32> to vector<1x16xf32>
        tpu.vector_store %arg9[%swap3A_1385, %swap3A_1386], %swap3A_1389 {strides = array<i32>} : memref<32x1024xf32, #tpu.memory_space<vmem>>, vector<1x16xf32>,
        %get3A_1390 = arith.index_cast %scan3A_72 : i32 to index
        %get3A_1391 = arith.constant 656 : index
        %get3A_1392 = tpu.vector_load %arg9[%get3A_1390, %get3A_1391] {strides = array<i32>} : memref<32x1024xf32, #tpu.memory_space<vmem>>, vector<1x16xf32>,
        %get3A_1393 = vector.shape_cast %get3A_1392 : vector<1x16xf32> to vector<16xf32>
        %get3A_1394 = arith.constant 656 : index
        %get3A_1395 = tpu.vector_load %arg11[%get3A_1394] {strides = array<i32>} : memref<1024xf32, #tpu.memory_space<vmem>>, vector<16xf32>,
        %get3A_1396 = vector.shape_cast %get3A_1395 : vector<16xf32> to vector<16xf32>
        %mul3A_1397 = arith.mulf %mul3A_611, %get3A_1396 : vector<16xf32>
        %sub3A_1398 = arith.subf %get3A_1393, %mul3A_580 : vector<16xf32>
        %mul3A_1399 = arith.mulf %sub3A_1398, %mul3A_1397 : vector<16xf32>
        %get3A_1400 = arith.constant 656 : index
        %get3A_1401 = tpu.vector_load %arg12[%get3A_1400] {strides = array<i32>} : memref<1024xf32, #tpu.memory_space<vmem>>, vector<16xf32>,
        %get3A_1402 = vector.shape_cast %get3A_1401 : vector<16xf32> to vector<16xf32>
        %add3A_1403 = arith.addf %mul3A_1399, %get3A_1402 : vector<16xf32>
        %swap3A_1404 = arith.index_cast %scan3A_72 : i32 to index
        %swap3A_1405 = arith.constant 656 : index
        %swap3A_1406 = tpu.vector_load %arg9[%swap3A_1404, %swap3A_1405] {strides = array<i32>} : memref<32x1024xf32, #tpu.memory_space<vmem>>, vector<1x16xf32>,
        %swap3A_1407 = vector.shape_cast %swap3A_1406 : vector<1x16xf32> to vector<16xf32>
        %swap3A_1408 = vector.shape_cast %add3A_1403 : vector<16xf32> to vector<1x16xf32>
        tpu.vector_store %arg9[%swap3A_1404, %swap3A_1405], %swap3A_1408 {strides = array<i32>} : memref<32x1024xf32, #tpu.memory_space<vmem>>, vector<1x16xf32>,
        %get3A_1409 = arith.index_cast %scan3A_72 : i32 to index
        %get3A_1410 = arith.constant 672 : index
        %get3A_1411 = tpu.vector_load %arg9[%get3A_1409, %get3A_1410] {strides = array<i32>} : memref<32x1024xf32, #tpu.memory_space<vmem>>, vector<1x16xf32>,
        %get3A_1412 = vector.shape_cast %get3A_1411 : vector<1x16xf32> to vector<16xf32>
        %get3A_1413 = arith.constant 672 : index
        %get3A_1414 = tpu.vector_load %arg11[%get3A_1413] {strides = array<i32>} : memref<1024xf32, #tpu.memory_space<vmem>>, vector<16xf32>,
        %get3A_1415 = vector.shape_cast %get3A_1414 : vector<16xf32> to vector<16xf32>
        %mul3A_1416 = arith.mulf %mul3A_611, %get3A_1415 : vector<16xf32>
        %sub3A_1417 = arith.subf %get3A_1412, %mul3A_580 : vector<16xf32>
        %mul3A_1418 = arith.mulf %sub3A_1417, %mul3A_1416 : vector<16xf32>
        %get3A_1419 = arith.constant 672 : index
        %get3A_1420 = tpu.vector_load %arg12[%get3A_1419] {strides = array<i32>} : memref<1024xf32, #tpu.memory_space<vmem>>, vector<16xf32>,
        %get3A_1421 = vector.shape_cast %get3A_1420 : vector<16xf32> to vector<16xf32>
        %add3A_1422 = arith.addf %mul3A_1418, %get3A_1421 : vector<16xf32>
        %swap3A_1423 = arith.index_cast %scan3A_72 : i32 to index
        %swap3A_1424 = arith.constant 672 : index
        %swap3A_1425 = tpu.vector_load %arg9[%swap3A_1423, %swap3A_1424] {strides = array<i32>} : memref<32x1024xf32, #tpu.memory_space<vmem>>, vector<1x16xf32>,
        %swap3A_1426 = vector.shape_cast %swap3A_1425 : vector<1x16xf32> to vector<16xf32>
        %swap3A_1427 = vector.shape_cast %add3A_1422 : vector<16xf32> to vector<1x16xf32>
        tpu.vector_store %arg9[%swap3A_1423, %swap3A_1424], %swap3A_1427 {strides = array<i32>} : memref<32x1024xf32, #tpu.memory_space<vmem>>, vector<1x16xf32>,
        %get3A_1428 = arith.index_cast %scan3A_72 : i32 to index
        %get3A_1429 = arith.constant 688 : index
        %get3A_1430 = tpu.vector_load %arg9[%get3A_1428, %get3A_1429] {strides = array<i32>} : memref<32x1024xf32, #tpu.memory_space<vmem>>, vector<1x16xf32>,
        %get3A_1431 = vector.shape_cast %get3A_1430 : vector<1x16xf32> to vector<16xf32>
        %get3A_1432 = arith.constant 688 : index
        %get3A_1433 = tpu.vector_load %arg11[%get3A_1432] {strides = array<i32>} : memref<1024xf32, #tpu.memory_space<vmem>>, vector<16xf32>,
        %get3A_1434 = vector.shape_cast %get3A_1433 : vector<16xf32> to vector<16xf32>
        %mul3A_1435 = arith.mulf %mul3A_611, %get3A_1434 : vector<16xf32>
        %sub3A_1436 = arith.subf %get3A_1431, %mul3A_580 : vector<16xf32>
        %mul3A_1437 = arith.mulf %sub3A_1436, %mul3A_1435 : vector<16xf32>
        %get3A_1438 = arith.constant 688 : index
        %get3A_1439 = tpu.vector_load %arg12[%get3A_1438] {strides = array<i32>} : memref<1024xf32, #tpu.memory_space<vmem>>, vector<16xf32>,
        %get3A_1440 = vector.shape_cast %get3A_1439 : vector<16xf32> to vector<16xf32>
        %add3A_1441 = arith.addf %mul3A_1437, %get3A_1440 : vector<16xf32>
        %swap3A_1442 = arith.index_cast %scan3A_72 : i32 to index
        %swap3A_1443 = arith.constant 688 : index
        %swap3A_1444 = tpu.vector_load %arg9[%swap3A_1442, %swap3A_1443] {strides = array<i32>} : memref<32x1024xf32, #tpu.memory_space<vmem>>, vector<1x16xf32>,
        %swap3A_1445 = vector.shape_cast %swap3A_1444 : vector<1x16xf32> to vector<16xf32>
        %swap3A_1446 = vector.shape_cast %add3A_1441 : vector<16xf32> to vector<1x16xf32>
        tpu.vector_store %arg9[%swap3A_1442, %swap3A_1443], %swap3A_1446 {strides = array<i32>} : memref<32x1024xf32, #tpu.memory_space<vmem>>, vector<1x16xf32>,
        %get3A_1447 = arith.index_cast %scan3A_72 : i32 to index
        %get3A_1448 = arith.constant 704 : index
        %get3A_1449 = tpu.vector_load %arg9[%get3A_1447, %get3A_1448] {strides = array<i32>} : memref<32x1024xf32, #tpu.memory_space<vmem>>, vector<1x16xf32>,
        %get3A_1450 = vector.shape_cast %get3A_1449 : vector<1x16xf32> to vector<16xf32>
        %get3A_1451 = arith.constant 704 : index
        %get3A_1452 = tpu.vector_load %arg11[%get3A_1451] {strides = array<i32>} : memref<1024xf32, #tpu.memory_space<vmem>>, vector<16xf32>,
        %get3A_1453 = vector.shape_cast %get3A_1452 : vector<16xf32> to vector<16xf32>
        %mul3A_1454 = arith.mulf %mul3A_611, %get3A_1453 : vector<16xf32>
        %sub3A_1455 = arith.subf %get3A_1450, %mul3A_580 : vector<16xf32>
        %mul3A_1456 = arith.mulf %sub3A_1455, %mul3A_1454 : vector<16xf32>
        %get3A_1457 = arith.constant 704 : index
        %get3A_1458 = tpu.vector_load %arg12[%get3A_1457] {strides = array<i32>} : memref<1024xf32, #tpu.memory_space<vmem>>, vector<16xf32>,
        %get3A_1459 = vector.shape_cast %get3A_1458 : vector<16xf32> to vector<16xf32>
        %add3A_1460 = arith.addf %mul3A_1456, %get3A_1459 : vector<16xf32>
        %swap3A_1461 = arith.index_cast %scan3A_72 : i32 to index
        %swap3A_1462 = arith.constant 704 : index
        %swap3A_1463 = tpu.vector_load %arg9[%swap3A_1461, %swap3A_1462] {strides = array<i32>} : memref<32x1024xf32, #tpu.memory_space<vmem>>, vector<1x16xf32>,
        %swap3A_1464 = vector.shape_cast %swap3A_1463 : vector<1x16xf32> to vector<16xf32>
        %swap3A_1465 = vector.shape_cast %add3A_1460 : vector<16xf32> to vector<1x16xf32>
        tpu.vector_store %arg9[%swap3A_1461, %swap3A_1462], %swap3A_1465 {strides = array<i32>} : memref<32x1024xf32, #tpu.memory_space<vmem>>, vector<1x16xf32>,
        %get3A_1466 = arith.index_cast %scan3A_72 : i32 to index
        %get3A_1467 = arith.constant 720 : index
        %get3A_1468 = tpu.vector_load %arg9[%get3A_1466, %get3A_1467] {strides = array<i32>} : memref<32x1024xf32, #tpu.memory_space<vmem>>, vector<1x16xf32>,
        %get3A_1469 = vector.shape_cast %get3A_1468 : vector<1x16xf32> to vector<16xf32>
        %get3A_1470 = arith.constant 720 : index
        %get3A_1471 = tpu.vector_load %arg11[%get3A_1470] {strides = array<i32>} : memref<1024xf32, #tpu.memory_space<vmem>>, vector<16xf32>,
        %get3A_1472 = vector.shape_cast %get3A_1471 : vector<16xf32> to vector<16xf32>
        %mul3A_1473 = arith.mulf %mul3A_611, %get3A_1472 : vector<16xf32>
        %sub3A_1474 = arith.subf %get3A_1469, %mul3A_580 : vector<16xf32>
        %mul3A_1475 = arith.mulf %sub3A_1474, %mul3A_1473 : vector<16xf32>
        %get3A_1476 = arith.constant 720 : index
        %get3A_1477 = tpu.vector_load %arg12[%get3A_1476] {strides = array<i32>} : memref<1024xf32, #tpu.memory_space<vmem>>, vector<16xf32>,
        %get3A_1478 = vector.shape_cast %get3A_1477 : vector<16xf32> to vector<16xf32>
        %add3A_1479 = arith.addf %mul3A_1475, %get3A_1478 : vector<16xf32>
        %swap3A_1480 = arith.index_cast %scan3A_72 : i32 to index
        %swap3A_1481 = arith.constant 720 : index
        %swap3A_1482 = tpu.vector_load %arg9[%swap3A_1480, %swap3A_1481] {strides = array<i32>} : memref<32x1024xf32, #tpu.memory_space<vmem>>, vector<1x16xf32>,
        %swap3A_1483 = vector.shape_cast %swap3A_1482 : vector<1x16xf32> to vector<16xf32>
        %swap3A_1484 = vector.shape_cast %add3A_1479 : vector<16xf32> to vector<1x16xf32>
        tpu.vector_store %arg9[%swap3A_1480, %swap3A_1481], %swap3A_1484 {strides = array<i32>} : memref<32x1024xf32, #tpu.memory_space<vmem>>, vector<1x16xf32>,
        %get3A_1485 = arith.index_cast %scan3A_72 : i32 to index
        %get3A_1486 = arith.constant 736 : index
        %get3A_1487 = tpu.vector_load %arg9[%get3A_1485, %get3A_1486] {strides = array<i32>} : memref<32x1024xf32, #tpu.memory_space<vmem>>, vector<1x16xf32>,
        %get3A_1488 = vector.shape_cast %get3A_1487 : vector<1x16xf32> to vector<16xf32>
        %get3A_1489 = arith.constant 736 : index
        %get3A_1490 = tpu.vector_load %arg11[%get3A_1489] {strides = array<i32>} : memref<1024xf32, #tpu.memory_space<vmem>>, vector<16xf32>,
        %get3A_1491 = vector.shape_cast %get3A_1490 : vector<16xf32> to vector<16xf32>
        %mul3A_1492 = arith.mulf %mul3A_611, %get3A_1491 : vector<16xf32>
        %sub3A_1493 = arith.subf %get3A_1488, %mul3A_580 : vector<16xf32>
        %mul3A_1494 = arith.mulf %sub3A_1493, %mul3A_1492 : vector<16xf32>
        %get3A_1495 = arith.constant 736 : index
        %get3A_1496 = tpu.vector_load %arg12[%get3A_1495] {strides = array<i32>} : memref<1024xf32, #tpu.memory_space<vmem>>, vector<16xf32>,
        %get3A_1497 = vector.shape_cast %get3A_1496 : vector<16xf32> to vector<16xf32>
        %add3A_1498 = arith.addf %mul3A_1494, %get3A_1497 : vector<16xf32>
        %swap3A_1499 = arith.index_cast %scan3A_72 : i32 to index
        %swap3A_1500 = arith.constant 736 : index
        %swap3A_1501 = tpu.vector_load %arg9[%swap3A_1499, %swap3A_1500] {strides = array<i32>} : memref<32x1024xf32, #tpu.memory_space<vmem>>, vector<1x16xf32>,
        %swap3A_1502 = vector.shape_cast %swap3A_1501 : vector<1x16xf32> to vector<16xf32>
        %swap3A_1503 = vector.shape_cast %add3A_1498 : vector<16xf32> to vector<1x16xf32>
        tpu.vector_store %arg9[%swap3A_1499, %swap3A_1500], %swap3A_1503 {strides = array<i32>} : memref<32x1024xf32, #tpu.memory_space<vmem>>, vector<1x16xf32>,
        %get3A_1504 = arith.index_cast %scan3A_72 : i32 to index
        %get3A_1505 = arith.constant 752 : index
        %get3A_1506 = tpu.vector_load %arg9[%get3A_1504, %get3A_1505] {strides = array<i32>} : memref<32x1024xf32, #tpu.memory_space<vmem>>, vector<1x16xf32>,
        %get3A_1507 = vector.shape_cast %get3A_1506 : vector<1x16xf32> to vector<16xf32>
        %get3A_1508 = arith.constant 752 : index
        %get3A_1509 = tpu.vector_load %arg11[%get3A_1508] {strides = array<i32>} : memref<1024xf32, #tpu.memory_space<vmem>>, vector<16xf32>,
        %get3A_1510 = vector.shape_cast %get3A_1509 : vector<16xf32> to vector<16xf32>
        %mul3A_1511 = arith.mulf %mul3A_611, %get3A_1510 : vector<16xf32>
        %sub3A_1512 = arith.subf %get3A_1507, %mul3A_580 : vector<16xf32>
        %mul3A_1513 = arith.mulf %sub3A_1512, %mul3A_1511 : vector<16xf32>
        %get3A_1514 = arith.constant 752 : index
        %get3A_1515 = tpu.vector_load %arg12[%get3A_1514] {strides = array<i32>} : memref<1024xf32, #tpu.memory_space<vmem>>, vector<16xf32>,
        %get3A_1516 = vector.shape_cast %get3A_1515 : vector<16xf32> to vector<16xf32>
        %add3A_1517 = arith.addf %mul3A_1513, %get3A_1516 : vector<16xf32>
        %swap3A_1518 = arith.index_cast %scan3A_72 : i32 to index
        %swap3A_1519 = arith.constant 752 : index
        %swap3A_1520 = tpu.vector_load %arg9[%swap3A_1518, %swap3A_1519] {strides = array<i32>} : memref<32x1024xf32, #tpu.memory_space<vmem>>, vector<1x16xf32>,
        %swap3A_1521 = vector.shape_cast %swap3A_1520 : vector<1x16xf32> to vector<16xf32>
        %swap3A_1522 = vector.shape_cast %add3A_1517 : vector<16xf32> to vector<1x16xf32>
        tpu.vector_store %arg9[%swap3A_1518, %swap3A_1519], %swap3A_1522 {strides = array<i32>} : memref<32x1024xf32, #tpu.memory_space<vmem>>, vector<1x16xf32>,
        %get3A_1523 = arith.index_cast %scan3A_72 : i32 to index
        %get3A_1524 = arith.constant 768 : index
        %get3A_1525 = tpu.vector_load %arg9[%get3A_1523, %get3A_1524] {strides = array<i32>} : memref<32x1024xf32, #tpu.memory_space<vmem>>, vector<1x16xf32>,
        %get3A_1526 = vector.shape_cast %get3A_1525 : vector<1x16xf32> to vector<16xf32>
        %get3A_1527 = arith.constant 768 : index
        %get3A_1528 = tpu.vector_load %arg11[%get3A_1527] {strides = array<i32>} : memref<1024xf32, #tpu.memory_space<vmem>>, vector<16xf32>,
        %get3A_1529 = vector.shape_cast %get3A_1528 : vector<16xf32> to vector<16xf32>
        %mul3A_1530 = arith.mulf %mul3A_611, %get3A_1529 : vector<16xf32>
        %sub3A_1531 = arith.subf %get3A_1526, %mul3A_580 : vector<16xf32>
        %mul3A_1532 = arith.mulf %sub3A_1531, %mul3A_1530 : vector<16xf32>
        %get3A_1533 = arith.constant 768 : index
        %get3A_1534 = tpu.vector_load %arg12[%get3A_1533] {strides = array<i32>} : memref<1024xf32, #tpu.memory_space<vmem>>, vector<16xf32>,
        %get3A_1535 = vector.shape_cast %get3A_1534 : vector<16xf32> to vector<16xf32>
        %add3A_1536 = arith.addf %mul3A_1532, %get3A_1535 : vector<16xf32>
        %swap3A_1537 = arith.index_cast %scan3A_72 : i32 to index
        %swap3A_1538 = arith.constant 768 : index
        %swap3A_1539 = tpu.vector_load %arg9[%swap3A_1537, %swap3A_1538] {strides = array<i32>} : memref<32x1024xf32, #tpu.memory_space<vmem>>, vector<1x16xf32>,
        %swap3A_1540 = vector.shape_cast %swap3A_1539 : vector<1x16xf32> to vector<16xf32>
        %swap3A_1541 = vector.shape_cast %add3A_1536 : vector<16xf32> to vector<1x16xf32>
        tpu.vector_store %arg9[%swap3A_1537, %swap3A_1538], %swap3A_1541 {strides = array<i32>} : memref<32x1024xf32, #tpu.memory_space<vmem>>, vector<1x16xf32>,
        %get3A_1542 = arith.index_cast %scan3A_72 : i32 to index
        %get3A_1543 = arith.constant 784 : index
        %get3A_1544 = tpu.vector_load %arg9[%get3A_1542, %get3A_1543] {strides = array<i32>} : memref<32x1024xf32, #tpu.memory_space<vmem>>, vector<1x16xf32>,
        %get3A_1545 = vector.shape_cast %get3A_1544 : vector<1x16xf32> to vector<16xf32>
        %get3A_1546 = arith.constant 784 : index
        %get3A_1547 = tpu.vector_load %arg11[%get3A_1546] {strides = array<i32>} : memref<1024xf32, #tpu.memory_space<vmem>>, vector<16xf32>,
        %get3A_1548 = vector.shape_cast %get3A_1547 : vector<16xf32> to vector<16xf32>
        %mul3A_1549 = arith.mulf %mul3A_611, %get3A_1548 : vector<16xf32>
        %sub3A_1550 = arith.subf %get3A_1545, %mul3A_580 : vector<16xf32>
        %mul3A_1551 = arith.mulf %sub3A_1550, %mul3A_1549 : vector<16xf32>
        %get3A_1552 = arith.constant 784 : index
        %get3A_1553 = tpu.vector_load %arg12[%get3A_1552] {strides = array<i32>} : memref<1024xf32, #tpu.memory_space<vmem>>, vector<16xf32>,
        %get3A_1554 = vector.shape_cast %get3A_1553 : vector<16xf32> to vector<16xf32>
        %add3A_1555 = arith.addf %mul3A_1551, %get3A_1554 : vector<16xf32>
        %swap3A_1556 = arith.index_cast %scan3A_72 : i32 to index
        %swap3A_1557 = arith.constant 784 : index
        %swap3A_1558 = tpu.vector_load %arg9[%swap3A_1556, %swap3A_1557] {strides = array<i32>} : memref<32x1024xf32, #tpu.memory_space<vmem>>, vector<1x16xf32>,
        %swap3A_1559 = vector.shape_cast %swap3A_1558 : vector<1x16xf32> to vector<16xf32>
        %swap3A_1560 = vector.shape_cast %add3A_1555 : vector<16xf32> to vector<1x16xf32>
        tpu.vector_store %arg9[%swap3A_1556, %swap3A_1557], %swap3A_1560 {strides = array<i32>} : memref<32x1024xf32, #tpu.memory_space<vmem>>, vector<1x16xf32>,
        %get3A_1561 = arith.index_cast %scan3A_72 : i32 to index
        %get3A_1562 = arith.constant 800 : index
        %get3A_1563 = tpu.vector_load %arg9[%get3A_1561, %get3A_1562] {strides = array<i32>} : memref<32x1024xf32, #tpu.memory_space<vmem>>, vector<1x16xf32>,
        %get3A_1564 = vector.shape_cast %get3A_1563 : vector<1x16xf32> to vector<16xf32>
        %get3A_1565 = arith.constant 800 : index
        %get3A_1566 = tpu.vector_load %arg11[%get3A_1565] {strides = array<i32>} : memref<1024xf32, #tpu.memory_space<vmem>>, vector<16xf32>,
        %get3A_1567 = vector.shape_cast %get3A_1566 : vector<16xf32> to vector<16xf32>
        %mul3A_1568 = arith.mulf %mul3A_611, %get3A_1567 : vector<16xf32>
        %sub3A_1569 = arith.subf %get3A_1564, %mul3A_580 : vector<16xf32>
        %mul3A_1570 = arith.mulf %sub3A_1569, %mul3A_1568 : vector<16xf32>
        %get3A_1571 = arith.constant 800 : index
        %get3A_1572 = tpu.vector_load %arg12[%get3A_1571] {strides = array<i32>} : memref<1024xf32, #tpu.memory_space<vmem>>, vector<16xf32>,
        %get3A_1573 = vector.shape_cast %get3A_1572 : vector<16xf32> to vector<16xf32>
        %add3A_1574 = arith.addf %mul3A_1570, %get3A_1573 : vector<16xf32>
        %swap3A_1575 = arith.index_cast %scan3A_72 : i32 to index
        %swap3A_1576 = arith.constant 800 : index
        %swap3A_1577 = tpu.vector_load %arg9[%swap3A_1575, %swap3A_1576] {strides = array<i32>} : memref<32x1024xf32, #tpu.memory_space<vmem>>, vector<1x16xf32>,
        %swap3A_1578 = vector.shape_cast %swap3A_1577 : vector<1x16xf32> to vector<16xf32>
        %swap3A_1579 = vector.shape_cast %add3A_1574 : vector<16xf32> to vector<1x16xf32>
        tpu.vector_store %arg9[%swap3A_1575, %swap3A_1576], %swap3A_1579 {strides = array<i32>} : memref<32x1024xf32, #tpu.memory_space<vmem>>, vector<1x16xf32>,
        %get3A_1580 = arith.index_cast %scan3A_72 : i32 to index
        %get3A_1581 = arith.constant 816 : index
        %get3A_1582 = tpu.vector_load %arg9[%get3A_1580, %get3A_1581] {strides = array<i32>} : memref<32x1024xf32, #tpu.memory_space<vmem>>, vector<1x16xf32>,
        %get3A_1583 = vector.shape_cast %get3A_1582 : vector<1x16xf32> to vector<16xf32>
        %get3A_1584 = arith.constant 816 : index
        %get3A_1585 = tpu.vector_load %arg11[%get3A_1584] {strides = array<i32>} : memref<1024xf32, #tpu.memory_space<vmem>>, vector<16xf32>,
        %get3A_1586 = vector.shape_cast %get3A_1585 : vector<16xf32> to vector<16xf32>
        %mul3A_1587 = arith.mulf %mul3A_611, %get3A_1586 : vector<16xf32>
        %sub3A_1588 = arith.subf %get3A_1583, %mul3A_580 : vector<16xf32>
        %mul3A_1589 = arith.mulf %sub3A_1588, %mul3A_1587 : vector<16xf32>
        %get3A_1590 = arith.constant 816 : index
        %get3A_1591 = tpu.vector_load %arg12[%get3A_1590] {strides = array<i32>} : memref<1024xf32, #tpu.memory_space<vmem>>, vector<16xf32>,
        %get3A_1592 = vector.shape_cast %get3A_1591 : vector<16xf32> to vector<16xf32>
        %add3A_1593 = arith.addf %mul3A_1589, %get3A_1592 : vector<16xf32>
        %swap3A_1594 = arith.index_cast %scan3A_72 : i32 to index
        %swap3A_1595 = arith.constant 816 : index
        %swap3A_1596 = tpu.vector_load %arg9[%swap3A_1594, %swap3A_1595] {strides = array<i32>} : memref<32x1024xf32, #tpu.memory_space<vmem>>, vector<1x16xf32>,
        %swap3A_1597 = vector.shape_cast %swap3A_1596 : vector<1x16xf32> to vector<16xf32>
        %swap3A_1598 = vector.shape_cast %add3A_1593 : vector<16xf32> to vector<1x16xf32>
        tpu.vector_store %arg9[%swap3A_1594, %swap3A_1595], %swap3A_1598 {strides = array<i32>} : memref<32x1024xf32, #tpu.memory_space<vmem>>, vector<1x16xf32>,
        %get3A_1599 = arith.index_cast %scan3A_72 : i32 to index
        %get3A_1600 = arith.constant 832 : index
        %get3A_1601 = tpu.vector_load %arg9[%get3A_1599, %get3A_1600] {strides = array<i32>} : memref<32x1024xf32, #tpu.memory_space<vmem>>, vector<1x16xf32>,
        %get3A_1602 = vector.shape_cast %get3A_1601 : vector<1x16xf32> to vector<16xf32>
        %get3A_1603 = arith.constant 832 : index
        %get3A_1604 = tpu.vector_load %arg11[%get3A_1603] {strides = array<i32>} : memref<1024xf32, #tpu.memory_space<vmem>>, vector<16xf32>,
        %get3A_1605 = vector.shape_cast %get3A_1604 : vector<16xf32> to vector<16xf32>
        %mul3A_1606 = arith.mulf %mul3A_611, %get3A_1605 : vector<16xf32>
        %sub3A_1607 = arith.subf %get3A_1602, %mul3A_580 : vector<16xf32>
        %mul3A_1608 = arith.mulf %sub3A_1607, %mul3A_1606 : vector<16xf32>
        %get3A_1609 = arith.constant 832 : index
        %get3A_1610 = tpu.vector_load %arg12[%get3A_1609] {strides = array<i32>} : memref<1024xf32, #tpu.memory_space<vmem>>, vector<16xf32>,
        %get3A_1611 = vector.shape_cast %get3A_1610 : vector<16xf32> to vector<16xf32>
        %add3A_1612 = arith.addf %mul3A_1608, %get3A_1611 : vector<16xf32>
        %swap3A_1613 = arith.index_cast %scan3A_72 : i32 to index
        %swap3A_1614 = arith.constant 832 : index
        %swap3A_1615 = tpu.vector_load %arg9[%swap3A_1613, %swap3A_1614] {strides = array<i32>} : memref<32x1024xf32, #tpu.memory_space<vmem>>, vector<1x16xf32>,
        %swap3A_1616 = vector.shape_cast %swap3A_1615 : vector<1x16xf32> to vector<16xf32>
        %swap3A_1617 = vector.shape_cast %add3A_1612 : vector<16xf32> to vector<1x16xf32>
        tpu.vector_store %arg9[%swap3A_1613, %swap3A_1614], %swap3A_1617 {strides = array<i32>} : memref<32x1024xf32, #tpu.memory_space<vmem>>, vector<1x16xf32>,
        %get3A_1618 = arith.index_cast %scan3A_72 : i32 to index
        %get3A_1619 = arith.constant 848 : index
        %get3A_1620 = tpu.vector_load %arg9[%get3A_1618, %get3A_1619] {strides = array<i32>} : memref<32x1024xf32, #tpu.memory_space<vmem>>, vector<1x16xf32>,
        %get3A_1621 = vector.shape_cast %get3A_1620 : vector<1x16xf32> to vector<16xf32>
        %get3A_1622 = arith.constant 848 : index
        %get3A_1623 = tpu.vector_load %arg11[%get3A_1622] {strides = array<i32>} : memref<1024xf32, #tpu.memory_space<vmem>>, vector<16xf32>,
        %get3A_1624 = vector.shape_cast %get3A_1623 : vector<16xf32> to vector<16xf32>
        %mul3A_1625 = arith.mulf %mul3A_611, %get3A_1624 : vector<16xf32>
        %sub3A_1626 = arith.subf %get3A_1621, %mul3A_580 : vector<16xf32>
        %mul3A_1627 = arith.mulf %sub3A_1626, %mul3A_1625 : vector<16xf32>
        %get3A_1628 = arith.constant 848 : index
        %get3A_1629 = tpu.vector_load %arg12[%get3A_1628] {strides = array<i32>} : memref<1024xf32, #tpu.memory_space<vmem>>, vector<16xf32>,
        %get3A_1630 = vector.shape_cast %get3A_1629 : vector<16xf32> to vector<16xf32>
        %add3A_1631 = arith.addf %mul3A_1627, %get3A_1630 : vector<16xf32>
        %swap3A_1632 = arith.index_cast %scan3A_72 : i32 to index
        %swap3A_1633 = arith.constant 848 : index
        %swap3A_1634 = tpu.vector_load %arg9[%swap3A_1632, %swap3A_1633] {strides = array<i32>} : memref<32x1024xf32, #tpu.memory_space<vmem>>, vector<1x16xf32>,
        %swap3A_1635 = vector.shape_cast %swap3A_1634 : vector<1x16xf32> to vector<16xf32>
        %swap3A_1636 = vector.shape_cast %add3A_1631 : vector<16xf32> to vector<1x16xf32>
        tpu.vector_store %arg9[%swap3A_1632, %swap3A_1633], %swap3A_1636 {strides = array<i32>} : memref<32x1024xf32, #tpu.memory_space<vmem>>, vector<1x16xf32>,
        %get3A_1637 = arith.index_cast %scan3A_72 : i32 to index
        %get3A_1638 = arith.constant 864 : index
        %get3A_1639 = tpu.vector_load %arg9[%get3A_1637, %get3A_1638] {strides = array<i32>} : memref<32x1024xf32, #tpu.memory_space<vmem>>, vector<1x16xf32>,
        %get3A_1640 = vector.shape_cast %get3A_1639 : vector<1x16xf32> to vector<16xf32>
        %get3A_1641 = arith.constant 864 : index
        %get3A_1642 = tpu.vector_load %arg11[%get3A_1641] {strides = array<i32>} : memref<1024xf32, #tpu.memory_space<vmem>>, vector<16xf32>,
        %get3A_1643 = vector.shape_cast %get3A_1642 : vector<16xf32> to vector<16xf32>
        %mul3A_1644 = arith.mulf %mul3A_611, %get3A_1643 : vector<16xf32>
        %sub3A_1645 = arith.subf %get3A_1640, %mul3A_580 : vector<16xf32>
        %mul3A_1646 = arith.mulf %sub3A_1645, %mul3A_1644 : vector<16xf32>
        %get3A_1647 = arith.constant 864 : index
        %get3A_1648 = tpu.vector_load %arg12[%get3A_1647] {strides = array<i32>} : memref<1024xf32, #tpu.memory_space<vmem>>, vector<16xf32>,
        %get3A_1649 = vector.shape_cast %get3A_1648 : vector<16xf32> to vector<16xf32>
        %add3A_1650 = arith.addf %mul3A_1646, %get3A_1649 : vector<16xf32>
        %swap3A_1651 = arith.index_cast %scan3A_72 : i32 to index
        %swap3A_1652 = arith.constant 864 : index
        %swap3A_1653 = tpu.vector_load %arg9[%swap3A_1651, %swap3A_1652] {strides = array<i32>} : memref<32x1024xf32, #tpu.memory_space<vmem>>, vector<1x16xf32>,
        %swap3A_1654 = vector.shape_cast %swap3A_1653 : vector<1x16xf32> to vector<16xf32>
        %swap3A_1655 = vector.shape_cast %add3A_1650 : vector<16xf32> to vector<1x16xf32>
        tpu.vector_store %arg9[%swap3A_1651, %swap3A_1652], %swap3A_1655 {strides = array<i32>} : memref<32x1024xf32, #tpu.memory_space<vmem>>, vector<1x16xf32>,
        %get3A_1656 = arith.index_cast %scan3A_72 : i32 to index
        %get3A_1657 = arith.constant 880 : index
        %get3A_1658 = tpu.vector_load %arg9[%get3A_1656, %get3A_1657] {strides = array<i32>} : memref<32x1024xf32, #tpu.memory_space<vmem>>, vector<1x16xf32>,
        %get3A_1659 = vector.shape_cast %get3A_1658 : vector<1x16xf32> to vector<16xf32>
        %get3A_1660 = arith.constant 880 : index
        %get3A_1661 = tpu.vector_load %arg11[%get3A_1660] {strides = array<i32>} : memref<1024xf32, #tpu.memory_space<vmem>>, vector<16xf32>,
        %get3A_1662 = vector.shape_cast %get3A_1661 : vector<16xf32> to vector<16xf32>
        %mul3A_1663 = arith.mulf %mul3A_611, %get3A_1662 : vector<16xf32>
        %sub3A_1664 = arith.subf %get3A_1659, %mul3A_580 : vector<16xf32>
        %mul3A_1665 = arith.mulf %sub3A_1664, %mul3A_1663 : vector<16xf32>
        %get3A_1666 = arith.constant 880 : index
        %get3A_1667 = tpu.vector_load %arg12[%get3A_1666] {strides = array<i32>} : memref<1024xf32, #tpu.memory_space<vmem>>, vector<16xf32>,
        %get3A_1668 = vector.shape_cast %get3A_1667 : vector<16xf32> to vector<16xf32>
        %add3A_1669 = arith.addf %mul3A_1665, %get3A_1668 : vector<16xf32>
        %swap3A_1670 = arith.index_cast %scan3A_72 : i32 to index
        %swap3A_1671 = arith.constant 880 : index
        %swap3A_1672 = tpu.vector_load %arg9[%swap3A_1670, %swap3A_1671] {strides = array<i32>} : memref<32x1024xf32, #tpu.memory_space<vmem>>, vector<1x16xf32>,
        %swap3A_1673 = vector.shape_cast %swap3A_1672 : vector<1x16xf32> to vector<16xf32>
        %swap3A_1674 = vector.shape_cast %add3A_1669 : vector<16xf32> to vector<1x16xf32>
        tpu.vector_store %arg9[%swap3A_1670, %swap3A_1671], %swap3A_1674 {strides = array<i32>} : memref<32x1024xf32, #tpu.memory_space<vmem>>, vector<1x16xf32>,
        %get3A_1675 = arith.index_cast %scan3A_72 : i32 to index
        %get3A_1676 = arith.constant 896 : index
        %get3A_1677 = tpu.vector_load %arg9[%get3A_1675, %get3A_1676] {strides = array<i32>} : memref<32x1024xf32, #tpu.memory_space<vmem>>, vector<1x16xf32>,
        %get3A_1678 = vector.shape_cast %get3A_1677 : vector<1x16xf32> to vector<16xf32>
        %get3A_1679 = arith.constant 896 : index
        %get3A_1680 = tpu.vector_load %arg11[%get3A_1679] {strides = array<i32>} : memref<1024xf32, #tpu.memory_space<vmem>>, vector<16xf32>,
        %get3A_1681 = vector.shape_cast %get3A_1680 : vector<16xf32> to vector<16xf32>
        %mul3A_1682 = arith.mulf %mul3A_611, %get3A_1681 : vector<16xf32>
        %sub3A_1683 = arith.subf %get3A_1678, %mul3A_580 : vector<16xf32>
        %mul3A_1684 = arith.mulf %sub3A_1683, %mul3A_1682 : vector<16xf32>
        %get3A_1685 = arith.constant 896 : index
        %get3A_1686 = tpu.vector_load %arg12[%get3A_1685] {strides = array<i32>} : memref<1024xf32, #tpu.memory_space<vmem>>, vector<16xf32>,
        %get3A_1687 = vector.shape_cast %get3A_1686 : vector<16xf32> to vector<16xf32>
        %add3A_1688 = arith.addf %mul3A_1684, %get3A_1687 : vector<16xf32>
        %swap3A_1689 = arith.index_cast %scan3A_72 : i32 to index
        %swap3A_1690 = arith.constant 896 : index
        %swap3A_1691 = tpu.vector_load %arg9[%swap3A_1689, %swap3A_1690] {strides = array<i32>} : memref<32x1024xf32, #tpu.memory_space<vmem>>, vector<1x16xf32>,
        %swap3A_1692 = vector.shape_cast %swap3A_1691 : vector<1x16xf32> to vector<16xf32>
        %swap3A_1693 = vector.shape_cast %add3A_1688 : vector<16xf32> to vector<1x16xf32>
        tpu.vector_store %arg9[%swap3A_1689, %swap3A_1690], %swap3A_1693 {strides = array<i32>} : memref<32x1024xf32, #tpu.memory_space<vmem>>, vector<1x16xf32>,
        %get3A_1694 = arith.index_cast %scan3A_72 : i32 to index
        %get3A_1695 = arith.constant 912 : index
        %get3A_1696 = tpu.vector_load %arg9[%get3A_1694, %get3A_1695] {strides = array<i32>} : memref<32x1024xf32, #tpu.memory_space<vmem>>, vector<1x16xf32>,
        %get3A_1697 = vector.shape_cast %get3A_1696 : vector<1x16xf32> to vector<16xf32>
        %get3A_1698 = arith.constant 912 : index
        %get3A_1699 = tpu.vector_load %arg11[%get3A_1698] {strides = array<i32>} : memref<1024xf32, #tpu.memory_space<vmem>>, vector<16xf32>,
        %get3A_1700 = vector.shape_cast %get3A_1699 : vector<16xf32> to vector<16xf32>
        %mul3A_1701 = arith.mulf %mul3A_611, %get3A_1700 : vector<16xf32>
        %sub3A_1702 = arith.subf %get3A_1697, %mul3A_580 : vector<16xf32>
        %mul3A_1703 = arith.mulf %sub3A_1702, %mul3A_1701 : vector<16xf32>
        %get3A_1704 = arith.constant 912 : index
        %get3A_1705 = tpu.vector_load %arg12[%get3A_1704] {strides = array<i32>} : memref<1024xf32, #tpu.memory_space<vmem>>, vector<16xf32>,
        %get3A_1706 = vector.shape_cast %get3A_1705 : vector<16xf32> to vector<16xf32>
        %add3A_1707 = arith.addf %mul3A_1703, %get3A_1706 : vector<16xf32>
        %swap3A_1708 = arith.index_cast %scan3A_72 : i32 to index
        %swap3A_1709 = arith.constant 912 : index
        %swap3A_1710 = tpu.vector_load %arg9[%swap3A_1708, %swap3A_1709] {strides = array<i32>} : memref<32x1024xf32, #tpu.memory_space<vmem>>, vector<1x16xf32>,
        %swap3A_1711 = vector.shape_cast %swap3A_1710 : vector<1x16xf32> to vector<16xf32>
        %swap3A_1712 = vector.shape_cast %add3A_1707 : vector<16xf32> to vector<1x16xf32>
        tpu.vector_store %arg9[%swap3A_1708, %swap3A_1709], %swap3A_1712 {strides = array<i32>} : memref<32x1024xf32, #tpu.memory_space<vmem>>, vector<1x16xf32>,
        %get3A_1713 = arith.index_cast %scan3A_72 : i32 to index
        %get3A_1714 = arith.constant 928 : index
        %get3A_1715 = tpu.vector_load %arg9[%get3A_1713, %get3A_1714] {strides = array<i32>} : memref<32x1024xf32, #tpu.memory_space<vmem>>, vector<1x16xf32>,
        %get3A_1716 = vector.shape_cast %get3A_1715 : vector<1x16xf32> to vector<16xf32>
        %get3A_1717 = arith.constant 928 : index
        %get3A_1718 = tpu.vector_load %arg11[%get3A_1717] {strides = array<i32>} : memref<1024xf32, #tpu.memory_space<vmem>>, vector<16xf32>,
        %get3A_1719 = vector.shape_cast %get3A_1718 : vector<16xf32> to vector<16xf32>
        %mul3A_1720 = arith.mulf %mul3A_611, %get3A_1719 : vector<16xf32>
        %sub3A_1721 = arith.subf %get3A_1716, %mul3A_580 : vector<16xf32>
        %mul3A_1722 = arith.mulf %sub3A_1721, %mul3A_1720 : vector<16xf32>
        %get3A_1723 = arith.constant 928 : index
        %get3A_1724 = tpu.vector_load %arg12[%get3A_1723] {strides = array<i32>} : memref<1024xf32, #tpu.memory_space<vmem>>, vector<16xf32>,
        %get3A_1725 = vector.shape_cast %get3A_1724 : vector<16xf32> to vector<16xf32>
        %add3A_1726 = arith.addf %mul3A_1722, %get3A_1725 : vector<16xf32>
        %swap3A_1727 = arith.index_cast %scan3A_72 : i32 to index
        %swap3A_1728 = arith.constant 928 : index
        %swap3A_1729 = tpu.vector_load %arg9[%swap3A_1727, %swap3A_1728] {strides = array<i32>} : memref<32x1024xf32, #tpu.memory_space<vmem>>, vector<1x16xf32>,
        %swap3A_1730 = vector.shape_cast %swap3A_1729 : vector<1x16xf32> to vector<16xf32>
        %swap3A_1731 = vector.shape_cast %add3A_1726 : vector<16xf32> to vector<1x16xf32>
        tpu.vector_store %arg9[%swap3A_1727, %swap3A_1728], %swap3A_1731 {strides = array<i32>} : memref<32x1024xf32, #tpu.memory_space<vmem>>, vector<1x16xf32>,
        %get3A_1732 = arith.index_cast %scan3A_72 : i32 to index
        %get3A_1733 = arith.constant 944 : index
        %get3A_1734 = tpu.vector_load %arg9[%get3A_1732, %get3A_1733] {strides = array<i32>} : memref<32x1024xf32, #tpu.memory_space<vmem>>, vector<1x16xf32>,
        %get3A_1735 = vector.shape_cast %get3A_1734 : vector<1x16xf32> to vector<16xf32>
        %get3A_1736 = arith.constant 944 : index
        %get3A_1737 = tpu.vector_load %arg11[%get3A_1736] {strides = array<i32>} : memref<1024xf32, #tpu.memory_space<vmem>>, vector<16xf32>,
        %get3A_1738 = vector.shape_cast %get3A_1737 : vector<16xf32> to vector<16xf32>
        %mul3A_1739 = arith.mulf %mul3A_611, %get3A_1738 : vector<16xf32>
        %sub3A_1740 = arith.subf %get3A_1735, %mul3A_580 : vector<16xf32>
        %mul3A_1741 = arith.mulf %sub3A_1740, %mul3A_1739 : vector<16xf32>
        %get3A_1742 = arith.constant 944 : index
        %get3A_1743 = tpu.vector_load %arg12[%get3A_1742] {strides = array<i32>} : memref<1024xf32, #tpu.memory_space<vmem>>, vector<16xf32>,
        %get3A_1744 = vector.shape_cast %get3A_1743 : vector<16xf32> to vector<16xf32>
        %add3A_1745 = arith.addf %mul3A_1741, %get3A_1744 : vector<16xf32>
        %swap3A_1746 = arith.index_cast %scan3A_72 : i32 to index
        %swap3A_1747 = arith.constant 944 : index
        %swap3A_1748 = tpu.vector_load %arg9[%swap3A_1746, %swap3A_1747] {strides = array<i32>} : memref<32x1024xf32, #tpu.memory_space<vmem>>, vector<1x16xf32>,
        %swap3A_1749 = vector.shape_cast %swap3A_1748 : vector<1x16xf32> to vector<16xf32>
        %swap3A_1750 = vector.shape_cast %add3A_1745 : vector<16xf32> to vector<1x16xf32>
        tpu.vector_store %arg9[%swap3A_1746, %swap3A_1747], %swap3A_1750 {strides = array<i32>} : memref<32x1024xf32, #tpu.memory_space<vmem>>, vector<1x16xf32>,
        %get3A_1751 = arith.index_cast %scan3A_72 : i32 to index
        %get3A_1752 = arith.constant 960 : index
        %get3A_1753 = tpu.vector_load %arg9[%get3A_1751, %get3A_1752] {strides = array<i32>} : memref<32x1024xf32, #tpu.memory_space<vmem>>, vector<1x16xf32>,
        %get3A_1754 = vector.shape_cast %get3A_1753 : vector<1x16xf32> to vector<16xf32>
        %get3A_1755 = arith.constant 960 : index
        %get3A_1756 = tpu.vector_load %arg11[%get3A_1755] {strides = array<i32>} : memref<1024xf32, #tpu.memory_space<vmem>>, vector<16xf32>,
        %get3A_1757 = vector.shape_cast %get3A_1756 : vector<16xf32> to vector<16xf32>
        %mul3A_1758 = arith.mulf %mul3A_611, %get3A_1757 : vector<16xf32>
        %sub3A_1759 = arith.subf %get3A_1754, %mul3A_580 : vector<16xf32>
        %mul3A_1760 = arith.mulf %sub3A_1759, %mul3A_1758 : vector<16xf32>
        %get3A_1761 = arith.constant 960 : index
        %get3A_1762 = tpu.vector_load %arg12[%get3A_1761] {strides = array<i32>} : memref<1024xf32, #tpu.memory_space<vmem>>, vector<16xf32>,
        %get3A_1763 = vector.shape_cast %get3A_1762 : vector<16xf32> to vector<16xf32>
        %add3A_1764 = arith.addf %mul3A_1760, %get3A_1763 : vector<16xf32>
        %swap3A_1765 = arith.index_cast %scan3A_72 : i32 to index
        %swap3A_1766 = arith.constant 960 : index
        %swap3A_1767 = tpu.vector_load %arg9[%swap3A_1765, %swap3A_1766] {strides = array<i32>} : memref<32x1024xf32, #tpu.memory_space<vmem>>, vector<1x16xf32>,
        %swap3A_1768 = vector.shape_cast %swap3A_1767 : vector<1x16xf32> to vector<16xf32>
        %swap3A_1769 = vector.shape_cast %add3A_1764 : vector<16xf32> to vector<1x16xf32>
        tpu.vector_store %arg9[%swap3A_1765, %swap3A_1766], %swap3A_1769 {strides = array<i32>} : memref<32x1024xf32, #tpu.memory_space<vmem>>, vector<1x16xf32>,
        %get3A_1770 = arith.index_cast %scan3A_72 : i32 to index
        %get3A_1771 = arith.constant 976 : index
        %get3A_1772 = tpu.vector_load %arg9[%get3A_1770, %get3A_1771] {strides = array<i32>} : memref<32x1024xf32, #tpu.memory_space<vmem>>, vector<1x16xf32>,
        %get3A_1773 = vector.shape_cast %get3A_1772 : vector<1x16xf32> to vector<16xf32>
        %get3A_1774 = arith.constant 976 : index
        %get3A_1775 = tpu.vector_load %arg11[%get3A_1774] {strides = array<i32>} : memref<1024xf32, #tpu.memory_space<vmem>>, vector<16xf32>,
        %get3A_1776 = vector.shape_cast %get3A_1775 : vector<16xf32> to vector<16xf32>
        %mul3A_1777 = arith.mulf %mul3A_611, %get3A_1776 : vector<16xf32>
        %sub3A_1778 = arith.subf %get3A_1773, %mul3A_580 : vector<16xf32>
        %mul3A_1779 = arith.mulf %sub3A_1778, %mul3A_1777 : vector<16xf32>
        %get3A_1780 = arith.constant 976 : index
        %get3A_1781 = tpu.vector_load %arg12[%get3A_1780] {strides = array<i32>} : memref<1024xf32, #tpu.memory_space<vmem>>, vector<16xf32>,
        %get3A_1782 = vector.shape_cast %get3A_1781 : vector<16xf32> to vector<16xf32>
        %add3A_1783 = arith.addf %mul3A_1779, %get3A_1782 : vector<16xf32>
        %swap3A_1784 = arith.index_cast %scan3A_72 : i32 to index
        %swap3A_1785 = arith.constant 976 : index
        %swap3A_1786 = tpu.vector_load %arg9[%swap3A_1784, %swap3A_1785] {strides = array<i32>} : memref<32x1024xf32, #tpu.memory_space<vmem>>, vector<1x16xf32>,
        %swap3A_1787 = vector.shape_cast %swap3A_1786 : vector<1x16xf32> to vector<16xf32>
        %swap3A_1788 = vector.shape_cast %add3A_1783 : vector<16xf32> to vector<1x16xf32>
        tpu.vector_store %arg9[%swap3A_1784, %swap3A_1785], %swap3A_1788 {strides = array<i32>} : memref<32x1024xf32, #tpu.memory_space<vmem>>, vector<1x16xf32>,
        %get3A_1789 = arith.index_cast %scan3A_72 : i32 to index
        %get3A_1790 = arith.constant 992 : index
        %get3A_1791 = tpu.vector_load %arg9[%get3A_1789, %get3A_1790] {strides = array<i32>} : memref<32x1024xf32, #tpu.memory_space<vmem>>, vector<1x16xf32>,
        %get3A_1792 = vector.shape_cast %get3A_1791 : vector<1x16xf32> to vector<16xf32>
        %get3A_1793 = arith.constant 992 : index
        %get3A_1794 = tpu.vector_load %arg11[%get3A_1793] {strides = array<i32>} : memref<1024xf32, #tpu.memory_space<vmem>>, vector<16xf32>,
        %get3A_1795 = vector.shape_cast %get3A_1794 : vector<16xf32> to vector<16xf32>
        %mul3A_1796 = arith.mulf %mul3A_611, %get3A_1795 : vector<16xf32>
        %sub3A_1797 = arith.subf %get3A_1792, %mul3A_580 : vector<16xf32>
        %mul3A_1798 = arith.mulf %sub3A_1797, %mul3A_1796 : vector<16xf32>
        %get3A_1799 = arith.constant 992 : index
        %get3A_1800 = tpu.vector_load %arg12[%get3A_1799] {strides = array<i32>} : memref<1024xf32, #tpu.memory_space<vmem>>, vector<16xf32>,
        %get3A_1801 = vector.shape_cast %get3A_1800 : vector<16xf32> to vector<16xf32>
        %add3A_1802 = arith.addf %mul3A_1798, %get3A_1801 : vector<16xf32>
        %swap3A_1803 = arith.index_cast %scan3A_72 : i32 to index
        %swap3A_1804 = arith.constant 992 : index
        %swap3A_1805 = tpu.vector_load %arg9[%swap3A_1803, %swap3A_1804] {strides = array<i32>} : memref<32x1024xf32, #tpu.memory_space<vmem>>, vector<1x16xf32>,
        %swap3A_1806 = vector.shape_cast %swap3A_1805 : vector<1x16xf32> to vector<16xf32>
        %swap3A_1807 = vector.shape_cast %add3A_1802 : vector<16xf32> to vector<1x16xf32>
        tpu.vector_store %arg9[%swap3A_1803, %swap3A_1804], %swap3A_1807 {strides = array<i32>} : memref<32x1024xf32, #tpu.memory_space<vmem>>, vector<1x16xf32>,
        %get3A_1808 = arith.index_cast %scan3A_72 : i32 to index
        %get3A_1809 = arith.constant 1008 : index
        %get3A_1810 = tpu.vector_load %arg9[%get3A_1808, %get3A_1809] {strides = array<i32>} : memref<32x1024xf32, #tpu.memory_space<vmem>>, vector<1x16xf32>,
        %get3A_1811 = vector.shape_cast %get3A_1810 : vector<1x16xf32> to vector<16xf32>
        %get3A_1812 = arith.constant 1008 : index
        %get3A_1813 = tpu.vector_load %arg11[%get3A_1812] {strides = array<i32>} : memref<1024xf32, #tpu.memory_space<vmem>>, vector<16xf32>,
        %get3A_1814 = vector.shape_cast %get3A_1813 : vector<16xf32> to vector<16xf32>
        %mul3A_1815 = arith.mulf %mul3A_611, %get3A_1814 : vector<16xf32>
        %sub3A_1816 = arith.subf %get3A_1811, %mul3A_580 : vector<16xf32>
        %mul3A_1817 = arith.mulf %sub3A_1816, %mul3A_1815 : vector<16xf32>
        %get3A_1818 = arith.constant 1008 : index
        %get3A_1819 = tpu.vector_load %arg12[%get3A_1818] {strides = array<i32>} : memref<1024xf32, #tpu.memory_space<vmem>>, vector<16xf32>,
        %get3A_1820 = vector.shape_cast %get3A_1819 : vector<16xf32> to vector<16xf32>
        %add3A_1821 = arith.addf %mul3A_1817, %get3A_1820 : vector<16xf32>
        %swap3A_1822 = arith.index_cast %scan3A_72 : i32 to index
        %swap3A_1823 = arith.constant 1008 : index
        %swap3A_1824 = tpu.vector_load %arg9[%swap3A_1822, %swap3A_1823] {strides = array<i32>} : memref<32x1024xf32, #tpu.memory_space<vmem>>, vector<1x16xf32>,
        %swap3A_1825 = vector.shape_cast %swap3A_1824 : vector<1x16xf32> to vector<16xf32>
        %swap3A_1826 = vector.shape_cast %add3A_1821 : vector<16xf32> to vector<1x16xf32>
        tpu.vector_store %arg9[%swap3A_1822, %swap3A_1823], %swap3A_1826 {strides = array<i32>} : memref<32x1024xf32, #tpu.memory_space<vmem>>, vector<1x16xf32>,
      }
      %scan3A_37 = arith.constant 32 : i32
      %dma_start3A_38 = arith.constant 0 : i32
      %dma_start3A_39 = tpu.memref_slice %arg6[%add3A_22, %dma_start3A_38] : memref<16384x1024xf32, #tpu.memory_space<hbm>> -> memref<32x1024xf32, #tpu.memory_space<hbm>>
      %dma_start3A_40 = arith.constant 0 : i32
      %dma_start3A_41 = tpu.memref_slice %arg6[%add3A_22, %dma_start3A_40] : memref<16384x1024xf32, #tpu.memory_space<hbm>> -> memref<32x1024xf32, #tpu.memory_space<hbm>>
      tpu.enqueue_dma source(%arg9 : memref<32x1024xf32, #tpu.memory_space<vmem>>) target(%dma_start3A_41 : memref<32x1024xf32, #tpu.memory_space<hbm>>) target_semaphore(%arg15 : memref<!tpu.dma_semaphore, #tpu.memory_space<semaphore_mem>>)
      %mul3A_42 = arith.constant 2 : i32
      %mul3A_43 = arith.muli %mul3A_42, %scan3A_15 : i32
      %add3A_44 = arith.constant 1 : i32
      %add3A_45 = arith.addi %mul3A_43, %add3A_44 : i32
      %mul3A_46 = arith.constant 32 : i32
      %mul3A_47 = arith.muli %add3A_45, %mul3A_46 : i32
      %add3A_48 = arith.addi %mul3A_2, %mul3A_47 : i32
      %dma_wait3A_49 = arith.constant 0 : i32
      %dma_wait3A_50 = arith.constant 0 : i32
      %dma_wait3A_51 = tpu.memref_slice %arg3[%dma_wait3A_49, %dma_wait3A_50] : memref<100000x1024xf32, #tpu.memory_space<hbm>> -> memref<100000x1024xf32, #tpu.memory_space<hbm>>
      tpu.wait_indirect_dma semaphore(%arg14 : memref<!tpu.dma_semaphore, #tpu.memory_space<semaphore_mem>>) src(%dma_wait3A_51 : memref<100000x1024xf32, #tpu.memory_space<hbm>>) dst(%arg10 : memref<32x1024xf32, #tpu.memory_space<vmem>>)
      %ge3A_52 = arith.constant 1 : i32
      %ge3A_53 = arith.cmpi sge, %add3A_45, %ge3A_52 : i32
      %convert_element_type3A_54 = arith.extui %ge3A_53 : i1 to i32
      %cond3A_55 = arith.constant 0 : i32
      %cond3A_56 = arith.cmpi ne, %convert_element_type3A_54, %cond3A_55 : i32
      scf.if %cond3A_56 {
        %sub3A = arith.constant 32 : i32
        %sub3A_72 = arith.subi %add3A_48, %sub3A : i32
        %dma_wait3A_73 = arith.constant 0 : i32
        %dma_wait3A_74 = tpu.memref_slice %arg6[%sub3A_72, %dma_wait3A_73] : memref<16384x1024xf32, #tpu.memory_space<hbm>> -> memref<32x1024xf32, #tpu.memory_space<hbm>>
        %dma_wait3A_75 = arith.constant 0 : i32
        %dma_wait3A_76 = tpu.memref_slice %arg6[%sub3A_72, %dma_wait3A_75] : memref<16384x1024xf32, #tpu.memory_space<hbm>> -> memref<32x1024xf32, #tpu.memory_space<hbm>>
        tpu.wait_dma2 semaphore(%arg15 : memref<!tpu.dma_semaphore, #tpu.memory_space<semaphore_mem>>) src(%arg9 : memref<32x1024xf32, #tpu.memory_space<vmem>>) dst(%dma_wait3A_76 : memref<32x1024xf32, #tpu.memory_space<hbm>>)
      } else {
      }
      %lt3A_57 = arith.constant 15 : i32
      %lt3A_58 = arith.cmpi slt, %add3A_45, %lt3A_57 : i32
      %convert_element_type3A_59 = arith.extui %lt3A_58 : i1 to i32
      %cond3A_60 = arith.constant 0 : i32
      %cond3A_61 = arith.cmpi ne, %convert_element_type3A_59, %cond3A_60 : i32
      scf.if %cond3A_61 {
        %add3A_72 = arith.constant 32 : i32
        %add3A_73 = arith.addi %add3A_48, %add3A_72 : i32
        "tpu.region"() ({
          %run_scoped3A = tpu.sem_alloc : memref<!tpu.dma_semaphore, #tpu.memory_space<semaphore_mem>>
          %dma_start3A_77 = tpu.memref_slice %arg2[%add3A_73] : memref<16384xi32, #tpu.memory_space<hbm>> -> memref<32xi32, #tpu.memory_space<hbm>>
          %dma_start3A_78 = tpu.memref_slice %arg2[%add3A_73] : memref<16384xi32, #tpu.memory_space<hbm>> -> memref<32xi32, #tpu.memory_space<hbm>>
          tpu.enqueue_dma source(%dma_start3A_78 : memref<32xi32, #tpu.memory_space<hbm>>) target(%arg7 : memref<32xi32, #tpu.memory_space<vmem>>) target_semaphore(%run_scoped3A : memref<!tpu.dma_semaphore, #tpu.memory_space<semaphore_mem>>)
          %dma_wait3A_79 = tpu.memref_slice %arg2[%add3A_73] : memref<16384xi32, #tpu.memory_space<hbm>> -> memref<32xi32, #tpu.memory_space<hbm>>
          %dma_wait3A_80 = tpu.memref_slice %arg2[%add3A_73] : memref<16384xi32, #tpu.memory_space<hbm>> -> memref<32xi32, #tpu.memory_space<hbm>>
          tpu.wait_dma2 semaphore(%run_scoped3A : memref<!tpu.dma_semaphore, #tpu.memory_space<semaphore_mem>>) src(%dma_wait3A_80 : memref<32xi32, #tpu.memory_space<hbm>>) dst(%arg7 : memref<32xi32, #tpu.memory_space<vmem>>)
          tpu.yield
        }) : () -> ()
        %dma_start3A_74 = arith.constant 0 : i32
        %dma_start3A_75 = arith.constant 0 : i32
        %dma_start3A_76 = tpu.memref_slice %arg3[%dma_start3A_74, %dma_start3A_75] : memref<100000x1024xf32, #tpu.memory_space<hbm>> -> memref<100000x1024xf32, #tpu.memory_space<hbm>>
        tpu.enqueue_indirect_dma source(%dma_start3A_76 : memref<100000x1024xf32, #tpu.memory_space<hbm>>) target(%arg9 : memref<32x1024xf32, #tpu.memory_space<vmem>>) offsets(%arg7 : memref<32xi32, #tpu.memory_space<vmem>>) semaphore(%arg13 : memref<!tpu.dma_semaphore, #tpu.memory_space<semaphore_mem>>)
      } else {
      }
      %scan3A_62 = arith.constant 0 : i32
      %scan3A_63 = arith.constant 0 : i32
      %scan3A_64 = arith.constant 32 : i32
      %scan3A_65 = arith.addi %scan3A_63, %scan3A_64 : i32
      %scan3A_66 = arith.constant 1 : i32
      scf.for %scan3A_72 = %scan3A_63 to %scan3A_65 step %scan3A_66  : i32 {
        %broadcast_in_dim3A = arith.constant 0.000000e+00 : f32
        %broadcast_in_dim3A_73 = vector.broadcast %broadcast_in_dim3A : f32 to vector<16xf32>
        %broadcast_in_dim3A_74 = arith.constant 0.000000e+00 : f32
        %broadcast_in_dim3A_75 = vector.broadcast %broadcast_in_dim3A_74 : f32 to vector<16xf32>
        %get3A = arith.index_cast %scan3A_72 : i32 to index
        %get3A_76 = arith.constant 0 : index
        %get3A_77 = tpu.vector_load %arg10[%get3A, %get3A_76] {strides = array<i32>} : memref<32x1024xf32, #tpu.memory_space<vmem>>, vector<1x16xf32>,
        %get3A_78 = vector.shape_cast %get3A_77 : vector<1x16xf32> to vector<16xf32>
        %add3A_79 = arith.addf %broadcast_in_dim3A_73, %get3A_78 : vector<16xf32>
        %mul3A_80 = arith.mulf %get3A_78, %get3A_78 : vector<16xf32>
        %add3A_81 = arith.addf %broadcast_in_dim3A_75, %mul3A_80 : vector<16xf32>
        %get3A_82 = arith.index_cast %scan3A_72 : i32 to index
        %get3A_83 = arith.constant 16 : index
        %get3A_84 = tpu.vector_load %arg10[%get3A_82, %get3A_83] {strides = array<i32>} : memref<32x1024xf32, #tpu.memory_space<vmem>>, vector<1x16xf32>,
        %get3A_85 = vector.shape_cast %get3A_84 : vector<1x16xf32> to vector<16xf32>
        %add3A_86 = arith.addf %add3A_79, %get3A_85 : vector<16xf32>
        %mul3A_87 = arith.mulf %get3A_85, %get3A_85 : vector<16xf32>
        %add3A_88 = arith.addf %add3A_81, %mul3A_87 : vector<16xf32>
        %get3A_89 = arith.index_cast %scan3A_72 : i32 to index
        %get3A_90 = arith.constant 32 : index
        %get3A_91 = tpu.vector_load %arg10[%get3A_89, %get3A_90] {strides = array<i32>} : memref<32x1024xf32, #tpu.memory_space<vmem>>, vector<1x16xf32>,
        %get3A_92 = vector.shape_cast %get3A_91 : vector<1x16xf32> to vector<16xf32>
        %add3A_93 = arith.addf %add3A_86, %get3A_92 : vector<16xf32>
        %mul3A_94 = arith.mulf %get3A_92, %get3A_92 : vector<16xf32>
        %add3A_95 = arith.addf %add3A_88, %mul3A_94 : vector<16xf32>
        %get3A_96 = arith.index_cast %scan3A_72 : i32 to index
        %get3A_97 = arith.constant 48 : index
        %get3A_98 = tpu.vector_load %arg10[%get3A_96, %get3A_97] {strides = array<i32>} : memref<32x1024xf32, #tpu.memory_space<vmem>>, vector<1x16xf32>,
        %get3A_99 = vector.shape_cast %get3A_98 : vector<1x16xf32> to vector<16xf32>
        %add3A_100 = arith.addf %add3A_93, %get3A_99 : vector<16xf32>
        %mul3A_101 = arith.mulf %get3A_99, %get3A_99 : vector<16xf32>
        %add3A_102 = arith.addf %add3A_95, %mul3A_101 : vector<16xf32>
        %get3A_103 = arith.index_cast %scan3A_72 : i32 to index
        %get3A_104 = arith.constant 64 : index
        %get3A_105 = tpu.vector_load %arg10[%get3A_103, %get3A_104] {strides = array<i32>} : memref<32x1024xf32, #tpu.memory_space<vmem>>, vector<1x16xf32>,
        %get3A_106 = vector.shape_cast %get3A_105 : vector<1x16xf32> to vector<16xf32>
        %add3A_107 = arith.addf %add3A_100, %get3A_106 : vector<16xf32>
        %mul3A_108 = arith.mulf %get3A_106, %get3A_106 : vector<16xf32>
        %add3A_109 = arith.addf %add3A_102, %mul3A_108 : vector<16xf32>
        %get3A_110 = arith.index_cast %scan3A_72 : i32 to index
        %get3A_111 = arith.constant 80 : index
        %get3A_112 = tpu.vector_load %arg10[%get3A_110, %get3A_111] {strides = array<i32>} : memref<32x1024xf32, #tpu.memory_space<vmem>>, vector<1x16xf32>,
        %get3A_113 = vector.shape_cast %get3A_112 : vector<1x16xf32> to vector<16xf32>
        %add3A_114 = arith.addf %add3A_107, %get3A_113 : vector<16xf32>
        %mul3A_115 = arith.mulf %get3A_113, %get3A_113 : vector<16xf32>
        %add3A_116 = arith.addf %add3A_109, %mul3A_115 : vector<16xf32>
        %get3A_117 = arith.index_cast %scan3A_72 : i32 to index
        %get3A_118 = arith.constant 96 : index
        %get3A_119 = tpu.vector_load %arg10[%get3A_117, %get3A_118] {strides = array<i32>} : memref<32x1024xf32, #tpu.memory_space<vmem>>, vector<1x16xf32>,
        %get3A_120 = vector.shape_cast %get3A_119 : vector<1x16xf32> to vector<16xf32>
        %add3A_121 = arith.addf %add3A_114, %get3A_120 : vector<16xf32>
        %mul3A_122 = arith.mulf %get3A_120, %get3A_120 : vector<16xf32>
        %add3A_123 = arith.addf %add3A_116, %mul3A_122 : vector<16xf32>
        %get3A_124 = arith.index_cast %scan3A_72 : i32 to index
        %get3A_125 = arith.constant 112 : index
        %get3A_126 = tpu.vector_load %arg10[%get3A_124, %get3A_125] {strides = array<i32>} : memref<32x1024xf32, #tpu.memory_space<vmem>>, vector<1x16xf32>,
        %get3A_127 = vector.shape_cast %get3A_126 : vector<1x16xf32> to vector<16xf32>
        %add3A_128 = arith.addf %add3A_121, %get3A_127 : vector<16xf32>
        %mul3A_129 = arith.mulf %get3A_127, %get3A_127 : vector<16xf32>
        %add3A_130 = arith.addf %add3A_123, %mul3A_129 : vector<16xf32>
        %get3A_131 = arith.index_cast %scan3A_72 : i32 to index
        %get3A_132 = arith.constant 128 : index
        %get3A_133 = tpu.vector_load %arg10[%get3A_131, %get3A_132] {strides = array<i32>} : memref<32x1024xf32, #tpu.memory_space<vmem>>, vector<1x16xf32>,
        %get3A_134 = vector.shape_cast %get3A_133 : vector<1x16xf32> to vector<16xf32>
        %add3A_135 = arith.addf %add3A_128, %get3A_134 : vector<16xf32>
        %mul3A_136 = arith.mulf %get3A_134, %get3A_134 : vector<16xf32>
        %add3A_137 = arith.addf %add3A_130, %mul3A_136 : vector<16xf32>
        %get3A_138 = arith.index_cast %scan3A_72 : i32 to index
        %get3A_139 = arith.constant 144 : index
        %get3A_140 = tpu.vector_load %arg10[%get3A_138, %get3A_139] {strides = array<i32>} : memref<32x1024xf32, #tpu.memory_space<vmem>>, vector<1x16xf32>,
        %get3A_141 = vector.shape_cast %get3A_140 : vector<1x16xf32> to vector<16xf32>
        %add3A_142 = arith.addf %add3A_135, %get3A_141 : vector<16xf32>
        %mul3A_143 = arith.mulf %get3A_141, %get3A_141 : vector<16xf32>
        %add3A_144 = arith.addf %add3A_137, %mul3A_143 : vector<16xf32>
        %get3A_145 = arith.index_cast %scan3A_72 : i32 to index
        %get3A_146 = arith.constant 160 : index
        %get3A_147 = tpu.vector_load %arg10[%get3A_145, %get3A_146] {strides = array<i32>} : memref<32x1024xf32, #tpu.memory_space<vmem>>, vector<1x16xf32>,
        %get3A_148 = vector.shape_cast %get3A_147 : vector<1x16xf32> to vector<16xf32>
        %add3A_149 = arith.addf %add3A_142, %get3A_148 : vector<16xf32>
        %mul3A_150 = arith.mulf %get3A_148, %get3A_148 : vector<16xf32>
        %add3A_151 = arith.addf %add3A_144, %mul3A_150 : vector<16xf32>
        %get3A_152 = arith.index_cast %scan3A_72 : i32 to index
        %get3A_153 = arith.constant 176 : index
        %get3A_154 = tpu.vector_load %arg10[%get3A_152, %get3A_153] {strides = array<i32>} : memref<32x1024xf32, #tpu.memory_space<vmem>>, vector<1x16xf32>,
        %get3A_155 = vector.shape_cast %get3A_154 : vector<1x16xf32> to vector<16xf32>
        %add3A_156 = arith.addf %add3A_149, %get3A_155 : vector<16xf32>
        %mul3A_157 = arith.mulf %get3A_155, %get3A_155 : vector<16xf32>
        %add3A_158 = arith.addf %add3A_151, %mul3A_157 : vector<16xf32>
        %get3A_159 = arith.index_cast %scan3A_72 : i32 to index
        %get3A_160 = arith.constant 192 : index
        %get3A_161 = tpu.vector_load %arg10[%get3A_159, %get3A_160] {strides = array<i32>} : memref<32x1024xf32, #tpu.memory_space<vmem>>, vector<1x16xf32>,
        %get3A_162 = vector.shape_cast %get3A_161 : vector<1x16xf32> to vector<16xf32>
        %add3A_163 = arith.addf %add3A_156, %get3A_162 : vector<16xf32>
        %mul3A_164 = arith.mulf %get3A_162, %get3A_162 : vector<16xf32>
        %add3A_165 = arith.addf %add3A_158, %mul3A_164 : vector<16xf32>
        %get3A_166 = arith.index_cast %scan3A_72 : i32 to index
        %get3A_167 = arith.constant 208 : index
        %get3A_168 = tpu.vector_load %arg10[%get3A_166, %get3A_167] {strides = array<i32>} : memref<32x1024xf32, #tpu.memory_space<vmem>>, vector<1x16xf32>,
        %get3A_169 = vector.shape_cast %get3A_168 : vector<1x16xf32> to vector<16xf32>
        %add3A_170 = arith.addf %add3A_163, %get3A_169 : vector<16xf32>
        %mul3A_171 = arith.mulf %get3A_169, %get3A_169 : vector<16xf32>
        %add3A_172 = arith.addf %add3A_165, %mul3A_171 : vector<16xf32>
        %get3A_173 = arith.index_cast %scan3A_72 : i32 to index
        %get3A_174 = arith.constant 224 : index
        %get3A_175 = tpu.vector_load %arg10[%get3A_173, %get3A_174] {strides = array<i32>} : memref<32x1024xf32, #tpu.memory_space<vmem>>, vector<1x16xf32>,
        %get3A_176 = vector.shape_cast %get3A_175 : vector<1x16xf32> to vector<16xf32>
        %add3A_177 = arith.addf %add3A_170, %get3A_176 : vector<16xf32>
        %mul3A_178 = arith.mulf %get3A_176, %get3A_176 : vector<16xf32>
        %add3A_179 = arith.addf %add3A_172, %mul3A_178 : vector<16xf32>
        %get3A_180 = arith.index_cast %scan3A_72 : i32 to index
        %get3A_181 = arith.constant 240 : index
        %get3A_182 = tpu.vector_load %arg10[%get3A_180, %get3A_181] {strides = array<i32>} : memref<32x1024xf32, #tpu.memory_space<vmem>>, vector<1x16xf32>,
        %get3A_183 = vector.shape_cast %get3A_182 : vector<1x16xf32> to vector<16xf32>
        %add3A_184 = arith.addf %add3A_177, %get3A_183 : vector<16xf32>
        %mul3A_185 = arith.mulf %get3A_183, %get3A_183 : vector<16xf32>
        %add3A_186 = arith.addf %add3A_179, %mul3A_185 : vector<16xf32>
        %get3A_187 = arith.index_cast %scan3A_72 : i32 to index
        %get3A_188 = arith.constant 256 : index
        %get3A_189 = tpu.vector_load %arg10[%get3A_187, %get3A_188] {strides = array<i32>} : memref<32x1024xf32, #tpu.memory_space<vmem>>, vector<1x16xf32>,
        %get3A_190 = vector.shape_cast %get3A_189 : vector<1x16xf32> to vector<16xf32>
        %add3A_191 = arith.addf %add3A_184, %get3A_190 : vector<16xf32>
        %mul3A_192 = arith.mulf %get3A_190, %get3A_190 : vector<16xf32>
        %add3A_193 = arith.addf %add3A_186, %mul3A_192 : vector<16xf32>
        %get3A_194 = arith.index_cast %scan3A_72 : i32 to index
        %get3A_195 = arith.constant 272 : index
        %get3A_196 = tpu.vector_load %arg10[%get3A_194, %get3A_195] {strides = array<i32>} : memref<32x1024xf32, #tpu.memory_space<vmem>>, vector<1x16xf32>,
        %get3A_197 = vector.shape_cast %get3A_196 : vector<1x16xf32> to vector<16xf32>
        %add3A_198 = arith.addf %add3A_191, %get3A_197 : vector<16xf32>
        %mul3A_199 = arith.mulf %get3A_197, %get3A_197 : vector<16xf32>
        %add3A_200 = arith.addf %add3A_193, %mul3A_199 : vector<16xf32>
        %get3A_201 = arith.index_cast %scan3A_72 : i32 to index
        %get3A_202 = arith.constant 288 : index
        %get3A_203 = tpu.vector_load %arg10[%get3A_201, %get3A_202] {strides = array<i32>} : memref<32x1024xf32, #tpu.memory_space<vmem>>, vector<1x16xf32>,
        %get3A_204 = vector.shape_cast %get3A_203 : vector<1x16xf32> to vector<16xf32>
        %add3A_205 = arith.addf %add3A_198, %get3A_204 : vector<16xf32>
        %mul3A_206 = arith.mulf %get3A_204, %get3A_204 : vector<16xf32>
        %add3A_207 = arith.addf %add3A_200, %mul3A_206 : vector<16xf32>
        %get3A_208 = arith.index_cast %scan3A_72 : i32 to index
        %get3A_209 = arith.constant 304 : index
        %get3A_210 = tpu.vector_load %arg10[%get3A_208, %get3A_209] {strides = array<i32>} : memref<32x1024xf32, #tpu.memory_space<vmem>>, vector<1x16xf32>,
        %get3A_211 = vector.shape_cast %get3A_210 : vector<1x16xf32> to vector<16xf32>
        %add3A_212 = arith.addf %add3A_205, %get3A_211 : vector<16xf32>
        %mul3A_213 = arith.mulf %get3A_211, %get3A_211 : vector<16xf32>
        %add3A_214 = arith.addf %add3A_207, %mul3A_213 : vector<16xf32>
        %get3A_215 = arith.index_cast %scan3A_72 : i32 to index
        %get3A_216 = arith.constant 320 : index
        %get3A_217 = tpu.vector_load %arg10[%get3A_215, %get3A_216] {strides = array<i32>} : memref<32x1024xf32, #tpu.memory_space<vmem>>, vector<1x16xf32>,
        %get3A_218 = vector.shape_cast %get3A_217 : vector<1x16xf32> to vector<16xf32>
        %add3A_219 = arith.addf %add3A_212, %get3A_218 : vector<16xf32>
        %mul3A_220 = arith.mulf %get3A_218, %get3A_218 : vector<16xf32>
        %add3A_221 = arith.addf %add3A_214, %mul3A_220 : vector<16xf32>
        %get3A_222 = arith.index_cast %scan3A_72 : i32 to index
        %get3A_223 = arith.constant 336 : index
        %get3A_224 = tpu.vector_load %arg10[%get3A_222, %get3A_223] {strides = array<i32>} : memref<32x1024xf32, #tpu.memory_space<vmem>>, vector<1x16xf32>,
        %get3A_225 = vector.shape_cast %get3A_224 : vector<1x16xf32> to vector<16xf32>
        %add3A_226 = arith.addf %add3A_219, %get3A_225 : vector<16xf32>
        %mul3A_227 = arith.mulf %get3A_225, %get3A_225 : vector<16xf32>
        %add3A_228 = arith.addf %add3A_221, %mul3A_227 : vector<16xf32>
        %get3A_229 = arith.index_cast %scan3A_72 : i32 to index
        %get3A_230 = arith.constant 352 : index
        %get3A_231 = tpu.vector_load %arg10[%get3A_229, %get3A_230] {strides = array<i32>} : memref<32x1024xf32, #tpu.memory_space<vmem>>, vector<1x16xf32>,
        %get3A_232 = vector.shape_cast %get3A_231 : vector<1x16xf32> to vector<16xf32>
        %add3A_233 = arith.addf %add3A_226, %get3A_232 : vector<16xf32>
        %mul3A_234 = arith.mulf %get3A_232, %get3A_232 : vector<16xf32>
        %add3A_235 = arith.addf %add3A_228, %mul3A_234 : vector<16xf32>
        %get3A_236 = arith.index_cast %scan3A_72 : i32 to index
        %get3A_237 = arith.constant 368 : index
        %get3A_238 = tpu.vector_load %arg10[%get3A_236, %get3A_237] {strides = array<i32>} : memref<32x1024xf32, #tpu.memory_space<vmem>>, vector<1x16xf32>,
        %get3A_239 = vector.shape_cast %get3A_238 : vector<1x16xf32> to vector<16xf32>
        %add3A_240 = arith.addf %add3A_233, %get3A_239 : vector<16xf32>
        %mul3A_241 = arith.mulf %get3A_239, %get3A_239 : vector<16xf32>
        %add3A_242 = arith.addf %add3A_235, %mul3A_241 : vector<16xf32>
        %get3A_243 = arith.index_cast %scan3A_72 : i32 to index
        %get3A_244 = arith.constant 384 : index
        %get3A_245 = tpu.vector_load %arg10[%get3A_243, %get3A_244] {strides = array<i32>} : memref<32x1024xf32, #tpu.memory_space<vmem>>, vector<1x16xf32>,
        %get3A_246 = vector.shape_cast %get3A_245 : vector<1x16xf32> to vector<16xf32>
        %add3A_247 = arith.addf %add3A_240, %get3A_246 : vector<16xf32>
        %mul3A_248 = arith.mulf %get3A_246, %get3A_246 : vector<16xf32>
        %add3A_249 = arith.addf %add3A_242, %mul3A_248 : vector<16xf32>
        %get3A_250 = arith.index_cast %scan3A_72 : i32 to index
        %get3A_251 = arith.constant 400 : index
        %get3A_252 = tpu.vector_load %arg10[%get3A_250, %get3A_251] {strides = array<i32>} : memref<32x1024xf32, #tpu.memory_space<vmem>>, vector<1x16xf32>,
        %get3A_253 = vector.shape_cast %get3A_252 : vector<1x16xf32> to vector<16xf32>
        %add3A_254 = arith.addf %add3A_247, %get3A_253 : vector<16xf32>
        %mul3A_255 = arith.mulf %get3A_253, %get3A_253 : vector<16xf32>
        %add3A_256 = arith.addf %add3A_249, %mul3A_255 : vector<16xf32>
        %get3A_257 = arith.index_cast %scan3A_72 : i32 to index
        %get3A_258 = arith.constant 416 : index
        %get3A_259 = tpu.vector_load %arg10[%get3A_257, %get3A_258] {strides = array<i32>} : memref<32x1024xf32, #tpu.memory_space<vmem>>, vector<1x16xf32>,
        %get3A_260 = vector.shape_cast %get3A_259 : vector<1x16xf32> to vector<16xf32>
        %add3A_261 = arith.addf %add3A_254, %get3A_260 : vector<16xf32>
        %mul3A_262 = arith.mulf %get3A_260, %get3A_260 : vector<16xf32>
        %add3A_263 = arith.addf %add3A_256, %mul3A_262 : vector<16xf32>
        %get3A_264 = arith.index_cast %scan3A_72 : i32 to index
        %get3A_265 = arith.constant 432 : index
        %get3A_266 = tpu.vector_load %arg10[%get3A_264, %get3A_265] {strides = array<i32>} : memref<32x1024xf32, #tpu.memory_space<vmem>>, vector<1x16xf32>,
        %get3A_267 = vector.shape_cast %get3A_266 : vector<1x16xf32> to vector<16xf32>
        %add3A_268 = arith.addf %add3A_261, %get3A_267 : vector<16xf32>
        %mul3A_269 = arith.mulf %get3A_267, %get3A_267 : vector<16xf32>
        %add3A_270 = arith.addf %add3A_263, %mul3A_269 : vector<16xf32>
        %get3A_271 = arith.index_cast %scan3A_72 : i32 to index
        %get3A_272 = arith.constant 448 : index
        %get3A_273 = tpu.vector_load %arg10[%get3A_271, %get3A_272] {strides = array<i32>} : memref<32x1024xf32, #tpu.memory_space<vmem>>, vector<1x16xf32>,
        %get3A_274 = vector.shape_cast %get3A_273 : vector<1x16xf32> to vector<16xf32>
        %add3A_275 = arith.addf %add3A_268, %get3A_274 : vector<16xf32>
        %mul3A_276 = arith.mulf %get3A_274, %get3A_274 : vector<16xf32>
        %add3A_277 = arith.addf %add3A_270, %mul3A_276 : vector<16xf32>
        %get3A_278 = arith.index_cast %scan3A_72 : i32 to index
        %get3A_279 = arith.constant 464 : index
        %get3A_280 = tpu.vector_load %arg10[%get3A_278, %get3A_279] {strides = array<i32>} : memref<32x1024xf32, #tpu.memory_space<vmem>>, vector<1x16xf32>,
        %get3A_281 = vector.shape_cast %get3A_280 : vector<1x16xf32> to vector<16xf32>
        %add3A_282 = arith.addf %add3A_275, %get3A_281 : vector<16xf32>
        %mul3A_283 = arith.mulf %get3A_281, %get3A_281 : vector<16xf32>
        %add3A_284 = arith.addf %add3A_277, %mul3A_283 : vector<16xf32>
        %get3A_285 = arith.index_cast %scan3A_72 : i32 to index
        %get3A_286 = arith.constant 480 : index
        %get3A_287 = tpu.vector_load %arg10[%get3A_285, %get3A_286] {strides = array<i32>} : memref<32x1024xf32, #tpu.memory_space<vmem>>, vector<1x16xf32>,
        %get3A_288 = vector.shape_cast %get3A_287 : vector<1x16xf32> to vector<16xf32>
        %add3A_289 = arith.addf %add3A_282, %get3A_288 : vector<16xf32>
        %mul3A_290 = arith.mulf %get3A_288, %get3A_288 : vector<16xf32>
        %add3A_291 = arith.addf %add3A_284, %mul3A_290 : vector<16xf32>
        %get3A_292 = arith.index_cast %scan3A_72 : i32 to index
        %get3A_293 = arith.constant 496 : index
        %get3A_294 = tpu.vector_load %arg10[%get3A_292, %get3A_293] {strides = array<i32>} : memref<32x1024xf32, #tpu.memory_space<vmem>>, vector<1x16xf32>,
        %get3A_295 = vector.shape_cast %get3A_294 : vector<1x16xf32> to vector<16xf32>
        %add3A_296 = arith.addf %add3A_289, %get3A_295 : vector<16xf32>
        %mul3A_297 = arith.mulf %get3A_295, %get3A_295 : vector<16xf32>
        %add3A_298 = arith.addf %add3A_291, %mul3A_297 : vector<16xf32>
        %get3A_299 = arith.index_cast %scan3A_72 : i32 to index
        %get3A_300 = arith.constant 512 : index
        %get3A_301 = tpu.vector_load %arg10[%get3A_299, %get3A_300] {strides = array<i32>} : memref<32x1024xf32, #tpu.memory_space<vmem>>, vector<1x16xf32>,
        %get3A_302 = vector.shape_cast %get3A_301 : vector<1x16xf32> to vector<16xf32>
        %add3A_303 = arith.addf %add3A_296, %get3A_302 : vector<16xf32>
        %mul3A_304 = arith.mulf %get3A_302, %get3A_302 : vector<16xf32>
        %add3A_305 = arith.addf %add3A_298, %mul3A_304 : vector<16xf32>
        %get3A_306 = arith.index_cast %scan3A_72 : i32 to index
        %get3A_307 = arith.constant 528 : index
        %get3A_308 = tpu.vector_load %arg10[%get3A_306, %get3A_307] {strides = array<i32>} : memref<32x1024xf32, #tpu.memory_space<vmem>>, vector<1x16xf32>,
        %get3A_309 = vector.shape_cast %get3A_308 : vector<1x16xf32> to vector<16xf32>
        %add3A_310 = arith.addf %add3A_303, %get3A_309 : vector<16xf32>
        %mul3A_311 = arith.mulf %get3A_309, %get3A_309 : vector<16xf32>
        %add3A_312 = arith.addf %add3A_305, %mul3A_311 : vector<16xf32>
        %get3A_313 = arith.index_cast %scan3A_72 : i32 to index
        %get3A_314 = arith.constant 544 : index
        %get3A_315 = tpu.vector_load %arg10[%get3A_313, %get3A_314] {strides = array<i32>} : memref<32x1024xf32, #tpu.memory_space<vmem>>, vector<1x16xf32>,
        %get3A_316 = vector.shape_cast %get3A_315 : vector<1x16xf32> to vector<16xf32>
        %add3A_317 = arith.addf %add3A_310, %get3A_316 : vector<16xf32>
        %mul3A_318 = arith.mulf %get3A_316, %get3A_316 : vector<16xf32>
        %add3A_319 = arith.addf %add3A_312, %mul3A_318 : vector<16xf32>
        %get3A_320 = arith.index_cast %scan3A_72 : i32 to index
        %get3A_321 = arith.constant 560 : index
        %get3A_322 = tpu.vector_load %arg10[%get3A_320, %get3A_321] {strides = array<i32>} : memref<32x1024xf32, #tpu.memory_space<vmem>>, vector<1x16xf32>,
        %get3A_323 = vector.shape_cast %get3A_322 : vector<1x16xf32> to vector<16xf32>
        %add3A_324 = arith.addf %add3A_317, %get3A_323 : vector<16xf32>
        %mul3A_325 = arith.mulf %get3A_323, %get3A_323 : vector<16xf32>
        %add3A_326 = arith.addf %add3A_319, %mul3A_325 : vector<16xf32>
        %get3A_327 = arith.index_cast %scan3A_72 : i32 to index
        %get3A_328 = arith.constant 576 : index
        %get3A_329 = tpu.vector_load %arg10[%get3A_327, %get3A_328] {strides = array<i32>} : memref<32x1024xf32, #tpu.memory_space<vmem>>, vector<1x16xf32>,
        %get3A_330 = vector.shape_cast %get3A_329 : vector<1x16xf32> to vector<16xf32>
        %add3A_331 = arith.addf %add3A_324, %get3A_330 : vector<16xf32>
        %mul3A_332 = arith.mulf %get3A_330, %get3A_330 : vector<16xf32>
        %add3A_333 = arith.addf %add3A_326, %mul3A_332 : vector<16xf32>
        %get3A_334 = arith.index_cast %scan3A_72 : i32 to index
        %get3A_335 = arith.constant 592 : index
        %get3A_336 = tpu.vector_load %arg10[%get3A_334, %get3A_335] {strides = array<i32>} : memref<32x1024xf32, #tpu.memory_space<vmem>>, vector<1x16xf32>,
        %get3A_337 = vector.shape_cast %get3A_336 : vector<1x16xf32> to vector<16xf32>
        %add3A_338 = arith.addf %add3A_331, %get3A_337 : vector<16xf32>
        %mul3A_339 = arith.mulf %get3A_337, %get3A_337 : vector<16xf32>
        %add3A_340 = arith.addf %add3A_333, %mul3A_339 : vector<16xf32>
        %get3A_341 = arith.index_cast %scan3A_72 : i32 to index
        %get3A_342 = arith.constant 608 : index
        %get3A_343 = tpu.vector_load %arg10[%get3A_341, %get3A_342] {strides = array<i32>} : memref<32x1024xf32, #tpu.memory_space<vmem>>, vector<1x16xf32>,
        %get3A_344 = vector.shape_cast %get3A_343 : vector<1x16xf32> to vector<16xf32>
        %add3A_345 = arith.addf %add3A_338, %get3A_344 : vector<16xf32>
        %mul3A_346 = arith.mulf %get3A_344, %get3A_344 : vector<16xf32>
        %add3A_347 = arith.addf %add3A_340, %mul3A_346 : vector<16xf32>
        %get3A_348 = arith.index_cast %scan3A_72 : i32 to index
        %get3A_349 = arith.constant 624 : index
        %get3A_350 = tpu.vector_load %arg10[%get3A_348, %get3A_349] {strides = array<i32>} : memref<32x1024xf32, #tpu.memory_space<vmem>>, vector<1x16xf32>,
        %get3A_351 = vector.shape_cast %get3A_350 : vector<1x16xf32> to vector<16xf32>
        %add3A_352 = arith.addf %add3A_345, %get3A_351 : vector<16xf32>
        %mul3A_353 = arith.mulf %get3A_351, %get3A_351 : vector<16xf32>
        %add3A_354 = arith.addf %add3A_347, %mul3A_353 : vector<16xf32>
        %get3A_355 = arith.index_cast %scan3A_72 : i32 to index
        %get3A_356 = arith.constant 640 : index
        %get3A_357 = tpu.vector_load %arg10[%get3A_355, %get3A_356] {strides = array<i32>} : memref<32x1024xf32, #tpu.memory_space<vmem>>, vector<1x16xf32>,
        %get3A_358 = vector.shape_cast %get3A_357 : vector<1x16xf32> to vector<16xf32>
        %add3A_359 = arith.addf %add3A_352, %get3A_358 : vector<16xf32>
        %mul3A_360 = arith.mulf %get3A_358, %get3A_358 : vector<16xf32>
        %add3A_361 = arith.addf %add3A_354, %mul3A_360 : vector<16xf32>
        %get3A_362 = arith.index_cast %scan3A_72 : i32 to index
        %get3A_363 = arith.constant 656 : index
        %get3A_364 = tpu.vector_load %arg10[%get3A_362, %get3A_363] {strides = array<i32>} : memref<32x1024xf32, #tpu.memory_space<vmem>>, vector<1x16xf32>,
        %get3A_365 = vector.shape_cast %get3A_364 : vector<1x16xf32> to vector<16xf32>
        %add3A_366 = arith.addf %add3A_359, %get3A_365 : vector<16xf32>
        %mul3A_367 = arith.mulf %get3A_365, %get3A_365 : vector<16xf32>
        %add3A_368 = arith.addf %add3A_361, %mul3A_367 : vector<16xf32>
        %get3A_369 = arith.index_cast %scan3A_72 : i32 to index
        %get3A_370 = arith.constant 672 : index
        %get3A_371 = tpu.vector_load %arg10[%get3A_369, %get3A_370] {strides = array<i32>} : memref<32x1024xf32, #tpu.memory_space<vmem>>, vector<1x16xf32>,
        %get3A_372 = vector.shape_cast %get3A_371 : vector<1x16xf32> to vector<16xf32>
        %add3A_373 = arith.addf %add3A_366, %get3A_372 : vector<16xf32>
        %mul3A_374 = arith.mulf %get3A_372, %get3A_372 : vector<16xf32>
        %add3A_375 = arith.addf %add3A_368, %mul3A_374 : vector<16xf32>
        %get3A_376 = arith.index_cast %scan3A_72 : i32 to index
        %get3A_377 = arith.constant 688 : index
        %get3A_378 = tpu.vector_load %arg10[%get3A_376, %get3A_377] {strides = array<i32>} : memref<32x1024xf32, #tpu.memory_space<vmem>>, vector<1x16xf32>,
        %get3A_379 = vector.shape_cast %get3A_378 : vector<1x16xf32> to vector<16xf32>
        %add3A_380 = arith.addf %add3A_373, %get3A_379 : vector<16xf32>
        %mul3A_381 = arith.mulf %get3A_379, %get3A_379 : vector<16xf32>
        %add3A_382 = arith.addf %add3A_375, %mul3A_381 : vector<16xf32>
        %get3A_383 = arith.index_cast %scan3A_72 : i32 to index
        %get3A_384 = arith.constant 704 : index
        %get3A_385 = tpu.vector_load %arg10[%get3A_383, %get3A_384] {strides = array<i32>} : memref<32x1024xf32, #tpu.memory_space<vmem>>, vector<1x16xf32>,
        %get3A_386 = vector.shape_cast %get3A_385 : vector<1x16xf32> to vector<16xf32>
        %add3A_387 = arith.addf %add3A_380, %get3A_386 : vector<16xf32>
        %mul3A_388 = arith.mulf %get3A_386, %get3A_386 : vector<16xf32>
        %add3A_389 = arith.addf %add3A_382, %mul3A_388 : vector<16xf32>
        %get3A_390 = arith.index_cast %scan3A_72 : i32 to index
        %get3A_391 = arith.constant 720 : index
        %get3A_392 = tpu.vector_load %arg10[%get3A_390, %get3A_391] {strides = array<i32>} : memref<32x1024xf32, #tpu.memory_space<vmem>>, vector<1x16xf32>,
        %get3A_393 = vector.shape_cast %get3A_392 : vector<1x16xf32> to vector<16xf32>
        %add3A_394 = arith.addf %add3A_387, %get3A_393 : vector<16xf32>
        %mul3A_395 = arith.mulf %get3A_393, %get3A_393 : vector<16xf32>
        %add3A_396 = arith.addf %add3A_389, %mul3A_395 : vector<16xf32>
        %get3A_397 = arith.index_cast %scan3A_72 : i32 to index
        %get3A_398 = arith.constant 736 : index
        %get3A_399 = tpu.vector_load %arg10[%get3A_397, %get3A_398] {strides = array<i32>} : memref<32x1024xf32, #tpu.memory_space<vmem>>, vector<1x16xf32>,
        %get3A_400 = vector.shape_cast %get3A_399 : vector<1x16xf32> to vector<16xf32>
        %add3A_401 = arith.addf %add3A_394, %get3A_400 : vector<16xf32>
        %mul3A_402 = arith.mulf %get3A_400, %get3A_400 : vector<16xf32>
        %add3A_403 = arith.addf %add3A_396, %mul3A_402 : vector<16xf32>
        %get3A_404 = arith.index_cast %scan3A_72 : i32 to index
        %get3A_405 = arith.constant 752 : index
        %get3A_406 = tpu.vector_load %arg10[%get3A_404, %get3A_405] {strides = array<i32>} : memref<32x1024xf32, #tpu.memory_space<vmem>>, vector<1x16xf32>,
        %get3A_407 = vector.shape_cast %get3A_406 : vector<1x16xf32> to vector<16xf32>
        %add3A_408 = arith.addf %add3A_401, %get3A_407 : vector<16xf32>
        %mul3A_409 = arith.mulf %get3A_407, %get3A_407 : vector<16xf32>
        %add3A_410 = arith.addf %add3A_403, %mul3A_409 : vector<16xf32>
        %get3A_411 = arith.index_cast %scan3A_72 : i32 to index
        %get3A_412 = arith.constant 768 : index
        %get3A_413 = tpu.vector_load %arg10[%get3A_411, %get3A_412] {strides = array<i32>} : memref<32x1024xf32, #tpu.memory_space<vmem>>, vector<1x16xf32>,
        %get3A_414 = vector.shape_cast %get3A_413 : vector<1x16xf32> to vector<16xf32>
        %add3A_415 = arith.addf %add3A_408, %get3A_414 : vector<16xf32>
        %mul3A_416 = arith.mulf %get3A_414, %get3A_414 : vector<16xf32>
        %add3A_417 = arith.addf %add3A_410, %mul3A_416 : vector<16xf32>
        %get3A_418 = arith.index_cast %scan3A_72 : i32 to index
        %get3A_419 = arith.constant 784 : index
        %get3A_420 = tpu.vector_load %arg10[%get3A_418, %get3A_419] {strides = array<i32>} : memref<32x1024xf32, #tpu.memory_space<vmem>>, vector<1x16xf32>,
        %get3A_421 = vector.shape_cast %get3A_420 : vector<1x16xf32> to vector<16xf32>
        %add3A_422 = arith.addf %add3A_415, %get3A_421 : vector<16xf32>
        %mul3A_423 = arith.mulf %get3A_421, %get3A_421 : vector<16xf32>
        %add3A_424 = arith.addf %add3A_417, %mul3A_423 : vector<16xf32>
        %get3A_425 = arith.index_cast %scan3A_72 : i32 to index
        %get3A_426 = arith.constant 800 : index
        %get3A_427 = tpu.vector_load %arg10[%get3A_425, %get3A_426] {strides = array<i32>} : memref<32x1024xf32, #tpu.memory_space<vmem>>, vector<1x16xf32>,
        %get3A_428 = vector.shape_cast %get3A_427 : vector<1x16xf32> to vector<16xf32>
        %add3A_429 = arith.addf %add3A_422, %get3A_428 : vector<16xf32>
        %mul3A_430 = arith.mulf %get3A_428, %get3A_428 : vector<16xf32>
        %add3A_431 = arith.addf %add3A_424, %mul3A_430 : vector<16xf32>
        %get3A_432 = arith.index_cast %scan3A_72 : i32 to index
        %get3A_433 = arith.constant 816 : index
        %get3A_434 = tpu.vector_load %arg10[%get3A_432, %get3A_433] {strides = array<i32>} : memref<32x1024xf32, #tpu.memory_space<vmem>>, vector<1x16xf32>,
        %get3A_435 = vector.shape_cast %get3A_434 : vector<1x16xf32> to vector<16xf32>
        %add3A_436 = arith.addf %add3A_429, %get3A_435 : vector<16xf32>
        %mul3A_437 = arith.mulf %get3A_435, %get3A_435 : vector<16xf32>
        %add3A_438 = arith.addf %add3A_431, %mul3A_437 : vector<16xf32>
        %get3A_439 = arith.index_cast %scan3A_72 : i32 to index
        %get3A_440 = arith.constant 832 : index
        %get3A_441 = tpu.vector_load %arg10[%get3A_439, %get3A_440] {strides = array<i32>} : memref<32x1024xf32, #tpu.memory_space<vmem>>, vector<1x16xf32>,
        %get3A_442 = vector.shape_cast %get3A_441 : vector<1x16xf32> to vector<16xf32>
        %add3A_443 = arith.addf %add3A_436, %get3A_442 : vector<16xf32>
        %mul3A_444 = arith.mulf %get3A_442, %get3A_442 : vector<16xf32>
        %add3A_445 = arith.addf %add3A_438, %mul3A_444 : vector<16xf32>
        %get3A_446 = arith.index_cast %scan3A_72 : i32 to index
        %get3A_447 = arith.constant 848 : index
        %get3A_448 = tpu.vector_load %arg10[%get3A_446, %get3A_447] {strides = array<i32>} : memref<32x1024xf32, #tpu.memory_space<vmem>>, vector<1x16xf32>,
        %get3A_449 = vector.shape_cast %get3A_448 : vector<1x16xf32> to vector<16xf32>
        %add3A_450 = arith.addf %add3A_443, %get3A_449 : vector<16xf32>
        %mul3A_451 = arith.mulf %get3A_449, %get3A_449 : vector<16xf32>
        %add3A_452 = arith.addf %add3A_445, %mul3A_451 : vector<16xf32>
        %get3A_453 = arith.index_cast %scan3A_72 : i32 to index
        %get3A_454 = arith.constant 864 : index
        %get3A_455 = tpu.vector_load %arg10[%get3A_453, %get3A_454] {strides = array<i32>} : memref<32x1024xf32, #tpu.memory_space<vmem>>, vector<1x16xf32>,
        %get3A_456 = vector.shape_cast %get3A_455 : vector<1x16xf32> to vector<16xf32>
        %add3A_457 = arith.addf %add3A_450, %get3A_456 : vector<16xf32>
        %mul3A_458 = arith.mulf %get3A_456, %get3A_456 : vector<16xf32>
        %add3A_459 = arith.addf %add3A_452, %mul3A_458 : vector<16xf32>
        %get3A_460 = arith.index_cast %scan3A_72 : i32 to index
        %get3A_461 = arith.constant 880 : index
        %get3A_462 = tpu.vector_load %arg10[%get3A_460, %get3A_461] {strides = array<i32>} : memref<32x1024xf32, #tpu.memory_space<vmem>>, vector<1x16xf32>,
        %get3A_463 = vector.shape_cast %get3A_462 : vector<1x16xf32> to vector<16xf32>
        %add3A_464 = arith.addf %add3A_457, %get3A_463 : vector<16xf32>
        %mul3A_465 = arith.mulf %get3A_463, %get3A_463 : vector<16xf32>
        %add3A_466 = arith.addf %add3A_459, %mul3A_465 : vector<16xf32>
        %get3A_467 = arith.index_cast %scan3A_72 : i32 to index
        %get3A_468 = arith.constant 896 : index
        %get3A_469 = tpu.vector_load %arg10[%get3A_467, %get3A_468] {strides = array<i32>} : memref<32x1024xf32, #tpu.memory_space<vmem>>, vector<1x16xf32>,
        %get3A_470 = vector.shape_cast %get3A_469 : vector<1x16xf32> to vector<16xf32>
        %add3A_471 = arith.addf %add3A_464, %get3A_470 : vector<16xf32>
        %mul3A_472 = arith.mulf %get3A_470, %get3A_470 : vector<16xf32>
        %add3A_473 = arith.addf %add3A_466, %mul3A_472 : vector<16xf32>
        %get3A_474 = arith.index_cast %scan3A_72 : i32 to index
        %get3A_475 = arith.constant 912 : index
        %get3A_476 = tpu.vector_load %arg10[%get3A_474, %get3A_475] {strides = array<i32>} : memref<32x1024xf32, #tpu.memory_space<vmem>>, vector<1x16xf32>,
        %get3A_477 = vector.shape_cast %get3A_476 : vector<1x16xf32> to vector<16xf32>
        %add3A_478 = arith.addf %add3A_471, %get3A_477 : vector<16xf32>
        %mul3A_479 = arith.mulf %get3A_477, %get3A_477 : vector<16xf32>
        %add3A_480 = arith.addf %add3A_473, %mul3A_479 : vector<16xf32>
        %get3A_481 = arith.index_cast %scan3A_72 : i32 to index
        %get3A_482 = arith.constant 928 : index
        %get3A_483 = tpu.vector_load %arg10[%get3A_481, %get3A_482] {strides = array<i32>} : memref<32x1024xf32, #tpu.memory_space<vmem>>, vector<1x16xf32>,
        %get3A_484 = vector.shape_cast %get3A_483 : vector<1x16xf32> to vector<16xf32>
        %add3A_485 = arith.addf %add3A_478, %get3A_484 : vector<16xf32>
        %mul3A_486 = arith.mulf %get3A_484, %get3A_484 : vector<16xf32>
        %add3A_487 = arith.addf %add3A_480, %mul3A_486 : vector<16xf32>
        %get3A_488 = arith.index_cast %scan3A_72 : i32 to index
        %get3A_489 = arith.constant 944 : index
        %get3A_490 = tpu.vector_load %arg10[%get3A_488, %get3A_489] {strides = array<i32>} : memref<32x1024xf32, #tpu.memory_space<vmem>>, vector<1x16xf32>,
        %get3A_491 = vector.shape_cast %get3A_490 : vector<1x16xf32> to vector<16xf32>
        %add3A_492 = arith.addf %add3A_485, %get3A_491 : vector<16xf32>
        %mul3A_493 = arith.mulf %get3A_491, %get3A_491 : vector<16xf32>
        %add3A_494 = arith.addf %add3A_487, %mul3A_493 : vector<16xf32>
        %get3A_495 = arith.index_cast %scan3A_72 : i32 to index
        %get3A_496 = arith.constant 960 : index
        %get3A_497 = tpu.vector_load %arg10[%get3A_495, %get3A_496] {strides = array<i32>} : memref<32x1024xf32, #tpu.memory_space<vmem>>, vector<1x16xf32>,
        %get3A_498 = vector.shape_cast %get3A_497 : vector<1x16xf32> to vector<16xf32>
        %add3A_499 = arith.addf %add3A_492, %get3A_498 : vector<16xf32>
        %mul3A_500 = arith.mulf %get3A_498, %get3A_498 : vector<16xf32>
        %add3A_501 = arith.addf %add3A_494, %mul3A_500 : vector<16xf32>
        %get3A_502 = arith.index_cast %scan3A_72 : i32 to index
        %get3A_503 = arith.constant 976 : index
        %get3A_504 = tpu.vector_load %arg10[%get3A_502, %get3A_503] {strides = array<i32>} : memref<32x1024xf32, #tpu.memory_space<vmem>>, vector<1x16xf32>,
        %get3A_505 = vector.shape_cast %get3A_504 : vector<1x16xf32> to vector<16xf32>
        %add3A_506 = arith.addf %add3A_499, %get3A_505 : vector<16xf32>
        %mul3A_507 = arith.mulf %get3A_505, %get3A_505 : vector<16xf32>
        %add3A_508 = arith.addf %add3A_501, %mul3A_507 : vector<16xf32>
        %get3A_509 = arith.index_cast %scan3A_72 : i32 to index
        %get3A_510 = arith.constant 992 : index
        %get3A_511 = tpu.vector_load %arg10[%get3A_509, %get3A_510] {strides = array<i32>} : memref<32x1024xf32, #tpu.memory_space<vmem>>, vector<1x16xf32>,
        %get3A_512 = vector.shape_cast %get3A_511 : vector<1x16xf32> to vector<16xf32>
        %add3A_513 = arith.addf %add3A_506, %get3A_512 : vector<16xf32>
        %mul3A_514 = arith.mulf %get3A_512, %get3A_512 : vector<16xf32>
        %add3A_515 = arith.addf %add3A_508, %mul3A_514 : vector<16xf32>
        %get3A_516 = arith.index_cast %scan3A_72 : i32 to index
        %get3A_517 = arith.constant 1008 : index
        %get3A_518 = tpu.vector_load %arg10[%get3A_516, %get3A_517] {strides = array<i32>} : memref<32x1024xf32, #tpu.memory_space<vmem>>, vector<1x16xf32>,
        %get3A_519 = vector.shape_cast %get3A_518 : vector<1x16xf32> to vector<16xf32>
        %add3A_520 = arith.addf %add3A_513, %get3A_519 : vector<16xf32>
        %mul3A_521 = arith.mulf %get3A_519, %get3A_519 : vector<16xf32>
        %add3A_522 = arith.addf %add3A_515, %mul3A_521 : vector<16xf32>
        %iota3A = tpu.iota {dimensions = array<i32: 0>} : vector<16xi32>
        %xor3A = arith.constant 1 : i32
        %xor3A_523 = vector.broadcast %xor3A : i32 to vector<16xi32>
        %xor3A_524 = arith.xori %iota3A, %xor3A_523 : vector<16xi32>
        %broadcast_in_dim3A_525 = vector.shape_cast %xor3A_524 : vector<16xi32> to vector<16x1xi32>
        %gather3A = vector.shape_cast %broadcast_in_dim3A_525 : vector<16x1xi32> to vector<16xi32>
        %gather3A_526 = tpu.dynamic_gather %add3A_520[%gather3A] in [0] : vector<16xf32>, vector<16xi32> -> vector<16xf32>
        %add3A_527 = arith.addf %add3A_520, %gather3A_526 : vector<16xf32>
        %xor3A_528 = arith.constant 2 : i32
        %xor3A_529 = vector.broadcast %xor3A_528 : i32 to vector<16xi32>
        %xor3A_530 = arith.xori %iota3A, %xor3A_529 : vector<16xi32>
        %broadcast_in_dim3A_531 = vector.shape_cast %xor3A_530 : vector<16xi32> to vector<16x1xi32>
        %gather3A_532 = vector.shape_cast %broadcast_in_dim3A_531 : vector<16x1xi32> to vector<16xi32>
        %gather3A_533 = tpu.dynamic_gather %add3A_527[%gather3A_532] in [0] : vector<16xf32>, vector<16xi32> -> vector<16xf32>
        %add3A_534 = arith.addf %add3A_527, %gather3A_533 : vector<16xf32>
        %xor3A_535 = arith.constant 4 : i32
        %xor3A_536 = vector.broadcast %xor3A_535 : i32 to vector<16xi32>
        %xor3A_537 = arith.xori %iota3A, %xor3A_536 : vector<16xi32>
        %broadcast_in_dim3A_538 = vector.shape_cast %xor3A_537 : vector<16xi32> to vector<16x1xi32>
        %gather3A_539 = vector.shape_cast %broadcast_in_dim3A_538 : vector<16x1xi32> to vector<16xi32>
        %gather3A_540 = tpu.dynamic_gather %add3A_534[%gather3A_539] in [0] : vector<16xf32>, vector<16xi32> -> vector<16xf32>
        %add3A_541 = arith.addf %add3A_534, %gather3A_540 : vector<16xf32>
        %xor3A_542 = arith.constant 8 : i32
        %xor3A_543 = vector.broadcast %xor3A_542 : i32 to vector<16xi32>
        %xor3A_544 = arith.xori %iota3A, %xor3A_543 : vector<16xi32>
        %broadcast_in_dim3A_545 = vector.shape_cast %xor3A_544 : vector<16xi32> to vector<16x1xi32>
        %gather3A_546 = vector.shape_cast %broadcast_in_dim3A_545 : vector<16x1xi32> to vector<16xi32>
        %gather3A_547 = tpu.dynamic_gather %add3A_541[%gather3A_546] in [0] : vector<16xf32>, vector<16xi32> -> vector<16xf32>
        %add3A_548 = arith.addf %add3A_541, %gather3A_547 : vector<16xf32>
        %iota3A_549 = tpu.iota {dimensions = array<i32: 0>} : vector<16xi32>
        %xor3A_550 = arith.constant 1 : i32
        %xor3A_551 = vector.broadcast %xor3A_550 : i32 to vector<16xi32>
        %xor3A_552 = arith.xori %iota3A_549, %xor3A_551 : vector<16xi32>
        %broadcast_in_dim3A_553 = vector.shape_cast %xor3A_552 : vector<16xi32> to vector<16x1xi32>
        %gather3A_554 = vector.shape_cast %broadcast_in_dim3A_553 : vector<16x1xi32> to vector<16xi32>
        %gather3A_555 = tpu.dynamic_gather %add3A_522[%gather3A_554] in [0] : vector<16xf32>, vector<16xi32> -> vector<16xf32>
        %add3A_556 = arith.addf %add3A_522, %gather3A_555 : vector<16xf32>
        %xor3A_557 = arith.constant 2 : i32
        %xor3A_558 = vector.broadcast %xor3A_557 : i32 to vector<16xi32>
        %xor3A_559 = arith.xori %iota3A_549, %xor3A_558 : vector<16xi32>
        %broadcast_in_dim3A_560 = vector.shape_cast %xor3A_559 : vector<16xi32> to vector<16x1xi32>
        %gather3A_561 = vector.shape_cast %broadcast_in_dim3A_560 : vector<16x1xi32> to vector<16xi32>
        %gather3A_562 = tpu.dynamic_gather %add3A_556[%gather3A_561] in [0] : vector<16xf32>, vector<16xi32> -> vector<16xf32>
        %add3A_563 = arith.addf %add3A_556, %gather3A_562 : vector<16xf32>
        %xor3A_564 = arith.constant 4 : i32
        %xor3A_565 = vector.broadcast %xor3A_564 : i32 to vector<16xi32>
        %xor3A_566 = arith.xori %iota3A_549, %xor3A_565 : vector<16xi32>
        %broadcast_in_dim3A_567 = vector.shape_cast %xor3A_566 : vector<16xi32> to vector<16x1xi32>
        %gather3A_568 = vector.shape_cast %broadcast_in_dim3A_567 : vector<16x1xi32> to vector<16xi32>
        %gather3A_569 = tpu.dynamic_gather %add3A_563[%gather3A_568] in [0] : vector<16xf32>, vector<16xi32> -> vector<16xf32>
        %add3A_570 = arith.addf %add3A_563, %gather3A_569 : vector<16xf32>
        %xor3A_571 = arith.constant 8 : i32
        %xor3A_572 = vector.broadcast %xor3A_571 : i32 to vector<16xi32>
        %xor3A_573 = arith.xori %iota3A_549, %xor3A_572 : vector<16xi32>
        %broadcast_in_dim3A_574 = vector.shape_cast %xor3A_573 : vector<16xi32> to vector<16x1xi32>
        %gather3A_575 = vector.shape_cast %broadcast_in_dim3A_574 : vector<16x1xi32> to vector<16xi32>
        %gather3A_576 = tpu.dynamic_gather %add3A_570[%gather3A_575] in [0] : vector<16xf32>, vector<16xi32> -> vector<16xf32>
        %add3A_577 = arith.addf %add3A_570, %gather3A_576 : vector<16xf32>
        %mul3A_578 = arith.constant 9.765625E-4 : f32
        %mul3A_579 = vector.broadcast %mul3A_578 : f32 to vector<16xf32>
        %mul3A_580 = arith.mulf %add3A_548, %mul3A_579 : vector<16xf32>
        %mul3A_581 = arith.constant 9.765625E-4 : f32
        %mul3A_582 = vector.broadcast %mul3A_581 : f32 to vector<16xf32>
        %mul3A_583 = arith.mulf %add3A_577, %mul3A_582 : vector<16xf32>
        %mul3A_584 = arith.mulf %mul3A_580, %mul3A_580 : vector<16xf32>
        %sub3A = arith.subf %mul3A_583, %mul3A_584 : vector<16xf32>
        %add3A_585 = arith.constant 9.99999997E-7 : f32
        %add3A_586 = vector.broadcast %add3A_585 : f32 to vector<16xf32>
        %add3A_587 = arith.addf %sub3A, %add3A_586 : vector<16xf32>
        %bitcast_convert_type3A = tpu.bitcast %add3A_587 : vector<16xf32> -> vector<16xi32>
        %shift_right_arithmetic3A = arith.constant 1 : i32
        %shift_right_arithmetic3A_588 = vector.broadcast %shift_right_arithmetic3A : i32 to vector<16xi32>
        %shift_right_arithmetic3A_589 = arith.shrsi %bitcast_convert_type3A, %shift_right_arithmetic3A_588 : vector<16xi32>
        %sub3A_590 = arith.constant 1597463007 : i32
        %sub3A_591 = vector.broadcast %sub3A_590 : i32 to vector<16xi32>
        %sub3A_592 = arith.subi %sub3A_591, %shift_right_arithmetic3A_589 : vector<16xi32>
        %bitcast_convert_type3A_593 = tpu.bitcast %sub3A_592 : vector<16xi32> -> vector<16xf32>
        %mul3A_594 = arith.constant 5.000000e-01 : f32
        %mul3A_595 = vector.broadcast %mul3A_594 : f32 to vector<16xf32>
        %mul3A_596 = arith.mulf %mul3A_595, %add3A_587 : vector<16xf32>
        %mul3A_597 = arith.mulf %mul3A_596, %bitcast_convert_type3A_593 : vector<16xf32>
        %mul3A_598 = arith.mulf %mul3A_597, %bitcast_convert_type3A_593 : vector<16xf32>
        %sub3A_599 = arith.constant 1.500000e+00 : f32
        %sub3A_600 = vector.broadcast %sub3A_599 : f32 to vector<16xf32>
        %sub3A_601 = arith.subf %sub3A_600, %mul3A_598 : vector<16xf32>
        %mul3A_602 = arith.mulf %bitcast_convert_type3A_593, %sub3A_601 : vector<16xf32>
        %mul3A_603 = arith.constant 5.000000e-01 : f32
        %mul3A_604 = vector.broadcast %mul3A_603 : f32 to vector<16xf32>
        %mul3A_605 = arith.mulf %mul3A_604, %add3A_587 : vector<16xf32>
        %mul3A_606 = arith.mulf %mul3A_605, %mul3A_602 : vector<16xf32>
        %mul3A_607 = arith.mulf %mul3A_606, %mul3A_602 : vector<16xf32>
        %sub3A_608 = arith.constant 1.500000e+00 : f32
        %sub3A_609 = vector.broadcast %sub3A_608 : f32 to vector<16xf32>
        %sub3A_610 = arith.subf %sub3A_609, %mul3A_607 : vector<16xf32>
        %mul3A_611 = arith.mulf %mul3A_602, %sub3A_610 : vector<16xf32>
        %get3A_612 = arith.index_cast %scan3A_72 : i32 to index
        %get3A_613 = arith.constant 0 : index
        %get3A_614 = tpu.vector_load %arg10[%get3A_612, %get3A_613] {strides = array<i32>} : memref<32x1024xf32, #tpu.memory_space<vmem>>, vector<1x16xf32>,
        %get3A_615 = vector.shape_cast %get3A_614 : vector<1x16xf32> to vector<16xf32>
        %get3A_616 = arith.constant 0 : index
        %get3A_617 = tpu.vector_load %arg11[%get3A_616] {strides = array<i32>} : memref<1024xf32, #tpu.memory_space<vmem>>, vector<16xf32>,
        %get3A_618 = vector.shape_cast %get3A_617 : vector<16xf32> to vector<16xf32>
        %mul3A_619 = arith.mulf %mul3A_611, %get3A_618 : vector<16xf32>
        %sub3A_620 = arith.subf %get3A_615, %mul3A_580 : vector<16xf32>
        %mul3A_621 = arith.mulf %sub3A_620, %mul3A_619 : vector<16xf32>
        %get3A_622 = arith.constant 0 : index
        %get3A_623 = tpu.vector_load %arg12[%get3A_622] {strides = array<i32>} : memref<1024xf32, #tpu.memory_space<vmem>>, vector<16xf32>,
        %get3A_624 = vector.shape_cast %get3A_623 : vector<16xf32> to vector<16xf32>
        %add3A_625 = arith.addf %mul3A_621, %get3A_624 : vector<16xf32>
        %swap3A = arith.index_cast %scan3A_72 : i32 to index
        %swap3A_626 = arith.constant 0 : index
        %swap3A_627 = tpu.vector_load %arg10[%swap3A, %swap3A_626] {strides = array<i32>} : memref<32x1024xf32, #tpu.memory_space<vmem>>, vector<1x16xf32>,
        %swap3A_628 = vector.shape_cast %swap3A_627 : vector<1x16xf32> to vector<16xf32>
        %swap3A_629 = vector.shape_cast %add3A_625 : vector<16xf32> to vector<1x16xf32>
        tpu.vector_store %arg10[%swap3A, %swap3A_626], %swap3A_629 {strides = array<i32>} : memref<32x1024xf32, #tpu.memory_space<vmem>>, vector<1x16xf32>,
        %get3A_630 = arith.index_cast %scan3A_72 : i32 to index
        %get3A_631 = arith.constant 16 : index
        %get3A_632 = tpu.vector_load %arg10[%get3A_630, %get3A_631] {strides = array<i32>} : memref<32x1024xf32, #tpu.memory_space<vmem>>, vector<1x16xf32>,
        %get3A_633 = vector.shape_cast %get3A_632 : vector<1x16xf32> to vector<16xf32>
        %get3A_634 = arith.constant 16 : index
        %get3A_635 = tpu.vector_load %arg11[%get3A_634] {strides = array<i32>} : memref<1024xf32, #tpu.memory_space<vmem>>, vector<16xf32>,
        %get3A_636 = vector.shape_cast %get3A_635 : vector<16xf32> to vector<16xf32>
        %mul3A_637 = arith.mulf %mul3A_611, %get3A_636 : vector<16xf32>
        %sub3A_638 = arith.subf %get3A_633, %mul3A_580 : vector<16xf32>
        %mul3A_639 = arith.mulf %sub3A_638, %mul3A_637 : vector<16xf32>
        %get3A_640 = arith.constant 16 : index
        %get3A_641 = tpu.vector_load %arg12[%get3A_640] {strides = array<i32>} : memref<1024xf32, #tpu.memory_space<vmem>>, vector<16xf32>,
        %get3A_642 = vector.shape_cast %get3A_641 : vector<16xf32> to vector<16xf32>
        %add3A_643 = arith.addf %mul3A_639, %get3A_642 : vector<16xf32>
        %swap3A_644 = arith.index_cast %scan3A_72 : i32 to index
        %swap3A_645 = arith.constant 16 : index
        %swap3A_646 = tpu.vector_load %arg10[%swap3A_644, %swap3A_645] {strides = array<i32>} : memref<32x1024xf32, #tpu.memory_space<vmem>>, vector<1x16xf32>,
        %swap3A_647 = vector.shape_cast %swap3A_646 : vector<1x16xf32> to vector<16xf32>
        %swap3A_648 = vector.shape_cast %add3A_643 : vector<16xf32> to vector<1x16xf32>
        tpu.vector_store %arg10[%swap3A_644, %swap3A_645], %swap3A_648 {strides = array<i32>} : memref<32x1024xf32, #tpu.memory_space<vmem>>, vector<1x16xf32>,
        %get3A_649 = arith.index_cast %scan3A_72 : i32 to index
        %get3A_650 = arith.constant 32 : index
        %get3A_651 = tpu.vector_load %arg10[%get3A_649, %get3A_650] {strides = array<i32>} : memref<32x1024xf32, #tpu.memory_space<vmem>>, vector<1x16xf32>,
        %get3A_652 = vector.shape_cast %get3A_651 : vector<1x16xf32> to vector<16xf32>
        %get3A_653 = arith.constant 32 : index
        %get3A_654 = tpu.vector_load %arg11[%get3A_653] {strides = array<i32>} : memref<1024xf32, #tpu.memory_space<vmem>>, vector<16xf32>,
        %get3A_655 = vector.shape_cast %get3A_654 : vector<16xf32> to vector<16xf32>
        %mul3A_656 = arith.mulf %mul3A_611, %get3A_655 : vector<16xf32>
        %sub3A_657 = arith.subf %get3A_652, %mul3A_580 : vector<16xf32>
        %mul3A_658 = arith.mulf %sub3A_657, %mul3A_656 : vector<16xf32>
        %get3A_659 = arith.constant 32 : index
        %get3A_660 = tpu.vector_load %arg12[%get3A_659] {strides = array<i32>} : memref<1024xf32, #tpu.memory_space<vmem>>, vector<16xf32>,
        %get3A_661 = vector.shape_cast %get3A_660 : vector<16xf32> to vector<16xf32>
        %add3A_662 = arith.addf %mul3A_658, %get3A_661 : vector<16xf32>
        %swap3A_663 = arith.index_cast %scan3A_72 : i32 to index
        %swap3A_664 = arith.constant 32 : index
        %swap3A_665 = tpu.vector_load %arg10[%swap3A_663, %swap3A_664] {strides = array<i32>} : memref<32x1024xf32, #tpu.memory_space<vmem>>, vector<1x16xf32>,
        %swap3A_666 = vector.shape_cast %swap3A_665 : vector<1x16xf32> to vector<16xf32>
        %swap3A_667 = vector.shape_cast %add3A_662 : vector<16xf32> to vector<1x16xf32>
        tpu.vector_store %arg10[%swap3A_663, %swap3A_664], %swap3A_667 {strides = array<i32>} : memref<32x1024xf32, #tpu.memory_space<vmem>>, vector<1x16xf32>,
        %get3A_668 = arith.index_cast %scan3A_72 : i32 to index
        %get3A_669 = arith.constant 48 : index
        %get3A_670 = tpu.vector_load %arg10[%get3A_668, %get3A_669] {strides = array<i32>} : memref<32x1024xf32, #tpu.memory_space<vmem>>, vector<1x16xf32>,
        %get3A_671 = vector.shape_cast %get3A_670 : vector<1x16xf32> to vector<16xf32>
        %get3A_672 = arith.constant 48 : index
        %get3A_673 = tpu.vector_load %arg11[%get3A_672] {strides = array<i32>} : memref<1024xf32, #tpu.memory_space<vmem>>, vector<16xf32>,
        %get3A_674 = vector.shape_cast %get3A_673 : vector<16xf32> to vector<16xf32>
        %mul3A_675 = arith.mulf %mul3A_611, %get3A_674 : vector<16xf32>
        %sub3A_676 = arith.subf %get3A_671, %mul3A_580 : vector<16xf32>
        %mul3A_677 = arith.mulf %sub3A_676, %mul3A_675 : vector<16xf32>
        %get3A_678 = arith.constant 48 : index
        %get3A_679 = tpu.vector_load %arg12[%get3A_678] {strides = array<i32>} : memref<1024xf32, #tpu.memory_space<vmem>>, vector<16xf32>,
        %get3A_680 = vector.shape_cast %get3A_679 : vector<16xf32> to vector<16xf32>
        %add3A_681 = arith.addf %mul3A_677, %get3A_680 : vector<16xf32>
        %swap3A_682 = arith.index_cast %scan3A_72 : i32 to index
        %swap3A_683 = arith.constant 48 : index
        %swap3A_684 = tpu.vector_load %arg10[%swap3A_682, %swap3A_683] {strides = array<i32>} : memref<32x1024xf32, #tpu.memory_space<vmem>>, vector<1x16xf32>,
        %swap3A_685 = vector.shape_cast %swap3A_684 : vector<1x16xf32> to vector<16xf32>
        %swap3A_686 = vector.shape_cast %add3A_681 : vector<16xf32> to vector<1x16xf32>
        tpu.vector_store %arg10[%swap3A_682, %swap3A_683], %swap3A_686 {strides = array<i32>} : memref<32x1024xf32, #tpu.memory_space<vmem>>, vector<1x16xf32>,
        %get3A_687 = arith.index_cast %scan3A_72 : i32 to index
        %get3A_688 = arith.constant 64 : index
        %get3A_689 = tpu.vector_load %arg10[%get3A_687, %get3A_688] {strides = array<i32>} : memref<32x1024xf32, #tpu.memory_space<vmem>>, vector<1x16xf32>,
        %get3A_690 = vector.shape_cast %get3A_689 : vector<1x16xf32> to vector<16xf32>
        %get3A_691 = arith.constant 64 : index
        %get3A_692 = tpu.vector_load %arg11[%get3A_691] {strides = array<i32>} : memref<1024xf32, #tpu.memory_space<vmem>>, vector<16xf32>,
        %get3A_693 = vector.shape_cast %get3A_692 : vector<16xf32> to vector<16xf32>
        %mul3A_694 = arith.mulf %mul3A_611, %get3A_693 : vector<16xf32>
        %sub3A_695 = arith.subf %get3A_690, %mul3A_580 : vector<16xf32>
        %mul3A_696 = arith.mulf %sub3A_695, %mul3A_694 : vector<16xf32>
        %get3A_697 = arith.constant 64 : index
        %get3A_698 = tpu.vector_load %arg12[%get3A_697] {strides = array<i32>} : memref<1024xf32, #tpu.memory_space<vmem>>, vector<16xf32>,
        %get3A_699 = vector.shape_cast %get3A_698 : vector<16xf32> to vector<16xf32>
        %add3A_700 = arith.addf %mul3A_696, %get3A_699 : vector<16xf32>
        %swap3A_701 = arith.index_cast %scan3A_72 : i32 to index
        %swap3A_702 = arith.constant 64 : index
        %swap3A_703 = tpu.vector_load %arg10[%swap3A_701, %swap3A_702] {strides = array<i32>} : memref<32x1024xf32, #tpu.memory_space<vmem>>, vector<1x16xf32>,
        %swap3A_704 = vector.shape_cast %swap3A_703 : vector<1x16xf32> to vector<16xf32>
        %swap3A_705 = vector.shape_cast %add3A_700 : vector<16xf32> to vector<1x16xf32>
        tpu.vector_store %arg10[%swap3A_701, %swap3A_702], %swap3A_705 {strides = array<i32>} : memref<32x1024xf32, #tpu.memory_space<vmem>>, vector<1x16xf32>,
        %get3A_706 = arith.index_cast %scan3A_72 : i32 to index
        %get3A_707 = arith.constant 80 : index
        %get3A_708 = tpu.vector_load %arg10[%get3A_706, %get3A_707] {strides = array<i32>} : memref<32x1024xf32, #tpu.memory_space<vmem>>, vector<1x16xf32>,
        %get3A_709 = vector.shape_cast %get3A_708 : vector<1x16xf32> to vector<16xf32>
        %get3A_710 = arith.constant 80 : index
        %get3A_711 = tpu.vector_load %arg11[%get3A_710] {strides = array<i32>} : memref<1024xf32, #tpu.memory_space<vmem>>, vector<16xf32>,
        %get3A_712 = vector.shape_cast %get3A_711 : vector<16xf32> to vector<16xf32>
        %mul3A_713 = arith.mulf %mul3A_611, %get3A_712 : vector<16xf32>
        %sub3A_714 = arith.subf %get3A_709, %mul3A_580 : vector<16xf32>
        %mul3A_715 = arith.mulf %sub3A_714, %mul3A_713 : vector<16xf32>
        %get3A_716 = arith.constant 80 : index
        %get3A_717 = tpu.vector_load %arg12[%get3A_716] {strides = array<i32>} : memref<1024xf32, #tpu.memory_space<vmem>>, vector<16xf32>,
        %get3A_718 = vector.shape_cast %get3A_717 : vector<16xf32> to vector<16xf32>
        %add3A_719 = arith.addf %mul3A_715, %get3A_718 : vector<16xf32>
        %swap3A_720 = arith.index_cast %scan3A_72 : i32 to index
        %swap3A_721 = arith.constant 80 : index
        %swap3A_722 = tpu.vector_load %arg10[%swap3A_720, %swap3A_721] {strides = array<i32>} : memref<32x1024xf32, #tpu.memory_space<vmem>>, vector<1x16xf32>,
        %swap3A_723 = vector.shape_cast %swap3A_722 : vector<1x16xf32> to vector<16xf32>
        %swap3A_724 = vector.shape_cast %add3A_719 : vector<16xf32> to vector<1x16xf32>
        tpu.vector_store %arg10[%swap3A_720, %swap3A_721], %swap3A_724 {strides = array<i32>} : memref<32x1024xf32, #tpu.memory_space<vmem>>, vector<1x16xf32>,
        %get3A_725 = arith.index_cast %scan3A_72 : i32 to index
        %get3A_726 = arith.constant 96 : index
        %get3A_727 = tpu.vector_load %arg10[%get3A_725, %get3A_726] {strides = array<i32>} : memref<32x1024xf32, #tpu.memory_space<vmem>>, vector<1x16xf32>,
        %get3A_728 = vector.shape_cast %get3A_727 : vector<1x16xf32> to vector<16xf32>
        %get3A_729 = arith.constant 96 : index
        %get3A_730 = tpu.vector_load %arg11[%get3A_729] {strides = array<i32>} : memref<1024xf32, #tpu.memory_space<vmem>>, vector<16xf32>,
        %get3A_731 = vector.shape_cast %get3A_730 : vector<16xf32> to vector<16xf32>
        %mul3A_732 = arith.mulf %mul3A_611, %get3A_731 : vector<16xf32>
        %sub3A_733 = arith.subf %get3A_728, %mul3A_580 : vector<16xf32>
        %mul3A_734 = arith.mulf %sub3A_733, %mul3A_732 : vector<16xf32>
        %get3A_735 = arith.constant 96 : index
        %get3A_736 = tpu.vector_load %arg12[%get3A_735] {strides = array<i32>} : memref<1024xf32, #tpu.memory_space<vmem>>, vector<16xf32>,
        %get3A_737 = vector.shape_cast %get3A_736 : vector<16xf32> to vector<16xf32>
        %add3A_738 = arith.addf %mul3A_734, %get3A_737 : vector<16xf32>
        %swap3A_739 = arith.index_cast %scan3A_72 : i32 to index
        %swap3A_740 = arith.constant 96 : index
        %swap3A_741 = tpu.vector_load %arg10[%swap3A_739, %swap3A_740] {strides = array<i32>} : memref<32x1024xf32, #tpu.memory_space<vmem>>, vector<1x16xf32>,
        %swap3A_742 = vector.shape_cast %swap3A_741 : vector<1x16xf32> to vector<16xf32>
        %swap3A_743 = vector.shape_cast %add3A_738 : vector<16xf32> to vector<1x16xf32>
        tpu.vector_store %arg10[%swap3A_739, %swap3A_740], %swap3A_743 {strides = array<i32>} : memref<32x1024xf32, #tpu.memory_space<vmem>>, vector<1x16xf32>,
        %get3A_744 = arith.index_cast %scan3A_72 : i32 to index
        %get3A_745 = arith.constant 112 : index
        %get3A_746 = tpu.vector_load %arg10[%get3A_744, %get3A_745] {strides = array<i32>} : memref<32x1024xf32, #tpu.memory_space<vmem>>, vector<1x16xf32>,
        %get3A_747 = vector.shape_cast %get3A_746 : vector<1x16xf32> to vector<16xf32>
        %get3A_748 = arith.constant 112 : index
        %get3A_749 = tpu.vector_load %arg11[%get3A_748] {strides = array<i32>} : memref<1024xf32, #tpu.memory_space<vmem>>, vector<16xf32>,
        %get3A_750 = vector.shape_cast %get3A_749 : vector<16xf32> to vector<16xf32>
        %mul3A_751 = arith.mulf %mul3A_611, %get3A_750 : vector<16xf32>
        %sub3A_752 = arith.subf %get3A_747, %mul3A_580 : vector<16xf32>
        %mul3A_753 = arith.mulf %sub3A_752, %mul3A_751 : vector<16xf32>
        %get3A_754 = arith.constant 112 : index
        %get3A_755 = tpu.vector_load %arg12[%get3A_754] {strides = array<i32>} : memref<1024xf32, #tpu.memory_space<vmem>>, vector<16xf32>,
        %get3A_756 = vector.shape_cast %get3A_755 : vector<16xf32> to vector<16xf32>
        %add3A_757 = arith.addf %mul3A_753, %get3A_756 : vector<16xf32>
        %swap3A_758 = arith.index_cast %scan3A_72 : i32 to index
        %swap3A_759 = arith.constant 112 : index
        %swap3A_760 = tpu.vector_load %arg10[%swap3A_758, %swap3A_759] {strides = array<i32>} : memref<32x1024xf32, #tpu.memory_space<vmem>>, vector<1x16xf32>,
        %swap3A_761 = vector.shape_cast %swap3A_760 : vector<1x16xf32> to vector<16xf32>
        %swap3A_762 = vector.shape_cast %add3A_757 : vector<16xf32> to vector<1x16xf32>
        tpu.vector_store %arg10[%swap3A_758, %swap3A_759], %swap3A_762 {strides = array<i32>} : memref<32x1024xf32, #tpu.memory_space<vmem>>, vector<1x16xf32>,
        %get3A_763 = arith.index_cast %scan3A_72 : i32 to index
        %get3A_764 = arith.constant 128 : index
        %get3A_765 = tpu.vector_load %arg10[%get3A_763, %get3A_764] {strides = array<i32>} : memref<32x1024xf32, #tpu.memory_space<vmem>>, vector<1x16xf32>,
        %get3A_766 = vector.shape_cast %get3A_765 : vector<1x16xf32> to vector<16xf32>
        %get3A_767 = arith.constant 128 : index
        %get3A_768 = tpu.vector_load %arg11[%get3A_767] {strides = array<i32>} : memref<1024xf32, #tpu.memory_space<vmem>>, vector<16xf32>,
        %get3A_769 = vector.shape_cast %get3A_768 : vector<16xf32> to vector<16xf32>
        %mul3A_770 = arith.mulf %mul3A_611, %get3A_769 : vector<16xf32>
        %sub3A_771 = arith.subf %get3A_766, %mul3A_580 : vector<16xf32>
        %mul3A_772 = arith.mulf %sub3A_771, %mul3A_770 : vector<16xf32>
        %get3A_773 = arith.constant 128 : index
        %get3A_774 = tpu.vector_load %arg12[%get3A_773] {strides = array<i32>} : memref<1024xf32, #tpu.memory_space<vmem>>, vector<16xf32>,
        %get3A_775 = vector.shape_cast %get3A_774 : vector<16xf32> to vector<16xf32>
        %add3A_776 = arith.addf %mul3A_772, %get3A_775 : vector<16xf32>
        %swap3A_777 = arith.index_cast %scan3A_72 : i32 to index
        %swap3A_778 = arith.constant 128 : index
        %swap3A_779 = tpu.vector_load %arg10[%swap3A_777, %swap3A_778] {strides = array<i32>} : memref<32x1024xf32, #tpu.memory_space<vmem>>, vector<1x16xf32>,
        %swap3A_780 = vector.shape_cast %swap3A_779 : vector<1x16xf32> to vector<16xf32>
        %swap3A_781 = vector.shape_cast %add3A_776 : vector<16xf32> to vector<1x16xf32>
        tpu.vector_store %arg10[%swap3A_777, %swap3A_778], %swap3A_781 {strides = array<i32>} : memref<32x1024xf32, #tpu.memory_space<vmem>>, vector<1x16xf32>,
        %get3A_782 = arith.index_cast %scan3A_72 : i32 to index
        %get3A_783 = arith.constant 144 : index
        %get3A_784 = tpu.vector_load %arg10[%get3A_782, %get3A_783] {strides = array<i32>} : memref<32x1024xf32, #tpu.memory_space<vmem>>, vector<1x16xf32>,
        %get3A_785 = vector.shape_cast %get3A_784 : vector<1x16xf32> to vector<16xf32>
        %get3A_786 = arith.constant 144 : index
        %get3A_787 = tpu.vector_load %arg11[%get3A_786] {strides = array<i32>} : memref<1024xf32, #tpu.memory_space<vmem>>, vector<16xf32>,
        %get3A_788 = vector.shape_cast %get3A_787 : vector<16xf32> to vector<16xf32>
        %mul3A_789 = arith.mulf %mul3A_611, %get3A_788 : vector<16xf32>
        %sub3A_790 = arith.subf %get3A_785, %mul3A_580 : vector<16xf32>
        %mul3A_791 = arith.mulf %sub3A_790, %mul3A_789 : vector<16xf32>
        %get3A_792 = arith.constant 144 : index
        %get3A_793 = tpu.vector_load %arg12[%get3A_792] {strides = array<i32>} : memref<1024xf32, #tpu.memory_space<vmem>>, vector<16xf32>,
        %get3A_794 = vector.shape_cast %get3A_793 : vector<16xf32> to vector<16xf32>
        %add3A_795 = arith.addf %mul3A_791, %get3A_794 : vector<16xf32>
        %swap3A_796 = arith.index_cast %scan3A_72 : i32 to index
        %swap3A_797 = arith.constant 144 : index
        %swap3A_798 = tpu.vector_load %arg10[%swap3A_796, %swap3A_797] {strides = array<i32>} : memref<32x1024xf32, #tpu.memory_space<vmem>>, vector<1x16xf32>,
        %swap3A_799 = vector.shape_cast %swap3A_798 : vector<1x16xf32> to vector<16xf32>
        %swap3A_800 = vector.shape_cast %add3A_795 : vector<16xf32> to vector<1x16xf32>
        tpu.vector_store %arg10[%swap3A_796, %swap3A_797], %swap3A_800 {strides = array<i32>} : memref<32x1024xf32, #tpu.memory_space<vmem>>, vector<1x16xf32>,
        %get3A_801 = arith.index_cast %scan3A_72 : i32 to index
        %get3A_802 = arith.constant 160 : index
        %get3A_803 = tpu.vector_load %arg10[%get3A_801, %get3A_802] {strides = array<i32>} : memref<32x1024xf32, #tpu.memory_space<vmem>>, vector<1x16xf32>,
        %get3A_804 = vector.shape_cast %get3A_803 : vector<1x16xf32> to vector<16xf32>
        %get3A_805 = arith.constant 160 : index
        %get3A_806 = tpu.vector_load %arg11[%get3A_805] {strides = array<i32>} : memref<1024xf32, #tpu.memory_space<vmem>>, vector<16xf32>,
        %get3A_807 = vector.shape_cast %get3A_806 : vector<16xf32> to vector<16xf32>
        %mul3A_808 = arith.mulf %mul3A_611, %get3A_807 : vector<16xf32>
        %sub3A_809 = arith.subf %get3A_804, %mul3A_580 : vector<16xf32>
        %mul3A_810 = arith.mulf %sub3A_809, %mul3A_808 : vector<16xf32>
        %get3A_811 = arith.constant 160 : index
        %get3A_812 = tpu.vector_load %arg12[%get3A_811] {strides = array<i32>} : memref<1024xf32, #tpu.memory_space<vmem>>, vector<16xf32>,
        %get3A_813 = vector.shape_cast %get3A_812 : vector<16xf32> to vector<16xf32>
        %add3A_814 = arith.addf %mul3A_810, %get3A_813 : vector<16xf32>
        %swap3A_815 = arith.index_cast %scan3A_72 : i32 to index
        %swap3A_816 = arith.constant 160 : index
        %swap3A_817 = tpu.vector_load %arg10[%swap3A_815, %swap3A_816] {strides = array<i32>} : memref<32x1024xf32, #tpu.memory_space<vmem>>, vector<1x16xf32>,
        %swap3A_818 = vector.shape_cast %swap3A_817 : vector<1x16xf32> to vector<16xf32>
        %swap3A_819 = vector.shape_cast %add3A_814 : vector<16xf32> to vector<1x16xf32>
        tpu.vector_store %arg10[%swap3A_815, %swap3A_816], %swap3A_819 {strides = array<i32>} : memref<32x1024xf32, #tpu.memory_space<vmem>>, vector<1x16xf32>,
        %get3A_820 = arith.index_cast %scan3A_72 : i32 to index
        %get3A_821 = arith.constant 176 : index
        %get3A_822 = tpu.vector_load %arg10[%get3A_820, %get3A_821] {strides = array<i32>} : memref<32x1024xf32, #tpu.memory_space<vmem>>, vector<1x16xf32>,
        %get3A_823 = vector.shape_cast %get3A_822 : vector<1x16xf32> to vector<16xf32>
        %get3A_824 = arith.constant 176 : index
        %get3A_825 = tpu.vector_load %arg11[%get3A_824] {strides = array<i32>} : memref<1024xf32, #tpu.memory_space<vmem>>, vector<16xf32>,
        %get3A_826 = vector.shape_cast %get3A_825 : vector<16xf32> to vector<16xf32>
        %mul3A_827 = arith.mulf %mul3A_611, %get3A_826 : vector<16xf32>
        %sub3A_828 = arith.subf %get3A_823, %mul3A_580 : vector<16xf32>
        %mul3A_829 = arith.mulf %sub3A_828, %mul3A_827 : vector<16xf32>
        %get3A_830 = arith.constant 176 : index
        %get3A_831 = tpu.vector_load %arg12[%get3A_830] {strides = array<i32>} : memref<1024xf32, #tpu.memory_space<vmem>>, vector<16xf32>,
        %get3A_832 = vector.shape_cast %get3A_831 : vector<16xf32> to vector<16xf32>
        %add3A_833 = arith.addf %mul3A_829, %get3A_832 : vector<16xf32>
        %swap3A_834 = arith.index_cast %scan3A_72 : i32 to index
        %swap3A_835 = arith.constant 176 : index
        %swap3A_836 = tpu.vector_load %arg10[%swap3A_834, %swap3A_835] {strides = array<i32>} : memref<32x1024xf32, #tpu.memory_space<vmem>>, vector<1x16xf32>,
        %swap3A_837 = vector.shape_cast %swap3A_836 : vector<1x16xf32> to vector<16xf32>
        %swap3A_838 = vector.shape_cast %add3A_833 : vector<16xf32> to vector<1x16xf32>
        tpu.vector_store %arg10[%swap3A_834, %swap3A_835], %swap3A_838 {strides = array<i32>} : memref<32x1024xf32, #tpu.memory_space<vmem>>, vector<1x16xf32>,
        %get3A_839 = arith.index_cast %scan3A_72 : i32 to index
        %get3A_840 = arith.constant 192 : index
        %get3A_841 = tpu.vector_load %arg10[%get3A_839, %get3A_840] {strides = array<i32>} : memref<32x1024xf32, #tpu.memory_space<vmem>>, vector<1x16xf32>,
        %get3A_842 = vector.shape_cast %get3A_841 : vector<1x16xf32> to vector<16xf32>
        %get3A_843 = arith.constant 192 : index
        %get3A_844 = tpu.vector_load %arg11[%get3A_843] {strides = array<i32>} : memref<1024xf32, #tpu.memory_space<vmem>>, vector<16xf32>,
        %get3A_845 = vector.shape_cast %get3A_844 : vector<16xf32> to vector<16xf32>
        %mul3A_846 = arith.mulf %mul3A_611, %get3A_845 : vector<16xf32>
        %sub3A_847 = arith.subf %get3A_842, %mul3A_580 : vector<16xf32>
        %mul3A_848 = arith.mulf %sub3A_847, %mul3A_846 : vector<16xf32>
        %get3A_849 = arith.constant 192 : index
        %get3A_850 = tpu.vector_load %arg12[%get3A_849] {strides = array<i32>} : memref<1024xf32, #tpu.memory_space<vmem>>, vector<16xf32>,
        %get3A_851 = vector.shape_cast %get3A_850 : vector<16xf32> to vector<16xf32>
        %add3A_852 = arith.addf %mul3A_848, %get3A_851 : vector<16xf32>
        %swap3A_853 = arith.index_cast %scan3A_72 : i32 to index
        %swap3A_854 = arith.constant 192 : index
        %swap3A_855 = tpu.vector_load %arg10[%swap3A_853, %swap3A_854] {strides = array<i32>} : memref<32x1024xf32, #tpu.memory_space<vmem>>, vector<1x16xf32>,
        %swap3A_856 = vector.shape_cast %swap3A_855 : vector<1x16xf32> to vector<16xf32>
        %swap3A_857 = vector.shape_cast %add3A_852 : vector<16xf32> to vector<1x16xf32>
        tpu.vector_store %arg10[%swap3A_853, %swap3A_854], %swap3A_857 {strides = array<i32>} : memref<32x1024xf32, #tpu.memory_space<vmem>>, vector<1x16xf32>,
        %get3A_858 = arith.index_cast %scan3A_72 : i32 to index
        %get3A_859 = arith.constant 208 : index
        %get3A_860 = tpu.vector_load %arg10[%get3A_858, %get3A_859] {strides = array<i32>} : memref<32x1024xf32, #tpu.memory_space<vmem>>, vector<1x16xf32>,
        %get3A_861 = vector.shape_cast %get3A_860 : vector<1x16xf32> to vector<16xf32>
        %get3A_862 = arith.constant 208 : index
        %get3A_863 = tpu.vector_load %arg11[%get3A_862] {strides = array<i32>} : memref<1024xf32, #tpu.memory_space<vmem>>, vector<16xf32>,
        %get3A_864 = vector.shape_cast %get3A_863 : vector<16xf32> to vector<16xf32>
        %mul3A_865 = arith.mulf %mul3A_611, %get3A_864 : vector<16xf32>
        %sub3A_866 = arith.subf %get3A_861, %mul3A_580 : vector<16xf32>
        %mul3A_867 = arith.mulf %sub3A_866, %mul3A_865 : vector<16xf32>
        %get3A_868 = arith.constant 208 : index
        %get3A_869 = tpu.vector_load %arg12[%get3A_868] {strides = array<i32>} : memref<1024xf32, #tpu.memory_space<vmem>>, vector<16xf32>,
        %get3A_870 = vector.shape_cast %get3A_869 : vector<16xf32> to vector<16xf32>
        %add3A_871 = arith.addf %mul3A_867, %get3A_870 : vector<16xf32>
        %swap3A_872 = arith.index_cast %scan3A_72 : i32 to index
        %swap3A_873 = arith.constant 208 : index
        %swap3A_874 = tpu.vector_load %arg10[%swap3A_872, %swap3A_873] {strides = array<i32>} : memref<32x1024xf32, #tpu.memory_space<vmem>>, vector<1x16xf32>,
        %swap3A_875 = vector.shape_cast %swap3A_874 : vector<1x16xf32> to vector<16xf32>
        %swap3A_876 = vector.shape_cast %add3A_871 : vector<16xf32> to vector<1x16xf32>
        tpu.vector_store %arg10[%swap3A_872, %swap3A_873], %swap3A_876 {strides = array<i32>} : memref<32x1024xf32, #tpu.memory_space<vmem>>, vector<1x16xf32>,
        %get3A_877 = arith.index_cast %scan3A_72 : i32 to index
        %get3A_878 = arith.constant 224 : index
        %get3A_879 = tpu.vector_load %arg10[%get3A_877, %get3A_878] {strides = array<i32>} : memref<32x1024xf32, #tpu.memory_space<vmem>>, vector<1x16xf32>,
        %get3A_880 = vector.shape_cast %get3A_879 : vector<1x16xf32> to vector<16xf32>
        %get3A_881 = arith.constant 224 : index
        %get3A_882 = tpu.vector_load %arg11[%get3A_881] {strides = array<i32>} : memref<1024xf32, #tpu.memory_space<vmem>>, vector<16xf32>,
        %get3A_883 = vector.shape_cast %get3A_882 : vector<16xf32> to vector<16xf32>
        %mul3A_884 = arith.mulf %mul3A_611, %get3A_883 : vector<16xf32>
        %sub3A_885 = arith.subf %get3A_880, %mul3A_580 : vector<16xf32>
        %mul3A_886 = arith.mulf %sub3A_885, %mul3A_884 : vector<16xf32>
        %get3A_887 = arith.constant 224 : index
        %get3A_888 = tpu.vector_load %arg12[%get3A_887] {strides = array<i32>} : memref<1024xf32, #tpu.memory_space<vmem>>, vector<16xf32>,
        %get3A_889 = vector.shape_cast %get3A_888 : vector<16xf32> to vector<16xf32>
        %add3A_890 = arith.addf %mul3A_886, %get3A_889 : vector<16xf32>
        %swap3A_891 = arith.index_cast %scan3A_72 : i32 to index
        %swap3A_892 = arith.constant 224 : index
        %swap3A_893 = tpu.vector_load %arg10[%swap3A_891, %swap3A_892] {strides = array<i32>} : memref<32x1024xf32, #tpu.memory_space<vmem>>, vector<1x16xf32>,
        %swap3A_894 = vector.shape_cast %swap3A_893 : vector<1x16xf32> to vector<16xf32>
        %swap3A_895 = vector.shape_cast %add3A_890 : vector<16xf32> to vector<1x16xf32>
        tpu.vector_store %arg10[%swap3A_891, %swap3A_892], %swap3A_895 {strides = array<i32>} : memref<32x1024xf32, #tpu.memory_space<vmem>>, vector<1x16xf32>,
        %get3A_896 = arith.index_cast %scan3A_72 : i32 to index
        %get3A_897 = arith.constant 240 : index
        %get3A_898 = tpu.vector_load %arg10[%get3A_896, %get3A_897] {strides = array<i32>} : memref<32x1024xf32, #tpu.memory_space<vmem>>, vector<1x16xf32>,
        %get3A_899 = vector.shape_cast %get3A_898 : vector<1x16xf32> to vector<16xf32>
        %get3A_900 = arith.constant 240 : index
        %get3A_901 = tpu.vector_load %arg11[%get3A_900] {strides = array<i32>} : memref<1024xf32, #tpu.memory_space<vmem>>, vector<16xf32>,
        %get3A_902 = vector.shape_cast %get3A_901 : vector<16xf32> to vector<16xf32>
        %mul3A_903 = arith.mulf %mul3A_611, %get3A_902 : vector<16xf32>
        %sub3A_904 = arith.subf %get3A_899, %mul3A_580 : vector<16xf32>
        %mul3A_905 = arith.mulf %sub3A_904, %mul3A_903 : vector<16xf32>
        %get3A_906 = arith.constant 240 : index
        %get3A_907 = tpu.vector_load %arg12[%get3A_906] {strides = array<i32>} : memref<1024xf32, #tpu.memory_space<vmem>>, vector<16xf32>,
        %get3A_908 = vector.shape_cast %get3A_907 : vector<16xf32> to vector<16xf32>
        %add3A_909 = arith.addf %mul3A_905, %get3A_908 : vector<16xf32>
        %swap3A_910 = arith.index_cast %scan3A_72 : i32 to index
        %swap3A_911 = arith.constant 240 : index
        %swap3A_912 = tpu.vector_load %arg10[%swap3A_910, %swap3A_911] {strides = array<i32>} : memref<32x1024xf32, #tpu.memory_space<vmem>>, vector<1x16xf32>,
        %swap3A_913 = vector.shape_cast %swap3A_912 : vector<1x16xf32> to vector<16xf32>
        %swap3A_914 = vector.shape_cast %add3A_909 : vector<16xf32> to vector<1x16xf32>
        tpu.vector_store %arg10[%swap3A_910, %swap3A_911], %swap3A_914 {strides = array<i32>} : memref<32x1024xf32, #tpu.memory_space<vmem>>, vector<1x16xf32>,
        %get3A_915 = arith.index_cast %scan3A_72 : i32 to index
        %get3A_916 = arith.constant 256 : index
        %get3A_917 = tpu.vector_load %arg10[%get3A_915, %get3A_916] {strides = array<i32>} : memref<32x1024xf32, #tpu.memory_space<vmem>>, vector<1x16xf32>,
        %get3A_918 = vector.shape_cast %get3A_917 : vector<1x16xf32> to vector<16xf32>
        %get3A_919 = arith.constant 256 : index
        %get3A_920 = tpu.vector_load %arg11[%get3A_919] {strides = array<i32>} : memref<1024xf32, #tpu.memory_space<vmem>>, vector<16xf32>,
        %get3A_921 = vector.shape_cast %get3A_920 : vector<16xf32> to vector<16xf32>
        %mul3A_922 = arith.mulf %mul3A_611, %get3A_921 : vector<16xf32>
        %sub3A_923 = arith.subf %get3A_918, %mul3A_580 : vector<16xf32>
        %mul3A_924 = arith.mulf %sub3A_923, %mul3A_922 : vector<16xf32>
        %get3A_925 = arith.constant 256 : index
        %get3A_926 = tpu.vector_load %arg12[%get3A_925] {strides = array<i32>} : memref<1024xf32, #tpu.memory_space<vmem>>, vector<16xf32>,
        %get3A_927 = vector.shape_cast %get3A_926 : vector<16xf32> to vector<16xf32>
        %add3A_928 = arith.addf %mul3A_924, %get3A_927 : vector<16xf32>
        %swap3A_929 = arith.index_cast %scan3A_72 : i32 to index
        %swap3A_930 = arith.constant 256 : index
        %swap3A_931 = tpu.vector_load %arg10[%swap3A_929, %swap3A_930] {strides = array<i32>} : memref<32x1024xf32, #tpu.memory_space<vmem>>, vector<1x16xf32>,
        %swap3A_932 = vector.shape_cast %swap3A_931 : vector<1x16xf32> to vector<16xf32>
        %swap3A_933 = vector.shape_cast %add3A_928 : vector<16xf32> to vector<1x16xf32>
        tpu.vector_store %arg10[%swap3A_929, %swap3A_930], %swap3A_933 {strides = array<i32>} : memref<32x1024xf32, #tpu.memory_space<vmem>>, vector<1x16xf32>,
        %get3A_934 = arith.index_cast %scan3A_72 : i32 to index
        %get3A_935 = arith.constant 272 : index
        %get3A_936 = tpu.vector_load %arg10[%get3A_934, %get3A_935] {strides = array<i32>} : memref<32x1024xf32, #tpu.memory_space<vmem>>, vector<1x16xf32>,
        %get3A_937 = vector.shape_cast %get3A_936 : vector<1x16xf32> to vector<16xf32>
        %get3A_938 = arith.constant 272 : index
        %get3A_939 = tpu.vector_load %arg11[%get3A_938] {strides = array<i32>} : memref<1024xf32, #tpu.memory_space<vmem>>, vector<16xf32>,
        %get3A_940 = vector.shape_cast %get3A_939 : vector<16xf32> to vector<16xf32>
        %mul3A_941 = arith.mulf %mul3A_611, %get3A_940 : vector<16xf32>
        %sub3A_942 = arith.subf %get3A_937, %mul3A_580 : vector<16xf32>
        %mul3A_943 = arith.mulf %sub3A_942, %mul3A_941 : vector<16xf32>
        %get3A_944 = arith.constant 272 : index
        %get3A_945 = tpu.vector_load %arg12[%get3A_944] {strides = array<i32>} : memref<1024xf32, #tpu.memory_space<vmem>>, vector<16xf32>,
        %get3A_946 = vector.shape_cast %get3A_945 : vector<16xf32> to vector<16xf32>
        %add3A_947 = arith.addf %mul3A_943, %get3A_946 : vector<16xf32>
        %swap3A_948 = arith.index_cast %scan3A_72 : i32 to index
        %swap3A_949 = arith.constant 272 : index
        %swap3A_950 = tpu.vector_load %arg10[%swap3A_948, %swap3A_949] {strides = array<i32>} : memref<32x1024xf32, #tpu.memory_space<vmem>>, vector<1x16xf32>,
        %swap3A_951 = vector.shape_cast %swap3A_950 : vector<1x16xf32> to vector<16xf32>
        %swap3A_952 = vector.shape_cast %add3A_947 : vector<16xf32> to vector<1x16xf32>
        tpu.vector_store %arg10[%swap3A_948, %swap3A_949], %swap3A_952 {strides = array<i32>} : memref<32x1024xf32, #tpu.memory_space<vmem>>, vector<1x16xf32>,
        %get3A_953 = arith.index_cast %scan3A_72 : i32 to index
        %get3A_954 = arith.constant 288 : index
        %get3A_955 = tpu.vector_load %arg10[%get3A_953, %get3A_954] {strides = array<i32>} : memref<32x1024xf32, #tpu.memory_space<vmem>>, vector<1x16xf32>,
        %get3A_956 = vector.shape_cast %get3A_955 : vector<1x16xf32> to vector<16xf32>
        %get3A_957 = arith.constant 288 : index
        %get3A_958 = tpu.vector_load %arg11[%get3A_957] {strides = array<i32>} : memref<1024xf32, #tpu.memory_space<vmem>>, vector<16xf32>,
        %get3A_959 = vector.shape_cast %get3A_958 : vector<16xf32> to vector<16xf32>
        %mul3A_960 = arith.mulf %mul3A_611, %get3A_959 : vector<16xf32>
        %sub3A_961 = arith.subf %get3A_956, %mul3A_580 : vector<16xf32>
        %mul3A_962 = arith.mulf %sub3A_961, %mul3A_960 : vector<16xf32>
        %get3A_963 = arith.constant 288 : index
        %get3A_964 = tpu.vector_load %arg12[%get3A_963] {strides = array<i32>} : memref<1024xf32, #tpu.memory_space<vmem>>, vector<16xf32>,
        %get3A_965 = vector.shape_cast %get3A_964 : vector<16xf32> to vector<16xf32>
        %add3A_966 = arith.addf %mul3A_962, %get3A_965 : vector<16xf32>
        %swap3A_967 = arith.index_cast %scan3A_72 : i32 to index
        %swap3A_968 = arith.constant 288 : index
        %swap3A_969 = tpu.vector_load %arg10[%swap3A_967, %swap3A_968] {strides = array<i32>} : memref<32x1024xf32, #tpu.memory_space<vmem>>, vector<1x16xf32>,
        %swap3A_970 = vector.shape_cast %swap3A_969 : vector<1x16xf32> to vector<16xf32>
        %swap3A_971 = vector.shape_cast %add3A_966 : vector<16xf32> to vector<1x16xf32>
        tpu.vector_store %arg10[%swap3A_967, %swap3A_968], %swap3A_971 {strides = array<i32>} : memref<32x1024xf32, #tpu.memory_space<vmem>>, vector<1x16xf32>,
        %get3A_972 = arith.index_cast %scan3A_72 : i32 to index
        %get3A_973 = arith.constant 304 : index
        %get3A_974 = tpu.vector_load %arg10[%get3A_972, %get3A_973] {strides = array<i32>} : memref<32x1024xf32, #tpu.memory_space<vmem>>, vector<1x16xf32>,
        %get3A_975 = vector.shape_cast %get3A_974 : vector<1x16xf32> to vector<16xf32>
        %get3A_976 = arith.constant 304 : index
        %get3A_977 = tpu.vector_load %arg11[%get3A_976] {strides = array<i32>} : memref<1024xf32, #tpu.memory_space<vmem>>, vector<16xf32>,
        %get3A_978 = vector.shape_cast %get3A_977 : vector<16xf32> to vector<16xf32>
        %mul3A_979 = arith.mulf %mul3A_611, %get3A_978 : vector<16xf32>
        %sub3A_980 = arith.subf %get3A_975, %mul3A_580 : vector<16xf32>
        %mul3A_981 = arith.mulf %sub3A_980, %mul3A_979 : vector<16xf32>
        %get3A_982 = arith.constant 304 : index
        %get3A_983 = tpu.vector_load %arg12[%get3A_982] {strides = array<i32>} : memref<1024xf32, #tpu.memory_space<vmem>>, vector<16xf32>,
        %get3A_984 = vector.shape_cast %get3A_983 : vector<16xf32> to vector<16xf32>
        %add3A_985 = arith.addf %mul3A_981, %get3A_984 : vector<16xf32>
        %swap3A_986 = arith.index_cast %scan3A_72 : i32 to index
        %swap3A_987 = arith.constant 304 : index
        %swap3A_988 = tpu.vector_load %arg10[%swap3A_986, %swap3A_987] {strides = array<i32>} : memref<32x1024xf32, #tpu.memory_space<vmem>>, vector<1x16xf32>,
        %swap3A_989 = vector.shape_cast %swap3A_988 : vector<1x16xf32> to vector<16xf32>
        %swap3A_990 = vector.shape_cast %add3A_985 : vector<16xf32> to vector<1x16xf32>
        tpu.vector_store %arg10[%swap3A_986, %swap3A_987], %swap3A_990 {strides = array<i32>} : memref<32x1024xf32, #tpu.memory_space<vmem>>, vector<1x16xf32>,
        %get3A_991 = arith.index_cast %scan3A_72 : i32 to index
        %get3A_992 = arith.constant 320 : index
        %get3A_993 = tpu.vector_load %arg10[%get3A_991, %get3A_992] {strides = array<i32>} : memref<32x1024xf32, #tpu.memory_space<vmem>>, vector<1x16xf32>,
        %get3A_994 = vector.shape_cast %get3A_993 : vector<1x16xf32> to vector<16xf32>
        %get3A_995 = arith.constant 320 : index
        %get3A_996 = tpu.vector_load %arg11[%get3A_995] {strides = array<i32>} : memref<1024xf32, #tpu.memory_space<vmem>>, vector<16xf32>,
        %get3A_997 = vector.shape_cast %get3A_996 : vector<16xf32> to vector<16xf32>
        %mul3A_998 = arith.mulf %mul3A_611, %get3A_997 : vector<16xf32>
        %sub3A_999 = arith.subf %get3A_994, %mul3A_580 : vector<16xf32>
        %mul3A_1000 = arith.mulf %sub3A_999, %mul3A_998 : vector<16xf32>
        %get3A_1001 = arith.constant 320 : index
        %get3A_1002 = tpu.vector_load %arg12[%get3A_1001] {strides = array<i32>} : memref<1024xf32, #tpu.memory_space<vmem>>, vector<16xf32>,
        %get3A_1003 = vector.shape_cast %get3A_1002 : vector<16xf32> to vector<16xf32>
        %add3A_1004 = arith.addf %mul3A_1000, %get3A_1003 : vector<16xf32>
        %swap3A_1005 = arith.index_cast %scan3A_72 : i32 to index
        %swap3A_1006 = arith.constant 320 : index
        %swap3A_1007 = tpu.vector_load %arg10[%swap3A_1005, %swap3A_1006] {strides = array<i32>} : memref<32x1024xf32, #tpu.memory_space<vmem>>, vector<1x16xf32>,
        %swap3A_1008 = vector.shape_cast %swap3A_1007 : vector<1x16xf32> to vector<16xf32>
        %swap3A_1009 = vector.shape_cast %add3A_1004 : vector<16xf32> to vector<1x16xf32>
        tpu.vector_store %arg10[%swap3A_1005, %swap3A_1006], %swap3A_1009 {strides = array<i32>} : memref<32x1024xf32, #tpu.memory_space<vmem>>, vector<1x16xf32>,
        %get3A_1010 = arith.index_cast %scan3A_72 : i32 to index
        %get3A_1011 = arith.constant 336 : index
        %get3A_1012 = tpu.vector_load %arg10[%get3A_1010, %get3A_1011] {strides = array<i32>} : memref<32x1024xf32, #tpu.memory_space<vmem>>, vector<1x16xf32>,
        %get3A_1013 = vector.shape_cast %get3A_1012 : vector<1x16xf32> to vector<16xf32>
        %get3A_1014 = arith.constant 336 : index
        %get3A_1015 = tpu.vector_load %arg11[%get3A_1014] {strides = array<i32>} : memref<1024xf32, #tpu.memory_space<vmem>>, vector<16xf32>,
        %get3A_1016 = vector.shape_cast %get3A_1015 : vector<16xf32> to vector<16xf32>
        %mul3A_1017 = arith.mulf %mul3A_611, %get3A_1016 : vector<16xf32>
        %sub3A_1018 = arith.subf %get3A_1013, %mul3A_580 : vector<16xf32>
        %mul3A_1019 = arith.mulf %sub3A_1018, %mul3A_1017 : vector<16xf32>
        %get3A_1020 = arith.constant 336 : index
        %get3A_1021 = tpu.vector_load %arg12[%get3A_1020] {strides = array<i32>} : memref<1024xf32, #tpu.memory_space<vmem>>, vector<16xf32>,
        %get3A_1022 = vector.shape_cast %get3A_1021 : vector<16xf32> to vector<16xf32>
        %add3A_1023 = arith.addf %mul3A_1019, %get3A_1022 : vector<16xf32>
        %swap3A_1024 = arith.index_cast %scan3A_72 : i32 to index
        %swap3A_1025 = arith.constant 336 : index
        %swap3A_1026 = tpu.vector_load %arg10[%swap3A_1024, %swap3A_1025] {strides = array<i32>} : memref<32x1024xf32, #tpu.memory_space<vmem>>, vector<1x16xf32>,
        %swap3A_1027 = vector.shape_cast %swap3A_1026 : vector<1x16xf32> to vector<16xf32>
        %swap3A_1028 = vector.shape_cast %add3A_1023 : vector<16xf32> to vector<1x16xf32>
        tpu.vector_store %arg10[%swap3A_1024, %swap3A_1025], %swap3A_1028 {strides = array<i32>} : memref<32x1024xf32, #tpu.memory_space<vmem>>, vector<1x16xf32>,
        %get3A_1029 = arith.index_cast %scan3A_72 : i32 to index
        %get3A_1030 = arith.constant 352 : index
        %get3A_1031 = tpu.vector_load %arg10[%get3A_1029, %get3A_1030] {strides = array<i32>} : memref<32x1024xf32, #tpu.memory_space<vmem>>, vector<1x16xf32>,
        %get3A_1032 = vector.shape_cast %get3A_1031 : vector<1x16xf32> to vector<16xf32>
        %get3A_1033 = arith.constant 352 : index
        %get3A_1034 = tpu.vector_load %arg11[%get3A_1033] {strides = array<i32>} : memref<1024xf32, #tpu.memory_space<vmem>>, vector<16xf32>,
        %get3A_1035 = vector.shape_cast %get3A_1034 : vector<16xf32> to vector<16xf32>
        %mul3A_1036 = arith.mulf %mul3A_611, %get3A_1035 : vector<16xf32>
        %sub3A_1037 = arith.subf %get3A_1032, %mul3A_580 : vector<16xf32>
        %mul3A_1038 = arith.mulf %sub3A_1037, %mul3A_1036 : vector<16xf32>
        %get3A_1039 = arith.constant 352 : index
        %get3A_1040 = tpu.vector_load %arg12[%get3A_1039] {strides = array<i32>} : memref<1024xf32, #tpu.memory_space<vmem>>, vector<16xf32>,
        %get3A_1041 = vector.shape_cast %get3A_1040 : vector<16xf32> to vector<16xf32>
        %add3A_1042 = arith.addf %mul3A_1038, %get3A_1041 : vector<16xf32>
        %swap3A_1043 = arith.index_cast %scan3A_72 : i32 to index
        %swap3A_1044 = arith.constant 352 : index
        %swap3A_1045 = tpu.vector_load %arg10[%swap3A_1043, %swap3A_1044] {strides = array<i32>} : memref<32x1024xf32, #tpu.memory_space<vmem>>, vector<1x16xf32>,
        %swap3A_1046 = vector.shape_cast %swap3A_1045 : vector<1x16xf32> to vector<16xf32>
        %swap3A_1047 = vector.shape_cast %add3A_1042 : vector<16xf32> to vector<1x16xf32>
        tpu.vector_store %arg10[%swap3A_1043, %swap3A_1044], %swap3A_1047 {strides = array<i32>} : memref<32x1024xf32, #tpu.memory_space<vmem>>, vector<1x16xf32>,
        %get3A_1048 = arith.index_cast %scan3A_72 : i32 to index
        %get3A_1049 = arith.constant 368 : index
        %get3A_1050 = tpu.vector_load %arg10[%get3A_1048, %get3A_1049] {strides = array<i32>} : memref<32x1024xf32, #tpu.memory_space<vmem>>, vector<1x16xf32>,
        %get3A_1051 = vector.shape_cast %get3A_1050 : vector<1x16xf32> to vector<16xf32>
        %get3A_1052 = arith.constant 368 : index
        %get3A_1053 = tpu.vector_load %arg11[%get3A_1052] {strides = array<i32>} : memref<1024xf32, #tpu.memory_space<vmem>>, vector<16xf32>,
        %get3A_1054 = vector.shape_cast %get3A_1053 : vector<16xf32> to vector<16xf32>
        %mul3A_1055 = arith.mulf %mul3A_611, %get3A_1054 : vector<16xf32>
        %sub3A_1056 = arith.subf %get3A_1051, %mul3A_580 : vector<16xf32>
        %mul3A_1057 = arith.mulf %sub3A_1056, %mul3A_1055 : vector<16xf32>
        %get3A_1058 = arith.constant 368 : index
        %get3A_1059 = tpu.vector_load %arg12[%get3A_1058] {strides = array<i32>} : memref<1024xf32, #tpu.memory_space<vmem>>, vector<16xf32>,
        %get3A_1060 = vector.shape_cast %get3A_1059 : vector<16xf32> to vector<16xf32>
        %add3A_1061 = arith.addf %mul3A_1057, %get3A_1060 : vector<16xf32>
        %swap3A_1062 = arith.index_cast %scan3A_72 : i32 to index
        %swap3A_1063 = arith.constant 368 : index
        %swap3A_1064 = tpu.vector_load %arg10[%swap3A_1062, %swap3A_1063] {strides = array<i32>} : memref<32x1024xf32, #tpu.memory_space<vmem>>, vector<1x16xf32>,
        %swap3A_1065 = vector.shape_cast %swap3A_1064 : vector<1x16xf32> to vector<16xf32>
        %swap3A_1066 = vector.shape_cast %add3A_1061 : vector<16xf32> to vector<1x16xf32>
        tpu.vector_store %arg10[%swap3A_1062, %swap3A_1063], %swap3A_1066 {strides = array<i32>} : memref<32x1024xf32, #tpu.memory_space<vmem>>, vector<1x16xf32>,
        %get3A_1067 = arith.index_cast %scan3A_72 : i32 to index
        %get3A_1068 = arith.constant 384 : index
        %get3A_1069 = tpu.vector_load %arg10[%get3A_1067, %get3A_1068] {strides = array<i32>} : memref<32x1024xf32, #tpu.memory_space<vmem>>, vector<1x16xf32>,
        %get3A_1070 = vector.shape_cast %get3A_1069 : vector<1x16xf32> to vector<16xf32>
        %get3A_1071 = arith.constant 384 : index
        %get3A_1072 = tpu.vector_load %arg11[%get3A_1071] {strides = array<i32>} : memref<1024xf32, #tpu.memory_space<vmem>>, vector<16xf32>,
        %get3A_1073 = vector.shape_cast %get3A_1072 : vector<16xf32> to vector<16xf32>
        %mul3A_1074 = arith.mulf %mul3A_611, %get3A_1073 : vector<16xf32>
        %sub3A_1075 = arith.subf %get3A_1070, %mul3A_580 : vector<16xf32>
        %mul3A_1076 = arith.mulf %sub3A_1075, %mul3A_1074 : vector<16xf32>
        %get3A_1077 = arith.constant 384 : index
        %get3A_1078 = tpu.vector_load %arg12[%get3A_1077] {strides = array<i32>} : memref<1024xf32, #tpu.memory_space<vmem>>, vector<16xf32>,
        %get3A_1079 = vector.shape_cast %get3A_1078 : vector<16xf32> to vector<16xf32>
        %add3A_1080 = arith.addf %mul3A_1076, %get3A_1079 : vector<16xf32>
        %swap3A_1081 = arith.index_cast %scan3A_72 : i32 to index
        %swap3A_1082 = arith.constant 384 : index
        %swap3A_1083 = tpu.vector_load %arg10[%swap3A_1081, %swap3A_1082] {strides = array<i32>} : memref<32x1024xf32, #tpu.memory_space<vmem>>, vector<1x16xf32>,
        %swap3A_1084 = vector.shape_cast %swap3A_1083 : vector<1x16xf32> to vector<16xf32>
        %swap3A_1085 = vector.shape_cast %add3A_1080 : vector<16xf32> to vector<1x16xf32>
        tpu.vector_store %arg10[%swap3A_1081, %swap3A_1082], %swap3A_1085 {strides = array<i32>} : memref<32x1024xf32, #tpu.memory_space<vmem>>, vector<1x16xf32>,
        %get3A_1086 = arith.index_cast %scan3A_72 : i32 to index
        %get3A_1087 = arith.constant 400 : index
        %get3A_1088 = tpu.vector_load %arg10[%get3A_1086, %get3A_1087] {strides = array<i32>} : memref<32x1024xf32, #tpu.memory_space<vmem>>, vector<1x16xf32>,
        %get3A_1089 = vector.shape_cast %get3A_1088 : vector<1x16xf32> to vector<16xf32>
        %get3A_1090 = arith.constant 400 : index
        %get3A_1091 = tpu.vector_load %arg11[%get3A_1090] {strides = array<i32>} : memref<1024xf32, #tpu.memory_space<vmem>>, vector<16xf32>,
        %get3A_1092 = vector.shape_cast %get3A_1091 : vector<16xf32> to vector<16xf32>
        %mul3A_1093 = arith.mulf %mul3A_611, %get3A_1092 : vector<16xf32>
        %sub3A_1094 = arith.subf %get3A_1089, %mul3A_580 : vector<16xf32>
        %mul3A_1095 = arith.mulf %sub3A_1094, %mul3A_1093 : vector<16xf32>
        %get3A_1096 = arith.constant 400 : index
        %get3A_1097 = tpu.vector_load %arg12[%get3A_1096] {strides = array<i32>} : memref<1024xf32, #tpu.memory_space<vmem>>, vector<16xf32>,
        %get3A_1098 = vector.shape_cast %get3A_1097 : vector<16xf32> to vector<16xf32>
        %add3A_1099 = arith.addf %mul3A_1095, %get3A_1098 : vector<16xf32>
        %swap3A_1100 = arith.index_cast %scan3A_72 : i32 to index
        %swap3A_1101 = arith.constant 400 : index
        %swap3A_1102 = tpu.vector_load %arg10[%swap3A_1100, %swap3A_1101] {strides = array<i32>} : memref<32x1024xf32, #tpu.memory_space<vmem>>, vector<1x16xf32>,
        %swap3A_1103 = vector.shape_cast %swap3A_1102 : vector<1x16xf32> to vector<16xf32>
        %swap3A_1104 = vector.shape_cast %add3A_1099 : vector<16xf32> to vector<1x16xf32>
        tpu.vector_store %arg10[%swap3A_1100, %swap3A_1101], %swap3A_1104 {strides = array<i32>} : memref<32x1024xf32, #tpu.memory_space<vmem>>, vector<1x16xf32>,
        %get3A_1105 = arith.index_cast %scan3A_72 : i32 to index
        %get3A_1106 = arith.constant 416 : index
        %get3A_1107 = tpu.vector_load %arg10[%get3A_1105, %get3A_1106] {strides = array<i32>} : memref<32x1024xf32, #tpu.memory_space<vmem>>, vector<1x16xf32>,
        %get3A_1108 = vector.shape_cast %get3A_1107 : vector<1x16xf32> to vector<16xf32>
        %get3A_1109 = arith.constant 416 : index
        %get3A_1110 = tpu.vector_load %arg11[%get3A_1109] {strides = array<i32>} : memref<1024xf32, #tpu.memory_space<vmem>>, vector<16xf32>,
        %get3A_1111 = vector.shape_cast %get3A_1110 : vector<16xf32> to vector<16xf32>
        %mul3A_1112 = arith.mulf %mul3A_611, %get3A_1111 : vector<16xf32>
        %sub3A_1113 = arith.subf %get3A_1108, %mul3A_580 : vector<16xf32>
        %mul3A_1114 = arith.mulf %sub3A_1113, %mul3A_1112 : vector<16xf32>
        %get3A_1115 = arith.constant 416 : index
        %get3A_1116 = tpu.vector_load %arg12[%get3A_1115] {strides = array<i32>} : memref<1024xf32, #tpu.memory_space<vmem>>, vector<16xf32>,
        %get3A_1117 = vector.shape_cast %get3A_1116 : vector<16xf32> to vector<16xf32>
        %add3A_1118 = arith.addf %mul3A_1114, %get3A_1117 : vector<16xf32>
        %swap3A_1119 = arith.index_cast %scan3A_72 : i32 to index
        %swap3A_1120 = arith.constant 416 : index
        %swap3A_1121 = tpu.vector_load %arg10[%swap3A_1119, %swap3A_1120] {strides = array<i32>} : memref<32x1024xf32, #tpu.memory_space<vmem>>, vector<1x16xf32>,
        %swap3A_1122 = vector.shape_cast %swap3A_1121 : vector<1x16xf32> to vector<16xf32>
        %swap3A_1123 = vector.shape_cast %add3A_1118 : vector<16xf32> to vector<1x16xf32>
        tpu.vector_store %arg10[%swap3A_1119, %swap3A_1120], %swap3A_1123 {strides = array<i32>} : memref<32x1024xf32, #tpu.memory_space<vmem>>, vector<1x16xf32>,
        %get3A_1124 = arith.index_cast %scan3A_72 : i32 to index
        %get3A_1125 = arith.constant 432 : index
        %get3A_1126 = tpu.vector_load %arg10[%get3A_1124, %get3A_1125] {strides = array<i32>} : memref<32x1024xf32, #tpu.memory_space<vmem>>, vector<1x16xf32>,
        %get3A_1127 = vector.shape_cast %get3A_1126 : vector<1x16xf32> to vector<16xf32>
        %get3A_1128 = arith.constant 432 : index
        %get3A_1129 = tpu.vector_load %arg11[%get3A_1128] {strides = array<i32>} : memref<1024xf32, #tpu.memory_space<vmem>>, vector<16xf32>,
        %get3A_1130 = vector.shape_cast %get3A_1129 : vector<16xf32> to vector<16xf32>
        %mul3A_1131 = arith.mulf %mul3A_611, %get3A_1130 : vector<16xf32>
        %sub3A_1132 = arith.subf %get3A_1127, %mul3A_580 : vector<16xf32>
        %mul3A_1133 = arith.mulf %sub3A_1132, %mul3A_1131 : vector<16xf32>
        %get3A_1134 = arith.constant 432 : index
        %get3A_1135 = tpu.vector_load %arg12[%get3A_1134] {strides = array<i32>} : memref<1024xf32, #tpu.memory_space<vmem>>, vector<16xf32>,
        %get3A_1136 = vector.shape_cast %get3A_1135 : vector<16xf32> to vector<16xf32>
        %add3A_1137 = arith.addf %mul3A_1133, %get3A_1136 : vector<16xf32>
        %swap3A_1138 = arith.index_cast %scan3A_72 : i32 to index
        %swap3A_1139 = arith.constant 432 : index
        %swap3A_1140 = tpu.vector_load %arg10[%swap3A_1138, %swap3A_1139] {strides = array<i32>} : memref<32x1024xf32, #tpu.memory_space<vmem>>, vector<1x16xf32>,
        %swap3A_1141 = vector.shape_cast %swap3A_1140 : vector<1x16xf32> to vector<16xf32>
        %swap3A_1142 = vector.shape_cast %add3A_1137 : vector<16xf32> to vector<1x16xf32>
        tpu.vector_store %arg10[%swap3A_1138, %swap3A_1139], %swap3A_1142 {strides = array<i32>} : memref<32x1024xf32, #tpu.memory_space<vmem>>, vector<1x16xf32>,
        %get3A_1143 = arith.index_cast %scan3A_72 : i32 to index
        %get3A_1144 = arith.constant 448 : index
        %get3A_1145 = tpu.vector_load %arg10[%get3A_1143, %get3A_1144] {strides = array<i32>} : memref<32x1024xf32, #tpu.memory_space<vmem>>, vector<1x16xf32>,
        %get3A_1146 = vector.shape_cast %get3A_1145 : vector<1x16xf32> to vector<16xf32>
        %get3A_1147 = arith.constant 448 : index
        %get3A_1148 = tpu.vector_load %arg11[%get3A_1147] {strides = array<i32>} : memref<1024xf32, #tpu.memory_space<vmem>>, vector<16xf32>,
        %get3A_1149 = vector.shape_cast %get3A_1148 : vector<16xf32> to vector<16xf32>
        %mul3A_1150 = arith.mulf %mul3A_611, %get3A_1149 : vector<16xf32>
        %sub3A_1151 = arith.subf %get3A_1146, %mul3A_580 : vector<16xf32>
        %mul3A_1152 = arith.mulf %sub3A_1151, %mul3A_1150 : vector<16xf32>
        %get3A_1153 = arith.constant 448 : index
        %get3A_1154 = tpu.vector_load %arg12[%get3A_1153] {strides = array<i32>} : memref<1024xf32, #tpu.memory_space<vmem>>, vector<16xf32>,
        %get3A_1155 = vector.shape_cast %get3A_1154 : vector<16xf32> to vector<16xf32>
        %add3A_1156 = arith.addf %mul3A_1152, %get3A_1155 : vector<16xf32>
        %swap3A_1157 = arith.index_cast %scan3A_72 : i32 to index
        %swap3A_1158 = arith.constant 448 : index
        %swap3A_1159 = tpu.vector_load %arg10[%swap3A_1157, %swap3A_1158] {strides = array<i32>} : memref<32x1024xf32, #tpu.memory_space<vmem>>, vector<1x16xf32>,
        %swap3A_1160 = vector.shape_cast %swap3A_1159 : vector<1x16xf32> to vector<16xf32>
        %swap3A_1161 = vector.shape_cast %add3A_1156 : vector<16xf32> to vector<1x16xf32>
        tpu.vector_store %arg10[%swap3A_1157, %swap3A_1158], %swap3A_1161 {strides = array<i32>} : memref<32x1024xf32, #tpu.memory_space<vmem>>, vector<1x16xf32>,
        %get3A_1162 = arith.index_cast %scan3A_72 : i32 to index
        %get3A_1163 = arith.constant 464 : index
        %get3A_1164 = tpu.vector_load %arg10[%get3A_1162, %get3A_1163] {strides = array<i32>} : memref<32x1024xf32, #tpu.memory_space<vmem>>, vector<1x16xf32>,
        %get3A_1165 = vector.shape_cast %get3A_1164 : vector<1x16xf32> to vector<16xf32>
        %get3A_1166 = arith.constant 464 : index
        %get3A_1167 = tpu.vector_load %arg11[%get3A_1166] {strides = array<i32>} : memref<1024xf32, #tpu.memory_space<vmem>>, vector<16xf32>,
        %get3A_1168 = vector.shape_cast %get3A_1167 : vector<16xf32> to vector<16xf32>
        %mul3A_1169 = arith.mulf %mul3A_611, %get3A_1168 : vector<16xf32>
        %sub3A_1170 = arith.subf %get3A_1165, %mul3A_580 : vector<16xf32>
        %mul3A_1171 = arith.mulf %sub3A_1170, %mul3A_1169 : vector<16xf32>
        %get3A_1172 = arith.constant 464 : index
        %get3A_1173 = tpu.vector_load %arg12[%get3A_1172] {strides = array<i32>} : memref<1024xf32, #tpu.memory_space<vmem>>, vector<16xf32>,
        %get3A_1174 = vector.shape_cast %get3A_1173 : vector<16xf32> to vector<16xf32>
        %add3A_1175 = arith.addf %mul3A_1171, %get3A_1174 : vector<16xf32>
        %swap3A_1176 = arith.index_cast %scan3A_72 : i32 to index
        %swap3A_1177 = arith.constant 464 : index
        %swap3A_1178 = tpu.vector_load %arg10[%swap3A_1176, %swap3A_1177] {strides = array<i32>} : memref<32x1024xf32, #tpu.memory_space<vmem>>, vector<1x16xf32>,
        %swap3A_1179 = vector.shape_cast %swap3A_1178 : vector<1x16xf32> to vector<16xf32>
        %swap3A_1180 = vector.shape_cast %add3A_1175 : vector<16xf32> to vector<1x16xf32>
        tpu.vector_store %arg10[%swap3A_1176, %swap3A_1177], %swap3A_1180 {strides = array<i32>} : memref<32x1024xf32, #tpu.memory_space<vmem>>, vector<1x16xf32>,
        %get3A_1181 = arith.index_cast %scan3A_72 : i32 to index
        %get3A_1182 = arith.constant 480 : index
        %get3A_1183 = tpu.vector_load %arg10[%get3A_1181, %get3A_1182] {strides = array<i32>} : memref<32x1024xf32, #tpu.memory_space<vmem>>, vector<1x16xf32>,
        %get3A_1184 = vector.shape_cast %get3A_1183 : vector<1x16xf32> to vector<16xf32>
        %get3A_1185 = arith.constant 480 : index
        %get3A_1186 = tpu.vector_load %arg11[%get3A_1185] {strides = array<i32>} : memref<1024xf32, #tpu.memory_space<vmem>>, vector<16xf32>,
        %get3A_1187 = vector.shape_cast %get3A_1186 : vector<16xf32> to vector<16xf32>
        %mul3A_1188 = arith.mulf %mul3A_611, %get3A_1187 : vector<16xf32>
        %sub3A_1189 = arith.subf %get3A_1184, %mul3A_580 : vector<16xf32>
        %mul3A_1190 = arith.mulf %sub3A_1189, %mul3A_1188 : vector<16xf32>
        %get3A_1191 = arith.constant 480 : index
        %get3A_1192 = tpu.vector_load %arg12[%get3A_1191] {strides = array<i32>} : memref<1024xf32, #tpu.memory_space<vmem>>, vector<16xf32>,
        %get3A_1193 = vector.shape_cast %get3A_1192 : vector<16xf32> to vector<16xf32>
        %add3A_1194 = arith.addf %mul3A_1190, %get3A_1193 : vector<16xf32>
        %swap3A_1195 = arith.index_cast %scan3A_72 : i32 to index
        %swap3A_1196 = arith.constant 480 : index
        %swap3A_1197 = tpu.vector_load %arg10[%swap3A_1195, %swap3A_1196] {strides = array<i32>} : memref<32x1024xf32, #tpu.memory_space<vmem>>, vector<1x16xf32>,
        %swap3A_1198 = vector.shape_cast %swap3A_1197 : vector<1x16xf32> to vector<16xf32>
        %swap3A_1199 = vector.shape_cast %add3A_1194 : vector<16xf32> to vector<1x16xf32>
        tpu.vector_store %arg10[%swap3A_1195, %swap3A_1196], %swap3A_1199 {strides = array<i32>} : memref<32x1024xf32, #tpu.memory_space<vmem>>, vector<1x16xf32>,
        %get3A_1200 = arith.index_cast %scan3A_72 : i32 to index
        %get3A_1201 = arith.constant 496 : index
        %get3A_1202 = tpu.vector_load %arg10[%get3A_1200, %get3A_1201] {strides = array<i32>} : memref<32x1024xf32, #tpu.memory_space<vmem>>, vector<1x16xf32>,
        %get3A_1203 = vector.shape_cast %get3A_1202 : vector<1x16xf32> to vector<16xf32>
        %get3A_1204 = arith.constant 496 : index
        %get3A_1205 = tpu.vector_load %arg11[%get3A_1204] {strides = array<i32>} : memref<1024xf32, #tpu.memory_space<vmem>>, vector<16xf32>,
        %get3A_1206 = vector.shape_cast %get3A_1205 : vector<16xf32> to vector<16xf32>
        %mul3A_1207 = arith.mulf %mul3A_611, %get3A_1206 : vector<16xf32>
        %sub3A_1208 = arith.subf %get3A_1203, %mul3A_580 : vector<16xf32>
        %mul3A_1209 = arith.mulf %sub3A_1208, %mul3A_1207 : vector<16xf32>
        %get3A_1210 = arith.constant 496 : index
        %get3A_1211 = tpu.vector_load %arg12[%get3A_1210] {strides = array<i32>} : memref<1024xf32, #tpu.memory_space<vmem>>, vector<16xf32>,
        %get3A_1212 = vector.shape_cast %get3A_1211 : vector<16xf32> to vector<16xf32>
        %add3A_1213 = arith.addf %mul3A_1209, %get3A_1212 : vector<16xf32>
        %swap3A_1214 = arith.index_cast %scan3A_72 : i32 to index
        %swap3A_1215 = arith.constant 496 : index
        %swap3A_1216 = tpu.vector_load %arg10[%swap3A_1214, %swap3A_1215] {strides = array<i32>} : memref<32x1024xf32, #tpu.memory_space<vmem>>, vector<1x16xf32>,
        %swap3A_1217 = vector.shape_cast %swap3A_1216 : vector<1x16xf32> to vector<16xf32>
        %swap3A_1218 = vector.shape_cast %add3A_1213 : vector<16xf32> to vector<1x16xf32>
        tpu.vector_store %arg10[%swap3A_1214, %swap3A_1215], %swap3A_1218 {strides = array<i32>} : memref<32x1024xf32, #tpu.memory_space<vmem>>, vector<1x16xf32>,
        %get3A_1219 = arith.index_cast %scan3A_72 : i32 to index
        %get3A_1220 = arith.constant 512 : index
        %get3A_1221 = tpu.vector_load %arg10[%get3A_1219, %get3A_1220] {strides = array<i32>} : memref<32x1024xf32, #tpu.memory_space<vmem>>, vector<1x16xf32>,
        %get3A_1222 = vector.shape_cast %get3A_1221 : vector<1x16xf32> to vector<16xf32>
        %get3A_1223 = arith.constant 512 : index
        %get3A_1224 = tpu.vector_load %arg11[%get3A_1223] {strides = array<i32>} : memref<1024xf32, #tpu.memory_space<vmem>>, vector<16xf32>,
        %get3A_1225 = vector.shape_cast %get3A_1224 : vector<16xf32> to vector<16xf32>
        %mul3A_1226 = arith.mulf %mul3A_611, %get3A_1225 : vector<16xf32>
        %sub3A_1227 = arith.subf %get3A_1222, %mul3A_580 : vector<16xf32>
        %mul3A_1228 = arith.mulf %sub3A_1227, %mul3A_1226 : vector<16xf32>
        %get3A_1229 = arith.constant 512 : index
        %get3A_1230 = tpu.vector_load %arg12[%get3A_1229] {strides = array<i32>} : memref<1024xf32, #tpu.memory_space<vmem>>, vector<16xf32>,
        %get3A_1231 = vector.shape_cast %get3A_1230 : vector<16xf32> to vector<16xf32>
        %add3A_1232 = arith.addf %mul3A_1228, %get3A_1231 : vector<16xf32>
        %swap3A_1233 = arith.index_cast %scan3A_72 : i32 to index
        %swap3A_1234 = arith.constant 512 : index
        %swap3A_1235 = tpu.vector_load %arg10[%swap3A_1233, %swap3A_1234] {strides = array<i32>} : memref<32x1024xf32, #tpu.memory_space<vmem>>, vector<1x16xf32>,
        %swap3A_1236 = vector.shape_cast %swap3A_1235 : vector<1x16xf32> to vector<16xf32>
        %swap3A_1237 = vector.shape_cast %add3A_1232 : vector<16xf32> to vector<1x16xf32>
        tpu.vector_store %arg10[%swap3A_1233, %swap3A_1234], %swap3A_1237 {strides = array<i32>} : memref<32x1024xf32, #tpu.memory_space<vmem>>, vector<1x16xf32>,
        %get3A_1238 = arith.index_cast %scan3A_72 : i32 to index
        %get3A_1239 = arith.constant 528 : index
        %get3A_1240 = tpu.vector_load %arg10[%get3A_1238, %get3A_1239] {strides = array<i32>} : memref<32x1024xf32, #tpu.memory_space<vmem>>, vector<1x16xf32>,
        %get3A_1241 = vector.shape_cast %get3A_1240 : vector<1x16xf32> to vector<16xf32>
        %get3A_1242 = arith.constant 528 : index
        %get3A_1243 = tpu.vector_load %arg11[%get3A_1242] {strides = array<i32>} : memref<1024xf32, #tpu.memory_space<vmem>>, vector<16xf32>,
        %get3A_1244 = vector.shape_cast %get3A_1243 : vector<16xf32> to vector<16xf32>
        %mul3A_1245 = arith.mulf %mul3A_611, %get3A_1244 : vector<16xf32>
        %sub3A_1246 = arith.subf %get3A_1241, %mul3A_580 : vector<16xf32>
        %mul3A_1247 = arith.mulf %sub3A_1246, %mul3A_1245 : vector<16xf32>
        %get3A_1248 = arith.constant 528 : index
        %get3A_1249 = tpu.vector_load %arg12[%get3A_1248] {strides = array<i32>} : memref<1024xf32, #tpu.memory_space<vmem>>, vector<16xf32>,
        %get3A_1250 = vector.shape_cast %get3A_1249 : vector<16xf32> to vector<16xf32>
        %add3A_1251 = arith.addf %mul3A_1247, %get3A_1250 : vector<16xf32>
        %swap3A_1252 = arith.index_cast %scan3A_72 : i32 to index
        %swap3A_1253 = arith.constant 528 : index
        %swap3A_1254 = tpu.vector_load %arg10[%swap3A_1252, %swap3A_1253] {strides = array<i32>} : memref<32x1024xf32, #tpu.memory_space<vmem>>, vector<1x16xf32>,
        %swap3A_1255 = vector.shape_cast %swap3A_1254 : vector<1x16xf32> to vector<16xf32>
        %swap3A_1256 = vector.shape_cast %add3A_1251 : vector<16xf32> to vector<1x16xf32>
        tpu.vector_store %arg10[%swap3A_1252, %swap3A_1253], %swap3A_1256 {strides = array<i32>} : memref<32x1024xf32, #tpu.memory_space<vmem>>, vector<1x16xf32>,
        %get3A_1257 = arith.index_cast %scan3A_72 : i32 to index
        %get3A_1258 = arith.constant 544 : index
        %get3A_1259 = tpu.vector_load %arg10[%get3A_1257, %get3A_1258] {strides = array<i32>} : memref<32x1024xf32, #tpu.memory_space<vmem>>, vector<1x16xf32>,
        %get3A_1260 = vector.shape_cast %get3A_1259 : vector<1x16xf32> to vector<16xf32>
        %get3A_1261 = arith.constant 544 : index
        %get3A_1262 = tpu.vector_load %arg11[%get3A_1261] {strides = array<i32>} : memref<1024xf32, #tpu.memory_space<vmem>>, vector<16xf32>,
        %get3A_1263 = vector.shape_cast %get3A_1262 : vector<16xf32> to vector<16xf32>
        %mul3A_1264 = arith.mulf %mul3A_611, %get3A_1263 : vector<16xf32>
        %sub3A_1265 = arith.subf %get3A_1260, %mul3A_580 : vector<16xf32>
        %mul3A_1266 = arith.mulf %sub3A_1265, %mul3A_1264 : vector<16xf32>
        %get3A_1267 = arith.constant 544 : index
        %get3A_1268 = tpu.vector_load %arg12[%get3A_1267] {strides = array<i32>} : memref<1024xf32, #tpu.memory_space<vmem>>, vector<16xf32>,
        %get3A_1269 = vector.shape_cast %get3A_1268 : vector<16xf32> to vector<16xf32>
        %add3A_1270 = arith.addf %mul3A_1266, %get3A_1269 : vector<16xf32>
        %swap3A_1271 = arith.index_cast %scan3A_72 : i32 to index
        %swap3A_1272 = arith.constant 544 : index
        %swap3A_1273 = tpu.vector_load %arg10[%swap3A_1271, %swap3A_1272] {strides = array<i32>} : memref<32x1024xf32, #tpu.memory_space<vmem>>, vector<1x16xf32>,
        %swap3A_1274 = vector.shape_cast %swap3A_1273 : vector<1x16xf32> to vector<16xf32>
        %swap3A_1275 = vector.shape_cast %add3A_1270 : vector<16xf32> to vector<1x16xf32>
        tpu.vector_store %arg10[%swap3A_1271, %swap3A_1272], %swap3A_1275 {strides = array<i32>} : memref<32x1024xf32, #tpu.memory_space<vmem>>, vector<1x16xf32>,
        %get3A_1276 = arith.index_cast %scan3A_72 : i32 to index
        %get3A_1277 = arith.constant 560 : index
        %get3A_1278 = tpu.vector_load %arg10[%get3A_1276, %get3A_1277] {strides = array<i32>} : memref<32x1024xf32, #tpu.memory_space<vmem>>, vector<1x16xf32>,
        %get3A_1279 = vector.shape_cast %get3A_1278 : vector<1x16xf32> to vector<16xf32>
        %get3A_1280 = arith.constant 560 : index
        %get3A_1281 = tpu.vector_load %arg11[%get3A_1280] {strides = array<i32>} : memref<1024xf32, #tpu.memory_space<vmem>>, vector<16xf32>,
        %get3A_1282 = vector.shape_cast %get3A_1281 : vector<16xf32> to vector<16xf32>
        %mul3A_1283 = arith.mulf %mul3A_611, %get3A_1282 : vector<16xf32>
        %sub3A_1284 = arith.subf %get3A_1279, %mul3A_580 : vector<16xf32>
        %mul3A_1285 = arith.mulf %sub3A_1284, %mul3A_1283 : vector<16xf32>
        %get3A_1286 = arith.constant 560 : index
        %get3A_1287 = tpu.vector_load %arg12[%get3A_1286] {strides = array<i32>} : memref<1024xf32, #tpu.memory_space<vmem>>, vector<16xf32>,
        %get3A_1288 = vector.shape_cast %get3A_1287 : vector<16xf32> to vector<16xf32>
        %add3A_1289 = arith.addf %mul3A_1285, %get3A_1288 : vector<16xf32>
        %swap3A_1290 = arith.index_cast %scan3A_72 : i32 to index
        %swap3A_1291 = arith.constant 560 : index
        %swap3A_1292 = tpu.vector_load %arg10[%swap3A_1290, %swap3A_1291] {strides = array<i32>} : memref<32x1024xf32, #tpu.memory_space<vmem>>, vector<1x16xf32>,
        %swap3A_1293 = vector.shape_cast %swap3A_1292 : vector<1x16xf32> to vector<16xf32>
        %swap3A_1294 = vector.shape_cast %add3A_1289 : vector<16xf32> to vector<1x16xf32>
        tpu.vector_store %arg10[%swap3A_1290, %swap3A_1291], %swap3A_1294 {strides = array<i32>} : memref<32x1024xf32, #tpu.memory_space<vmem>>, vector<1x16xf32>,
        %get3A_1295 = arith.index_cast %scan3A_72 : i32 to index
        %get3A_1296 = arith.constant 576 : index
        %get3A_1297 = tpu.vector_load %arg10[%get3A_1295, %get3A_1296] {strides = array<i32>} : memref<32x1024xf32, #tpu.memory_space<vmem>>, vector<1x16xf32>,
        %get3A_1298 = vector.shape_cast %get3A_1297 : vector<1x16xf32> to vector<16xf32>
        %get3A_1299 = arith.constant 576 : index
        %get3A_1300 = tpu.vector_load %arg11[%get3A_1299] {strides = array<i32>} : memref<1024xf32, #tpu.memory_space<vmem>>, vector<16xf32>,
        %get3A_1301 = vector.shape_cast %get3A_1300 : vector<16xf32> to vector<16xf32>
        %mul3A_1302 = arith.mulf %mul3A_611, %get3A_1301 : vector<16xf32>
        %sub3A_1303 = arith.subf %get3A_1298, %mul3A_580 : vector<16xf32>
        %mul3A_1304 = arith.mulf %sub3A_1303, %mul3A_1302 : vector<16xf32>
        %get3A_1305 = arith.constant 576 : index
        %get3A_1306 = tpu.vector_load %arg12[%get3A_1305] {strides = array<i32>} : memref<1024xf32, #tpu.memory_space<vmem>>, vector<16xf32>,
        %get3A_1307 = vector.shape_cast %get3A_1306 : vector<16xf32> to vector<16xf32>
        %add3A_1308 = arith.addf %mul3A_1304, %get3A_1307 : vector<16xf32>
        %swap3A_1309 = arith.index_cast %scan3A_72 : i32 to index
        %swap3A_1310 = arith.constant 576 : index
        %swap3A_1311 = tpu.vector_load %arg10[%swap3A_1309, %swap3A_1310] {strides = array<i32>} : memref<32x1024xf32, #tpu.memory_space<vmem>>, vector<1x16xf32>,
        %swap3A_1312 = vector.shape_cast %swap3A_1311 : vector<1x16xf32> to vector<16xf32>
        %swap3A_1313 = vector.shape_cast %add3A_1308 : vector<16xf32> to vector<1x16xf32>
        tpu.vector_store %arg10[%swap3A_1309, %swap3A_1310], %swap3A_1313 {strides = array<i32>} : memref<32x1024xf32, #tpu.memory_space<vmem>>, vector<1x16xf32>,
        %get3A_1314 = arith.index_cast %scan3A_72 : i32 to index
        %get3A_1315 = arith.constant 592 : index
        %get3A_1316 = tpu.vector_load %arg10[%get3A_1314, %get3A_1315] {strides = array<i32>} : memref<32x1024xf32, #tpu.memory_space<vmem>>, vector<1x16xf32>,
        %get3A_1317 = vector.shape_cast %get3A_1316 : vector<1x16xf32> to vector<16xf32>
        %get3A_1318 = arith.constant 592 : index
        %get3A_1319 = tpu.vector_load %arg11[%get3A_1318] {strides = array<i32>} : memref<1024xf32, #tpu.memory_space<vmem>>, vector<16xf32>,
        %get3A_1320 = vector.shape_cast %get3A_1319 : vector<16xf32> to vector<16xf32>
        %mul3A_1321 = arith.mulf %mul3A_611, %get3A_1320 : vector<16xf32>
        %sub3A_1322 = arith.subf %get3A_1317, %mul3A_580 : vector<16xf32>
        %mul3A_1323 = arith.mulf %sub3A_1322, %mul3A_1321 : vector<16xf32>
        %get3A_1324 = arith.constant 592 : index
        %get3A_1325 = tpu.vector_load %arg12[%get3A_1324] {strides = array<i32>} : memref<1024xf32, #tpu.memory_space<vmem>>, vector<16xf32>,
        %get3A_1326 = vector.shape_cast %get3A_1325 : vector<16xf32> to vector<16xf32>
        %add3A_1327 = arith.addf %mul3A_1323, %get3A_1326 : vector<16xf32>
        %swap3A_1328 = arith.index_cast %scan3A_72 : i32 to index
        %swap3A_1329 = arith.constant 592 : index
        %swap3A_1330 = tpu.vector_load %arg10[%swap3A_1328, %swap3A_1329] {strides = array<i32>} : memref<32x1024xf32, #tpu.memory_space<vmem>>, vector<1x16xf32>,
        %swap3A_1331 = vector.shape_cast %swap3A_1330 : vector<1x16xf32> to vector<16xf32>
        %swap3A_1332 = vector.shape_cast %add3A_1327 : vector<16xf32> to vector<1x16xf32>
        tpu.vector_store %arg10[%swap3A_1328, %swap3A_1329], %swap3A_1332 {strides = array<i32>} : memref<32x1024xf32, #tpu.memory_space<vmem>>, vector<1x16xf32>,
        %get3A_1333 = arith.index_cast %scan3A_72 : i32 to index
        %get3A_1334 = arith.constant 608 : index
        %get3A_1335 = tpu.vector_load %arg10[%get3A_1333, %get3A_1334] {strides = array<i32>} : memref<32x1024xf32, #tpu.memory_space<vmem>>, vector<1x16xf32>,
        %get3A_1336 = vector.shape_cast %get3A_1335 : vector<1x16xf32> to vector<16xf32>
        %get3A_1337 = arith.constant 608 : index
        %get3A_1338 = tpu.vector_load %arg11[%get3A_1337] {strides = array<i32>} : memref<1024xf32, #tpu.memory_space<vmem>>, vector<16xf32>,
        %get3A_1339 = vector.shape_cast %get3A_1338 : vector<16xf32> to vector<16xf32>
        %mul3A_1340 = arith.mulf %mul3A_611, %get3A_1339 : vector<16xf32>
        %sub3A_1341 = arith.subf %get3A_1336, %mul3A_580 : vector<16xf32>
        %mul3A_1342 = arith.mulf %sub3A_1341, %mul3A_1340 : vector<16xf32>
        %get3A_1343 = arith.constant 608 : index
        %get3A_1344 = tpu.vector_load %arg12[%get3A_1343] {strides = array<i32>} : memref<1024xf32, #tpu.memory_space<vmem>>, vector<16xf32>,
        %get3A_1345 = vector.shape_cast %get3A_1344 : vector<16xf32> to vector<16xf32>
        %add3A_1346 = arith.addf %mul3A_1342, %get3A_1345 : vector<16xf32>
        %swap3A_1347 = arith.index_cast %scan3A_72 : i32 to index
        %swap3A_1348 = arith.constant 608 : index
        %swap3A_1349 = tpu.vector_load %arg10[%swap3A_1347, %swap3A_1348] {strides = array<i32>} : memref<32x1024xf32, #tpu.memory_space<vmem>>, vector<1x16xf32>,
        %swap3A_1350 = vector.shape_cast %swap3A_1349 : vector<1x16xf32> to vector<16xf32>
        %swap3A_1351 = vector.shape_cast %add3A_1346 : vector<16xf32> to vector<1x16xf32>
        tpu.vector_store %arg10[%swap3A_1347, %swap3A_1348], %swap3A_1351 {strides = array<i32>} : memref<32x1024xf32, #tpu.memory_space<vmem>>, vector<1x16xf32>,
        %get3A_1352 = arith.index_cast %scan3A_72 : i32 to index
        %get3A_1353 = arith.constant 624 : index
        %get3A_1354 = tpu.vector_load %arg10[%get3A_1352, %get3A_1353] {strides = array<i32>} : memref<32x1024xf32, #tpu.memory_space<vmem>>, vector<1x16xf32>,
        %get3A_1355 = vector.shape_cast %get3A_1354 : vector<1x16xf32> to vector<16xf32>
        %get3A_1356 = arith.constant 624 : index
        %get3A_1357 = tpu.vector_load %arg11[%get3A_1356] {strides = array<i32>} : memref<1024xf32, #tpu.memory_space<vmem>>, vector<16xf32>,
        %get3A_1358 = vector.shape_cast %get3A_1357 : vector<16xf32> to vector<16xf32>
        %mul3A_1359 = arith.mulf %mul3A_611, %get3A_1358 : vector<16xf32>
        %sub3A_1360 = arith.subf %get3A_1355, %mul3A_580 : vector<16xf32>
        %mul3A_1361 = arith.mulf %sub3A_1360, %mul3A_1359 : vector<16xf32>
        %get3A_1362 = arith.constant 624 : index
        %get3A_1363 = tpu.vector_load %arg12[%get3A_1362] {strides = array<i32>} : memref<1024xf32, #tpu.memory_space<vmem>>, vector<16xf32>,
        %get3A_1364 = vector.shape_cast %get3A_1363 : vector<16xf32> to vector<16xf32>
        %add3A_1365 = arith.addf %mul3A_1361, %get3A_1364 : vector<16xf32>
        %swap3A_1366 = arith.index_cast %scan3A_72 : i32 to index
        %swap3A_1367 = arith.constant 624 : index
        %swap3A_1368 = tpu.vector_load %arg10[%swap3A_1366, %swap3A_1367] {strides = array<i32>} : memref<32x1024xf32, #tpu.memory_space<vmem>>, vector<1x16xf32>,
        %swap3A_1369 = vector.shape_cast %swap3A_1368 : vector<1x16xf32> to vector<16xf32>
        %swap3A_1370 = vector.shape_cast %add3A_1365 : vector<16xf32> to vector<1x16xf32>
        tpu.vector_store %arg10[%swap3A_1366, %swap3A_1367], %swap3A_1370 {strides = array<i32>} : memref<32x1024xf32, #tpu.memory_space<vmem>>, vector<1x16xf32>,
        %get3A_1371 = arith.index_cast %scan3A_72 : i32 to index
        %get3A_1372 = arith.constant 640 : index
        %get3A_1373 = tpu.vector_load %arg10[%get3A_1371, %get3A_1372] {strides = array<i32>} : memref<32x1024xf32, #tpu.memory_space<vmem>>, vector<1x16xf32>,
        %get3A_1374 = vector.shape_cast %get3A_1373 : vector<1x16xf32> to vector<16xf32>
        %get3A_1375 = arith.constant 640 : index
        %get3A_1376 = tpu.vector_load %arg11[%get3A_1375] {strides = array<i32>} : memref<1024xf32, #tpu.memory_space<vmem>>, vector<16xf32>,
        %get3A_1377 = vector.shape_cast %get3A_1376 : vector<16xf32> to vector<16xf32>
        %mul3A_1378 = arith.mulf %mul3A_611, %get3A_1377 : vector<16xf32>
        %sub3A_1379 = arith.subf %get3A_1374, %mul3A_580 : vector<16xf32>
        %mul3A_1380 = arith.mulf %sub3A_1379, %mul3A_1378 : vector<16xf32>
        %get3A_1381 = arith.constant 640 : index
        %get3A_1382 = tpu.vector_load %arg12[%get3A_1381] {strides = array<i32>} : memref<1024xf32, #tpu.memory_space<vmem>>, vector<16xf32>,
        %get3A_1383 = vector.shape_cast %get3A_1382 : vector<16xf32> to vector<16xf32>
        %add3A_1384 = arith.addf %mul3A_1380, %get3A_1383 : vector<16xf32>
        %swap3A_1385 = arith.index_cast %scan3A_72 : i32 to index
        %swap3A_1386 = arith.constant 640 : index
        %swap3A_1387 = tpu.vector_load %arg10[%swap3A_1385, %swap3A_1386] {strides = array<i32>} : memref<32x1024xf32, #tpu.memory_space<vmem>>, vector<1x16xf32>,
        %swap3A_1388 = vector.shape_cast %swap3A_1387 : vector<1x16xf32> to vector<16xf32>
        %swap3A_1389 = vector.shape_cast %add3A_1384 : vector<16xf32> to vector<1x16xf32>
        tpu.vector_store %arg10[%swap3A_1385, %swap3A_1386], %swap3A_1389 {strides = array<i32>} : memref<32x1024xf32, #tpu.memory_space<vmem>>, vector<1x16xf32>,
        %get3A_1390 = arith.index_cast %scan3A_72 : i32 to index
        %get3A_1391 = arith.constant 656 : index
        %get3A_1392 = tpu.vector_load %arg10[%get3A_1390, %get3A_1391] {strides = array<i32>} : memref<32x1024xf32, #tpu.memory_space<vmem>>, vector<1x16xf32>,
        %get3A_1393 = vector.shape_cast %get3A_1392 : vector<1x16xf32> to vector<16xf32>
        %get3A_1394 = arith.constant 656 : index
        %get3A_1395 = tpu.vector_load %arg11[%get3A_1394] {strides = array<i32>} : memref<1024xf32, #tpu.memory_space<vmem>>, vector<16xf32>,
        %get3A_1396 = vector.shape_cast %get3A_1395 : vector<16xf32> to vector<16xf32>
        %mul3A_1397 = arith.mulf %mul3A_611, %get3A_1396 : vector<16xf32>
        %sub3A_1398 = arith.subf %get3A_1393, %mul3A_580 : vector<16xf32>
        %mul3A_1399 = arith.mulf %sub3A_1398, %mul3A_1397 : vector<16xf32>
        %get3A_1400 = arith.constant 656 : index
        %get3A_1401 = tpu.vector_load %arg12[%get3A_1400] {strides = array<i32>} : memref<1024xf32, #tpu.memory_space<vmem>>, vector<16xf32>,
        %get3A_1402 = vector.shape_cast %get3A_1401 : vector<16xf32> to vector<16xf32>
        %add3A_1403 = arith.addf %mul3A_1399, %get3A_1402 : vector<16xf32>
        %swap3A_1404 = arith.index_cast %scan3A_72 : i32 to index
        %swap3A_1405 = arith.constant 656 : index
        %swap3A_1406 = tpu.vector_load %arg10[%swap3A_1404, %swap3A_1405] {strides = array<i32>} : memref<32x1024xf32, #tpu.memory_space<vmem>>, vector<1x16xf32>,
        %swap3A_1407 = vector.shape_cast %swap3A_1406 : vector<1x16xf32> to vector<16xf32>
        %swap3A_1408 = vector.shape_cast %add3A_1403 : vector<16xf32> to vector<1x16xf32>
        tpu.vector_store %arg10[%swap3A_1404, %swap3A_1405], %swap3A_1408 {strides = array<i32>} : memref<32x1024xf32, #tpu.memory_space<vmem>>, vector<1x16xf32>,
        %get3A_1409 = arith.index_cast %scan3A_72 : i32 to index
        %get3A_1410 = arith.constant 672 : index
        %get3A_1411 = tpu.vector_load %arg10[%get3A_1409, %get3A_1410] {strides = array<i32>} : memref<32x1024xf32, #tpu.memory_space<vmem>>, vector<1x16xf32>,
        %get3A_1412 = vector.shape_cast %get3A_1411 : vector<1x16xf32> to vector<16xf32>
        %get3A_1413 = arith.constant 672 : index
        %get3A_1414 = tpu.vector_load %arg11[%get3A_1413] {strides = array<i32>} : memref<1024xf32, #tpu.memory_space<vmem>>, vector<16xf32>,
        %get3A_1415 = vector.shape_cast %get3A_1414 : vector<16xf32> to vector<16xf32>
        %mul3A_1416 = arith.mulf %mul3A_611, %get3A_1415 : vector<16xf32>
        %sub3A_1417 = arith.subf %get3A_1412, %mul3A_580 : vector<16xf32>
        %mul3A_1418 = arith.mulf %sub3A_1417, %mul3A_1416 : vector<16xf32>
        %get3A_1419 = arith.constant 672 : index
        %get3A_1420 = tpu.vector_load %arg12[%get3A_1419] {strides = array<i32>} : memref<1024xf32, #tpu.memory_space<vmem>>, vector<16xf32>,
        %get3A_1421 = vector.shape_cast %get3A_1420 : vector<16xf32> to vector<16xf32>
        %add3A_1422 = arith.addf %mul3A_1418, %get3A_1421 : vector<16xf32>
        %swap3A_1423 = arith.index_cast %scan3A_72 : i32 to index
        %swap3A_1424 = arith.constant 672 : index
        %swap3A_1425 = tpu.vector_load %arg10[%swap3A_1423, %swap3A_1424] {strides = array<i32>} : memref<32x1024xf32, #tpu.memory_space<vmem>>, vector<1x16xf32>,
        %swap3A_1426 = vector.shape_cast %swap3A_1425 : vector<1x16xf32> to vector<16xf32>
        %swap3A_1427 = vector.shape_cast %add3A_1422 : vector<16xf32> to vector<1x16xf32>
        tpu.vector_store %arg10[%swap3A_1423, %swap3A_1424], %swap3A_1427 {strides = array<i32>} : memref<32x1024xf32, #tpu.memory_space<vmem>>, vector<1x16xf32>,
        %get3A_1428 = arith.index_cast %scan3A_72 : i32 to index
        %get3A_1429 = arith.constant 688 : index
        %get3A_1430 = tpu.vector_load %arg10[%get3A_1428, %get3A_1429] {strides = array<i32>} : memref<32x1024xf32, #tpu.memory_space<vmem>>, vector<1x16xf32>,
        %get3A_1431 = vector.shape_cast %get3A_1430 : vector<1x16xf32> to vector<16xf32>
        %get3A_1432 = arith.constant 688 : index
        %get3A_1433 = tpu.vector_load %arg11[%get3A_1432] {strides = array<i32>} : memref<1024xf32, #tpu.memory_space<vmem>>, vector<16xf32>,
        %get3A_1434 = vector.shape_cast %get3A_1433 : vector<16xf32> to vector<16xf32>
        %mul3A_1435 = arith.mulf %mul3A_611, %get3A_1434 : vector<16xf32>
        %sub3A_1436 = arith.subf %get3A_1431, %mul3A_580 : vector<16xf32>
        %mul3A_1437 = arith.mulf %sub3A_1436, %mul3A_1435 : vector<16xf32>
        %get3A_1438 = arith.constant 688 : index
        %get3A_1439 = tpu.vector_load %arg12[%get3A_1438] {strides = array<i32>} : memref<1024xf32, #tpu.memory_space<vmem>>, vector<16xf32>,
        %get3A_1440 = vector.shape_cast %get3A_1439 : vector<16xf32> to vector<16xf32>
        %add3A_1441 = arith.addf %mul3A_1437, %get3A_1440 : vector<16xf32>
        %swap3A_1442 = arith.index_cast %scan3A_72 : i32 to index
        %swap3A_1443 = arith.constant 688 : index
        %swap3A_1444 = tpu.vector_load %arg10[%swap3A_1442, %swap3A_1443] {strides = array<i32>} : memref<32x1024xf32, #tpu.memory_space<vmem>>, vector<1x16xf32>,
        %swap3A_1445 = vector.shape_cast %swap3A_1444 : vector<1x16xf32> to vector<16xf32>
        %swap3A_1446 = vector.shape_cast %add3A_1441 : vector<16xf32> to vector<1x16xf32>
        tpu.vector_store %arg10[%swap3A_1442, %swap3A_1443], %swap3A_1446 {strides = array<i32>} : memref<32x1024xf32, #tpu.memory_space<vmem>>, vector<1x16xf32>,
        %get3A_1447 = arith.index_cast %scan3A_72 : i32 to index
        %get3A_1448 = arith.constant 704 : index
        %get3A_1449 = tpu.vector_load %arg10[%get3A_1447, %get3A_1448] {strides = array<i32>} : memref<32x1024xf32, #tpu.memory_space<vmem>>, vector<1x16xf32>,
        %get3A_1450 = vector.shape_cast %get3A_1449 : vector<1x16xf32> to vector<16xf32>
        %get3A_1451 = arith.constant 704 : index
        %get3A_1452 = tpu.vector_load %arg11[%get3A_1451] {strides = array<i32>} : memref<1024xf32, #tpu.memory_space<vmem>>, vector<16xf32>,
        %get3A_1453 = vector.shape_cast %get3A_1452 : vector<16xf32> to vector<16xf32>
        %mul3A_1454 = arith.mulf %mul3A_611, %get3A_1453 : vector<16xf32>
        %sub3A_1455 = arith.subf %get3A_1450, %mul3A_580 : vector<16xf32>
        %mul3A_1456 = arith.mulf %sub3A_1455, %mul3A_1454 : vector<16xf32>
        %get3A_1457 = arith.constant 704 : index
        %get3A_1458 = tpu.vector_load %arg12[%get3A_1457] {strides = array<i32>} : memref<1024xf32, #tpu.memory_space<vmem>>, vector<16xf32>,
        %get3A_1459 = vector.shape_cast %get3A_1458 : vector<16xf32> to vector<16xf32>
        %add3A_1460 = arith.addf %mul3A_1456, %get3A_1459 : vector<16xf32>
        %swap3A_1461 = arith.index_cast %scan3A_72 : i32 to index
        %swap3A_1462 = arith.constant 704 : index
        %swap3A_1463 = tpu.vector_load %arg10[%swap3A_1461, %swap3A_1462] {strides = array<i32>} : memref<32x1024xf32, #tpu.memory_space<vmem>>, vector<1x16xf32>,
        %swap3A_1464 = vector.shape_cast %swap3A_1463 : vector<1x16xf32> to vector<16xf32>
        %swap3A_1465 = vector.shape_cast %add3A_1460 : vector<16xf32> to vector<1x16xf32>
        tpu.vector_store %arg10[%swap3A_1461, %swap3A_1462], %swap3A_1465 {strides = array<i32>} : memref<32x1024xf32, #tpu.memory_space<vmem>>, vector<1x16xf32>,
        %get3A_1466 = arith.index_cast %scan3A_72 : i32 to index
        %get3A_1467 = arith.constant 720 : index
        %get3A_1468 = tpu.vector_load %arg10[%get3A_1466, %get3A_1467] {strides = array<i32>} : memref<32x1024xf32, #tpu.memory_space<vmem>>, vector<1x16xf32>,
        %get3A_1469 = vector.shape_cast %get3A_1468 : vector<1x16xf32> to vector<16xf32>
        %get3A_1470 = arith.constant 720 : index
        %get3A_1471 = tpu.vector_load %arg11[%get3A_1470] {strides = array<i32>} : memref<1024xf32, #tpu.memory_space<vmem>>, vector<16xf32>,
        %get3A_1472 = vector.shape_cast %get3A_1471 : vector<16xf32> to vector<16xf32>
        %mul3A_1473 = arith.mulf %mul3A_611, %get3A_1472 : vector<16xf32>
        %sub3A_1474 = arith.subf %get3A_1469, %mul3A_580 : vector<16xf32>
        %mul3A_1475 = arith.mulf %sub3A_1474, %mul3A_1473 : vector<16xf32>
        %get3A_1476 = arith.constant 720 : index
        %get3A_1477 = tpu.vector_load %arg12[%get3A_1476] {strides = array<i32>} : memref<1024xf32, #tpu.memory_space<vmem>>, vector<16xf32>,
        %get3A_1478 = vector.shape_cast %get3A_1477 : vector<16xf32> to vector<16xf32>
        %add3A_1479 = arith.addf %mul3A_1475, %get3A_1478 : vector<16xf32>
        %swap3A_1480 = arith.index_cast %scan3A_72 : i32 to index
        %swap3A_1481 = arith.constant 720 : index
        %swap3A_1482 = tpu.vector_load %arg10[%swap3A_1480, %swap3A_1481] {strides = array<i32>} : memref<32x1024xf32, #tpu.memory_space<vmem>>, vector<1x16xf32>,
        %swap3A_1483 = vector.shape_cast %swap3A_1482 : vector<1x16xf32> to vector<16xf32>
        %swap3A_1484 = vector.shape_cast %add3A_1479 : vector<16xf32> to vector<1x16xf32>
        tpu.vector_store %arg10[%swap3A_1480, %swap3A_1481], %swap3A_1484 {strides = array<i32>} : memref<32x1024xf32, #tpu.memory_space<vmem>>, vector<1x16xf32>,
        %get3A_1485 = arith.index_cast %scan3A_72 : i32 to index
        %get3A_1486 = arith.constant 736 : index
        %get3A_1487 = tpu.vector_load %arg10[%get3A_1485, %get3A_1486] {strides = array<i32>} : memref<32x1024xf32, #tpu.memory_space<vmem>>, vector<1x16xf32>,
        %get3A_1488 = vector.shape_cast %get3A_1487 : vector<1x16xf32> to vector<16xf32>
        %get3A_1489 = arith.constant 736 : index
        %get3A_1490 = tpu.vector_load %arg11[%get3A_1489] {strides = array<i32>} : memref<1024xf32, #tpu.memory_space<vmem>>, vector<16xf32>,
        %get3A_1491 = vector.shape_cast %get3A_1490 : vector<16xf32> to vector<16xf32>
        %mul3A_1492 = arith.mulf %mul3A_611, %get3A_1491 : vector<16xf32>
        %sub3A_1493 = arith.subf %get3A_1488, %mul3A_580 : vector<16xf32>
        %mul3A_1494 = arith.mulf %sub3A_1493, %mul3A_1492 : vector<16xf32>
        %get3A_1495 = arith.constant 736 : index
        %get3A_1496 = tpu.vector_load %arg12[%get3A_1495] {strides = array<i32>} : memref<1024xf32, #tpu.memory_space<vmem>>, vector<16xf32>,
        %get3A_1497 = vector.shape_cast %get3A_1496 : vector<16xf32> to vector<16xf32>
        %add3A_1498 = arith.addf %mul3A_1494, %get3A_1497 : vector<16xf32>
        %swap3A_1499 = arith.index_cast %scan3A_72 : i32 to index
        %swap3A_1500 = arith.constant 736 : index
        %swap3A_1501 = tpu.vector_load %arg10[%swap3A_1499, %swap3A_1500] {strides = array<i32>} : memref<32x1024xf32, #tpu.memory_space<vmem>>, vector<1x16xf32>,
        %swap3A_1502 = vector.shape_cast %swap3A_1501 : vector<1x16xf32> to vector<16xf32>
        %swap3A_1503 = vector.shape_cast %add3A_1498 : vector<16xf32> to vector<1x16xf32>
        tpu.vector_store %arg10[%swap3A_1499, %swap3A_1500], %swap3A_1503 {strides = array<i32>} : memref<32x1024xf32, #tpu.memory_space<vmem>>, vector<1x16xf32>,
        %get3A_1504 = arith.index_cast %scan3A_72 : i32 to index
        %get3A_1505 = arith.constant 752 : index
        %get3A_1506 = tpu.vector_load %arg10[%get3A_1504, %get3A_1505] {strides = array<i32>} : memref<32x1024xf32, #tpu.memory_space<vmem>>, vector<1x16xf32>,
        %get3A_1507 = vector.shape_cast %get3A_1506 : vector<1x16xf32> to vector<16xf32>
        %get3A_1508 = arith.constant 752 : index
        %get3A_1509 = tpu.vector_load %arg11[%get3A_1508] {strides = array<i32>} : memref<1024xf32, #tpu.memory_space<vmem>>, vector<16xf32>,
        %get3A_1510 = vector.shape_cast %get3A_1509 : vector<16xf32> to vector<16xf32>
        %mul3A_1511 = arith.mulf %mul3A_611, %get3A_1510 : vector<16xf32>
        %sub3A_1512 = arith.subf %get3A_1507, %mul3A_580 : vector<16xf32>
        %mul3A_1513 = arith.mulf %sub3A_1512, %mul3A_1511 : vector<16xf32>
        %get3A_1514 = arith.constant 752 : index
        %get3A_1515 = tpu.vector_load %arg12[%get3A_1514] {strides = array<i32>} : memref<1024xf32, #tpu.memory_space<vmem>>, vector<16xf32>,
        %get3A_1516 = vector.shape_cast %get3A_1515 : vector<16xf32> to vector<16xf32>
        %add3A_1517 = arith.addf %mul3A_1513, %get3A_1516 : vector<16xf32>
        %swap3A_1518 = arith.index_cast %scan3A_72 : i32 to index
        %swap3A_1519 = arith.constant 752 : index
        %swap3A_1520 = tpu.vector_load %arg10[%swap3A_1518, %swap3A_1519] {strides = array<i32>} : memref<32x1024xf32, #tpu.memory_space<vmem>>, vector<1x16xf32>,
        %swap3A_1521 = vector.shape_cast %swap3A_1520 : vector<1x16xf32> to vector<16xf32>
        %swap3A_1522 = vector.shape_cast %add3A_1517 : vector<16xf32> to vector<1x16xf32>
        tpu.vector_store %arg10[%swap3A_1518, %swap3A_1519], %swap3A_1522 {strides = array<i32>} : memref<32x1024xf32, #tpu.memory_space<vmem>>, vector<1x16xf32>,
        %get3A_1523 = arith.index_cast %scan3A_72 : i32 to index
        %get3A_1524 = arith.constant 768 : index
        %get3A_1525 = tpu.vector_load %arg10[%get3A_1523, %get3A_1524] {strides = array<i32>} : memref<32x1024xf32, #tpu.memory_space<vmem>>, vector<1x16xf32>,
        %get3A_1526 = vector.shape_cast %get3A_1525 : vector<1x16xf32> to vector<16xf32>
        %get3A_1527 = arith.constant 768 : index
        %get3A_1528 = tpu.vector_load %arg11[%get3A_1527] {strides = array<i32>} : memref<1024xf32, #tpu.memory_space<vmem>>, vector<16xf32>,
        %get3A_1529 = vector.shape_cast %get3A_1528 : vector<16xf32> to vector<16xf32>
        %mul3A_1530 = arith.mulf %mul3A_611, %get3A_1529 : vector<16xf32>
        %sub3A_1531 = arith.subf %get3A_1526, %mul3A_580 : vector<16xf32>
        %mul3A_1532 = arith.mulf %sub3A_1531, %mul3A_1530 : vector<16xf32>
        %get3A_1533 = arith.constant 768 : index
        %get3A_1534 = tpu.vector_load %arg12[%get3A_1533] {strides = array<i32>} : memref<1024xf32, #tpu.memory_space<vmem>>, vector<16xf32>,
        %get3A_1535 = vector.shape_cast %get3A_1534 : vector<16xf32> to vector<16xf32>
        %add3A_1536 = arith.addf %mul3A_1532, %get3A_1535 : vector<16xf32>
        %swap3A_1537 = arith.index_cast %scan3A_72 : i32 to index
        %swap3A_1538 = arith.constant 768 : index
        %swap3A_1539 = tpu.vector_load %arg10[%swap3A_1537, %swap3A_1538] {strides = array<i32>} : memref<32x1024xf32, #tpu.memory_space<vmem>>, vector<1x16xf32>,
        %swap3A_1540 = vector.shape_cast %swap3A_1539 : vector<1x16xf32> to vector<16xf32>
        %swap3A_1541 = vector.shape_cast %add3A_1536 : vector<16xf32> to vector<1x16xf32>
        tpu.vector_store %arg10[%swap3A_1537, %swap3A_1538], %swap3A_1541 {strides = array<i32>} : memref<32x1024xf32, #tpu.memory_space<vmem>>, vector<1x16xf32>,
        %get3A_1542 = arith.index_cast %scan3A_72 : i32 to index
        %get3A_1543 = arith.constant 784 : index
        %get3A_1544 = tpu.vector_load %arg10[%get3A_1542, %get3A_1543] {strides = array<i32>} : memref<32x1024xf32, #tpu.memory_space<vmem>>, vector<1x16xf32>,
        %get3A_1545 = vector.shape_cast %get3A_1544 : vector<1x16xf32> to vector<16xf32>
        %get3A_1546 = arith.constant 784 : index
        %get3A_1547 = tpu.vector_load %arg11[%get3A_1546] {strides = array<i32>} : memref<1024xf32, #tpu.memory_space<vmem>>, vector<16xf32>,
        %get3A_1548 = vector.shape_cast %get3A_1547 : vector<16xf32> to vector<16xf32>
        %mul3A_1549 = arith.mulf %mul3A_611, %get3A_1548 : vector<16xf32>
        %sub3A_1550 = arith.subf %get3A_1545, %mul3A_580 : vector<16xf32>
        %mul3A_1551 = arith.mulf %sub3A_1550, %mul3A_1549 : vector<16xf32>
        %get3A_1552 = arith.constant 784 : index
        %get3A_1553 = tpu.vector_load %arg12[%get3A_1552] {strides = array<i32>} : memref<1024xf32, #tpu.memory_space<vmem>>, vector<16xf32>,
        %get3A_1554 = vector.shape_cast %get3A_1553 : vector<16xf32> to vector<16xf32>
        %add3A_1555 = arith.addf %mul3A_1551, %get3A_1554 : vector<16xf32>
        %swap3A_1556 = arith.index_cast %scan3A_72 : i32 to index
        %swap3A_1557 = arith.constant 784 : index
        %swap3A_1558 = tpu.vector_load %arg10[%swap3A_1556, %swap3A_1557] {strides = array<i32>} : memref<32x1024xf32, #tpu.memory_space<vmem>>, vector<1x16xf32>,
        %swap3A_1559 = vector.shape_cast %swap3A_1558 : vector<1x16xf32> to vector<16xf32>
        %swap3A_1560 = vector.shape_cast %add3A_1555 : vector<16xf32> to vector<1x16xf32>
        tpu.vector_store %arg10[%swap3A_1556, %swap3A_1557], %swap3A_1560 {strides = array<i32>} : memref<32x1024xf32, #tpu.memory_space<vmem>>, vector<1x16xf32>,
        %get3A_1561 = arith.index_cast %scan3A_72 : i32 to index
        %get3A_1562 = arith.constant 800 : index
        %get3A_1563 = tpu.vector_load %arg10[%get3A_1561, %get3A_1562] {strides = array<i32>} : memref<32x1024xf32, #tpu.memory_space<vmem>>, vector<1x16xf32>,
        %get3A_1564 = vector.shape_cast %get3A_1563 : vector<1x16xf32> to vector<16xf32>
        %get3A_1565 = arith.constant 800 : index
        %get3A_1566 = tpu.vector_load %arg11[%get3A_1565] {strides = array<i32>} : memref<1024xf32, #tpu.memory_space<vmem>>, vector<16xf32>,
        %get3A_1567 = vector.shape_cast %get3A_1566 : vector<16xf32> to vector<16xf32>
        %mul3A_1568 = arith.mulf %mul3A_611, %get3A_1567 : vector<16xf32>
        %sub3A_1569 = arith.subf %get3A_1564, %mul3A_580 : vector<16xf32>
        %mul3A_1570 = arith.mulf %sub3A_1569, %mul3A_1568 : vector<16xf32>
        %get3A_1571 = arith.constant 800 : index
        %get3A_1572 = tpu.vector_load %arg12[%get3A_1571] {strides = array<i32>} : memref<1024xf32, #tpu.memory_space<vmem>>, vector<16xf32>,
        %get3A_1573 = vector.shape_cast %get3A_1572 : vector<16xf32> to vector<16xf32>
        %add3A_1574 = arith.addf %mul3A_1570, %get3A_1573 : vector<16xf32>
        %swap3A_1575 = arith.index_cast %scan3A_72 : i32 to index
        %swap3A_1576 = arith.constant 800 : index
        %swap3A_1577 = tpu.vector_load %arg10[%swap3A_1575, %swap3A_1576] {strides = array<i32>} : memref<32x1024xf32, #tpu.memory_space<vmem>>, vector<1x16xf32>,
        %swap3A_1578 = vector.shape_cast %swap3A_1577 : vector<1x16xf32> to vector<16xf32>
        %swap3A_1579 = vector.shape_cast %add3A_1574 : vector<16xf32> to vector<1x16xf32>
        tpu.vector_store %arg10[%swap3A_1575, %swap3A_1576], %swap3A_1579 {strides = array<i32>} : memref<32x1024xf32, #tpu.memory_space<vmem>>, vector<1x16xf32>,
        %get3A_1580 = arith.index_cast %scan3A_72 : i32 to index
        %get3A_1581 = arith.constant 816 : index
        %get3A_1582 = tpu.vector_load %arg10[%get3A_1580, %get3A_1581] {strides = array<i32>} : memref<32x1024xf32, #tpu.memory_space<vmem>>, vector<1x16xf32>,
        %get3A_1583 = vector.shape_cast %get3A_1582 : vector<1x16xf32> to vector<16xf32>
        %get3A_1584 = arith.constant 816 : index
        %get3A_1585 = tpu.vector_load %arg11[%get3A_1584] {strides = array<i32>} : memref<1024xf32, #tpu.memory_space<vmem>>, vector<16xf32>,
        %get3A_1586 = vector.shape_cast %get3A_1585 : vector<16xf32> to vector<16xf32>
        %mul3A_1587 = arith.mulf %mul3A_611, %get3A_1586 : vector<16xf32>
        %sub3A_1588 = arith.subf %get3A_1583, %mul3A_580 : vector<16xf32>
        %mul3A_1589 = arith.mulf %sub3A_1588, %mul3A_1587 : vector<16xf32>
        %get3A_1590 = arith.constant 816 : index
        %get3A_1591 = tpu.vector_load %arg12[%get3A_1590] {strides = array<i32>} : memref<1024xf32, #tpu.memory_space<vmem>>, vector<16xf32>,
        %get3A_1592 = vector.shape_cast %get3A_1591 : vector<16xf32> to vector<16xf32>
        %add3A_1593 = arith.addf %mul3A_1589, %get3A_1592 : vector<16xf32>
        %swap3A_1594 = arith.index_cast %scan3A_72 : i32 to index
        %swap3A_1595 = arith.constant 816 : index
        %swap3A_1596 = tpu.vector_load %arg10[%swap3A_1594, %swap3A_1595] {strides = array<i32>} : memref<32x1024xf32, #tpu.memory_space<vmem>>, vector<1x16xf32>,
        %swap3A_1597 = vector.shape_cast %swap3A_1596 : vector<1x16xf32> to vector<16xf32>
        %swap3A_1598 = vector.shape_cast %add3A_1593 : vector<16xf32> to vector<1x16xf32>
        tpu.vector_store %arg10[%swap3A_1594, %swap3A_1595], %swap3A_1598 {strides = array<i32>} : memref<32x1024xf32, #tpu.memory_space<vmem>>, vector<1x16xf32>,
        %get3A_1599 = arith.index_cast %scan3A_72 : i32 to index
        %get3A_1600 = arith.constant 832 : index
        %get3A_1601 = tpu.vector_load %arg10[%get3A_1599, %get3A_1600] {strides = array<i32>} : memref<32x1024xf32, #tpu.memory_space<vmem>>, vector<1x16xf32>,
        %get3A_1602 = vector.shape_cast %get3A_1601 : vector<1x16xf32> to vector<16xf32>
        %get3A_1603 = arith.constant 832 : index
        %get3A_1604 = tpu.vector_load %arg11[%get3A_1603] {strides = array<i32>} : memref<1024xf32, #tpu.memory_space<vmem>>, vector<16xf32>,
        %get3A_1605 = vector.shape_cast %get3A_1604 : vector<16xf32> to vector<16xf32>
        %mul3A_1606 = arith.mulf %mul3A_611, %get3A_1605 : vector<16xf32>
        %sub3A_1607 = arith.subf %get3A_1602, %mul3A_580 : vector<16xf32>
        %mul3A_1608 = arith.mulf %sub3A_1607, %mul3A_1606 : vector<16xf32>
        %get3A_1609 = arith.constant 832 : index
        %get3A_1610 = tpu.vector_load %arg12[%get3A_1609] {strides = array<i32>} : memref<1024xf32, #tpu.memory_space<vmem>>, vector<16xf32>,
        %get3A_1611 = vector.shape_cast %get3A_1610 : vector<16xf32> to vector<16xf32>
        %add3A_1612 = arith.addf %mul3A_1608, %get3A_1611 : vector<16xf32>
        %swap3A_1613 = arith.index_cast %scan3A_72 : i32 to index
        %swap3A_1614 = arith.constant 832 : index
        %swap3A_1615 = tpu.vector_load %arg10[%swap3A_1613, %swap3A_1614] {strides = array<i32>} : memref<32x1024xf32, #tpu.memory_space<vmem>>, vector<1x16xf32>,
        %swap3A_1616 = vector.shape_cast %swap3A_1615 : vector<1x16xf32> to vector<16xf32>
        %swap3A_1617 = vector.shape_cast %add3A_1612 : vector<16xf32> to vector<1x16xf32>
        tpu.vector_store %arg10[%swap3A_1613, %swap3A_1614], %swap3A_1617 {strides = array<i32>} : memref<32x1024xf32, #tpu.memory_space<vmem>>, vector<1x16xf32>,
        %get3A_1618 = arith.index_cast %scan3A_72 : i32 to index
        %get3A_1619 = arith.constant 848 : index
        %get3A_1620 = tpu.vector_load %arg10[%get3A_1618, %get3A_1619] {strides = array<i32>} : memref<32x1024xf32, #tpu.memory_space<vmem>>, vector<1x16xf32>,
        %get3A_1621 = vector.shape_cast %get3A_1620 : vector<1x16xf32> to vector<16xf32>
        %get3A_1622 = arith.constant 848 : index
        %get3A_1623 = tpu.vector_load %arg11[%get3A_1622] {strides = array<i32>} : memref<1024xf32, #tpu.memory_space<vmem>>, vector<16xf32>,
        %get3A_1624 = vector.shape_cast %get3A_1623 : vector<16xf32> to vector<16xf32>
        %mul3A_1625 = arith.mulf %mul3A_611, %get3A_1624 : vector<16xf32>
        %sub3A_1626 = arith.subf %get3A_1621, %mul3A_580 : vector<16xf32>
        %mul3A_1627 = arith.mulf %sub3A_1626, %mul3A_1625 : vector<16xf32>
        %get3A_1628 = arith.constant 848 : index
        %get3A_1629 = tpu.vector_load %arg12[%get3A_1628] {strides = array<i32>} : memref<1024xf32, #tpu.memory_space<vmem>>, vector<16xf32>,
        %get3A_1630 = vector.shape_cast %get3A_1629 : vector<16xf32> to vector<16xf32>
        %add3A_1631 = arith.addf %mul3A_1627, %get3A_1630 : vector<16xf32>
        %swap3A_1632 = arith.index_cast %scan3A_72 : i32 to index
        %swap3A_1633 = arith.constant 848 : index
        %swap3A_1634 = tpu.vector_load %arg10[%swap3A_1632, %swap3A_1633] {strides = array<i32>} : memref<32x1024xf32, #tpu.memory_space<vmem>>, vector<1x16xf32>,
        %swap3A_1635 = vector.shape_cast %swap3A_1634 : vector<1x16xf32> to vector<16xf32>
        %swap3A_1636 = vector.shape_cast %add3A_1631 : vector<16xf32> to vector<1x16xf32>
        tpu.vector_store %arg10[%swap3A_1632, %swap3A_1633], %swap3A_1636 {strides = array<i32>} : memref<32x1024xf32, #tpu.memory_space<vmem>>, vector<1x16xf32>,
        %get3A_1637 = arith.index_cast %scan3A_72 : i32 to index
        %get3A_1638 = arith.constant 864 : index
        %get3A_1639 = tpu.vector_load %arg10[%get3A_1637, %get3A_1638] {strides = array<i32>} : memref<32x1024xf32, #tpu.memory_space<vmem>>, vector<1x16xf32>,
        %get3A_1640 = vector.shape_cast %get3A_1639 : vector<1x16xf32> to vector<16xf32>
        %get3A_1641 = arith.constant 864 : index
        %get3A_1642 = tpu.vector_load %arg11[%get3A_1641] {strides = array<i32>} : memref<1024xf32, #tpu.memory_space<vmem>>, vector<16xf32>,
        %get3A_1643 = vector.shape_cast %get3A_1642 : vector<16xf32> to vector<16xf32>
        %mul3A_1644 = arith.mulf %mul3A_611, %get3A_1643 : vector<16xf32>
        %sub3A_1645 = arith.subf %get3A_1640, %mul3A_580 : vector<16xf32>
        %mul3A_1646 = arith.mulf %sub3A_1645, %mul3A_1644 : vector<16xf32>
        %get3A_1647 = arith.constant 864 : index
        %get3A_1648 = tpu.vector_load %arg12[%get3A_1647] {strides = array<i32>} : memref<1024xf32, #tpu.memory_space<vmem>>, vector<16xf32>,
        %get3A_1649 = vector.shape_cast %get3A_1648 : vector<16xf32> to vector<16xf32>
        %add3A_1650 = arith.addf %mul3A_1646, %get3A_1649 : vector<16xf32>
        %swap3A_1651 = arith.index_cast %scan3A_72 : i32 to index
        %swap3A_1652 = arith.constant 864 : index
        %swap3A_1653 = tpu.vector_load %arg10[%swap3A_1651, %swap3A_1652] {strides = array<i32>} : memref<32x1024xf32, #tpu.memory_space<vmem>>, vector<1x16xf32>,
        %swap3A_1654 = vector.shape_cast %swap3A_1653 : vector<1x16xf32> to vector<16xf32>
        %swap3A_1655 = vector.shape_cast %add3A_1650 : vector<16xf32> to vector<1x16xf32>
        tpu.vector_store %arg10[%swap3A_1651, %swap3A_1652], %swap3A_1655 {strides = array<i32>} : memref<32x1024xf32, #tpu.memory_space<vmem>>, vector<1x16xf32>,
        %get3A_1656 = arith.index_cast %scan3A_72 : i32 to index
        %get3A_1657 = arith.constant 880 : index
        %get3A_1658 = tpu.vector_load %arg10[%get3A_1656, %get3A_1657] {strides = array<i32>} : memref<32x1024xf32, #tpu.memory_space<vmem>>, vector<1x16xf32>,
        %get3A_1659 = vector.shape_cast %get3A_1658 : vector<1x16xf32> to vector<16xf32>
        %get3A_1660 = arith.constant 880 : index
        %get3A_1661 = tpu.vector_load %arg11[%get3A_1660] {strides = array<i32>} : memref<1024xf32, #tpu.memory_space<vmem>>, vector<16xf32>,
        %get3A_1662 = vector.shape_cast %get3A_1661 : vector<16xf32> to vector<16xf32>
        %mul3A_1663 = arith.mulf %mul3A_611, %get3A_1662 : vector<16xf32>
        %sub3A_1664 = arith.subf %get3A_1659, %mul3A_580 : vector<16xf32>
        %mul3A_1665 = arith.mulf %sub3A_1664, %mul3A_1663 : vector<16xf32>
        %get3A_1666 = arith.constant 880 : index
        %get3A_1667 = tpu.vector_load %arg12[%get3A_1666] {strides = array<i32>} : memref<1024xf32, #tpu.memory_space<vmem>>, vector<16xf32>,
        %get3A_1668 = vector.shape_cast %get3A_1667 : vector<16xf32> to vector<16xf32>
        %add3A_1669 = arith.addf %mul3A_1665, %get3A_1668 : vector<16xf32>
        %swap3A_1670 = arith.index_cast %scan3A_72 : i32 to index
        %swap3A_1671 = arith.constant 880 : index
        %swap3A_1672 = tpu.vector_load %arg10[%swap3A_1670, %swap3A_1671] {strides = array<i32>} : memref<32x1024xf32, #tpu.memory_space<vmem>>, vector<1x16xf32>,
        %swap3A_1673 = vector.shape_cast %swap3A_1672 : vector<1x16xf32> to vector<16xf32>
        %swap3A_1674 = vector.shape_cast %add3A_1669 : vector<16xf32> to vector<1x16xf32>
        tpu.vector_store %arg10[%swap3A_1670, %swap3A_1671], %swap3A_1674 {strides = array<i32>} : memref<32x1024xf32, #tpu.memory_space<vmem>>, vector<1x16xf32>,
        %get3A_1675 = arith.index_cast %scan3A_72 : i32 to index
        %get3A_1676 = arith.constant 896 : index
        %get3A_1677 = tpu.vector_load %arg10[%get3A_1675, %get3A_1676] {strides = array<i32>} : memref<32x1024xf32, #tpu.memory_space<vmem>>, vector<1x16xf32>,
        %get3A_1678 = vector.shape_cast %get3A_1677 : vector<1x16xf32> to vector<16xf32>
        %get3A_1679 = arith.constant 896 : index
        %get3A_1680 = tpu.vector_load %arg11[%get3A_1679] {strides = array<i32>} : memref<1024xf32, #tpu.memory_space<vmem>>, vector<16xf32>,
        %get3A_1681 = vector.shape_cast %get3A_1680 : vector<16xf32> to vector<16xf32>
        %mul3A_1682 = arith.mulf %mul3A_611, %get3A_1681 : vector<16xf32>
        %sub3A_1683 = arith.subf %get3A_1678, %mul3A_580 : vector<16xf32>
        %mul3A_1684 = arith.mulf %sub3A_1683, %mul3A_1682 : vector<16xf32>
        %get3A_1685 = arith.constant 896 : index
        %get3A_1686 = tpu.vector_load %arg12[%get3A_1685] {strides = array<i32>} : memref<1024xf32, #tpu.memory_space<vmem>>, vector<16xf32>,
        %get3A_1687 = vector.shape_cast %get3A_1686 : vector<16xf32> to vector<16xf32>
        %add3A_1688 = arith.addf %mul3A_1684, %get3A_1687 : vector<16xf32>
        %swap3A_1689 = arith.index_cast %scan3A_72 : i32 to index
        %swap3A_1690 = arith.constant 896 : index
        %swap3A_1691 = tpu.vector_load %arg10[%swap3A_1689, %swap3A_1690] {strides = array<i32>} : memref<32x1024xf32, #tpu.memory_space<vmem>>, vector<1x16xf32>,
        %swap3A_1692 = vector.shape_cast %swap3A_1691 : vector<1x16xf32> to vector<16xf32>
        %swap3A_1693 = vector.shape_cast %add3A_1688 : vector<16xf32> to vector<1x16xf32>
        tpu.vector_store %arg10[%swap3A_1689, %swap3A_1690], %swap3A_1693 {strides = array<i32>} : memref<32x1024xf32, #tpu.memory_space<vmem>>, vector<1x16xf32>,
        %get3A_1694 = arith.index_cast %scan3A_72 : i32 to index
        %get3A_1695 = arith.constant 912 : index
        %get3A_1696 = tpu.vector_load %arg10[%get3A_1694, %get3A_1695] {strides = array<i32>} : memref<32x1024xf32, #tpu.memory_space<vmem>>, vector<1x16xf32>,
        %get3A_1697 = vector.shape_cast %get3A_1696 : vector<1x16xf32> to vector<16xf32>
        %get3A_1698 = arith.constant 912 : index
        %get3A_1699 = tpu.vector_load %arg11[%get3A_1698] {strides = array<i32>} : memref<1024xf32, #tpu.memory_space<vmem>>, vector<16xf32>,
        %get3A_1700 = vector.shape_cast %get3A_1699 : vector<16xf32> to vector<16xf32>
        %mul3A_1701 = arith.mulf %mul3A_611, %get3A_1700 : vector<16xf32>
        %sub3A_1702 = arith.subf %get3A_1697, %mul3A_580 : vector<16xf32>
        %mul3A_1703 = arith.mulf %sub3A_1702, %mul3A_1701 : vector<16xf32>
        %get3A_1704 = arith.constant 912 : index
        %get3A_1705 = tpu.vector_load %arg12[%get3A_1704] {strides = array<i32>} : memref<1024xf32, #tpu.memory_space<vmem>>, vector<16xf32>,
        %get3A_1706 = vector.shape_cast %get3A_1705 : vector<16xf32> to vector<16xf32>
        %add3A_1707 = arith.addf %mul3A_1703, %get3A_1706 : vector<16xf32>
        %swap3A_1708 = arith.index_cast %scan3A_72 : i32 to index
        %swap3A_1709 = arith.constant 912 : index
        %swap3A_1710 = tpu.vector_load %arg10[%swap3A_1708, %swap3A_1709] {strides = array<i32>} : memref<32x1024xf32, #tpu.memory_space<vmem>>, vector<1x16xf32>,
        %swap3A_1711 = vector.shape_cast %swap3A_1710 : vector<1x16xf32> to vector<16xf32>
        %swap3A_1712 = vector.shape_cast %add3A_1707 : vector<16xf32> to vector<1x16xf32>
        tpu.vector_store %arg10[%swap3A_1708, %swap3A_1709], %swap3A_1712 {strides = array<i32>} : memref<32x1024xf32, #tpu.memory_space<vmem>>, vector<1x16xf32>,
        %get3A_1713 = arith.index_cast %scan3A_72 : i32 to index
        %get3A_1714 = arith.constant 928 : index
        %get3A_1715 = tpu.vector_load %arg10[%get3A_1713, %get3A_1714] {strides = array<i32>} : memref<32x1024xf32, #tpu.memory_space<vmem>>, vector<1x16xf32>,
        %get3A_1716 = vector.shape_cast %get3A_1715 : vector<1x16xf32> to vector<16xf32>
        %get3A_1717 = arith.constant 928 : index
        %get3A_1718 = tpu.vector_load %arg11[%get3A_1717] {strides = array<i32>} : memref<1024xf32, #tpu.memory_space<vmem>>, vector<16xf32>,
        %get3A_1719 = vector.shape_cast %get3A_1718 : vector<16xf32> to vector<16xf32>
        %mul3A_1720 = arith.mulf %mul3A_611, %get3A_1719 : vector<16xf32>
        %sub3A_1721 = arith.subf %get3A_1716, %mul3A_580 : vector<16xf32>
        %mul3A_1722 = arith.mulf %sub3A_1721, %mul3A_1720 : vector<16xf32>
        %get3A_1723 = arith.constant 928 : index
        %get3A_1724 = tpu.vector_load %arg12[%get3A_1723] {strides = array<i32>} : memref<1024xf32, #tpu.memory_space<vmem>>, vector<16xf32>,
        %get3A_1725 = vector.shape_cast %get3A_1724 : vector<16xf32> to vector<16xf32>
        %add3A_1726 = arith.addf %mul3A_1722, %get3A_1725 : vector<16xf32>
        %swap3A_1727 = arith.index_cast %scan3A_72 : i32 to index
        %swap3A_1728 = arith.constant 928 : index
        %swap3A_1729 = tpu.vector_load %arg10[%swap3A_1727, %swap3A_1728] {strides = array<i32>} : memref<32x1024xf32, #tpu.memory_space<vmem>>, vector<1x16xf32>,
        %swap3A_1730 = vector.shape_cast %swap3A_1729 : vector<1x16xf32> to vector<16xf32>
        %swap3A_1731 = vector.shape_cast %add3A_1726 : vector<16xf32> to vector<1x16xf32>
        tpu.vector_store %arg10[%swap3A_1727, %swap3A_1728], %swap3A_1731 {strides = array<i32>} : memref<32x1024xf32, #tpu.memory_space<vmem>>, vector<1x16xf32>,
        %get3A_1732 = arith.index_cast %scan3A_72 : i32 to index
        %get3A_1733 = arith.constant 944 : index
        %get3A_1734 = tpu.vector_load %arg10[%get3A_1732, %get3A_1733] {strides = array<i32>} : memref<32x1024xf32, #tpu.memory_space<vmem>>, vector<1x16xf32>,
        %get3A_1735 = vector.shape_cast %get3A_1734 : vector<1x16xf32> to vector<16xf32>
        %get3A_1736 = arith.constant 944 : index
        %get3A_1737 = tpu.vector_load %arg11[%get3A_1736] {strides = array<i32>} : memref<1024xf32, #tpu.memory_space<vmem>>, vector<16xf32>,
        %get3A_1738 = vector.shape_cast %get3A_1737 : vector<16xf32> to vector<16xf32>
        %mul3A_1739 = arith.mulf %mul3A_611, %get3A_1738 : vector<16xf32>
        %sub3A_1740 = arith.subf %get3A_1735, %mul3A_580 : vector<16xf32>
        %mul3A_1741 = arith.mulf %sub3A_1740, %mul3A_1739 : vector<16xf32>
        %get3A_1742 = arith.constant 944 : index
        %get3A_1743 = tpu.vector_load %arg12[%get3A_1742] {strides = array<i32>} : memref<1024xf32, #tpu.memory_space<vmem>>, vector<16xf32>,
        %get3A_1744 = vector.shape_cast %get3A_1743 : vector<16xf32> to vector<16xf32>
        %add3A_1745 = arith.addf %mul3A_1741, %get3A_1744 : vector<16xf32>
        %swap3A_1746 = arith.index_cast %scan3A_72 : i32 to index
        %swap3A_1747 = arith.constant 944 : index
        %swap3A_1748 = tpu.vector_load %arg10[%swap3A_1746, %swap3A_1747] {strides = array<i32>} : memref<32x1024xf32, #tpu.memory_space<vmem>>, vector<1x16xf32>,
        %swap3A_1749 = vector.shape_cast %swap3A_1748 : vector<1x16xf32> to vector<16xf32>
        %swap3A_1750 = vector.shape_cast %add3A_1745 : vector<16xf32> to vector<1x16xf32>
        tpu.vector_store %arg10[%swap3A_1746, %swap3A_1747], %swap3A_1750 {strides = array<i32>} : memref<32x1024xf32, #tpu.memory_space<vmem>>, vector<1x16xf32>,
        %get3A_1751 = arith.index_cast %scan3A_72 : i32 to index
        %get3A_1752 = arith.constant 960 : index
        %get3A_1753 = tpu.vector_load %arg10[%get3A_1751, %get3A_1752] {strides = array<i32>} : memref<32x1024xf32, #tpu.memory_space<vmem>>, vector<1x16xf32>,
        %get3A_1754 = vector.shape_cast %get3A_1753 : vector<1x16xf32> to vector<16xf32>
        %get3A_1755 = arith.constant 960 : index
        %get3A_1756 = tpu.vector_load %arg11[%get3A_1755] {strides = array<i32>} : memref<1024xf32, #tpu.memory_space<vmem>>, vector<16xf32>,
        %get3A_1757 = vector.shape_cast %get3A_1756 : vector<16xf32> to vector<16xf32>
        %mul3A_1758 = arith.mulf %mul3A_611, %get3A_1757 : vector<16xf32>
        %sub3A_1759 = arith.subf %get3A_1754, %mul3A_580 : vector<16xf32>
        %mul3A_1760 = arith.mulf %sub3A_1759, %mul3A_1758 : vector<16xf32>
        %get3A_1761 = arith.constant 960 : index
        %get3A_1762 = tpu.vector_load %arg12[%get3A_1761] {strides = array<i32>} : memref<1024xf32, #tpu.memory_space<vmem>>, vector<16xf32>,
        %get3A_1763 = vector.shape_cast %get3A_1762 : vector<16xf32> to vector<16xf32>
        %add3A_1764 = arith.addf %mul3A_1760, %get3A_1763 : vector<16xf32>
        %swap3A_1765 = arith.index_cast %scan3A_72 : i32 to index
        %swap3A_1766 = arith.constant 960 : index
        %swap3A_1767 = tpu.vector_load %arg10[%swap3A_1765, %swap3A_1766] {strides = array<i32>} : memref<32x1024xf32, #tpu.memory_space<vmem>>, vector<1x16xf32>,
        %swap3A_1768 = vector.shape_cast %swap3A_1767 : vector<1x16xf32> to vector<16xf32>
        %swap3A_1769 = vector.shape_cast %add3A_1764 : vector<16xf32> to vector<1x16xf32>
        tpu.vector_store %arg10[%swap3A_1765, %swap3A_1766], %swap3A_1769 {strides = array<i32>} : memref<32x1024xf32, #tpu.memory_space<vmem>>, vector<1x16xf32>,
        %get3A_1770 = arith.index_cast %scan3A_72 : i32 to index
        %get3A_1771 = arith.constant 976 : index
        %get3A_1772 = tpu.vector_load %arg10[%get3A_1770, %get3A_1771] {strides = array<i32>} : memref<32x1024xf32, #tpu.memory_space<vmem>>, vector<1x16xf32>,
        %get3A_1773 = vector.shape_cast %get3A_1772 : vector<1x16xf32> to vector<16xf32>
        %get3A_1774 = arith.constant 976 : index
        %get3A_1775 = tpu.vector_load %arg11[%get3A_1774] {strides = array<i32>} : memref<1024xf32, #tpu.memory_space<vmem>>, vector<16xf32>,
        %get3A_1776 = vector.shape_cast %get3A_1775 : vector<16xf32> to vector<16xf32>
        %mul3A_1777 = arith.mulf %mul3A_611, %get3A_1776 : vector<16xf32>
        %sub3A_1778 = arith.subf %get3A_1773, %mul3A_580 : vector<16xf32>
        %mul3A_1779 = arith.mulf %sub3A_1778, %mul3A_1777 : vector<16xf32>
        %get3A_1780 = arith.constant 976 : index
        %get3A_1781 = tpu.vector_load %arg12[%get3A_1780] {strides = array<i32>} : memref<1024xf32, #tpu.memory_space<vmem>>, vector<16xf32>,
        %get3A_1782 = vector.shape_cast %get3A_1781 : vector<16xf32> to vector<16xf32>
        %add3A_1783 = arith.addf %mul3A_1779, %get3A_1782 : vector<16xf32>
        %swap3A_1784 = arith.index_cast %scan3A_72 : i32 to index
        %swap3A_1785 = arith.constant 976 : index
        %swap3A_1786 = tpu.vector_load %arg10[%swap3A_1784, %swap3A_1785] {strides = array<i32>} : memref<32x1024xf32, #tpu.memory_space<vmem>>, vector<1x16xf32>,
        %swap3A_1787 = vector.shape_cast %swap3A_1786 : vector<1x16xf32> to vector<16xf32>
        %swap3A_1788 = vector.shape_cast %add3A_1783 : vector<16xf32> to vector<1x16xf32>
        tpu.vector_store %arg10[%swap3A_1784, %swap3A_1785], %swap3A_1788 {strides = array<i32>} : memref<32x1024xf32, #tpu.memory_space<vmem>>, vector<1x16xf32>,
        %get3A_1789 = arith.index_cast %scan3A_72 : i32 to index
        %get3A_1790 = arith.constant 992 : index
        %get3A_1791 = tpu.vector_load %arg10[%get3A_1789, %get3A_1790] {strides = array<i32>} : memref<32x1024xf32, #tpu.memory_space<vmem>>, vector<1x16xf32>,
        %get3A_1792 = vector.shape_cast %get3A_1791 : vector<1x16xf32> to vector<16xf32>
        %get3A_1793 = arith.constant 992 : index
        %get3A_1794 = tpu.vector_load %arg11[%get3A_1793] {strides = array<i32>} : memref<1024xf32, #tpu.memory_space<vmem>>, vector<16xf32>,
        %get3A_1795 = vector.shape_cast %get3A_1794 : vector<16xf32> to vector<16xf32>
        %mul3A_1796 = arith.mulf %mul3A_611, %get3A_1795 : vector<16xf32>
        %sub3A_1797 = arith.subf %get3A_1792, %mul3A_580 : vector<16xf32>
        %mul3A_1798 = arith.mulf %sub3A_1797, %mul3A_1796 : vector<16xf32>
        %get3A_1799 = arith.constant 992 : index
        %get3A_1800 = tpu.vector_load %arg12[%get3A_1799] {strides = array<i32>} : memref<1024xf32, #tpu.memory_space<vmem>>, vector<16xf32>,
        %get3A_1801 = vector.shape_cast %get3A_1800 : vector<16xf32> to vector<16xf32>
        %add3A_1802 = arith.addf %mul3A_1798, %get3A_1801 : vector<16xf32>
        %swap3A_1803 = arith.index_cast %scan3A_72 : i32 to index
        %swap3A_1804 = arith.constant 992 : index
        %swap3A_1805 = tpu.vector_load %arg10[%swap3A_1803, %swap3A_1804] {strides = array<i32>} : memref<32x1024xf32, #tpu.memory_space<vmem>>, vector<1x16xf32>,
        %swap3A_1806 = vector.shape_cast %swap3A_1805 : vector<1x16xf32> to vector<16xf32>
        %swap3A_1807 = vector.shape_cast %add3A_1802 : vector<16xf32> to vector<1x16xf32>
        tpu.vector_store %arg10[%swap3A_1803, %swap3A_1804], %swap3A_1807 {strides = array<i32>} : memref<32x1024xf32, #tpu.memory_space<vmem>>, vector<1x16xf32>,
        %get3A_1808 = arith.index_cast %scan3A_72 : i32 to index
        %get3A_1809 = arith.constant 1008 : index
        %get3A_1810 = tpu.vector_load %arg10[%get3A_1808, %get3A_1809] {strides = array<i32>} : memref<32x1024xf32, #tpu.memory_space<vmem>>, vector<1x16xf32>,
        %get3A_1811 = vector.shape_cast %get3A_1810 : vector<1x16xf32> to vector<16xf32>
        %get3A_1812 = arith.constant 1008 : index
        %get3A_1813 = tpu.vector_load %arg11[%get3A_1812] {strides = array<i32>} : memref<1024xf32, #tpu.memory_space<vmem>>, vector<16xf32>,
        %get3A_1814 = vector.shape_cast %get3A_1813 : vector<16xf32> to vector<16xf32>
        %mul3A_1815 = arith.mulf %mul3A_611, %get3A_1814 : vector<16xf32>
        %sub3A_1816 = arith.subf %get3A_1811, %mul3A_580 : vector<16xf32>
        %mul3A_1817 = arith.mulf %sub3A_1816, %mul3A_1815 : vector<16xf32>
        %get3A_1818 = arith.constant 1008 : index
        %get3A_1819 = tpu.vector_load %arg12[%get3A_1818] {strides = array<i32>} : memref<1024xf32, #tpu.memory_space<vmem>>, vector<16xf32>,
        %get3A_1820 = vector.shape_cast %get3A_1819 : vector<16xf32> to vector<16xf32>
        %add3A_1821 = arith.addf %mul3A_1817, %get3A_1820 : vector<16xf32>
        %swap3A_1822 = arith.index_cast %scan3A_72 : i32 to index
        %swap3A_1823 = arith.constant 1008 : index
        %swap3A_1824 = tpu.vector_load %arg10[%swap3A_1822, %swap3A_1823] {strides = array<i32>} : memref<32x1024xf32, #tpu.memory_space<vmem>>, vector<1x16xf32>,
        %swap3A_1825 = vector.shape_cast %swap3A_1824 : vector<1x16xf32> to vector<16xf32>
        %swap3A_1826 = vector.shape_cast %add3A_1821 : vector<16xf32> to vector<1x16xf32>
        tpu.vector_store %arg10[%swap3A_1822, %swap3A_1823], %swap3A_1826 {strides = array<i32>} : memref<32x1024xf32, #tpu.memory_space<vmem>>, vector<1x16xf32>,
      }
      %scan3A_67 = arith.constant 32 : i32
      %dma_start3A_68 = arith.constant 0 : i32
      %dma_start3A_69 = tpu.memref_slice %arg6[%add3A_48, %dma_start3A_68] : memref<16384x1024xf32, #tpu.memory_space<hbm>> -> memref<32x1024xf32, #tpu.memory_space<hbm>>
      %dma_start3A_70 = arith.constant 0 : i32
      %dma_start3A_71 = tpu.memref_slice %arg6[%add3A_48, %dma_start3A_70] : memref<16384x1024xf32, #tpu.memory_space<hbm>> -> memref<32x1024xf32, #tpu.memory_space<hbm>>
      tpu.enqueue_dma source(%arg10 : memref<32x1024xf32, #tpu.memory_space<vmem>>) target(%dma_start3A_71 : memref<32x1024xf32, #tpu.memory_space<hbm>>) target_semaphore(%arg16 : memref<!tpu.dma_semaphore, #tpu.memory_space<semaphore_mem>>)
    }
    %scan3A_9 = arith.constant 8 : i32
    %add3A_10 = arith.constant 480 : i32
    %add3A_11 = arith.addi %mul3A_2, %add3A_10 : i32
    %dma_wait3A = arith.constant 0 : i32
    %dma_wait3A_12 = tpu.memref_slice %arg6[%add3A_11, %dma_wait3A] : memref<16384x1024xf32, #tpu.memory_space<hbm>> -> memref<32x1024xf32, #tpu.memory_space<hbm>>
    %dma_wait3A_13 = arith.constant 0 : i32
    %dma_wait3A_14 = tpu.memref_slice %arg6[%add3A_11, %dma_wait3A_13] : memref<16384x1024xf32, #tpu.memory_space<hbm>> -> memref<32x1024xf32, #tpu.memory_space<hbm>>
    tpu.wait_dma2 semaphore(%arg16 : memref<!tpu.dma_semaphore, #tpu.memory_space<semaphore_mem>>) src(%arg10 : memref<32x1024xf32, #tpu.memory_space<vmem>>) dst(%dma_wait3A_14 : memref<32x1024xf32, #tpu.memory_space<hbm>>)
    return
  }
}

</mosaic_0001>

<sc_bundles>
// kernel: kernel.3.cloned.1.call-start
scs
__scs_entry_jumppad:
0x0: {  	(pc) =	sbr.rel $0x88, $3  }
0x1: {  	(tag) =	ssettag $0x0;
	lr =	simm.s32 $0x1  }
0x2: {  	[smem:$0x3F9D] =	sst lr;
	_ =	strace $0xD0000000  }
0x3: {  	_ = 	snop  }
0x4: {  	_ = 	snop  }
0x5: {  	_ = 	snop  }
0x6: {  	_ = 	snop  }
0x7: {  	_ = 	snop  }
__scs_overlays_trampoline_lowered:
0x8: {  	[smem:$0x3FAC] =	sst s0  }
0x9: {  	[smem:$0x3FAD] =	sst s1  }
0xa: {  	[smem:$0x3FAE] =	sst s2  }
0xb: {  	[smem:$0x3FAF] =	sst s3  }
0xc: {  	[smem:$0x3FB0] =	sst s4  }
0xd: {  	[smem:$0x3FB1] =	sst s5  }
0xe: {  	[smem:$0x3FB2] =	sst s6  }
0xf: {  	[smem:$0x3FB3] =	sst s7  }
0x10: {  	[smem:$0x3FB4] =	sst s8  }
0x11: {  	[smem:$0x3FB5] =	sst s9;
	s0 =	simm.s32 @!p0 $0x0  }
0x12: {  	s1 =	sld [smem:$0x3F9B];
	s0 =	simm.s32 @p0 $0x1  }
0x13: {  	[smem:$0x3FB6] =	sst s0;
	s0 =	simm.s32 @!p1 $0x0  }
0x14: {  	s2 =	sld [smem:$0x3F9A];
	s0 =	simm.s32 @p1 $0x1  }
0x15: {  	[smem:$0x3FB7] =	sst s0;
	s0 =	simm.s32 @!p2 $0x0  }
0x16: {  	s3 =	sld [smem:$0x3FDB];
	s0 =	simm.s32 @p2 $0x1  }
0x17: {  	s4 =	simm.s32 $0x1BF5;
	[smem:$0x3FB9] =	sst s0  }
0x18: {  	s0 =	sld [smem:$0x3F9C];
	_ =	swait.ge [sflag:s4], $0x0  }
0x19: {  	s7 =	sld [smem:$0x3F9D]  }
0x1a: {  	s8 =	sadd.s32 $0xFFFFE003, lr  }
0x1b: {  	s9 =	sadd.s32 $0xFFFFFEF7, lr;
	s5 =	simm.s32 $0xFFFFFFFF;
	p2 =	slt.u32 s8, $0xFFFFF086  }
0x1c: {  	p1 =	slt.u32 s9, $0xF7A;
	s5 =	simm.s32 @!p2 $0x0  }
0x1d: {  	s5 =	simm.s32 @p1 $0x1;
	p0 =	seq.s32 s7, s2  }
0x1e: {  	s7 =	smul.u32 @!p0 $0xF7A, s2;
	p2 =	seq.s32 @!p0 s5, $0x0  }
0x1f: {  	s9 =	smul.u32 $0xF7A, s1;
	s8 =	simm.s32 @!p0 $0x1BF5;
	p2 =	por !p2, p0  }
0x20: {  	[sflag:s8] =	ssyncset.s32 @!p0 $0xFFFFF086;
	s6 =	sadd.s32 @!p0 s3, s7;
	s7 =	simm.s32 @!p0 $0x108  }
0x21: {  	s3 =	sadd.s32 s3, s9;
	s6 =	sadd.s32 @!p0 $0x88, s6;
	s7 =	simm.s32 @p2 $0x1082  }
0x22: {  	[simem:s7], [sflag:s8] =	dma.local @!p0 [hbm:s6], $0xF7A  }
0x23: {  	s9 =	sor.u32 $0xD0000000, s2;
	s6 =	simm.s32 $0x108;
	_ =	swait.ge @!p0 [sflag:s8], $0x0  }
0x24: {  	s3 =	sadd.s32 $0x88, s3;
	s6 =	simm.s32 @!p1 $0x1082;
	[sflag:s4] =	ssyncset.s32 $0xFFFFF086  }
0x25: {  	[simem:s6], [sflag:s4] =	dma.local [hbm:s3], $0xF7A  }
0x26: {  	[smem:$0x3F9D] =	sst s1;
	(tag) =	ssettag s2;
	_ =	strace s9  }
0x27: {  	s1 =	sld [smem:$0x3FAD]  }
0x28: {  	s2 =	sld [smem:$0x3FAE]  }
0x29: {  	s4 =	sld [smem:$0x3FB0]  }
0x2a: {  	p0 =	seq.s32 s5, $0x0;
	s5 =	sld [smem:$0x3FB1]  }
0x2b: {  	s6 =	sld [smem:$0x3FB2]  }
0x2c: {  	s7 =	sld [smem:$0x3FB3]  }
0x2d: {  	s3 =	simm.s32 $0x108;
	s8 =	sld [smem:$0x3FB4]  }
0x2e: {  	s3 =	simm.s32 @!p0 $0x1082;
	s9 =	sld [smem:$0x3FB5]  }
0x2f: {  	lr =	sadd.s32 s0, s3;
	s0 =	sld [smem:$0x3FAC]  }
0x30: {  	s3 =	sld [smem:$0x3FAF]  }
0x31: {  	[smem:$0x3FB8] =	sst s10  }
0x32: {  	s10 =	sld [smem:$0x3FB6];
	_ =	sdelay $0x3  }
0x33: {  	p0 =	seq.s32 s10, $0x1;
	s10 =	sld [smem:$0x3FB8];
	_ =	sdelay $0x3  }
0x34: {  	[smem:$0x3FB8] =	sst s10  }
0x35: {  	s10 =	sld [smem:$0x3FB7];
	_ =	sdelay $0x3  }
0x36: {  	p1 =	seq.s32 s10, $0x1;
	s10 =	sld [smem:$0x3FB8];
	_ =	sdelay $0x3  }
0x37: {  	[smem:$0x3FB8] =	sst s10  }
0x38: {  	s10 =	sld [smem:$0x3FB9]  }
0x39: {  	_ = 	snop;
	(pc) =	sbr.ind lr, $3  }
0x3a: {  	_ = 	snop  }
0x3b: {  	_ = 	snop  }
0x3c: {  	p2 =	seq.s32 s10, $0x1;
	s10 =	sld [smem:$0x3FB8]  }
0x3d: {  	_ =	shalt  }
0x3e: {  	_ =	shalt  }
0x3f: {  	_ =	shalt  }
0x40: {  	_ =	shalt  }
0x41: {  	_ =	shalt  }
0x42: {  	_ =	shalt  }
0x43: {  	_ =	shalt  }
0x44: {  	_ =	shalt  }
0x45: {  	_ =	shalt  }
0x46: {  	_ =	shalt  }
0x47: {  	_ =	shalt  }
0x48: {  	_ =	shalt  }
0x49: {  	_ =	shalt  }
0x4a: {  	_ =	shalt  }
0x4b: {  	_ =	shalt  }
0x4c: {  	_ =	shalt  }
0x4d: {  	_ =	shalt  }
0x4e: {  	_ =	shalt  }
0x4f: {  	_ =	shalt  }
0x50: {  	_ =	shalt  }
0x51: {  	_ =	shalt  }
0x52: {  	_ =	shalt  }
0x53: {  	_ =	shalt  }
0x54: {  	_ =	shalt  }
0x55: {  	_ =	shalt  }
0x56: {  	_ =	shalt  }
0x57: {  	_ =	shalt  }
0x58: {  	_ =	shalt  }
0x59: {  	_ =	shalt  }
0x5a: {  	_ =	shalt  }
0x5b: {  	_ =	shalt  }
0x5c: {  	_ =	shalt  }
0x5d: {  	_ =	shalt  }
0x5e: {  	_ =	shalt  }
0x5f: {  	_ =	shalt  }
0x60: {  	_ =	shalt  }
0x61: {  	_ =	shalt  }
0x62: {  	_ =	shalt  }
0x63: {  	_ =	shalt  }
0x64: {  	_ =	shalt  }
0x65: {  	_ =	shalt  }
0x66: {  	_ =	shalt  }
0x67: {  	_ =	shalt  }
0x68: {  	_ =	shalt  }
0x69: {  	_ =	shalt  }
0x6a: {  	_ =	shalt  }
0x6b: {  	_ =	shalt  }
0x6c: {  	_ =	shalt  }
0x6d: {  	_ =	shalt  }
0x6e: {  	_ =	shalt  }
0x6f: {  	_ =	shalt  }
0x70: {  	_ =	shalt  }
0x71: {  	_ =	shalt  }
0x72: {  	_ =	shalt  }
0x73: {  	_ =	shalt  }
0x74: {  	_ =	shalt  }
0x75: {  	_ =	shalt  }
0x76: {  	_ =	shalt  }
0x77: {  	_ =	shalt  }
0x78: {  	_ =	shalt  }
0x79: {  	_ =	shalt  }
0x7a: {  	_ =	shalt  }
0x7b: {  	_ =	shalt  }
0x7c: {  	_ =	shalt  }
0x7d: {  	_ =	shalt  }
0x7e: {  	_ =	shalt  }
0x7f: {  	_ =	shalt  }
0x80: {  	_ =	shalt  }
0x81: {  	_ =	shalt  }
0x82: {  	_ =	shalt  }
0x83: {  	_ =	shalt  }
0x84: {  	_ =	shalt  }
0x85: {  	_ =	shalt  }
0x86: {  	_ =	shalt  }
0x87: {  	_ =	shalt  }
.Lfunc_end0:
.L_simem_size_0:
called_computation_lowered:
.L_overlay_start_0:
0x88: {  	s2 =	sld [smem:$0x3FD9]  }
0x89: {  	s3 =	sld [smem:$0x3FFE];
	_ =	sdelay $0x1  }
0x8a: {  	s1 =	srdreg.scid  }
0x8b: {  	s0 =	sand.u32 $0x1, s1  }
0x8c: {  	s17 =	sshll.u32 s0, $0xA;
	s2 =	sadd.s32 s3, s2  }
0x8d: {  	s2 =	sadd.s32 s2, s17  }
0x8e: {  	[smem:$0x3FC4] =	sst s2  }
0x8f: {  	_ = 	snop  }
0x90: {  	s2 =	sld [smem:$0x3FC8]  }
0x91: {  	s18 =	sld [smem:$0x3FC7]  }
0x92: {  	s4 =	sld [smem:$0x3FC6]  }
0x93: {  	s5 =	sld [smem:$0x3FD0];
	(tm) =	ssettm $0x1  }
0x94: {  	s6 =	sld [smem:$0x3FFB];
	_ =	sdelay $0x3  }
0x95: {  	_ =	strace s6  }
0x96: {  	s6 =	sld [smem:$0x3FFC];
	_ =	sdelay $0x3  }
0x97: {  	_ =	strace s6  }
0x98: {  	s6 =	sld [smem:$0x3FFD];
	_ =	sdelay $0x3  }
0x99: {  	_ =	strace s6  }
0x9a: {  	_ =	strace $0x8FFFFFFF  }
0x9b: {  	s19 =	sld [smem:$0x3FDB];
	_ =	sdelay $0x1  }
0x9c: {  	s7 =	simm.s32 $_scs_section_size  }
0x9d: {  	s8 =	simm.s32 $_size__tile_overlayer_lowered;
	s9 =	simm.s32 $_tile_overlayer_lowered  }
0x9e: {  	s22 =	simm.s32 $0x1BFF;
	s21 =	sshll.u32 s9, $0x1;
	s6 =	sadd.s32 s7, s19  }
0x9f: {  	s10 =	simm.s32 $0x0;
	s20 =	sshll.u32 s8, $0x1;
	s8 =	sadd.s32 s21, s6  }
0xa0: {  	[timem:s10], [sflag:s22] =	dma.local [hbm:s8], s20  }
0xa1: {  	_ =	swait.ge [sflag:s22], s20  }
0xa2: {  	s7 =	ssub.s32 $0x0, s20;
	[sflag:s22] =	ssyncset.done $0x0  }
0xa3: {  	[sflag:s22] =	ssyncadd.s32 s7;
	_ =	sdelay $0x1  }
0xa4: {  	s23 =	simm.s32 $0x1B8B  }
0xa5: {  	_ =	swait.ge [sflag:s23], $0x1  }
0xa6: {  	[sflag:s23] =	ssyncset.done $0x0  }
0xa7: {  	s25 =	simm.s32 $0x1B8E;
	s24 =	sld [smem:$0x3FFE];
	[sflag:s23] =	ssyncadd.s32 $0xFFFFFFFF  }
0xa8: {  	s26 =	simm.s32 $execute0_lowered;
	[smem:$0x3FD2] =	sst s25  }
0xa9: {  	s8 =	sshll.u32 s26, $0x1;
	_ =	strace $0x80000046;
	[dreg:$0x1] =	wrdreg $0xFFFFFFFF  }
0xaa: {  	s28 =	simm.s32 $_size_execute0_lowered;
	s6 =	sadd.s32 s6, s8;
	[dreg:$0x0] =	wrdreg $0x0  }
0xab: {  	s8 =	sshll.u32 s28, $0x1;
	[dreg:$0x2] =	wrdreg s6  }
0xac: {  	[dreg:$0x3] =	wrdreg s8  }
0xad: {  	[dreg:$0x4] =	wrdreg $0xC0  }
0xae: {  	_ =	task [dreg:s10], $0x5FFFF  }
0xaf: {  	[dreg:$0x1] =	wrdreg $0xFFFFFFFF  }
0xb0: {  	[dreg:$0x0] =	wrdreg $0x60  }
0xb1: {  	[dreg:$0x2] =	wrdreg s24  }
0xb2: {  	[dreg:$0x3] =	wrdreg s2  }
0xb3: {  	[dreg:$0x4] =	wrdreg s18  }
0xb4: {  	[dreg:$0x5] =	wrdreg s4  }
0xb5: {  	[dreg:$0x6] =	wrdreg s5  }
0xb6: {  	[dreg:$0x7] =	wrdreg $0x9  }
0xb7: {  	_ =	task.clear_ibuf [dreg:s10], $0x8FFFF;
	_ =	strace $0x90000046  }
0xb8: {  	s29 =	simm.s32 $0x9;
	_ =	strace $0x80000048  }
0xb9: {  	_ =	swait.ge [sflag:s29], $0x1  }
0xba: {  	[sflag:s29] =	ssyncadd.s32 $0xFFFFFFFF  }
0xbb: {  	_ =	strace $0x90000048  }
0xbc: {  	_ =	sfence  }
0xbd: {  	s30 =	sld [smem:$0x0];
	_ =	sdelay $0x2  }
0xbe: {  	s31 =	sshll.u32 s1, $0xD;
	s1 =	sshrl.u32 s1, $0x2  }
0xbf: {  	s3 =	sand.u32 $0x4000, s31;
	s1 =	sadd.s32 s1, s30  }
0xc0: {  	s0 =	sor.u32 s3, s0;
	s1 =	sshll.u32 s1, $0x11  }
0xc1: {  	s0 =	sor.u32 s1, s0  }
0xc2: {  	s0 =	sadd.s32 $0x8F2B, s0  }
0xc3: {  	[sflag:s0] =	ssyncadd.remote.s32 $0x1  }
0xc4: {  	_ =	sfence.sel $0xFFFF  }
0xc5: {  	[dreg:$0x0] =	wrdreg $0xFFFFFFFF;
	(pc) =	sbr.abs _section_cstart, $3  }
0xc6: {  	[dreg:$0x1] =	wrdreg $0xFFFFFFFF  }
0xc7: {  	_ =	task.clear_ibuf [dreg:s10], $0x2FFFF;
	_ =	strace $0x9FFFFFFF  }
0xc8: {  	(tm) =	ssettm $0x7FFFFFFF  }
0xc9: {  	_ =	shalt  }
tec
execute0_lowered:
.L_overlay_start_1:
0x0: {  	(tag) =	ssettag $0x1  }
0x1: {  	v0 =	vimm.s32 $0xEFCDAB89;
	v1 =	vimm.s32 $0x67452301;
	v2 =	vlaneseq.u32  }
0x2: {  	s0 =	rddreg [dreg:$0x0];
	v3 =	vimm.s32 $0xDCFE98BA;
	v4 =	vimm.s32 $0x54761032;
	v5 =	vimm.s32 $0xBA98FEDC  }
0x3: {  	s1 =	rddreg [dreg:$0x1];
	v6 =	vimm.s32 $0x32107654;
	v7 =	vimm.s32 $0x76543210;
	v0 =	vunpack.c.l.s4.s8 v0  }
0x4: {  	s5 =	rddreg [dreg:$0x4];
	s2 =	srdreg.scid;
	v1 =	vunpack.c.l.s4.s8 v1;
	v3 =	vunpack.c.l.s4.s8 v3;
	v4 =	vunpack.c.l.s4.s8 v4  }
0x5: {  	s6 =	simm.s32 $0x0;
	s3 =	stileid.u32;
	s16 =	simm.s32 $0x5;
	v5 =	vunpack.c.l.s4.s8 v5;
	v58 =	vand.u32 $0x7, v2;
	v59 =	vshrl.u32 v2, $0x3  }
0x6: {  	s23 =	simm.s32 $0x100;
	s17 =	simm.s32 $0x8100;
	s14 =	simm.s32 $0x0;
	v60 =	vor.u32 $0x8, v2;
	v0 =	vunpack.c.0.s8.s32 v0;
	v1 =	vunpack.c.0.s8.s32 v1  }
0x7: {  	s2 =	sand.u32 $0x1, s2;
	[smem:$0x7FF] =	sst s6;
	s3 =	sshll.u32 s3, $0xA;
	v57 =	vunpack.c.0.s8.s32 v3;
	v3 =	vunpack.c.l.s4.s8 v6;
	v6 =	vimm.s32 $0xFEDCBA98  }
0x8: {  	s8 =	sadd.s32 $0x400, s0;
	s10 =	sadd.s32 $0x100, s1;
	s11 =	sadd.s32 $0x200, s1;
	v4 =	vunpack.c.0.s8.s32 v4;
	v5 =	vunpack.c.0.s8.s32 v5;
	v6 =	vunpack.c.l.s4.s8 v6  }
0x9: {  	s12 =	sadd.s32 $0x300, s1;
	s4 =	sshll.u32 s2, $0x9;
	_ =	strace $0x80000047;
	[tilespmem:$0x1FFA0] =	vst v58;
	v0 =	vcombine.low v1, v0;
	v3 =	vunpack.c.0.s8.s32 v3;
	v1 =	vmul.u32 $0x8, v59  }
0xa: {  	s13 =	sadd.s32 $0x404, s0;
	v7 =	vunpack.c.l.s4.s8 v7;
	s2 =	ssub.s32 $0x2, s2;
	[tilespmem:$0x1FFC0] =	vst v60;
	s7 =	sor.u32 s4, s3;
	v4 =	vcombine.low v4, v57  }
0xb: {  	s0 =	simm.s32 $0xF900;
	s29 =	sshrl.u32 s2, $0x1;
	s4 =	sshrl.u32 s7, $0x3;
	v6 =	vunpack.c.0.s8.s32 v6;
	v5 =	vcombine.low v3, v5;
	[tilespmem:$0x1FFB0] =	vst v1;
	v0 =	vand.u32 $0xF, v0  }
0xc: {  	[dreg:$0x6] =	wrdreg s8;
	v7 =	vunpack.c.0.s8.s32 v7;
	s2 =	ssub.s32 s2, s29;
	s30 =	sadd.s32 s8, s4;
	v62 =	vand.u32 $0xF, v4;
	[tilespmem:$0x1FFD0] =	vst v0  }
0xd: {  	s3 =	simm.s32 $0x1;
	s31 =	smax.u32 s2, $0x1;
	[dreg:$0x7] =	wrdreg s30;
	v61 =	vand.u32 $0xF, v6;
	[tilespmem:$0x1FFE0] =	vst v62;
	v63 =	vand.u32 $0xF, v5  }
0xe: {  	vm0 =	vmmov $0xffff;
	s4 =	simm.s32 $0x2;
	s2 =	simm.s32 $0x3;
	[dreg:$0x8] =	wrdreg s31;
	v4 =	vcombine.low v61, v7;
	[tilespmem:$0x1FFF0] =	vst v63  }
.LBB2_1:
0xf: {  	[dreg:$0x9] =	wrdreg s14  }
0x10: {  	s8 =	rddreg [dreg:$0x2];
	s9 =	simm.s32 $0x10100  }
0x11: {  	[tilespmem:s9], [sflag:$0x5] =	stream.linear.gather [hbm4b:s8+s6], $0x400, $0x38;
	[tilespmem:$0x10900] =	vst v63  }
0x12: {  	_ =	swait.ge [sflag:s16], $0x400  }
0x13: {  	[sflag:s16] =	ssyncset.done $0x0  }
0x14: {  	[sflag:s16] =	ssyncadd.s32 $0xFFFFFC00  }
0x15: {  	s30 =	simm.s32 $0x10500;
	s29 =	rddreg [dreg:$0x3]  }
0x16: {  	[tilespmem:s30], [sflag:$0x5] =	stream.linear.gather [hbm4b:s29+s6], $0x400, $0x38;
	[tilespmem:$0x10900] =	vst v63  }
0x17: {  	_ =	swait.ge [sflag:s16], $0x400  }
0x18: {  	[sflag:s16] =	ssyncset.done $0x0  }
0x19: {  	s31 =	rddreg [dreg:$0x7];
	[sflag:s16] =	ssyncadd.s32 $0xFFFFFC00  }
0x1a: {  	[tilespmem:s6], [sflag:$0x5] =	stream.linear.gather [hbm4b:s31+s6], $0x20, $0x38;
	[tilespmem:$0x10900] =	vst v63  }
0x1b: {  	_ =	swait.ge [sflag:s16], $0x20  }
0x1c: {  	[sflag:s16] =	ssyncset.done $0x0  }
0x1d: {  	[sflag:s16] =	ssyncadd.s32 $0xFFFFFFE0  }
0x1e: {  	v0 =	vld [tilespmem:$0x0];
	_ =	sdelay $0x2  }
0x1f: {  	v1 =	vld [tilespmem:$0x1FFA0];
	_ =	sdelay $0x1  }
0x20: {  	v2 =	vld [tilespmem:$0x1FFB0];
	v7 =	vshll.u32 v0, $0x3  }
0x21: {  	v0 =	vand.u32 $0x7, v0;
	v7 =	vand.u32 $0xFFFFFFC0, v7  }
0x22: {  	v0 =	vor.u32 v0, v7  }
0x23: {  	v7 =	vperm.xlane v0, v1;
	_ =	sdelay $0x1  }
0x24: {  	v7 =	vadd.s32 v2, v7  }
0x25: {  	v3 =	vld [tilespmem:$0x1FFC0];
	_ =	sdelay $0x3  }
0x26: {  	[tilespmem:s23], [sflag:$0x1] =	stream.indirect_vreg.gather [hbm4b:s1+s6], $0x80, v7, vm0, $0xb8;
	[tilespmem:$0x10900] =	vst v63  }
0x27: {  	s9 =	simm.s32 $0x900;
	v0 =	vperm.xlane v0, v3  }
0x28: {  	[tilespmem:s9], [sflag:$0x1] =	stream.indirect_vreg.gather [hbm4b:s10+s6], $0x80, v7, vm0, $0xb8;
	[tilespmem:$0x10900] =	vst v63  }
0x29: {  	s14 =	simm.s32 $0x1100;
	v0 =	vadd.s32 v2, v0  }
0x2a: {  	[tilespmem:s14], [sflag:$0x1] =	stream.indirect_vreg.gather [hbm4b:s11+s6], $0x80, v7, vm0, $0xb8;
	[tilespmem:$0x10900] =	vst v63  }
0x2b: {  	s15 =	simm.s32 $0x1900  }
0x2c: {  	[tilespmem:s15], [sflag:$0x1] =	stream.indirect_vreg.gather [hbm4b:s12+s6], $0x80, v7, vm0, $0xb8;
	[tilespmem:$0x10900] =	vst v63  }
0x2d: {  	s18 =	simm.s32 $0x2100  }
0x2e: {  	[tilespmem:s18], [sflag:$0x1] =	stream.indirect_vreg.gather [hbm4b:s1+s6], $0x80, v0, vm0, $0xb8;
	[tilespmem:$0x10900] =	vst v63  }
0x2f: {  	s19 =	simm.s32 $0x2900  }
0x30: {  	[tilespmem:s19], [sflag:$0x1] =	stream.indirect_vreg.gather [hbm4b:s10+s6], $0x80, v0, vm0, $0xb8;
	[tilespmem:$0x10900] =	vst v63  }
0x31: {  	s20 =	simm.s32 $0x3100  }
0x32: {  	[tilespmem:s20], [sflag:$0x1] =	stream.indirect_vreg.gather [hbm4b:s11+s6], $0x80, v0, vm0, $0xb8;
	[tilespmem:$0x10900] =	vst v63  }
0x33: {  	s21 =	simm.s32 $0x3900  }
0x34: {  	[tilespmem:s21], [sflag:$0x1] =	stream.indirect_vreg.gather [hbm4b:s12+s6], $0x80, v0, vm0, $0xb8;
	[tilespmem:$0x10900] =	vst v63  }
0x35: {  	v0 =	vld [tilespmem:$0x10];
	_ =	sdelay $0x4  }
0x36: {  	v7 =	vshll.u32 v0, $0x3  }
0x37: {  	v0 =	vand.u32 $0x7, v0;
	v7 =	vand.u32 $0xFFFFFFC0, v7  }
0x38: {  	v0 =	vor.u32 v0, v7  }
0x39: {  	v7 =	vperm.xlane v0, v1;
	_ =	sdelay $0x1  }
0x3a: {  	v7 =	vadd.s32 v2, v7;
	_ =	sdelay $0x3  }
0x3b: {  	s22 =	simm.s32 $0x4100  }
0x3c: {  	[tilespmem:s22], [sflag:$0x1] =	stream.indirect_vreg.gather [hbm4b:s1+s6], $0x80, v7, vm0, $0xb8;
	[tilespmem:$0x10900] =	vst v63  }
0x3d: {  	s24 =	simm.s32 $0x4900;
	v0 =	vperm.xlane v0, v3  }
0x3e: {  	[tilespmem:s24], [sflag:$0x1] =	stream.indirect_vreg.gather [hbm4b:s10+s6], $0x80, v7, vm0, $0xb8;
	[tilespmem:$0x10900] =	vst v63  }
0x3f: {  	s25 =	simm.s32 $0x5100;
	v0 =	vadd.s32 v2, v0  }
0x40: {  	[tilespmem:s25], [sflag:$0x1] =	stream.indirect_vreg.gather [hbm4b:s11+s6], $0x80, v7, vm0, $0xb8;
	[tilespmem:$0x10900] =	vst v63  }
0x41: {  	s26 =	simm.s32 $0x5900  }
0x42: {  	[tilespmem:s26], [sflag:$0x1] =	stream.indirect_vreg.gather [hbm4b:s12+s6], $0x80, v7, vm0, $0xb8;
	[tilespmem:$0x10900] =	vst v63  }
0x43: {  	s28 =	simm.s32 $0x6100  }
0x44: {  	[tilespmem:s28], [sflag:$0x1] =	stream.indirect_vreg.gather [hbm4b:s1+s6], $0x80, v0, vm0, $0xb8;
	[tilespmem:$0x10900] =	vst v63  }
0x45: {  	s29 =	simm.s32 $0x6900  }
0x46: {  	[tilespmem:s29], [sflag:$0x1] =	stream.indirect_vreg.gather [hbm4b:s10+s6], $0x80, v0, vm0, $0xb8;
	[tilespmem:$0x10900] =	vst v63  }
0x47: {  	s30 =	simm.s32 $0x7100  }
0x48: {  	[tilespmem:s30], [sflag:$0x1] =	stream.indirect_vreg.gather [hbm4b:s11+s6], $0x80, v0, vm0, $0xb8;
	[tilespmem:$0x10900] =	vst v63  }
0x49: {  	s8 =	simm.s32 $0x0;
	s31 =	simm.s32 $0x7900  }
0x4a: {  	[tilespmem:s31], [sflag:$0x1] =	stream.indirect_vreg.gather [hbm4b:s12+s6], $0x80, v0, vm0, $0xb8;
	[tilespmem:$0x10900] =	vst v63  }
.LBB2_2:
0x4b: {  	_ =	swait.ge [sflag:s3], $0x8000  }
0x4c: {  	p0 =	seq.s32 s8, $0x0;
	[sflag:s3] =	ssyncset.done $0x0  }
0x4d: {  	s9 =	sshll.u32 s8, $0x6;
	s14 =	simm.s32 @!p0 $0x4;
	[sflag:s3] =	ssyncadd.s32 $0xFFFF8000  }
0x4e: {  	s15 =	sadd.s32 s7, s9;
	_ =	swait.ge @!p0 [sflag:s14], $0x8000  }
0x4f: {  	s18 =	simm.s32 $0x80;
	s9 =	sshrl.u32 s15, $0x3;
	[sflag:s14] =	ssyncset.done @!p0 $0x0  }
0x50: {  	s29 =	sadd.s32 s9, s13;
	s9 =	simm.s32 $0x0;
	[sflag:s14] =	ssyncadd.s32 @!p0 $0xFFFF8000  }
0x51: {  	[tilespmem:s18], [sflag:$0x5] =	stream.linear.gather [hbm4b:s29+s9], $0x20, $0x38;
	[tilespmem:$0x10900] =	vst v63  }
0x52: {  	_ =	swait.ge [sflag:s16], $0x20  }
0x53: {  	[sflag:s16] =	ssyncset.done $0x0  }
0x54: {  	[sflag:s16] =	ssyncadd.s32 $0xFFFFFFE0  }
0x55: {  	v0 =	vld [tilespmem:$0x80];
	_ =	sdelay $0x2  }
0x56: {  	v1 =	vld [tilespmem:$0x1FFA0];
	_ =	sdelay $0x1  }
0x57: {  	v2 =	vld [tilespmem:$0x1FFB0];
	v7 =	vshll.u32 v0, $0x3  }
0x58: {  	v0 =	vand.u32 $0x7, v0;
	v7 =	vand.u32 $0xFFFFFFC0, v7  }
0x59: {  	v0 =	vor.u32 v0, v7  }
0x5a: {  	v7 =	vperm.xlane v0, v1;
	_ =	sdelay $0x1  }
0x5b: {  	v7 =	vadd.s32 v2, v7  }
0x5c: {  	v3 =	vld [tilespmem:$0x1FFC0];
	_ =	sdelay $0x3  }
0x5d: {  	[tilespmem:s17], [sflag:$0x2] =	stream.indirect_vreg.gather [hbm4b:s1+s9], $0x80, v7, vm0, $0xb8;
	[tilespmem:$0x10900] =	vst v63  }
0x5e: {  	s30 =	simm.s32 $0x8900;
	v0 =	vperm.xlane v0, v3  }
0x5f: {  	[tilespmem:s30], [sflag:$0x2] =	stream.indirect_vreg.gather [hbm4b:s10+s9], $0x80, v7, vm0, $0xb8;
	[tilespmem:$0x10900] =	vst v63  }
0x60: {  	s31 =	simm.s32 $0x9100;
	v0 =	vadd.s32 v2, v0  }
0x61: {  	[tilespmem:s31], [sflag:$0x2] =	stream.indirect_vreg.gather [hbm4b:s11+s9], $0x80, v7, vm0, $0xb8;
	[tilespmem:$0x10900] =	vst v63  }
0x62: {  	s18 =	simm.s32 $0x9900  }
0x63: {  	[tilespmem:s18], [sflag:$0x2] =	stream.indirect_vreg.gather [hbm4b:s12+s9], $0x80, v7, vm0, $0xb8;
	[tilespmem:$0x10900] =	vst v63  }
0x64: {  	s19 =	simm.s32 $0xA100  }
0x65: {  	[tilespmem:s19], [sflag:$0x2] =	stream.indirect_vreg.gather [hbm4b:s1+s9], $0x80, v0, vm0, $0xb8;
	[tilespmem:$0x10900] =	vst v63  }
0x66: {  	s20 =	simm.s32 $0xA900  }
0x67: {  	[tilespmem:s20], [sflag:$0x2] =	stream.indirect_vreg.gather [hbm4b:s10+s9], $0x80, v0, vm0, $0xb8;
	[tilespmem:$0x10900] =	vst v63  }
0x68: {  	s21 =	simm.s32 $0xB100  }
0x69: {  	[tilespmem:s21], [sflag:$0x2] =	stream.indirect_vreg.gather [hbm4b:s11+s9], $0x80, v0, vm0, $0xb8;
	[tilespmem:$0x10900] =	vst v63  }
0x6a: {  	s22 =	simm.s32 $0xB900  }
0x6b: {  	[tilespmem:s22], [sflag:$0x2] =	stream.indirect_vreg.gather [hbm4b:s12+s9], $0x80, v0, vm0, $0xb8;
	[tilespmem:$0x10900] =	vst v63  }
0x6c: {  	v0 =	vld [tilespmem:$0x90];
	_ =	sdelay $0x4  }
0x6d: {  	v7 =	vshll.u32 v0, $0x3  }
0x6e: {  	v0 =	vand.u32 $0x7, v0;
	v7 =	vand.u32 $0xFFFFFFC0, v7  }
0x6f: {  	v0 =	vor.u32 v0, v7  }
0x70: {  	v7 =	vperm.xlane v0, v1;
	_ =	sdelay $0x1  }
0x71: {  	v7 =	vadd.s32 v2, v7;
	_ =	sdelay $0x3  }
0x72: {  	s24 =	simm.s32 $0xC100  }
0x73: {  	[tilespmem:s24], [sflag:$0x2] =	stream.indirect_vreg.gather [hbm4b:s1+s9], $0x80, v7, vm0, $0xb8;
	[tilespmem:$0x10900] =	vst v63  }
0x74: {  	s25 =	simm.s32 $0xC900;
	v0 =	vperm.xlane v0, v3  }
0x75: {  	[tilespmem:s25], [sflag:$0x2] =	stream.indirect_vreg.gather [hbm4b:s10+s9], $0x80, v7, vm0, $0xb8;
	[tilespmem:$0x10900] =	vst v63  }
0x76: {  	s26 =	simm.s32 $0xD100;
	v0 =	vadd.s32 v2, v0  }
0x77: {  	[tilespmem:s26], [sflag:$0x2] =	stream.indirect_vreg.gather [hbm4b:s11+s9], $0x80, v7, vm0, $0xb8;
	[tilespmem:$0x10900] =	vst v63  }
0x78: {  	s28 =	simm.s32 $0xD900  }
0x79: {  	[tilespmem:s28], [sflag:$0x2] =	stream.indirect_vreg.gather [hbm4b:s12+s9], $0x80, v7, vm0, $0xb8;
	[tilespmem:$0x10900] =	vst v63  }
0x7a: {  	s29 =	simm.s32 $0xE100  }
0x7b: {  	[tilespmem:s29], [sflag:$0x2] =	stream.indirect_vreg.gather [hbm4b:s1+s9], $0x80, v0, vm0, $0xb8;
	[tilespmem:$0x10900] =	vst v63  }
0x7c: {  	s30 =	simm.s32 $0xE900  }
0x7d: {  	[tilespmem:s30], [sflag:$0x2] =	stream.indirect_vreg.gather [hbm4b:s10+s9], $0x80, v0, vm0, $0xb8;
	[tilespmem:$0x10900] =	vst v63  }
0x7e: {  	s14 =	sshll.u32 s8, $0x1;
	s31 =	simm.s32 $0xF100  }
0x7f: {  	[tilespmem:s31], [sflag:$0x2] =	stream.indirect_vreg.gather [hbm4b:s11+s9], $0x80, v0, vm0, $0xb8;
	[tilespmem:$0x10900] =	vst v63  }
0x80: {  	s18 =	simm.s32 $0xFFFF8000;
	s19 =	simm.s32 $0x0;
	s20 =	simm.s32 $0x0  }
0x81: {  	v5 =	vld [tilespmem:$0x1FFF0];
	[tilespmem:s0], [sflag:$0x2] =	stream.indirect_vreg.gather [hbm4b:s12+s9], $0x80, v0, vm0, $0xb8  }
.LBB2_3:
0x82: {  	s21 =	sadd.s32 $0x8000, s18  }
0x83: {  	s22 =	sand.u32 $0x380, s20;
	s21 =	sand.u32 $0x6000, s21  }
0x84: {  	s21 =	sor.u32 s22, s21  }
0x85: {  	v0 =	vld [tilespmem:s21+$0x100];
	_ =	sdelay $0x1  }
0x86: {  	v63 =	vld [tilespmem:s21+$0x110];
	_ =	sdelay $0x1  }
0x87: {  	v62 =	vld [tilespmem:s21+$0x120]  }
0x88: {  	v7 =	vadd.f32 $0.0e+00, v0  }
0x89: {  	v61 =	vld [tilespmem:s21+$0x130]  }
0x8a: {  	v8 =	vmul.f32 v0, v0;
	v9 =	vmul.f32 v63, v63;
	v7 =	vadd.f32 v63, v7  }
0x8b: {  	v60 =	vld [tilespmem:s21+$0x140]  }
0x8c: {  	v43 =	vmul.f32 v62, v62;
	v8 =	vadd.f32 v9, v8;
	v7 =	vadd.f32 v62, v7  }
0x8d: {  	v59 =	vld [tilespmem:s21+$0x150]  }
0x8e: {  	v44 =	vmul.f32 v61, v61;
	v8 =	vadd.f32 v43, v8;
	v7 =	vadd.f32 v61, v7  }
0x8f: {  	v58 =	vld [tilespmem:s21+$0x160]  }
0x90: {  	v45 =	vmul.f32 v60, v60;
	v8 =	vadd.f32 v44, v8;
	v7 =	vadd.f32 v60, v7  }
0x91: {  	v57 =	vld [tilespmem:s21+$0x170]  }
0x92: {  	v46 =	vmul.f32 v59, v59;
	v8 =	vadd.f32 v45, v8;
	v7 =	vadd.f32 v59, v7  }
0x93: {  	v56 =	vld [tilespmem:s21+$0x500]  }
0x94: {  	v47 =	vmul.f32 v58, v58;
	v8 =	vadd.f32 v46, v8;
	v7 =	vadd.f32 v58, v7  }
0x95: {  	v55 =	vld [tilespmem:s21+$0x510]  }
0x96: {  	v48 =	vmul.f32 v57, v57;
	v8 =	vadd.f32 v47, v8;
	v7 =	vadd.f32 v57, v7  }
0x97: {  	v54 =	vld [tilespmem:s21+$0x520]  }
0x98: {  	v49 =	vmul.f32 v56, v56;
	v8 =	vadd.f32 v48, v8;
	v7 =	vadd.f32 v56, v7  }
0x99: {  	v53 =	vld [tilespmem:s21+$0x530]  }
0x9a: {  	v50 =	vmul.f32 v55, v55;
	v8 =	vadd.f32 v49, v8;
	v7 =	vadd.f32 v55, v7  }
0x9b: {  	v52 =	vld [tilespmem:s21+$0x540]  }
0x9c: {  	v1 =	vmul.f32 v54, v54;
	v8 =	vadd.f32 v50, v8;
	v7 =	vadd.f32 v54, v7  }
0x9d: {  	v51 =	vld [tilespmem:s21+$0x550]  }
0x9e: {  	v2 =	vmul.f32 v53, v53;
	v8 =	vadd.f32 v1, v8;
	v7 =	vadd.f32 v53, v7  }
0x9f: {  	v50 =	vld [tilespmem:s21+$0x560]  }
0xa0: {  	v12 =	vmul.f32 v52, v52;
	v8 =	vadd.f32 v2, v8;
	v7 =	vadd.f32 v52, v7  }
0xa1: {  	v49 =	vld [tilespmem:s21+$0x570]  }
0xa2: {  	v13 =	vmul.f32 v51, v51;
	v8 =	vadd.f32 v12, v8;
	v7 =	vadd.f32 v51, v7  }
0xa3: {  	v48 =	vld [tilespmem:s21+$0x900]  }
0xa4: {  	v14 =	vmul.f32 v50, v50;
	v8 =	vadd.f32 v13, v8;
	v7 =	vadd.f32 v50, v7  }
0xa5: {  	v47 =	vld [tilespmem:s21+$0x910]  }
0xa6: {  	v15 =	vmul.f32 v49, v49;
	v8 =	vadd.f32 v14, v8;
	v7 =	vadd.f32 v49, v7  }
0xa7: {  	v46 =	vld [tilespmem:s21+$0x920]  }
0xa8: {  	v16 =	vmul.f32 v48, v48;
	v8 =	vadd.f32 v15, v8;
	v7 =	vadd.f32 v48, v7  }
0xa9: {  	v45 =	vld [tilespmem:s21+$0x930]  }
0xaa: {  	v17 =	vmul.f32 v47, v47;
	v8 =	vadd.f32 v16, v8;
	v7 =	vadd.f32 v47, v7  }
0xab: {  	v44 =	vld [tilespmem:s21+$0x940]  }
0xac: {  	v18 =	vmul.f32 v46, v46;
	v8 =	vadd.f32 v17, v8;
	v7 =	vadd.f32 v46, v7  }
0xad: {  	v43 =	vld [tilespmem:s21+$0x950]  }
0xae: {  	v19 =	vmul.f32 v45, v45;
	v8 =	vadd.f32 v18, v8;
	v7 =	vadd.f32 v45, v7  }
0xaf: {  	v42 =	vld [tilespmem:s21+$0x960]  }
0xb0: {  	v20 =	vmul.f32 v44, v44;
	v8 =	vadd.f32 v19, v8;
	v7 =	vadd.f32 v44, v7  }
0xb1: {  	v41 =	vld [tilespmem:s21+$0x970]  }
0xb2: {  	v21 =	vmul.f32 v43, v43;
	v8 =	vadd.f32 v20, v8;
	v7 =	vadd.f32 v43, v7  }
0xb3: {  	v40 =	vld [tilespmem:s21+$0xD00]  }
0xb4: {  	v22 =	vmul.f32 v42, v42;
	v8 =	vadd.f32 v21, v8;
	v7 =	vadd.f32 v42, v7  }
0xb5: {  	v39 =	vld [tilespmem:s21+$0xD10]  }
0xb6: {  	v23 =	vmul.f32 v41, v41;
	v8 =	vadd.f32 v22, v8;
	v7 =	vadd.f32 v41, v7  }
0xb7: {  	v38 =	vld [tilespmem:s21+$0xD20]  }
0xb8: {  	v24 =	vmul.f32 v40, v40;
	v8 =	vadd.f32 v23, v8;
	v7 =	vadd.f32 v40, v7  }
0xb9: {  	v37 =	vld [tilespmem:s21+$0xD30]  }
0xba: {  	v25 =	vmul.f32 v39, v39;
	v8 =	vadd.f32 v24, v8;
	v7 =	vadd.f32 v39, v7  }
0xbb: {  	v36 =	vld [tilespmem:s21+$0xD40]  }
0xbc: {  	v26 =	vmul.f32 v38, v38;
	v8 =	vadd.f32 v25, v8;
	v7 =	vadd.f32 v38, v7  }
0xbd: {  	v35 =	vld [tilespmem:s21+$0xD50]  }
0xbe: {  	v27 =	vmul.f32 v37, v37;
	v8 =	vadd.f32 v26, v8;
	v7 =	vadd.f32 v37, v7  }
0xbf: {  	v34 =	vld [tilespmem:s21+$0xD60]  }
0xc0: {  	v28 =	vmul.f32 v36, v36;
	v8 =	vadd.f32 v27, v8;
	v7 =	vadd.f32 v36, v7  }
0xc1: {  	v33 =	vld [tilespmem:s21+$0xD70]  }
0xc2: {  	v29 =	vmul.f32 v35, v35;
	v8 =	vadd.f32 v28, v8;
	v7 =	vadd.f32 v35, v7  }
0xc3: {  	v32 =	vld [tilespmem:s21+$0x1100]  }
0xc4: {  	v1 =	vmul.f32 v34, v34;
	v8 =	vadd.f32 v29, v8;
	v7 =	vadd.f32 v34, v7  }
0xc5: {  	v31 =	vld [tilespmem:s21+$0x1110]  }
0xc6: {  	v2 =	vmul.f32 v33, v33;
	v8 =	vadd.f32 v1, v8;
	v7 =	vadd.f32 v33, v7  }
0xc7: {  	v30 =	vld [tilespmem:s21+$0x1120]  }
0xc8: {  	v12 =	vmul.f32 v32, v32;
	v8 =	vadd.f32 v2, v8;
	v7 =	vadd.f32 v32, v7  }
0xc9: {  	v29 =	vld [tilespmem:s21+$0x1130]  }
0xca: {  	v13 =	vmul.f32 v31, v31;
	v8 =	vadd.f32 v12, v8;
	v7 =	vadd.f32 v31, v7  }
0xcb: {  	v28 =	vld [tilespmem:s21+$0x1140]  }
0xcc: {  	v14 =	vmul.f32 v30, v30;
	v8 =	vadd.f32 v13, v8;
	v7 =	vadd.f32 v30, v7  }
0xcd: {  	v27 =	vld [tilespmem:s21+$0x1150]  }
0xce: {  	v15 =	vmul.f32 v29, v29;
	v8 =	vadd.f32 v14, v8;
	v7 =	vadd.f32 v29, v7  }
0xcf: {  	v26 =	vld [tilespmem:s21+$0x1160]  }
0xd0: {  	v16 =	vmul.f32 v28, v28;
	v8 =	vadd.f32 v15, v8;
	v7 =	vadd.f32 v28, v7  }
0xd1: {  	v25 =	vld [tilespmem:s21+$0x1170]  }
0xd2: {  	v17 =	vmul.f32 v27, v27;
	v8 =	vadd.f32 v16, v8;
	v7 =	vadd.f32 v27, v7  }
0xd3: {  	v24 =	vld [tilespmem:s21+$0x1500]  }
0xd4: {  	v18 =	vmul.f32 v26, v26;
	v8 =	vadd.f32 v17, v8;
	v7 =	vadd.f32 v26, v7  }
0xd5: {  	v23 =	vld [tilespmem:s21+$0x1510]  }
0xd6: {  	v19 =	vmul.f32 v25, v25;
	v8 =	vadd.f32 v18, v8;
	v7 =	vadd.f32 v25, v7  }
0xd7: {  	v22 =	vld [tilespmem:s21+$0x1520]  }
0xd8: {  	v1 =	vmul.f32 v24, v24;
	v8 =	vadd.f32 v19, v8;
	v7 =	vadd.f32 v24, v7  }
0xd9: {  	v21 =	vld [tilespmem:s21+$0x1530]  }
0xda: {  	v2 =	vmul.f32 v23, v23;
	v8 =	vadd.f32 v1, v8;
	v7 =	vadd.f32 v23, v7  }
0xdb: {  	v20 =	vld [tilespmem:s21+$0x1540]  }
0xdc: {  	v12 =	vmul.f32 v22, v22;
	v8 =	vadd.f32 v2, v8;
	v7 =	vadd.f32 v22, v7  }
0xdd: {  	v19 =	vld [tilespmem:s21+$0x1550]  }
0xde: {  	v13 =	vmul.f32 v21, v21;
	v8 =	vadd.f32 v12, v8;
	v7 =	vadd.f32 v21, v7  }
0xdf: {  	v18 =	vld [tilespmem:s21+$0x1560]  }
0xe0: {  	v14 =	vmul.f32 v20, v20;
	v8 =	vadd.f32 v13, v8;
	v7 =	vadd.f32 v20, v7  }
0xe1: {  	v17 =	vld [tilespmem:s21+$0x1570]  }
0xe2: {  	v1 =	vmul.f32 v19, v19;
	v8 =	vadd.f32 v14, v8;
	v7 =	vadd.f32 v19, v7  }
0xe3: {  	v15 =	vld [tilespmem:s21+$0x1900]  }
0xe4: {  	v2 =	vmul.f32 v18, v18;
	v8 =	vadd.f32 v1, v8;
	v7 =	vadd.f32 v18, v7  }
0xe5: {  	v14 =	vld [tilespmem:s21+$0x1910]  }
0xe6: {  	v16 =	vmul.f32 v17, v17;
	v8 =	vadd.f32 v2, v8;
	v7 =	vadd.f32 v17, v7  }
0xe7: {  	v13 =	vld [tilespmem:s21+$0x1920]  }
0xe8: {  	v1 =	vmul.f32 v15, v15;
	v8 =	vadd.f32 v16, v8;
	v7 =	vadd.f32 v15, v7  }
0xe9: {  	v12 =	vld [tilespmem:s21+$0x1930]  }
0xea: {  	v2 =	vmul.f32 v14, v14;
	v8 =	vadd.f32 v1, v8;
	v7 =	vadd.f32 v14, v7  }
0xeb: {  	v11 =	vld [tilespmem:s21+$0x1940]  }
0xec: {  	v10 =	vmul.f32 v13, v13;
	v8 =	vadd.f32 v2, v8;
	v7 =	vadd.f32 v13, v7  }
0xed: {  	v9 =	vld [tilespmem:s21+$0x1950]  }
0xee: {  	v16 =	vmul.f32 v12, v12;
	v10 =	vadd.f32 v10, v8;
	v7 =	vadd.f32 v12, v7  }
0xef: {  	s31 =	sand.u32 $0x7, s9;
	v8 =	vld [tilespmem:s21+$0x1960]  }
0xf0: {  	s22 =	sshll.u32 s31, $0x7;
	v2 =	vmul.f32 v11, v11;
	v10 =	vadd.f32 v16, v10;
	v16 =	vadd.f32 v11, v7  }
0xf1: {  	s22 =	sadd.s32 s22, s19;
	v7 =	vld [tilespmem:s21+$0x1970]  }
0xf2: {  	s31 =	sor.u32 $0x1C00, s22;
	v2 =	vadd.f32 v2, v10;
	v10 =	vadd.f32 v9, v16;
	v16 =	vmul.f32 v9, v9  }
0xf3: {  	v1 =	vld [tilespmem:s31+$0x100]  }
0xf4: {  	s30 =	sor.u32 $0x1C10, s22;
	v2 =	vadd.f32 v16, v2;
	v10 =	vadd.f32 v8, v10;
	v16 =	vmul.f32 v8, v8  }
0xf5: {  	v3 =	vld [tilespmem:s30+$0x100]  }
0xf6: {  	s29 =	sor.u32 $0x1C20, s22;
	v2 =	vadd.f32 v16, v2;
	v10 =	vadd.f32 v7, v10;
	v16 =	vmul.f32 v7, v7  }
0xf7: {  	v6 =	vmov v4;
	v4 =	vld [tilespmem:s29+$0x100]  }
0xf8: {  	s28 =	sor.u32 $0x1C30, s22;
	v2 =	vadd.f32 v16, v2;
	v10 =	vadd.f32 v1, v10;
	v1 =	vmul.f32 v1, v1  }
0xf9: {  	v16 =	vld [tilespmem:s28+$0x100]  }
0xfa: {  	s26 =	sor.u32 $0x1C40, s22;
	v1 =	vadd.f32 v1, v2;
	v2 =	vadd.f32 v3, v10;
	v3 =	vmul.f32 v3, v3  }
0xfb: {  	v10 =	vld [tilespmem:s26+$0x100]  }
0xfc: {  	s25 =	sor.u32 $0x1C50, s22;
	v1 =	vadd.f32 v3, v1;
	v2 =	vadd.f32 v4, v2;
	v3 =	vmul.f32 v4, v4  }
0xfd: {  	v4 =	vld [tilespmem:s25+$0x100]  }
0xfe: {  	s24 =	sor.u32 $0x1C60, s22;
	v1 =	vadd.f32 v3, v1;
	v2 =	vadd.f32 v16, v2;
	v3 =	vmul.f32 v16, v16  }
0xff: {  	v16 =	vld [tilespmem:s24+$0x100]  }
0x100: {  	s22 =	sor.u32 $0x1C70, s22;
	v1 =	vadd.f32 v3, v1;
	v2 =	vadd.f32 v10, v2;
	v3 =	vmul.f32 v10, v10  }
0x101: {  	v10 =	vld [tilespmem:s22+$0x100]  }
0x102: {  	v1 =	vadd.f32 v3, v1;
	v2 =	vadd.f32 v4, v2;
	v3 =	vmul.f32 v4, v4  }
0x103: {  	v4 =	vld [tilespmem:$0x1FFD0]  }
0x104: {  	v1 =	vadd.f32 v3, v1;
	v2 =	vadd.f32 v16, v2;
	v3 =	vmul.f32 v16, v16;
	_ =	sdelay $0x1  }
0x105: {  	v1 =	vadd.f32 v3, v1;
	v2 =	vadd.f32 v10, v2;
	v3 =	vmul.f32 v10, v10  }
0x106: {  	v16 =	vld [tilespmem:$0x1FFE0]  }
0x107: {  	v1 =	vadd.f32 v3, v1;
	v3 =	vperm.xlane v2, v4;
	_ =	sdelay $0x1  }
0x108: {  	v2 =	vadd.f32 v3, v2;
	v3 =	vperm.xlane v1, v4;
	_ =	sdelay $0x1  }
0x109: {  	v4 =	vperm.xlane v2, v16;
	v1 =	vadd.f32 v3, v1;
	_ =	sdelay $0x1  }
0x10a: {  	v2 =	vadd.f32 v4, v2;
	v3 =	vperm.xlane v1, v16;
	_ =	sdelay $0x1  }
0x10b: {  	v4 =	vperm.xlane v2, v5;
	v1 =	vadd.f32 v3, v1;
	_ =	sdelay $0x1  }
0x10c: {  	v2 =	vadd.f32 v4, v2;
	v3 =	vperm.xlane v1, v5;
	_ =	sdelay $0x1  }
0x10d: {  	v4 =	vperm.xlane v2, v6;
	v1 =	vadd.f32 v3, v1;
	_ =	sdelay $0x1  }
0x10e: {  	v2 =	vadd.f32 v4, v2;
	v3 =	vperm.xlane v1, v6;
	_ =	sdelay $0x1  }
0x10f: {  	v1 =	vadd.f32 v3, v1;
	v10 =	vmul.f32 $9.765625000e-04, v2;
	_ =	sdelay $0x1  }
0x110: {  	v1 =	vmul.f32 $9.765625000e-04, v1;
	v2 =	vmul.f32 v10, v10;
	_ =	sdelay $0x1  }
0x111: {  	v1 =	vsub.f32 v1, v2;
	_ =	sdelay $0x1  }
0x112: {  	v1 =	vadd.f32 $9.999999970e-07, v1;
	_ =	sdelay $0x1  }
0x113: {  	v16 =	vshra.s32 v1, $0x1;
	v1 =	vmul.f32 $5.000000000e-01, v1  }
0x114: {  	v2 =	vsub.s32 $0x5F3759DF, v16  }
0x115: {  	v3 =	vmul.f32 v2, v1;
	_ =	sdelay $0x1  }
0x116: {  	v3 =	vmul.f32 v2, v3;
	_ =	sdelay $0x1  }
0x117: {  	v3 =	vsub.f32 $1.500000000e+00, v3;
	_ =	sdelay $0x1  }
0x118: {  	v2 =	vmul.f32 v2, v3;
	_ =	sdelay $0x1  }
0x119: {  	v1 =	vmul.f32 v2, v1;
	_ =	sdelay $0x1  }
0x11a: {  	v1 =	vmul.f32 v1, v2  }
0x11b: {  	v3 =	vld [tilespmem:$0x10100]  }
0x11c: {  	v1 =	vsub.f32 $1.500000000e+00, v1;
	_ =	sdelay $0x1  }
0x11d: {  	v16 =	vmul.f32 v1, v2  }
0x11e: {  	v1 =	vld [tilespmem:$0x10500]  }
0x11f: {  	v0 =	vsub.f32 v0, v10;
	v2 =	vmul.f32 v16, v3;
	_ =	sdelay $0x1  }
0x120: {  	v0 =	vmul.f32 v2, v0;
	_ =	sdelay $0x1  }
0x121: {  	v0 =	vadd.f32 v0, v1;
	_ =	sdelay $0x1  }
0x122: {  	[tilespmem:s21+$0x100] =	vst v0  }
0x123: {  	v0 =	vld [tilespmem:$0x10110];
	_ =	sdelay $0x3  }
0x124: {  	v1 =	vld [tilespmem:$0x10510]  }
0x125: {  	v63 =	vsub.f32 v63, v10;
	v0 =	vmul.f32 v16, v0;
	_ =	sdelay $0x1  }
0x126: {  	v0 =	vmul.f32 v0, v63;
	_ =	sdelay $0x1  }
0x127: {  	v0 =	vadd.f32 v0, v1;
	_ =	sdelay $0x1  }
0x128: {  	[tilespmem:s21+$0x110] =	vst v0  }
0x129: {  	v0 =	vld [tilespmem:$0x10120];
	_ =	sdelay $0x3  }
0x12a: {  	v63 =	vld [tilespmem:$0x10520]  }
0x12b: {  	v62 =	vsub.f32 v62, v10;
	v0 =	vmul.f32 v16, v0;
	_ =	sdelay $0x1  }
0x12c: {  	v0 =	vmul.f32 v0, v62;
	_ =	sdelay $0x1  }
0x12d: {  	v0 =	vadd.f32 v0, v63;
	_ =	sdelay $0x1  }
0x12e: {  	[tilespmem:s21+$0x120] =	vst v0  }
0x12f: {  	v0 =	vld [tilespmem:$0x10130];
	_ =	sdelay $0x3  }
0x130: {  	v63 =	vld [tilespmem:$0x10530]  }
0x131: {  	v62 =	vsub.f32 v61, v10;
	v0 =	vmul.f32 v16, v0;
	_ =	sdelay $0x1  }
0x132: {  	v0 =	vmul.f32 v0, v62;
	_ =	sdelay $0x1  }
0x133: {  	v0 =	vadd.f32 v0, v63;
	_ =	sdelay $0x1  }
0x134: {  	[tilespmem:s21+$0x130] =	vst v0  }
0x135: {  	v0 =	vld [tilespmem:$0x10140];
	_ =	sdelay $0x3  }
0x136: {  	v63 =	vld [tilespmem:$0x10540]  }
0x137: {  	v60 =	vsub.f32 v60, v10;
	v0 =	vmul.f32 v16, v0;
	_ =	sdelay $0x1  }
0x138: {  	v0 =	vmul.f32 v0, v60;
	_ =	sdelay $0x1  }
0x139: {  	v0 =	vadd.f32 v0, v63;
	_ =	sdelay $0x1  }
0x13a: {  	[tilespmem:s21+$0x140] =	vst v0  }
0x13b: {  	v0 =	vld [tilespmem:$0x10150];
	_ =	sdelay $0x3  }
0x13c: {  	v61 =	vld [tilespmem:$0x10550]  }
0x13d: {  	v62 =	vsub.f32 v59, v10;
	v0 =	vmul.f32 v0, v16;
	_ =	sdelay $0x1  }
0x13e: {  	v0 =	vmul.f32 v0, v62;
	_ =	sdelay $0x1  }
0x13f: {  	v0 =	vadd.f32 v0, v61;
	_ =	sdelay $0x1  }
0x140: {  	[tilespmem:s21+$0x150] =	vst v0  }
0x141: {  	v0 =	vld [tilespmem:$0x10160];
	_ =	sdelay $0x3  }
0x142: {  	v63 =	vld [tilespmem:$0x10560]  }
0x143: {  	v58 =	vsub.f32 v58, v10;
	v0 =	vmul.f32 v0, v16;
	_ =	sdelay $0x1  }
0x144: {  	v0 =	vmul.f32 v0, v58;
	_ =	sdelay $0x1  }
0x145: {  	v0 =	vadd.f32 v0, v63;
	_ =	sdelay $0x1  }
0x146: {  	[tilespmem:s21+$0x160] =	vst v0  }
0x147: {  	v0 =	vld [tilespmem:$0x10170];
	_ =	sdelay $0x3  }
0x148: {  	v59 =	vld [tilespmem:$0x10570]  }
0x149: {  	v60 =	vsub.f32 v57, v10;
	v0 =	vmul.f32 v0, v16;
	_ =	sdelay $0x1  }
0x14a: {  	v0 =	vmul.f32 v0, v60;
	_ =	sdelay $0x1  }
0x14b: {  	v0 =	vadd.f32 v0, v59;
	_ =	sdelay $0x1  }
0x14c: {  	[tilespmem:s21+$0x170] =	vst v0  }
0x14d: {  	v0 =	vld [tilespmem:$0x10180];
	_ =	sdelay $0x3  }
0x14e: {  	v61 =	vld [tilespmem:$0x10580]  }
0x14f: {  	v62 =	vsub.f32 v56, v10;
	v0 =	vmul.f32 v0, v16;
	_ =	sdelay $0x1  }
0x150: {  	v0 =	vmul.f32 v0, v62;
	_ =	sdelay $0x1  }
0x151: {  	v0 =	vadd.f32 v0, v61;
	_ =	sdelay $0x1  }
0x152: {  	[tilespmem:s21+$0x500] =	vst v0  }
0x153: {  	v0 =	vld [tilespmem:$0x10190];
	_ =	sdelay $0x3  }
0x154: {  	v63 =	vld [tilespmem:$0x10590]  }
0x155: {  	v56 =	vsub.f32 v55, v10;
	v0 =	vmul.f32 v0, v16;
	_ =	sdelay $0x1  }
0x156: {  	v0 =	vmul.f32 v0, v56;
	_ =	sdelay $0x1  }
0x157: {  	v0 =	vadd.f32 v0, v63;
	_ =	sdelay $0x1  }
0x158: {  	[tilespmem:s21+$0x510] =	vst v0  }
0x159: {  	v0 =	vld [tilespmem:$0x101A0];
	_ =	sdelay $0x3  }
0x15a: {  	v57 =	vld [tilespmem:$0x105A0]  }
0x15b: {  	v58 =	vsub.f32 v54, v10;
	v0 =	vmul.f32 v0, v16;
	_ =	sdelay $0x1  }
0x15c: {  	v0 =	vmul.f32 v0, v58;
	_ =	sdelay $0x1  }
0x15d: {  	v0 =	vadd.f32 v0, v57;
	_ =	sdelay $0x1  }
0x15e: {  	[tilespmem:s21+$0x520] =	vst v0  }
0x15f: {  	v0 =	vld [tilespmem:$0x101B0];
	_ =	sdelay $0x3  }
0x160: {  	v59 =	vld [tilespmem:$0x105B0]  }
0x161: {  	v60 =	vsub.f32 v53, v10;
	v0 =	vmul.f32 v0, v16;
	_ =	sdelay $0x1  }
0x162: {  	v0 =	vmul.f32 v0, v60;
	_ =	sdelay $0x1  }
0x163: {  	v0 =	vadd.f32 v0, v59;
	_ =	sdelay $0x1  }
0x164: {  	[tilespmem:s21+$0x530] =	vst v0  }
0x165: {  	v0 =	vld [tilespmem:$0x101C0];
	_ =	sdelay $0x3  }
0x166: {  	v61 =	vld [tilespmem:$0x105C0]  }
0x167: {  	v62 =	vsub.f32 v52, v10;
	v0 =	vmul.f32 v0, v16;
	_ =	sdelay $0x1  }
0x168: {  	v0 =	vmul.f32 v0, v62;
	_ =	sdelay $0x1  }
0x169: {  	v0 =	vadd.f32 v0, v61;
	_ =	sdelay $0x1  }
0x16a: {  	[tilespmem:s21+$0x540] =	vst v0  }
0x16b: {  	v0 =	vld [tilespmem:$0x101D0];
	_ =	sdelay $0x3  }
0x16c: {  	v63 =	vld [tilespmem:$0x105D0]  }
0x16d: {  	v52 =	vsub.f32 v51, v10;
	v0 =	vmul.f32 v0, v16;
	_ =	sdelay $0x1  }
0x16e: {  	v0 =	vmul.f32 v0, v52;
	_ =	sdelay $0x1  }
0x16f: {  	v0 =	vadd.f32 v0, v63;
	_ =	sdelay $0x1  }
0x170: {  	[tilespmem:s21+$0x550] =	vst v0  }
0x171: {  	v0 =	vld [tilespmem:$0x101E0];
	_ =	sdelay $0x3  }
0x172: {  	v53 =	vld [tilespmem:$0x105E0]  }
0x173: {  	v54 =	vsub.f32 v50, v10;
	v0 =	vmul.f32 v0, v16;
	_ =	sdelay $0x1  }
0x174: {  	v0 =	vmul.f32 v0, v54;
	_ =	sdelay $0x1  }
0x175: {  	v0 =	vadd.f32 v0, v53;
	_ =	sdelay $0x1  }
0x176: {  	[tilespmem:s21+$0x560] =	vst v0  }
0x177: {  	v0 =	vld [tilespmem:$0x101F0];
	_ =	sdelay $0x3  }
0x178: {  	v55 =	vld [tilespmem:$0x105F0]  }
0x179: {  	v56 =	vsub.f32 v49, v10;
	v0 =	vmul.f32 v0, v16;
	_ =	sdelay $0x1  }
0x17a: {  	v0 =	vmul.f32 v0, v56;
	_ =	sdelay $0x1  }
0x17b: {  	v0 =	vadd.f32 v0, v55;
	_ =	sdelay $0x1  }
0x17c: {  	[tilespmem:s21+$0x570] =	vst v0  }
0x17d: {  	v0 =	vld [tilespmem:$0x10200];
	_ =	sdelay $0x3  }
0x17e: {  	v57 =	vld [tilespmem:$0x10600]  }
0x17f: {  	v58 =	vsub.f32 v48, v10;
	v0 =	vmul.f32 v0, v16;
	_ =	sdelay $0x1  }
0x180: {  	v0 =	vmul.f32 v0, v58;
	_ =	sdelay $0x1  }
0x181: {  	v0 =	vadd.f32 v0, v57;
	_ =	sdelay $0x1  }
0x182: {  	[tilespmem:s21+$0x900] =	vst v0  }
0x183: {  	v0 =	vld [tilespmem:$0x10210];
	_ =	sdelay $0x3  }
0x184: {  	v59 =	vld [tilespmem:$0x10610]  }
0x185: {  	v60 =	vsub.f32 v47, v10;
	v0 =	vmul.f32 v0, v16;
	_ =	sdelay $0x1  }
0x186: {  	v0 =	vmul.f32 v0, v60;
	_ =	sdelay $0x1  }
0x187: {  	v0 =	vadd.f32 v0, v59;
	_ =	sdelay $0x1  }
0x188: {  	[tilespmem:s21+$0x910] =	vst v0  }
0x189: {  	v0 =	vld [tilespmem:$0x10220];
	_ =	sdelay $0x3  }
0x18a: {  	v61 =	vld [tilespmem:$0x10620]  }
0x18b: {  	v62 =	vsub.f32 v46, v10;
	v0 =	vmul.f32 v0, v16;
	_ =	sdelay $0x1  }
0x18c: {  	v0 =	vmul.f32 v0, v62;
	_ =	sdelay $0x1  }
0x18d: {  	v0 =	vadd.f32 v0, v61;
	_ =	sdelay $0x1  }
0x18e: {  	[tilespmem:s21+$0x920] =	vst v0  }
0x18f: {  	v0 =	vld [tilespmem:$0x10230];
	_ =	sdelay $0x3  }
0x190: {  	v63 =	vld [tilespmem:$0x10630]  }
0x191: {  	v45 =	vsub.f32 v45, v10;
	v0 =	vmul.f32 v0, v16;
	_ =	sdelay $0x1  }
0x192: {  	v0 =	vmul.f32 v0, v45;
	_ =	sdelay $0x1  }
0x193: {  	v0 =	vadd.f32 v0, v63;
	_ =	sdelay $0x1  }
0x194: {  	[tilespmem:s21+$0x930] =	vst v0  }
0x195: {  	v0 =	vld [tilespmem:$0x10240];
	_ =	sdelay $0x3  }
0x196: {  	v46 =	vld [tilespmem:$0x10640]  }
0x197: {  	v47 =	vsub.f32 v44, v10;
	v0 =	vmul.f32 v0, v16;
	_ =	sdelay $0x1  }
0x198: {  	v0 =	vmul.f32 v0, v47;
	_ =	sdelay $0x1  }
0x199: {  	v0 =	vadd.f32 v0, v46;
	_ =	sdelay $0x1  }
0x19a: {  	[tilespmem:s21+$0x940] =	vst v0  }
0x19b: {  	v0 =	vld [tilespmem:$0x10250];
	_ =	sdelay $0x3  }
0x19c: {  	v48 =	vld [tilespmem:$0x10650]  }
0x19d: {  	v49 =	vsub.f32 v43, v10;
	v0 =	vmul.f32 v0, v16;
	_ =	sdelay $0x1  }
0x19e: {  	v0 =	vmul.f32 v0, v49;
	_ =	sdelay $0x1  }
0x19f: {  	v0 =	vadd.f32 v0, v48;
	_ =	sdelay $0x1  }
0x1a0: {  	[tilespmem:s21+$0x950] =	vst v0  }
0x1a1: {  	v0 =	vld [tilespmem:$0x10260];
	_ =	sdelay $0x3  }
0x1a2: {  	v50 =	vld [tilespmem:$0x10660]  }
0x1a3: {  	v51 =	vsub.f32 v42, v10;
	v0 =	vmul.f32 v0, v16;
	_ =	sdelay $0x1  }
0x1a4: {  	v0 =	vmul.f32 v0, v51;
	_ =	sdelay $0x1  }
0x1a5: {  	v0 =	vadd.f32 v0, v50;
	_ =	sdelay $0x1  }
0x1a6: {  	[tilespmem:s21+$0x960] =	vst v0  }
0x1a7: {  	v0 =	vld [tilespmem:$0x10270];
	_ =	sdelay $0x3  }
0x1a8: {  	v52 =	vld [tilespmem:$0x10670]  }
0x1a9: {  	v53 =	vsub.f32 v41, v10;
	v0 =	vmul.f32 v0, v16;
	_ =	sdelay $0x1  }
0x1aa: {  	v0 =	vmul.f32 v0, v53;
	_ =	sdelay $0x1  }
0x1ab: {  	v0 =	vadd.f32 v0, v52;
	_ =	sdelay $0x1  }
0x1ac: {  	[tilespmem:s21+$0x970] =	vst v0  }
0x1ad: {  	v0 =	vld [tilespmem:$0x10280];
	_ =	sdelay $0x3  }
0x1ae: {  	v54 =	vld [tilespmem:$0x10680]  }
0x1af: {  	v55 =	vsub.f32 v40, v10;
	v0 =	vmul.f32 v0, v16;
	_ =	sdelay $0x1  }
0x1b0: {  	v0 =	vmul.f32 v0, v55;
	_ =	sdelay $0x1  }
0x1b1: {  	v0 =	vadd.f32 v0, v54;
	_ =	sdelay $0x1  }
0x1b2: {  	[tilespmem:s21+$0xD00] =	vst v0  }
0x1b3: {  	v0 =	vld [tilespmem:$0x10290];
	_ =	sdelay $0x3  }
0x1b4: {  	v56 =	vld [tilespmem:$0x10690]  }
0x1b5: {  	v57 =	vsub.f32 v39, v10;
	v0 =	vmul.f32 v0, v16;
	_ =	sdelay $0x1  }
0x1b6: {  	v0 =	vmul.f32 v0, v57;
	_ =	sdelay $0x1  }
0x1b7: {  	v0 =	vadd.f32 v0, v56;
	_ =	sdelay $0x1  }
0x1b8: {  	[tilespmem:s21+$0xD10] =	vst v0  }
0x1b9: {  	v0 =	vld [tilespmem:$0x102A0];
	_ =	sdelay $0x3  }
0x1ba: {  	v58 =	vld [tilespmem:$0x106A0]  }
0x1bb: {  	v59 =	vsub.f32 v38, v10;
	v0 =	vmul.f32 v0, v16;
	_ =	sdelay $0x1  }
0x1bc: {  	v0 =	vmul.f32 v0, v59;
	_ =	sdelay $0x1  }
0x1bd: {  	v0 =	vadd.f32 v0, v58;
	_ =	sdelay $0x1  }
0x1be: {  	[tilespmem:s21+$0xD20] =	vst v0  }
0x1bf: {  	v0 =	vld [tilespmem:$0x102B0];
	_ =	sdelay $0x3  }
0x1c0: {  	v60 =	vld [tilespmem:$0x106B0]  }
0x1c1: {  	v61 =	vsub.f32 v37, v10;
	v0 =	vmul.f32 v0, v16;
	_ =	sdelay $0x1  }
0x1c2: {  	v0 =	vmul.f32 v0, v61;
	_ =	sdelay $0x1  }
0x1c3: {  	v0 =	vadd.f32 v0, v60;
	_ =	sdelay $0x1  }
0x1c4: {  	[tilespmem:s21+$0xD30] =	vst v0  }
0x1c5: {  	v0 =	vld [tilespmem:$0x102C0];
	_ =	sdelay $0x3  }
0x1c6: {  	v62 =	vld [tilespmem:$0x106C0]  }
0x1c7: {  	v63 =	vsub.f32 v36, v10;
	v0 =	vmul.f32 v0, v16;
	_ =	sdelay $0x1  }
0x1c8: {  	v0 =	vmul.f32 v0, v63;
	_ =	sdelay $0x1  }
0x1c9: {  	v0 =	vadd.f32 v0, v62;
	_ =	sdelay $0x1  }
0x1ca: {  	[tilespmem:s21+$0xD40] =	vst v0  }
0x1cb: {  	v0 =	vld [tilespmem:$0x102D0];
	_ =	sdelay $0x3  }
0x1cc: {  	v36 =	vld [tilespmem:$0x106D0]  }
0x1cd: {  	v37 =	vsub.f32 v35, v10;
	v0 =	vmul.f32 v0, v16;
	_ =	sdelay $0x1  }
0x1ce: {  	v0 =	vmul.f32 v0, v37;
	_ =	sdelay $0x1  }
0x1cf: {  	v0 =	vadd.f32 v0, v36;
	_ =	sdelay $0x1  }
0x1d0: {  	[tilespmem:s21+$0xD50] =	vst v0  }
0x1d1: {  	v0 =	vld [tilespmem:$0x102E0];
	_ =	sdelay $0x3  }
0x1d2: {  	v38 =	vld [tilespmem:$0x106E0]  }
0x1d3: {  	v39 =	vsub.f32 v34, v10;
	v0 =	vmul.f32 v0, v16;
	_ =	sdelay $0x1  }
0x1d4: {  	v0 =	vmul.f32 v0, v39;
	_ =	sdelay $0x1  }
0x1d5: {  	v0 =	vadd.f32 v0, v38;
	_ =	sdelay $0x1  }
0x1d6: {  	[tilespmem:s21+$0xD60] =	vst v0  }
0x1d7: {  	v0 =	vld [tilespmem:$0x102F0];
	_ =	sdelay $0x3  }
0x1d8: {  	v40 =	vld [tilespmem:$0x106F0]  }
0x1d9: {  	v41 =	vsub.f32 v33, v10;
	v0 =	vmul.f32 v0, v16;
	_ =	sdelay $0x1  }
0x1da: {  	v0 =	vmul.f32 v0, v41;
	_ =	sdelay $0x1  }
0x1db: {  	v0 =	vadd.f32 v0, v40;
	_ =	sdelay $0x1  }
0x1dc: {  	[tilespmem:s21+$0xD70] =	vst v0  }
0x1dd: {  	v0 =	vld [tilespmem:$0x10300];
	_ =	sdelay $0x3  }
0x1de: {  	v42 =	vld [tilespmem:$0x10700]  }
0x1df: {  	v43 =	vsub.f32 v32, v10;
	v0 =	vmul.f32 v0, v16;
	_ =	sdelay $0x1  }
0x1e0: {  	v0 =	vmul.f32 v0, v43;
	_ =	sdelay $0x1  }
0x1e1: {  	v0 =	vadd.f32 v0, v42;
	_ =	sdelay $0x1  }
0x1e2: {  	[tilespmem:s21+$0x1100] =	vst v0  }
0x1e3: {  	v0 =	vld [tilespmem:$0x10310];
	_ =	sdelay $0x3  }
0x1e4: {  	v44 =	vld [tilespmem:$0x10710]  }
0x1e5: {  	v45 =	vsub.f32 v31, v10;
	v0 =	vmul.f32 v0, v16;
	_ =	sdelay $0x1  }
0x1e6: {  	v0 =	vmul.f32 v0, v45;
	_ =	sdelay $0x1  }
0x1e7: {  	v0 =	vadd.f32 v0, v44;
	_ =	sdelay $0x1  }
0x1e8: {  	[tilespmem:s21+$0x1110] =	vst v0  }
0x1e9: {  	v0 =	vld [tilespmem:$0x10320];
	_ =	sdelay $0x3  }
0x1ea: {  	v46 =	vld [tilespmem:$0x10720]  }
0x1eb: {  	v47 =	vsub.f32 v30, v10;
	v0 =	vmul.f32 v0, v16;
	_ =	sdelay $0x1  }
0x1ec: {  	v0 =	vmul.f32 v0, v47;
	_ =	sdelay $0x1  }
0x1ed: {  	v0 =	vadd.f32 v0, v46;
	_ =	sdelay $0x1  }
0x1ee: {  	[tilespmem:s21+$0x1120] =	vst v0  }
0x1ef: {  	v0 =	vld [tilespmem:$0x10330];
	_ =	sdelay $0x3  }
0x1f0: {  	v48 =	vld [tilespmem:$0x10730]  }
0x1f1: {  	v49 =	vsub.f32 v29, v10;
	v0 =	vmul.f32 v0, v16;
	_ =	sdelay $0x1  }
0x1f2: {  	v0 =	vmul.f32 v0, v49;
	_ =	sdelay $0x1  }
0x1f3: {  	v0 =	vadd.f32 v0, v48;
	_ =	sdelay $0x1  }
0x1f4: {  	[tilespmem:s21+$0x1130] =	vst v0  }
0x1f5: {  	v0 =	vld [tilespmem:$0x10340];
	_ =	sdelay $0x3  }
0x1f6: {  	v50 =	vld [tilespmem:$0x10740]  }
0x1f7: {  	v51 =	vsub.f32 v28, v10;
	v0 =	vmul.f32 v0, v16;
	_ =	sdelay $0x1  }
0x1f8: {  	v0 =	vmul.f32 v0, v51;
	_ =	sdelay $0x1  }
0x1f9: {  	v0 =	vadd.f32 v0, v50;
	_ =	sdelay $0x1  }
0x1fa: {  	[tilespmem:s21+$0x1140] =	vst v0  }
0x1fb: {  	v0 =	vld [tilespmem:$0x10350];
	_ =	sdelay $0x3  }
0x1fc: {  	v52 =	vld [tilespmem:$0x10750]  }
0x1fd: {  	v53 =	vsub.f32 v27, v10;
	v0 =	vmul.f32 v0, v16;
	_ =	sdelay $0x1  }
0x1fe: {  	v0 =	vmul.f32 v0, v53;
	_ =	sdelay $0x1  }
0x1ff: {  	v0 =	vadd.f32 v0, v52;
	_ =	sdelay $0x1  }
0x200: {  	[tilespmem:s21+$0x1150] =	vst v0  }
0x201: {  	v0 =	vld [tilespmem:$0x10360];
	_ =	sdelay $0x3  }
0x202: {  	v54 =	vld [tilespmem:$0x10760]  }
0x203: {  	v55 =	vsub.f32 v26, v10;
	v0 =	vmul.f32 v0, v16;
	_ =	sdelay $0x1  }
0x204: {  	v0 =	vmul.f32 v0, v55;
	_ =	sdelay $0x1  }
0x205: {  	v0 =	vadd.f32 v0, v54;
	_ =	sdelay $0x1  }
0x206: {  	[tilespmem:s21+$0x1160] =	vst v0  }
0x207: {  	v0 =	vld [tilespmem:$0x10370];
	_ =	sdelay $0x3  }
0x208: {  	v56 =	vld [tilespmem:$0x10770]  }
0x209: {  	v57 =	vsub.f32 v25, v10;
	v0 =	vmul.f32 v0, v16;
	_ =	sdelay $0x1  }
0x20a: {  	v0 =	vmul.f32 v0, v57;
	_ =	sdelay $0x1  }
0x20b: {  	v0 =	vadd.f32 v0, v56;
	_ =	sdelay $0x1  }
0x20c: {  	[tilespmem:s21+$0x1170] =	vst v0  }
0x20d: {  	v0 =	vld [tilespmem:$0x10380];
	_ =	sdelay $0x3  }
0x20e: {  	v58 =	vld [tilespmem:$0x10780]  }
0x20f: {  	v59 =	vsub.f32 v24, v10;
	v0 =	vmul.f32 v0, v16;
	_ =	sdelay $0x1  }
0x210: {  	v0 =	vmul.f32 v0, v59;
	_ =	sdelay $0x1  }
0x211: {  	v0 =	vadd.f32 v0, v58;
	_ =	sdelay $0x1  }
0x212: {  	[tilespmem:s21+$0x1500] =	vst v0  }
0x213: {  	v0 =	vld [tilespmem:$0x10390];
	_ =	sdelay $0x3  }
0x214: {  	v60 =	vld [tilespmem:$0x10790]  }
0x215: {  	v61 =	vsub.f32 v23, v10;
	v0 =	vmul.f32 v0, v16;
	_ =	sdelay $0x1  }
0x216: {  	v0 =	vmul.f32 v0, v61;
	_ =	sdelay $0x1  }
0x217: {  	v0 =	vadd.f32 v0, v60;
	_ =	sdelay $0x1  }
0x218: {  	[tilespmem:s21+$0x1510] =	vst v0  }
0x219: {  	v0 =	vld [tilespmem:$0x103A0];
	_ =	sdelay $0x3  }
0x21a: {  	v62 =	vld [tilespmem:$0x107A0]  }
0x21b: {  	v63 =	vsub.f32 v22, v10;
	v0 =	vmul.f32 v0, v16;
	_ =	sdelay $0x1  }
0x21c: {  	v0 =	vmul.f32 v0, v63;
	_ =	sdelay $0x1  }
0x21d: {  	v0 =	vadd.f32 v0, v62;
	_ =	sdelay $0x1  }
0x21e: {  	[tilespmem:s21+$0x1520] =	vst v0  }
0x21f: {  	v0 =	vld [tilespmem:$0x103B0];
	_ =	sdelay $0x3  }
0x220: {  	v22 =	vld [tilespmem:$0x107B0]  }
0x221: {  	v23 =	vsub.f32 v21, v10;
	v0 =	vmul.f32 v0, v16;
	_ =	sdelay $0x1  }
0x222: {  	v0 =	vmul.f32 v0, v23;
	_ =	sdelay $0x1  }
0x223: {  	v0 =	vadd.f32 v0, v22;
	_ =	sdelay $0x1  }
0x224: {  	[tilespmem:s21+$0x1530] =	vst v0  }
0x225: {  	v0 =	vld [tilespmem:$0x103C0];
	_ =	sdelay $0x3  }
0x226: {  	v24 =	vld [tilespmem:$0x107C0]  }
0x227: {  	v25 =	vsub.f32 v20, v10;
	v0 =	vmul.f32 v0, v16;
	_ =	sdelay $0x1  }
0x228: {  	v0 =	vmul.f32 v0, v25;
	_ =	sdelay $0x1  }
0x229: {  	v0 =	vadd.f32 v0, v24;
	_ =	sdelay $0x1  }
0x22a: {  	[tilespmem:s21+$0x1540] =	vst v0  }
0x22b: {  	v0 =	vld [tilespmem:$0x103D0];
	_ =	sdelay $0x3  }
0x22c: {  	v26 =	vld [tilespmem:$0x107D0]  }
0x22d: {  	v27 =	vsub.f32 v19, v10;
	v0 =	vmul.f32 v0, v16;
	_ =	sdelay $0x1  }
0x22e: {  	v0 =	vmul.f32 v0, v27;
	_ =	sdelay $0x1  }
0x22f: {  	v0 =	vadd.f32 v0, v26;
	_ =	sdelay $0x1  }
0x230: {  	[tilespmem:s21+$0x1550] =	vst v0  }
0x231: {  	v0 =	vld [tilespmem:$0x103E0];
	_ =	sdelay $0x3  }
0x232: {  	v28 =	vld [tilespmem:$0x107E0]  }
0x233: {  	v29 =	vsub.f32 v18, v10;
	v0 =	vmul.f32 v0, v16;
	_ =	sdelay $0x1  }
0x234: {  	v0 =	vmul.f32 v0, v29;
	_ =	sdelay $0x1  }
0x235: {  	v0 =	vadd.f32 v0, v28;
	_ =	sdelay $0x1  }
0x236: {  	[tilespmem:s21+$0x1560] =	vst v0  }
0x237: {  	v0 =	vld [tilespmem:$0x103F0];
	_ =	sdelay $0x3  }
0x238: {  	v30 =	vld [tilespmem:$0x107F0]  }
0x239: {  	v31 =	vsub.f32 v17, v10;
	v0 =	vmul.f32 v0, v16;
	_ =	sdelay $0x1  }
0x23a: {  	v0 =	vmul.f32 v0, v31;
	_ =	sdelay $0x1  }
0x23b: {  	v0 =	vadd.f32 v0, v30;
	_ =	sdelay $0x1  }
0x23c: {  	[tilespmem:s21+$0x1570] =	vst v0  }
0x23d: {  	v0 =	vld [tilespmem:$0x10400];
	_ =	sdelay $0x3  }
0x23e: {  	v32 =	vld [tilespmem:$0x10800]  }
0x23f: {  	v33 =	vsub.f32 v15, v10;
	v0 =	vmul.f32 v0, v16;
	_ =	sdelay $0x1  }
0x240: {  	v0 =	vmul.f32 v0, v33;
	_ =	sdelay $0x1  }
0x241: {  	v0 =	vadd.f32 v0, v32;
	_ =	sdelay $0x1  }
0x242: {  	[tilespmem:s21+$0x1900] =	vst v0  }
0x243: {  	v0 =	vld [tilespmem:$0x10410];
	_ =	sdelay $0x3  }
0x244: {  	v34 =	vld [tilespmem:$0x10810]  }
0x245: {  	v35 =	vsub.f32 v14, v10;
	v0 =	vmul.f32 v0, v16;
	_ =	sdelay $0x1  }
0x246: {  	v0 =	vmul.f32 v0, v35;
	_ =	sdelay $0x1  }
0x247: {  	v0 =	vadd.f32 v0, v34;
	_ =	sdelay $0x1  }
0x248: {  	[tilespmem:s21+$0x1910] =	vst v0  }
0x249: {  	v0 =	vld [tilespmem:$0x10420];
	_ =	sdelay $0x3  }
0x24a: {  	v36 =	vld [tilespmem:$0x10820]  }
0x24b: {  	v37 =	vsub.f32 v13, v10;
	v0 =	vmul.f32 v0, v16;
	_ =	sdelay $0x1  }
0x24c: {  	v0 =	vmul.f32 v0, v37;
	_ =	sdelay $0x1  }
0x24d: {  	v0 =	vadd.f32 v0, v36;
	_ =	sdelay $0x1  }
0x24e: {  	[tilespmem:s21+$0x1920] =	vst v0  }
0x24f: {  	v0 =	vld [tilespmem:$0x10430];
	_ =	sdelay $0x3  }
0x250: {  	v38 =	vld [tilespmem:$0x10830]  }
0x251: {  	v39 =	vsub.f32 v12, v10;
	v0 =	vmul.f32 v0, v16;
	_ =	sdelay $0x1  }
0x252: {  	v0 =	vmul.f32 v0, v39;
	_ =	sdelay $0x1  }
0x253: {  	v0 =	vadd.f32 v0, v38;
	_ =	sdelay $0x1  }
0x254: {  	[tilespmem:s21+$0x1930] =	vst v0  }
0x255: {  	v0 =	vld [tilespmem:$0x10440];
	_ =	sdelay $0x3  }
0x256: {  	v40 =	vld [tilespmem:$0x10840]  }
0x257: {  	v41 =	vsub.f32 v11, v10;
	v0 =	vmul.f32 v0, v16;
	_ =	sdelay $0x1  }
0x258: {  	v0 =	vmul.f32 v0, v41;
	_ =	sdelay $0x1  }
0x259: {  	v0 =	vadd.f32 v0, v40;
	_ =	sdelay $0x1  }
0x25a: {  	[tilespmem:s21+$0x1940] =	vst v0  }
0x25b: {  	v0 =	vld [tilespmem:$0x10450];
	_ =	sdelay $0x3  }
0x25c: {  	v42 =	vld [tilespmem:$0x10850]  }
0x25d: {  	v43 =	vsub.f32 v9, v10;
	v0 =	vmul.f32 v0, v16;
	_ =	sdelay $0x1  }
0x25e: {  	v0 =	vmul.f32 v0, v43;
	_ =	sdelay $0x1  }
0x25f: {  	v0 =	vadd.f32 v0, v42;
	_ =	sdelay $0x1  }
0x260: {  	[tilespmem:s21+$0x1950] =	vst v0  }
0x261: {  	v0 =	vld [tilespmem:$0x10460];
	_ =	sdelay $0x3  }
0x262: {  	v44 =	vld [tilespmem:$0x10860]  }
0x263: {  	v45 =	vsub.f32 v8, v10;
	v0 =	vmul.f32 v0, v16;
	_ =	sdelay $0x1  }
0x264: {  	v0 =	vmul.f32 v0, v45;
	_ =	sdelay $0x1  }
0x265: {  	v0 =	vadd.f32 v0, v44;
	_ =	sdelay $0x1  }
0x266: {  	[tilespmem:s21+$0x1960] =	vst v0  }
0x267: {  	v0 =	vld [tilespmem:$0x10470];
	_ =	sdelay $0x3  }
0x268: {  	v46 =	vld [tilespmem:$0x10870]  }
0x269: {  	v47 =	vsub.f32 v7, v10;
	v0 =	vmul.f32 v0, v16;
	_ =	sdelay $0x1  }
0x26a: {  	v0 =	vmul.f32 v0, v47;
	_ =	sdelay $0x1  }
0x26b: {  	v0 =	vadd.f32 v0, v46;
	_ =	sdelay $0x1  }
0x26c: {  	[tilespmem:s21+$0x1970] =	vst v0  }
0x26d: {  	v0 =	vld [tilespmem:s31+$0x100]  }
0x26e: {  	v48 =	vld [tilespmem:$0x10480];
	_ =	sdelay $0x3  }
0x26f: {  	v49 =	vld [tilespmem:$0x10880]  }
0x270: {  	v1 =	vmul.f32 v48, v16;
	v0 =	vsub.f32 v0, v10;
	_ =	sdelay $0x1  }
0x271: {  	v0 =	vmul.f32 v1, v0;
	_ =	sdelay $0x1  }
0x272: {  	v0 =	vadd.f32 v0, v49;
	_ =	sdelay $0x1  }
0x273: {  	[tilespmem:s31+$0x100] =	vst v0  }
0x274: {  	v0 =	vld [tilespmem:s30+$0x100]  }
0x275: {  	v50 =	vld [tilespmem:$0x10490];
	_ =	sdelay $0x3  }
0x276: {  	v51 =	vld [tilespmem:$0x10890]  }
0x277: {  	v1 =	vmul.f32 v50, v16;
	v0 =	vsub.f32 v0, v10;
	_ =	sdelay $0x1  }
0x278: {  	v0 =	vmul.f32 v1, v0;
	_ =	sdelay $0x1  }
0x279: {  	v0 =	vadd.f32 v0, v51;
	_ =	sdelay $0x1  }
0x27a: {  	[tilespmem:s30+$0x100] =	vst v0  }
0x27b: {  	v0 =	vld [tilespmem:s29+$0x100]  }
0x27c: {  	v52 =	vld [tilespmem:$0x104A0];
	_ =	sdelay $0x3  }
0x27d: {  	v53 =	vld [tilespmem:$0x108A0]  }
0x27e: {  	v1 =	vmul.f32 v52, v16;
	v0 =	vsub.f32 v0, v10;
	_ =	sdelay $0x1  }
0x27f: {  	v0 =	vmul.f32 v1, v0;
	_ =	sdelay $0x1  }
0x280: {  	v0 =	vadd.f32 v0, v53;
	_ =	sdelay $0x1  }
0x281: {  	[tilespmem:s29+$0x100] =	vst v0  }
0x282: {  	v0 =	vld [tilespmem:s28+$0x100]  }
0x283: {  	v54 =	vld [tilespmem:$0x104B0];
	_ =	sdelay $0x3  }
0x284: {  	v55 =	vld [tilespmem:$0x108B0]  }
0x285: {  	v1 =	vmul.f32 v54, v16;
	v0 =	vsub.f32 v0, v10;
	_ =	sdelay $0x1  }
0x286: {  	v0 =	vmul.f32 v1, v0;
	_ =	sdelay $0x1  }
0x287: {  	v0 =	vadd.f32 v0, v55;
	_ =	sdelay $0x1  }
0x288: {  	[tilespmem:s28+$0x100] =	vst v0  }
0x289: {  	v0 =	vld [tilespmem:s26+$0x100]  }
0x28a: {  	v56 =	vld [tilespmem:$0x104C0];
	_ =	sdelay $0x3  }
0x28b: {  	v57 =	vld [tilespmem:$0x108C0]  }
0x28c: {  	v1 =	vmul.f32 v56, v16;
	v0 =	vsub.f32 v0, v10;
	_ =	sdelay $0x1  }
0x28d: {  	v0 =	vmul.f32 v1, v0;
	_ =	sdelay $0x1  }
0x28e: {  	v0 =	vadd.f32 v0, v57;
	_ =	sdelay $0x1  }
0x28f: {  	[tilespmem:s26+$0x100] =	vst v0  }
0x290: {  	v0 =	vld [tilespmem:s25+$0x100]  }
0x291: {  	v58 =	vld [tilespmem:$0x104D0];
	_ =	sdelay $0x3  }
0x292: {  	v59 =	vld [tilespmem:$0x108D0]  }
0x293: {  	v1 =	vmul.f32 v58, v16;
	v0 =	vsub.f32 v0, v10;
	_ =	sdelay $0x1  }
0x294: {  	v0 =	vmul.f32 v1, v0;
	_ =	sdelay $0x1  }
0x295: {  	v0 =	vadd.f32 v0, v59;
	_ =	sdelay $0x1  }
0x296: {  	[tilespmem:s25+$0x100] =	vst v0  }
0x297: {  	v0 =	vld [tilespmem:s24+$0x100]  }
0x298: {  	v60 =	vld [tilespmem:$0x104E0];
	_ =	sdelay $0x3  }
0x299: {  	v61 =	vld [tilespmem:$0x108E0]  }
0x29a: {  	v1 =	vmul.f32 v60, v16;
	v0 =	vsub.f32 v0, v10;
	_ =	sdelay $0x1  }
0x29b: {  	v0 =	vmul.f32 v1, v0;
	_ =	sdelay $0x1  }
0x29c: {  	v0 =	vadd.f32 v0, v61;
	_ =	sdelay $0x1  }
0x29d: {  	[tilespmem:s24+$0x100] =	vst v0  }
0x29e: {  	v0 =	vld [tilespmem:s22+$0x100]  }
0x29f: {  	v62 =	vld [tilespmem:$0x104F0];
	_ =	sdelay $0x3  }
0x2a0: {  	v63 =	vld [tilespmem:$0x108F0]  }
0x2a1: {  	v1 =	vmul.f32 v62, v16;
	v0 =	vsub.f32 v0, v10  }
0x2a2: {  	p0 =	sne.s32 s20, $0xF80  }
.Ltmp0:
0x2a3: {  	v0 =	vmul.f32 v1, v0;
	(pc) =	sbr.rel @p0 .LBB2_3-.Ltmp0, $4  }
0x2a4: {  	_ = 	snop  }
0x2a5: {  	v0 =	vadd.f32 v0, v63  }
0x2a6: {  	s9 =	sadd.s32 $0x1, s9  }
0x2a7: {  	s18 =	sadd.s32 $0x400, s18;
	s20 =	sadd.s32 $0x80, s20;
	s19 =	sadd.s32 $0x400, s19;
	v4 =	vmov v6;
	[tilespmem:s22+$0x100] =	vst v0  }
0x2a8: {  	s9 =	sshll.u32 s15, $0x7  }
0x2a9: {  	s31 =	sor.u32 $0x1, s14;
	s9 =	sadd.s32 s5, s9  }
0x2aa: {  	[hbm4b:s9+s6] =	stream.linear.scatter [tilespmem:s23], [sflag:$0x3], $0x8000, $0x38;
	[tilespmem:$0x10900] =	vst v63  }
0x2ab: {  	p0 =	sgt.u32 s31, $0xE;
	_ =	swait.ge [sflag:s4], $0x8000  }
.Ltmp1:
0x2ac: {  	[sflag:s4] =	ssyncset.done $0x0;
	(pc) =	sbr.rel @p0 .LBB2_6-.Ltmp1, $4  }
0x2ad: {  	[sflag:s4] =	ssyncadd.s32 $0xFFFF8000  }
0x2ae: {  	_ =	swait.ge [sflag:s2], $0x8000  }
0x2af: {  	s14 =	sshll.u32 s31, $0x5;
	[sflag:s2] =	ssyncset.done $0x0  }
0x2b0: {  	s15 =	sadd.s32 s7, s14;
	[sflag:s2] =	ssyncadd.s32 $0xFFFF8000  }
0x2b1: {  	s9 =	sshrl.u32 s15, $0x3;
	s14 =	rddreg [dreg:$0x6]  }
0x2b2: {  	s9 =	sadd.s32 s14, s9  }
0x2b3: {  	s9 =	sadd.s32 $0x4, s9  }
0x2b4: {  	[tilespmem:s6], [sflag:$0x5] =	stream.linear.gather [hbm4b:s9+s6], $0x20, $0x38;
	[tilespmem:$0x10900] =	vst v63  }
0x2b5: {  	_ =	swait.ge [sflag:s16], $0x20  }
0x2b6: {  	[sflag:s16] =	ssyncset.done $0x0  }
0x2b7: {  	[sflag:s16] =	ssyncadd.s32 $0xFFFFFFE0  }
0x2b8: {  	v0 =	vld [tilespmem:$0x0];
	_ =	sdelay $0x2  }
0x2b9: {  	v2 =	vld [tilespmem:$0x1FFA0];
	_ =	sdelay $0x1  }
0x2ba: {  	v3 =	vld [tilespmem:$0x1FFB0];
	v1 =	vshll.u32 v0, $0x3  }
0x2bb: {  	v0 =	vand.u32 $0x7, v0;
	v1 =	vand.u32 $0xFFFFFFC0, v1  }
0x2bc: {  	v0 =	vor.u32 v0, v1  }
0x2bd: {  	v1 =	vperm.xlane v0, v2;
	_ =	sdelay $0x1  }
0x2be: {  	v1 =	vadd.s32 v3, v1  }
0x2bf: {  	v4 =	vld [tilespmem:$0x1FFC0];
	_ =	sdelay $0x3  }
0x2c0: {  	[tilespmem:s23], [sflag:$0x1] =	stream.indirect_vreg.gather [hbm4b:s1+s6], $0x80, v1, vm0, $0xb8;
	[tilespmem:$0x10900] =	vst v63  }
0x2c1: {  	s30 =	simm.s32 $0x900;
	v0 =	vperm.xlane v0, v4  }
0x2c2: {  	[tilespmem:s30], [sflag:$0x1] =	stream.indirect_vreg.gather [hbm4b:s10+s6], $0x80, v1, vm0, $0xb8;
	[tilespmem:$0x10900] =	vst v63  }
0x2c3: {  	s31 =	simm.s32 $0x1100;
	v0 =	vadd.s32 v3, v0  }
0x2c4: {  	[tilespmem:s31], [sflag:$0x1] =	stream.indirect_vreg.gather [hbm4b:s11+s6], $0x80, v1, vm0, $0xb8;
	[tilespmem:$0x10900] =	vst v63  }
0x2c5: {  	s14 =	simm.s32 $0x1900  }
0x2c6: {  	[tilespmem:s14], [sflag:$0x1] =	stream.indirect_vreg.gather [hbm4b:s12+s6], $0x80, v1, vm0, $0xb8;
	[tilespmem:$0x10900] =	vst v63  }
0x2c7: {  	s18 =	simm.s32 $0x2100  }
0x2c8: {  	[tilespmem:s18], [sflag:$0x1] =	stream.indirect_vreg.gather [hbm4b:s1+s6], $0x80, v0, vm0, $0xb8;
	[tilespmem:$0x10900] =	vst v63  }
0x2c9: {  	s19 =	simm.s32 $0x2900  }
0x2ca: {  	[tilespmem:s19], [sflag:$0x1] =	stream.indirect_vreg.gather [hbm4b:s10+s6], $0x80, v0, vm0, $0xb8;
	[tilespmem:$0x10900] =	vst v63  }
0x2cb: {  	s20 =	simm.s32 $0x3100  }
0x2cc: {  	[tilespmem:s20], [sflag:$0x1] =	stream.indirect_vreg.gather [hbm4b:s11+s6], $0x80, v0, vm0, $0xb8;
	[tilespmem:$0x10900] =	vst v63  }
0x2cd: {  	s21 =	simm.s32 $0x3900  }
0x2ce: {  	[tilespmem:s21], [sflag:$0x1] =	stream.indirect_vreg.gather [hbm4b:s12+s6], $0x80, v0, vm0, $0xb8;
	[tilespmem:$0x10900] =	vst v63  }
0x2cf: {  	v0 =	vld [tilespmem:$0x10];
	_ =	sdelay $0x4  }
0x2d0: {  	v63 =	vshll.u32 v0, $0x3  }
0x2d1: {  	v0 =	vand.u32 $0x7, v0;
	v1 =	vand.u32 $0xFFFFFFC0, v63  }
0x2d2: {  	v0 =	vor.u32 v0, v1  }
0x2d3: {  	v1 =	vperm.xlane v0, v2;
	_ =	sdelay $0x1  }
0x2d4: {  	v1 =	vadd.s32 v3, v1;
	_ =	sdelay $0x3  }
0x2d5: {  	s22 =	simm.s32 $0x4100  }
0x2d6: {  	[tilespmem:s22], [sflag:$0x1] =	stream.indirect_vreg.gather [hbm4b:s1+s6], $0x80, v1, vm0, $0xb8;
	[tilespmem:$0x10900] =	vst v63  }
0x2d7: {  	s24 =	simm.s32 $0x4900;
	v0 =	vperm.xlane v0, v4  }
0x2d8: {  	[tilespmem:s24], [sflag:$0x1] =	stream.indirect_vreg.gather [hbm4b:s10+s6], $0x80, v1, vm0, $0xb8;
	[tilespmem:$0x10900] =	vst v63  }
0x2d9: {  	s25 =	simm.s32 $0x5100;
	v0 =	vadd.s32 v3, v0  }
0x2da: {  	[tilespmem:s25], [sflag:$0x1] =	stream.indirect_vreg.gather [hbm4b:s11+s6], $0x80, v1, vm0, $0xb8;
	[tilespmem:$0x10900] =	vst v63  }
0x2db: {  	s26 =	simm.s32 $0x5900  }
0x2dc: {  	[tilespmem:s26], [sflag:$0x1] =	stream.indirect_vreg.gather [hbm4b:s12+s6], $0x80, v1, vm0, $0xb8;
	[tilespmem:$0x10900] =	vst v63  }
0x2dd: {  	s28 =	simm.s32 $0x6100  }
0x2de: {  	[tilespmem:s28], [sflag:$0x1] =	stream.indirect_vreg.gather [hbm4b:s1+s6], $0x80, v0, vm0, $0xb8;
	[tilespmem:$0x10900] =	vst v63  }
0x2df: {  	s29 =	simm.s32 $0x6900  }
0x2e0: {  	[tilespmem:s29], [sflag:$0x1] =	stream.indirect_vreg.gather [hbm4b:s10+s6], $0x80, v0, vm0, $0xb8;
	[tilespmem:$0x10900] =	vst v63  }
0x2e1: {  	s30 =	simm.s32 $0x7100  }
0x2e2: {  	[tilespmem:s30], [sflag:$0x1] =	stream.indirect_vreg.gather [hbm4b:s11+s6], $0x80, v0, vm0, $0xb8;
	[tilespmem:$0x10900] =	vst v63  }
0x2e3: {  	s31 =	simm.s32 $0x7900  }
0x2e4: {  	[tilespmem:s31], [sflag:$0x1] =	stream.indirect_vreg.gather [hbm4b:s12+s6], $0x80, v0, vm0, $0xb8;
	[tilespmem:$0x10900] =	vst v63  }
.LBB2_6:
0x2e5: {  	s9 =	simm.s32 $0x0  }
0x2e6: {  	s14 =	simm.s32 $0xFFFF8000;
	s18 =	simm.s32 $0x0;
	s19 =	simm.s32 $0x0;
	v5 =	vld [tilespmem:$0x1FFF0]  }
.LBB2_7:
0x2e7: {  	s20 =	sadd.s32 $0x8000, s14  }
0x2e8: {  	s21 =	sand.u32 $0x380, s19;
	s20 =	sand.u32 $0x6000, s20  }
0x2e9: {  	s20 =	sor.u32 s21, s20  }
0x2ea: {  	v0 =	vld [tilespmem:s20+$0x8100];
	_ =	sdelay $0x1  }
0x2eb: {  	v63 =	vld [tilespmem:s20+$0x8110];
	_ =	sdelay $0x1  }
0x2ec: {  	v62 =	vld [tilespmem:s20+$0x8120]  }
0x2ed: {  	v1 =	vadd.f32 $0.0e+00, v0  }
0x2ee: {  	v61 =	vld [tilespmem:s20+$0x8130]  }
0x2ef: {  	v2 =	vmul.f32 v0, v0;
	v3 =	vmul.f32 v63, v63;
	v1 =	vadd.f32 v63, v1  }
0x2f0: {  	v60 =	vld [tilespmem:s20+$0x8140]  }
0x2f1: {  	v2 =	vadd.f32 v3, v2;
	v3 =	vmul.f32 v62, v62;
	v1 =	vadd.f32 v62, v1  }
0x2f2: {  	v59 =	vld [tilespmem:s20+$0x8150]  }
0x2f3: {  	v2 =	vadd.f32 v3, v2;
	v3 =	vmul.f32 v61, v61;
	v1 =	vadd.f32 v61, v1  }
0x2f4: {  	v58 =	vld [tilespmem:s20+$0x8160]  }
0x2f5: {  	v2 =	vadd.f32 v3, v2;
	v3 =	vmul.f32 v60, v60;
	v1 =	vadd.f32 v60, v1  }
0x2f6: {  	v57 =	vld [tilespmem:s20+$0x8170]  }
0x2f7: {  	v2 =	vadd.f32 v3, v2;
	v3 =	vmul.f32 v59, v59;
	v1 =	vadd.f32 v59, v1  }
0x2f8: {  	v56 =	vld [tilespmem:s20+$0x8500]  }
0x2f9: {  	v2 =	vadd.f32 v3, v2;
	v3 =	vmul.f32 v58, v58;
	v1 =	vadd.f32 v58, v1  }
0x2fa: {  	v55 =	vld [tilespmem:s20+$0x8510]  }
0x2fb: {  	v2 =	vadd.f32 v3, v2;
	v3 =	vmul.f32 v57, v57;
	v1 =	vadd.f32 v57, v1  }
0x2fc: {  	v54 =	vld [tilespmem:s20+$0x8520]  }
0x2fd: {  	v2 =	vadd.f32 v3, v2;
	v3 =	vmul.f32 v56, v56;
	v1 =	vadd.f32 v56, v1  }
0x2fe: {  	v53 =	vld [tilespmem:s20+$0x8530]  }
0x2ff: {  	v2 =	vadd.f32 v3, v2;
	v3 =	vmul.f32 v55, v55;
	v1 =	vadd.f32 v55, v1  }
0x300: {  	v52 =	vld [tilespmem:s20+$0x8540]  }
0x301: {  	v2 =	vadd.f32 v3, v2;
	v3 =	vmul.f32 v54, v54;
	v1 =	vadd.f32 v54, v1  }
0x302: {  	v51 =	vld [tilespmem:s20+$0x8550]  }
0x303: {  	v2 =	vadd.f32 v3, v2;
	v3 =	vmul.f32 v53, v53;
	v1 =	vadd.f32 v53, v1  }
0x304: {  	v50 =	vld [tilespmem:s20+$0x8560]  }
0x305: {  	v2 =	vadd.f32 v3, v2;
	v3 =	vmul.f32 v52, v52;
	v1 =	vadd.f32 v52, v1  }
0x306: {  	v49 =	vld [tilespmem:s20+$0x8570]  }
0x307: {  	v2 =	vadd.f32 v3, v2;
	v3 =	vmul.f32 v51, v51;
	v1 =	vadd.f32 v51, v1  }
0x308: {  	v48 =	vld [tilespmem:s20+$0x8900]  }
0x309: {  	v2 =	vadd.f32 v3, v2;
	v3 =	vmul.f32 v50, v50;
	v1 =	vadd.f32 v50, v1  }
0x30a: {  	v47 =	vld [tilespmem:s20+$0x8910]  }
0x30b: {  	v2 =	vadd.f32 v3, v2;
	v3 =	vmul.f32 v49, v49;
	v1 =	vadd.f32 v49, v1  }
0x30c: {  	v46 =	vld [tilespmem:s20+$0x8920]  }
0x30d: {  	v2 =	vadd.f32 v3, v2;
	v3 =	vmul.f32 v48, v48;
	v1 =	vadd.f32 v48, v1  }
0x30e: {  	v45 =	vld [tilespmem:s20+$0x8930]  }
0x30f: {  	v2 =	vadd.f32 v3, v2;
	v3 =	vmul.f32 v47, v47;
	v1 =	vadd.f32 v47, v1  }
0x310: {  	v44 =	vld [tilespmem:s20+$0x8940]  }
0x311: {  	v2 =	vadd.f32 v3, v2;
	v3 =	vmul.f32 v46, v46;
	v1 =	vadd.f32 v46, v1  }
0x312: {  	v43 =	vld [tilespmem:s20+$0x8950]  }
0x313: {  	v2 =	vadd.f32 v3, v2;
	v3 =	vmul.f32 v45, v45;
	v1 =	vadd.f32 v45, v1  }
0x314: {  	v42 =	vld [tilespmem:s20+$0x8960]  }
0x315: {  	v2 =	vadd.f32 v3, v2;
	v3 =	vmul.f32 v44, v44;
	v1 =	vadd.f32 v44, v1  }
0x316: {  	v41 =	vld [tilespmem:s20+$0x8970]  }
0x317: {  	v2 =	vadd.f32 v3, v2;
	v3 =	vmul.f32 v43, v43;
	v1 =	vadd.f32 v43, v1  }
0x318: {  	v40 =	vld [tilespmem:s20+$0x8D00]  }
0x319: {  	v2 =	vadd.f32 v3, v2;
	v3 =	vmul.f32 v42, v42;
	v1 =	vadd.f32 v42, v1  }
0x31a: {  	v39 =	vld [tilespmem:s20+$0x8D10]  }
0x31b: {  	v2 =	vadd.f32 v3, v2;
	v3 =	vmul.f32 v41, v41;
	v1 =	vadd.f32 v41, v1  }
0x31c: {  	v38 =	vld [tilespmem:s20+$0x8D20]  }
0x31d: {  	v2 =	vadd.f32 v3, v2;
	v3 =	vmul.f32 v40, v40;
	v1 =	vadd.f32 v40, v1  }
0x31e: {  	v37 =	vld [tilespmem:s20+$0x8D30]  }
0x31f: {  	v2 =	vadd.f32 v3, v2;
	v3 =	vmul.f32 v39, v39;
	v1 =	vadd.f32 v39, v1  }
0x320: {  	v36 =	vld [tilespmem:s20+$0x8D40]  }
0x321: {  	v2 =	vadd.f32 v3, v2;
	v3 =	vmul.f32 v38, v38;
	v1 =	vadd.f32 v38, v1  }
0x322: {  	v35 =	vld [tilespmem:s20+$0x8D50]  }
0x323: {  	v2 =	vadd.f32 v3, v2;
	v3 =	vmul.f32 v37, v37;
	v1 =	vadd.f32 v37, v1  }
0x324: {  	v34 =	vld [tilespmem:s20+$0x8D60]  }
0x325: {  	v2 =	vadd.f32 v3, v2;
	v3 =	vmul.f32 v36, v36;
	v1 =	vadd.f32 v36, v1  }
0x326: {  	v33 =	vld [tilespmem:s20+$0x8D70]  }
0x327: {  	v2 =	vadd.f32 v3, v2;
	v3 =	vmul.f32 v35, v35;
	v1 =	vadd.f32 v35, v1  }
0x328: {  	v32 =	vld [tilespmem:s20+$0x9100]  }
0x329: {  	v2 =	vadd.f32 v3, v2;
	v3 =	vmul.f32 v34, v34;
	v1 =	vadd.f32 v34, v1  }
0x32a: {  	v31 =	vld [tilespmem:s20+$0x9110]  }
0x32b: {  	v2 =	vadd.f32 v3, v2;
	v3 =	vmul.f32 v33, v33;
	v1 =	vadd.f32 v33, v1  }
0x32c: {  	v30 =	vld [tilespmem:s20+$0x9120]  }
0x32d: {  	v2 =	vadd.f32 v3, v2;
	v3 =	vmul.f32 v32, v32;
	v1 =	vadd.f32 v32, v1  }
0x32e: {  	v29 =	vld [tilespmem:s20+$0x9130]  }
0x32f: {  	v2 =	vadd.f32 v3, v2;
	v3 =	vmul.f32 v31, v31;
	v1 =	vadd.f32 v31, v1  }
0x330: {  	v28 =	vld [tilespmem:s20+$0x9140]  }
0x331: {  	v2 =	vadd.f32 v3, v2;
	v3 =	vmul.f32 v30, v30;
	v1 =	vadd.f32 v30, v1  }
0x332: {  	v27 =	vld [tilespmem:s20+$0x9150]  }
0x333: {  	v2 =	vadd.f32 v3, v2;
	v3 =	vmul.f32 v29, v29;
	v1 =	vadd.f32 v29, v1  }
0x334: {  	v26 =	vld [tilespmem:s20+$0x9160]  }
0x335: {  	v2 =	vadd.f32 v3, v2;
	v3 =	vmul.f32 v28, v28;
	v1 =	vadd.f32 v28, v1  }
0x336: {  	v25 =	vld [tilespmem:s20+$0x9170]  }
0x337: {  	v2 =	vadd.f32 v3, v2;
	v3 =	vmul.f32 v27, v27;
	v1 =	vadd.f32 v27, v1  }
0x338: {  	v24 =	vld [tilespmem:s20+$0x9500]  }
0x339: {  	v2 =	vadd.f32 v3, v2;
	v3 =	vmul.f32 v26, v26;
	v1 =	vadd.f32 v26, v1  }
0x33a: {  	v23 =	vld [tilespmem:s20+$0x9510]  }
0x33b: {  	v2 =	vadd.f32 v3, v2;
	v3 =	vmul.f32 v25, v25;
	v1 =	vadd.f32 v25, v1  }
0x33c: {  	v22 =	vld [tilespmem:s20+$0x9520]  }
0x33d: {  	v2 =	vadd.f32 v3, v2;
	v3 =	vmul.f32 v24, v24;
	v1 =	vadd.f32 v24, v1  }
0x33e: {  	v21 =	vld [tilespmem:s20+$0x9530]  }
0x33f: {  	v2 =	vadd.f32 v3, v2;
	v3 =	vmul.f32 v23, v23;
	v1 =	vadd.f32 v23, v1  }
0x340: {  	v20 =	vld [tilespmem:s20+$0x9540]  }
0x341: {  	v2 =	vadd.f32 v3, v2;
	v3 =	vmul.f32 v22, v22;
	v1 =	vadd.f32 v22, v1  }
0x342: {  	v19 =	vld [tilespmem:s20+$0x9550]  }
0x343: {  	v2 =	vadd.f32 v3, v2;
	v3 =	vmul.f32 v21, v21;
	v1 =	vadd.f32 v21, v1  }
0x344: {  	v18 =	vld [tilespmem:s20+$0x9560]  }
0x345: {  	v2 =	vadd.f32 v3, v2;
	v3 =	vmul.f32 v20, v20;
	v1 =	vadd.f32 v20, v1  }
0x346: {  	v17 =	vld [tilespmem:s20+$0x9570]  }
0x347: {  	v2 =	vadd.f32 v3, v2;
	v3 =	vmul.f32 v19, v19;
	v1 =	vadd.f32 v19, v1  }
0x348: {  	v15 =	vld [tilespmem:s20+$0x9900]  }
0x349: {  	v2 =	vadd.f32 v3, v2;
	v3 =	vmul.f32 v18, v18;
	v1 =	vadd.f32 v18, v1  }
0x34a: {  	v14 =	vld [tilespmem:s20+$0x9910]  }
0x34b: {  	v2 =	vadd.f32 v3, v2;
	v3 =	vmul.f32 v17, v17;
	v1 =	vadd.f32 v17, v1  }
0x34c: {  	v13 =	vld [tilespmem:s20+$0x9920]  }
0x34d: {  	v2 =	vadd.f32 v3, v2;
	v3 =	vmul.f32 v15, v15;
	v1 =	vadd.f32 v15, v1  }
0x34e: {  	v12 =	vld [tilespmem:s20+$0x9930]  }
0x34f: {  	v2 =	vadd.f32 v3, v2;
	v3 =	vmul.f32 v14, v14;
	v1 =	vadd.f32 v14, v1  }
0x350: {  	v11 =	vld [tilespmem:s20+$0x9940]  }
0x351: {  	v2 =	vadd.f32 v3, v2;
	v3 =	vmul.f32 v13, v13;
	v1 =	vadd.f32 v13, v1  }
0x352: {  	v9 =	vld [tilespmem:s20+$0x9950]  }
0x353: {  	v2 =	vadd.f32 v3, v2;
	v3 =	vmul.f32 v12, v12;
	v1 =	vadd.f32 v12, v1  }
0x354: {  	s31 =	sand.u32 $0x7, s9;
	v8 =	vld [tilespmem:s20+$0x9960]  }
0x355: {  	s21 =	sshll.u32 s31, $0x7;
	v2 =	vadd.f32 v3, v2;
	v3 =	vmul.f32 v11, v11;
	v1 =	vadd.f32 v11, v1  }
0x356: {  	s21 =	sadd.s32 s21, s18;
	v7 =	vld [tilespmem:s20+$0x9970]  }
0x357: {  	s30 =	sor.u32 $0x1C00, s21;
	v2 =	vadd.f32 v3, v2;
	v3 =	vmul.f32 v9, v9;
	v1 =	vadd.f32 v9, v1  }
0x358: {  	v4 =	vld [tilespmem:s30+$0x8100]  }
0x359: {  	s29 =	sor.u32 $0x1C10, s21;
	v2 =	vadd.f32 v3, v2;
	v3 =	vmul.f32 v8, v8;
	v1 =	vadd.f32 v8, v1  }
0x35a: {  	v10 =	vld [tilespmem:s29+$0x8100]  }
0x35b: {  	s28 =	sor.u32 $0x1C20, s21;
	v2 =	vadd.f32 v3, v2;
	v3 =	vmul.f32 v7, v7;
	v1 =	vadd.f32 v7, v1  }
0x35c: {  	v16 =	vld [tilespmem:s28+$0x8100]  }
0x35d: {  	s26 =	sor.u32 $0x1C30, s21;
	v2 =	vadd.f32 v3, v2;
	v3 =	vmul.f32 v4, v4;
	v1 =	vadd.f32 v4, v1  }
0x35e: {  	v4 =	vld [tilespmem:s26+$0x8100]  }
0x35f: {  	s25 =	sor.u32 $0x1C40, s21;
	v2 =	vadd.f32 v3, v2;
	v3 =	vmul.f32 v10, v10;
	v1 =	vadd.f32 v10, v1  }
0x360: {  	v10 =	vld [tilespmem:s25+$0x8100]  }
0x361: {  	s24 =	sor.u32 $0x1C50, s21;
	v2 =	vadd.f32 v3, v2;
	v3 =	vmul.f32 v16, v16;
	v1 =	vadd.f32 v16, v1  }
0x362: {  	v16 =	vld [tilespmem:s24+$0x8100]  }
0x363: {  	s22 =	sor.u32 $0x1C60, s21;
	v2 =	vadd.f32 v3, v2;
	v3 =	vmul.f32 v4, v4;
	v1 =	vadd.f32 v4, v1  }
0x364: {  	v4 =	vld [tilespmem:s22+$0x8100]  }
0x365: {  	v2 =	vadd.f32 v3, v2;
	v3 =	vmul.f32 v10, v10;
	v1 =	vadd.f32 v10, v1  }
0x366: {  	s21 =	sor.u32 $0x1C70, s21  }
0x367: {  	v10 =	vld [tilespmem:s21+$0x8100];
	v2 =	vadd.f32 v3, v2;
	v3 =	vmul.f32 v16, v16;
	v1 =	vadd.f32 v16, v1;
	_ =	sdelay $0x1  }
0x368: {  	v2 =	vadd.f32 v3, v2;
	v3 =	vmul.f32 v4, v4;
	v1 =	vadd.f32 v4, v1;
	v4 =	vld [tilespmem:$0x1FFD0];
	_ =	sdelay $0x2  }
0x369: {  	v2 =	vadd.f32 v3, v2;
	v3 =	vmul.f32 v10, v10;
	v1 =	vadd.f32 v10, v1  }
0x36a: {  	v16 =	vld [tilespmem:$0x1FFE0]  }
0x36b: {  	v2 =	vadd.f32 v3, v2;
	v3 =	vperm.xlane v1, v4;
	_ =	sdelay $0x1  }
0x36c: {  	v1 =	vadd.f32 v3, v1;
	v3 =	vperm.xlane v2, v4;
	_ =	sdelay $0x1  }
0x36d: {  	v4 =	vperm.xlane v1, v16;
	v2 =	vadd.f32 v3, v2;
	_ =	sdelay $0x1  }
0x36e: {  	v1 =	vadd.f32 v4, v1;
	v3 =	vperm.xlane v2, v16;
	_ =	sdelay $0x1  }
0x36f: {  	v4 =	vperm.xlane v1, v5;
	v2 =	vadd.f32 v3, v2;
	_ =	sdelay $0x1  }
0x370: {  	v1 =	vadd.f32 v4, v1;
	v3 =	vperm.xlane v2, v5;
	_ =	sdelay $0x1  }
0x371: {  	v4 =	vperm.xlane v1, v6;
	v2 =	vadd.f32 v3, v2;
	_ =	sdelay $0x1  }
0x372: {  	v1 =	vadd.f32 v4, v1;
	v3 =	vperm.xlane v2, v6;
	_ =	sdelay $0x1  }
0x373: {  	v2 =	vadd.f32 v3, v2;
	v10 =	vmul.f32 $9.765625000e-04, v1;
	_ =	sdelay $0x1  }
0x374: {  	v1 =	vmul.f32 $9.765625000e-04, v2;
	v16 =	vmul.f32 v10, v10;
	_ =	sdelay $0x1  }
0x375: {  	v1 =	vsub.f32 v1, v16;
	_ =	sdelay $0x1  }
0x376: {  	v1 =	vadd.f32 $9.999999970e-07, v1;
	_ =	sdelay $0x1  }
0x377: {  	v16 =	vshra.s32 v1, $0x1;
	v1 =	vmul.f32 $5.000000000e-01, v1  }
0x378: {  	v2 =	vsub.s32 $0x5F3759DF, v16  }
0x379: {  	v3 =	vmul.f32 v2, v1;
	_ =	sdelay $0x1  }
0x37a: {  	v3 =	vmul.f32 v2, v3;
	_ =	sdelay $0x1  }
0x37b: {  	v3 =	vsub.f32 $1.500000000e+00, v3;
	_ =	sdelay $0x1  }
0x37c: {  	v2 =	vmul.f32 v2, v3;
	_ =	sdelay $0x1  }
0x37d: {  	v1 =	vmul.f32 v2, v1;
	_ =	sdelay $0x1  }
0x37e: {  	v1 =	vmul.f32 v1, v2  }
0x37f: {  	v3 =	vld [tilespmem:$0x10100]  }
0x380: {  	v1 =	vsub.f32 $1.500000000e+00, v1;
	_ =	sdelay $0x1  }
0x381: {  	v16 =	vmul.f32 v1, v2  }
0x382: {  	v1 =	vld [tilespmem:$0x10500]  }
0x383: {  	v0 =	vsub.f32 v0, v10;
	v2 =	vmul.f32 v16, v3;
	_ =	sdelay $0x1  }
0x384: {  	v0 =	vmul.f32 v2, v0;
	_ =	sdelay $0x1  }
0x385: {  	v0 =	vadd.f32 v0, v1;
	_ =	sdelay $0x1  }
0x386: {  	[tilespmem:s20+$0x8100] =	vst v0  }
0x387: {  	v0 =	vld [tilespmem:$0x10110];
	_ =	sdelay $0x3  }
0x388: {  	v1 =	vld [tilespmem:$0x10510]  }
0x389: {  	v63 =	vsub.f32 v63, v10;
	v0 =	vmul.f32 v16, v0;
	_ =	sdelay $0x1  }
0x38a: {  	v0 =	vmul.f32 v0, v63;
	_ =	sdelay $0x1  }
0x38b: {  	v0 =	vadd.f32 v0, v1;
	_ =	sdelay $0x1  }
0x38c: {  	[tilespmem:s20+$0x8110] =	vst v0  }
0x38d: {  	v0 =	vld [tilespmem:$0x10120];
	_ =	sdelay $0x3  }
0x38e: {  	v63 =	vld [tilespmem:$0x10520]  }
0x38f: {  	v62 =	vsub.f32 v62, v10;
	v0 =	vmul.f32 v16, v0;
	_ =	sdelay $0x1  }
0x390: {  	v0 =	vmul.f32 v0, v62;
	_ =	sdelay $0x1  }
0x391: {  	v0 =	vadd.f32 v0, v63;
	_ =	sdelay $0x1  }
0x392: {  	[tilespmem:s20+$0x8120] =	vst v0  }
0x393: {  	v0 =	vld [tilespmem:$0x10130];
	_ =	sdelay $0x3  }
0x394: {  	v63 =	vld [tilespmem:$0x10530]  }
0x395: {  	v62 =	vsub.f32 v61, v10;
	v0 =	vmul.f32 v16, v0;
	_ =	sdelay $0x1  }
0x396: {  	v0 =	vmul.f32 v0, v62;
	_ =	sdelay $0x1  }
0x397: {  	v0 =	vadd.f32 v0, v63;
	_ =	sdelay $0x1  }
0x398: {  	[tilespmem:s20+$0x8130] =	vst v0  }
0x399: {  	v0 =	vld [tilespmem:$0x10140];
	_ =	sdelay $0x3  }
0x39a: {  	v63 =	vld [tilespmem:$0x10540]  }
0x39b: {  	v60 =	vsub.f32 v60, v10;
	v0 =	vmul.f32 v16, v0;
	_ =	sdelay $0x1  }
0x39c: {  	v0 =	vmul.f32 v0, v60;
	_ =	sdelay $0x1  }
0x39d: {  	v0 =	vadd.f32 v0, v63;
	_ =	sdelay $0x1  }
0x39e: {  	[tilespmem:s20+$0x8140] =	vst v0  }
0x39f: {  	v0 =	vld [tilespmem:$0x10150];
	_ =	sdelay $0x3  }
0x3a0: {  	v61 =	vld [tilespmem:$0x10550]  }
0x3a1: {  	v62 =	vsub.f32 v59, v10;
	v0 =	vmul.f32 v0, v16;
	_ =	sdelay $0x1  }
0x3a2: {  	v0 =	vmul.f32 v0, v62;
	_ =	sdelay $0x1  }
0x3a3: {  	v0 =	vadd.f32 v0, v61;
	_ =	sdelay $0x1  }
0x3a4: {  	[tilespmem:s20+$0x8150] =	vst v0  }
0x3a5: {  	v0 =	vld [tilespmem:$0x10160];
	_ =	sdelay $0x3  }
0x3a6: {  	v63 =	vld [tilespmem:$0x10560]  }
0x3a7: {  	v58 =	vsub.f32 v58, v10;
	v0 =	vmul.f32 v0, v16;
	_ =	sdelay $0x1  }
0x3a8: {  	v0 =	vmul.f32 v0, v58;
	_ =	sdelay $0x1  }
0x3a9: {  	v0 =	vadd.f32 v0, v63;
	_ =	sdelay $0x1  }
0x3aa: {  	[tilespmem:s20+$0x8160] =	vst v0  }
0x3ab: {  	v0 =	vld [tilespmem:$0x10170];
	_ =	sdelay $0x3  }
0x3ac: {  	v59 =	vld [tilespmem:$0x10570]  }
0x3ad: {  	v60 =	vsub.f32 v57, v10;
	v0 =	vmul.f32 v0, v16;
	_ =	sdelay $0x1  }
0x3ae: {  	v0 =	vmul.f32 v0, v60;
	_ =	sdelay $0x1  }
0x3af: {  	v0 =	vadd.f32 v0, v59;
	_ =	sdelay $0x1  }
0x3b0: {  	[tilespmem:s20+$0x8170] =	vst v0  }
0x3b1: {  	v0 =	vld [tilespmem:$0x10180];
	_ =	sdelay $0x3  }
0x3b2: {  	v61 =	vld [tilespmem:$0x10580]  }
0x3b3: {  	v62 =	vsub.f32 v56, v10;
	v0 =	vmul.f32 v0, v16;
	_ =	sdelay $0x1  }
0x3b4: {  	v0 =	vmul.f32 v0, v62;
	_ =	sdelay $0x1  }
0x3b5: {  	v0 =	vadd.f32 v0, v61;
	_ =	sdelay $0x1  }
0x3b6: {  	[tilespmem:s20+$0x8500] =	vst v0  }
0x3b7: {  	v0 =	vld [tilespmem:$0x10190];
	_ =	sdelay $0x3  }
0x3b8: {  	v63 =	vld [tilespmem:$0x10590]  }
0x3b9: {  	v56 =	vsub.f32 v55, v10;
	v0 =	vmul.f32 v0, v16;
	_ =	sdelay $0x1  }
0x3ba: {  	v0 =	vmul.f32 v0, v56;
	_ =	sdelay $0x1  }
0x3bb: {  	v0 =	vadd.f32 v0, v63;
	_ =	sdelay $0x1  }
0x3bc: {  	[tilespmem:s20+$0x8510] =	vst v0  }
0x3bd: {  	v0 =	vld [tilespmem:$0x101A0];
	_ =	sdelay $0x3  }
0x3be: {  	v57 =	vld [tilespmem:$0x105A0]  }
0x3bf: {  	v58 =	vsub.f32 v54, v10;
	v0 =	vmul.f32 v0, v16;
	_ =	sdelay $0x1  }
0x3c0: {  	v0 =	vmul.f32 v0, v58;
	_ =	sdelay $0x1  }
0x3c1: {  	v0 =	vadd.f32 v0, v57;
	_ =	sdelay $0x1  }
0x3c2: {  	[tilespmem:s20+$0x8520] =	vst v0  }
0x3c3: {  	v0 =	vld [tilespmem:$0x101B0];
	_ =	sdelay $0x3  }
0x3c4: {  	v59 =	vld [tilespmem:$0x105B0]  }
0x3c5: {  	v60 =	vsub.f32 v53, v10;
	v0 =	vmul.f32 v0, v16;
	_ =	sdelay $0x1  }
0x3c6: {  	v0 =	vmul.f32 v0, v60;
	_ =	sdelay $0x1  }
0x3c7: {  	v0 =	vadd.f32 v0, v59;
	_ =	sdelay $0x1  }
0x3c8: {  	[tilespmem:s20+$0x8530] =	vst v0  }
0x3c9: {  	v0 =	vld [tilespmem:$0x101C0];
	_ =	sdelay $0x3  }
0x3ca: {  	v61 =	vld [tilespmem:$0x105C0]  }
0x3cb: {  	v62 =	vsub.f32 v52, v10;
	v0 =	vmul.f32 v0, v16;
	_ =	sdelay $0x1  }
0x3cc: {  	v0 =	vmul.f32 v0, v62;
	_ =	sdelay $0x1  }
0x3cd: {  	v0 =	vadd.f32 v0, v61;
	_ =	sdelay $0x1  }
0x3ce: {  	[tilespmem:s20+$0x8540] =	vst v0  }
0x3cf: {  	v0 =	vld [tilespmem:$0x101D0];
	_ =	sdelay $0x3  }
0x3d0: {  	v63 =	vld [tilespmem:$0x105D0]  }
0x3d1: {  	v52 =	vsub.f32 v51, v10;
	v0 =	vmul.f32 v0, v16;
	_ =	sdelay $0x1  }
0x3d2: {  	v0 =	vmul.f32 v0, v52;
	_ =	sdelay $0x1  }
0x3d3: {  	v0 =	vadd.f32 v0, v63;
	_ =	sdelay $0x1  }
0x3d4: {  	[tilespmem:s20+$0x8550] =	vst v0  }
0x3d5: {  	v0 =	vld [tilespmem:$0x101E0];
	_ =	sdelay $0x3  }
0x3d6: {  	v53 =	vld [tilespmem:$0x105E0]  }
0x3d7: {  	v54 =	vsub.f32 v50, v10;
	v0 =	vmul.f32 v0, v16;
	_ =	sdelay $0x1  }
0x3d8: {  	v0 =	vmul.f32 v0, v54;
	_ =	sdelay $0x1  }
0x3d9: {  	v0 =	vadd.f32 v0, v53;
	_ =	sdelay $0x1  }
0x3da: {  	[tilespmem:s20+$0x8560] =	vst v0  }
0x3db: {  	v0 =	vld [tilespmem:$0x101F0];
	_ =	sdelay $0x3  }
0x3dc: {  	v55 =	vld [tilespmem:$0x105F0]  }
0x3dd: {  	v56 =	vsub.f32 v49, v10;
	v0 =	vmul.f32 v0, v16;
	_ =	sdelay $0x1  }
0x3de: {  	v0 =	vmul.f32 v0, v56;
	_ =	sdelay $0x1  }
0x3df: {  	v0 =	vadd.f32 v0, v55;
	_ =	sdelay $0x1  }
0x3e0: {  	[tilespmem:s20+$0x8570] =	vst v0  }
0x3e1: {  	v0 =	vld [tilespmem:$0x10200];
	_ =	sdelay $0x3  }
0x3e2: {  	v57 =	vld [tilespmem:$0x10600]  }
0x3e3: {  	v58 =	vsub.f32 v48, v10;
	v0 =	vmul.f32 v0, v16;
	_ =	sdelay $0x1  }
0x3e4: {  	v0 =	vmul.f32 v0, v58;
	_ =	sdelay $0x1  }
0x3e5: {  	v0 =	vadd.f32 v0, v57;
	_ =	sdelay $0x1  }
0x3e6: {  	[tilespmem:s20+$0x8900] =	vst v0  }
0x3e7: {  	v0 =	vld [tilespmem:$0x10210];
	_ =	sdelay $0x3  }
0x3e8: {  	v59 =	vld [tilespmem:$0x10610]  }
0x3e9: {  	v60 =	vsub.f32 v47, v10;
	v0 =	vmul.f32 v0, v16;
	_ =	sdelay $0x1  }
0x3ea: {  	v0 =	vmul.f32 v0, v60;
	_ =	sdelay $0x1  }
0x3eb: {  	v0 =	vadd.f32 v0, v59;
	_ =	sdelay $0x1  }
0x3ec: {  	[tilespmem:s20+$0x8910] =	vst v0  }
0x3ed: {  	v0 =	vld [tilespmem:$0x10220];
	_ =	sdelay $0x3  }
0x3ee: {  	v61 =	vld [tilespmem:$0x10620]  }
0x3ef: {  	v62 =	vsub.f32 v46, v10;
	v0 =	vmul.f32 v0, v16;
	_ =	sdelay $0x1  }
0x3f0: {  	v0 =	vmul.f32 v0, v62;
	_ =	sdelay $0x1  }
0x3f1: {  	v0 =	vadd.f32 v0, v61;
	_ =	sdelay $0x1  }
0x3f2: {  	[tilespmem:s20+$0x8920] =	vst v0  }
0x3f3: {  	v0 =	vld [tilespmem:$0x10230];
	_ =	sdelay $0x3  }
0x3f4: {  	v63 =	vld [tilespmem:$0x10630]  }
0x3f5: {  	v45 =	vsub.f32 v45, v10;
	v0 =	vmul.f32 v0, v16;
	_ =	sdelay $0x1  }
0x3f6: {  	v0 =	vmul.f32 v0, v45;
	_ =	sdelay $0x1  }
0x3f7: {  	v0 =	vadd.f32 v0, v63;
	_ =	sdelay $0x1  }
0x3f8: {  	[tilespmem:s20+$0x8930] =	vst v0  }
0x3f9: {  	v0 =	vld [tilespmem:$0x10240];
	_ =	sdelay $0x3  }
0x3fa: {  	v46 =	vld [tilespmem:$0x10640]  }
0x3fb: {  	v47 =	vsub.f32 v44, v10;
	v0 =	vmul.f32 v0, v16;
	_ =	sdelay $0x1  }
0x3fc: {  	v0 =	vmul.f32 v0, v47;
	_ =	sdelay $0x1  }
0x3fd: {  	v0 =	vadd.f32 v0, v46;
	_ =	sdelay $0x1  }
0x3fe: {  	[tilespmem:s20+$0x8940] =	vst v0  }
0x3ff: {  	v0 =	vld [tilespmem:$0x10250];
	_ =	sdelay $0x3  }
0x400: {  	v48 =	vld [tilespmem:$0x10650]  }
0x401: {  	v49 =	vsub.f32 v43, v10;
	v0 =	vmul.f32 v0, v16;
	_ =	sdelay $0x1  }
0x402: {  	v0 =	vmul.f32 v0, v49;
	_ =	sdelay $0x1  }
0x403: {  	v0 =	vadd.f32 v0, v48;
	_ =	sdelay $0x1  }
0x404: {  	[tilespmem:s20+$0x8950] =	vst v0  }
0x405: {  	v0 =	vld [tilespmem:$0x10260];
	_ =	sdelay $0x3  }
0x406: {  	v50 =	vld [tilespmem:$0x10660]  }
0x407: {  	v51 =	vsub.f32 v42, v10;
	v0 =	vmul.f32 v0, v16;
	_ =	sdelay $0x1  }
0x408: {  	v0 =	vmul.f32 v0, v51;
	_ =	sdelay $0x1  }
0x409: {  	v0 =	vadd.f32 v0, v50;
	_ =	sdelay $0x1  }
0x40a: {  	[tilespmem:s20+$0x8960] =	vst v0  }
0x40b: {  	v0 =	vld [tilespmem:$0x10270];
	_ =	sdelay $0x3  }
0x40c: {  	v52 =	vld [tilespmem:$0x10670]  }
0x40d: {  	v53 =	vsub.f32 v41, v10;
	v0 =	vmul.f32 v0, v16;
	_ =	sdelay $0x1  }
0x40e: {  	v0 =	vmul.f32 v0, v53;
	_ =	sdelay $0x1  }
0x40f: {  	v0 =	vadd.f32 v0, v52;
	_ =	sdelay $0x1  }
0x410: {  	[tilespmem:s20+$0x8970] =	vst v0  }
0x411: {  	v0 =	vld [tilespmem:$0x10280];
	_ =	sdelay $0x3  }
0x412: {  	v54 =	vld [tilespmem:$0x10680]  }
0x413: {  	v55 =	vsub.f32 v40, v10;
	v0 =	vmul.f32 v0, v16;
	_ =	sdelay $0x1  }
0x414: {  	v0 =	vmul.f32 v0, v55;
	_ =	sdelay $0x1  }
0x415: {  	v0 =	vadd.f32 v0, v54;
	_ =	sdelay $0x1  }
0x416: {  	[tilespmem:s20+$0x8D00] =	vst v0  }
0x417: {  	v0 =	vld [tilespmem:$0x10290];
	_ =	sdelay $0x3  }
0x418: {  	v56 =	vld [tilespmem:$0x10690]  }
0x419: {  	v57 =	vsub.f32 v39, v10;
	v0 =	vmul.f32 v0, v16;
	_ =	sdelay $0x1  }
0x41a: {  	v0 =	vmul.f32 v0, v57;
	_ =	sdelay $0x1  }
0x41b: {  	v0 =	vadd.f32 v0, v56;
	_ =	sdelay $0x1  }
0x41c: {  	[tilespmem:s20+$0x8D10] =	vst v0  }
0x41d: {  	v0 =	vld [tilespmem:$0x102A0];
	_ =	sdelay $0x3  }
0x41e: {  	v58 =	vld [tilespmem:$0x106A0]  }
0x41f: {  	v59 =	vsub.f32 v38, v10;
	v0 =	vmul.f32 v0, v16;
	_ =	sdelay $0x1  }
0x420: {  	v0 =	vmul.f32 v0, v59;
	_ =	sdelay $0x1  }
0x421: {  	v0 =	vadd.f32 v0, v58;
	_ =	sdelay $0x1  }
0x422: {  	[tilespmem:s20+$0x8D20] =	vst v0  }
0x423: {  	v0 =	vld [tilespmem:$0x102B0];
	_ =	sdelay $0x3  }
0x424: {  	v60 =	vld [tilespmem:$0x106B0]  }
0x425: {  	v61 =	vsub.f32 v37, v10;
	v0 =	vmul.f32 v0, v16;
	_ =	sdelay $0x1  }
0x426: {  	v0 =	vmul.f32 v0, v61;
	_ =	sdelay $0x1  }
0x427: {  	v0 =	vadd.f32 v0, v60;
	_ =	sdelay $0x1  }
0x428: {  	[tilespmem:s20+$0x8D30] =	vst v0  }
0x429: {  	v0 =	vld [tilespmem:$0x102C0];
	_ =	sdelay $0x3  }
0x42a: {  	v62 =	vld [tilespmem:$0x106C0]  }
0x42b: {  	v63 =	vsub.f32 v36, v10;
	v0 =	vmul.f32 v0, v16;
	_ =	sdelay $0x1  }
0x42c: {  	v0 =	vmul.f32 v0, v63;
	_ =	sdelay $0x1  }
0x42d: {  	v0 =	vadd.f32 v0, v62;
	_ =	sdelay $0x1  }
0x42e: {  	[tilespmem:s20+$0x8D40] =	vst v0  }
0x42f: {  	v0 =	vld [tilespmem:$0x102D0];
	_ =	sdelay $0x3  }
0x430: {  	v36 =	vld [tilespmem:$0x106D0]  }
0x431: {  	v37 =	vsub.f32 v35, v10;
	v0 =	vmul.f32 v0, v16;
	_ =	sdelay $0x1  }
0x432: {  	v0 =	vmul.f32 v0, v37;
	_ =	sdelay $0x1  }
0x433: {  	v0 =	vadd.f32 v0, v36;
	_ =	sdelay $0x1  }
0x434: {  	[tilespmem:s20+$0x8D50] =	vst v0  }
0x435: {  	v0 =	vld [tilespmem:$0x102E0];
	_ =	sdelay $0x3  }
0x436: {  	v38 =	vld [tilespmem:$0x106E0]  }
0x437: {  	v39 =	vsub.f32 v34, v10;
	v0 =	vmul.f32 v0, v16;
	_ =	sdelay $0x1  }
0x438: {  	v0 =	vmul.f32 v0, v39;
	_ =	sdelay $0x1  }
0x439: {  	v0 =	vadd.f32 v0, v38;
	_ =	sdelay $0x1  }
0x43a: {  	[tilespmem:s20+$0x8D60] =	vst v0  }
0x43b: {  	v0 =	vld [tilespmem:$0x102F0];
	_ =	sdelay $0x3  }
0x43c: {  	v40 =	vld [tilespmem:$0x106F0]  }
0x43d: {  	v41 =	vsub.f32 v33, v10;
	v0 =	vmul.f32 v0, v16;
	_ =	sdelay $0x1  }
0x43e: {  	v0 =	vmul.f32 v0, v41;
	_ =	sdelay $0x1  }
0x43f: {  	v0 =	vadd.f32 v0, v40;
	_ =	sdelay $0x1  }
0x440: {  	[tilespmem:s20+$0x8D70] =	vst v0  }
0x441: {  	v0 =	vld [tilespmem:$0x10300];
	_ =	sdelay $0x3  }
0x442: {  	v42 =	vld [tilespmem:$0x10700]  }
0x443: {  	v43 =	vsub.f32 v32, v10;
	v0 =	vmul.f32 v0, v16;
	_ =	sdelay $0x1  }
0x444: {  	v0 =	vmul.f32 v0, v43;
	_ =	sdelay $0x1  }
0x445: {  	v0 =	vadd.f32 v0, v42;
	_ =	sdelay $0x1  }
0x446: {  	[tilespmem:s20+$0x9100] =	vst v0  }
0x447: {  	v0 =	vld [tilespmem:$0x10310];
	_ =	sdelay $0x3  }
0x448: {  	v44 =	vld [tilespmem:$0x10710]  }
0x449: {  	v45 =	vsub.f32 v31, v10;
	v0 =	vmul.f32 v0, v16;
	_ =	sdelay $0x1  }
0x44a: {  	v0 =	vmul.f32 v0, v45;
	_ =	sdelay $0x1  }
0x44b: {  	v0 =	vadd.f32 v0, v44;
	_ =	sdelay $0x1  }
0x44c: {  	[tilespmem:s20+$0x9110] =	vst v0  }
0x44d: {  	v0 =	vld [tilespmem:$0x10320];
	_ =	sdelay $0x3  }
0x44e: {  	v46 =	vld [tilespmem:$0x10720]  }
0x44f: {  	v47 =	vsub.f32 v30, v10;
	v0 =	vmul.f32 v0, v16;
	_ =	sdelay $0x1  }
0x450: {  	v0 =	vmul.f32 v0, v47;
	_ =	sdelay $0x1  }
0x451: {  	v0 =	vadd.f32 v0, v46;
	_ =	sdelay $0x1  }
0x452: {  	[tilespmem:s20+$0x9120] =	vst v0  }
0x453: {  	v0 =	vld [tilespmem:$0x10330];
	_ =	sdelay $0x3  }
0x454: {  	v48 =	vld [tilespmem:$0x10730]  }
0x455: {  	v49 =	vsub.f32 v29, v10;
	v0 =	vmul.f32 v0, v16;
	_ =	sdelay $0x1  }
0x456: {  	v0 =	vmul.f32 v0, v49;
	_ =	sdelay $0x1  }
0x457: {  	v0 =	vadd.f32 v0, v48;
	_ =	sdelay $0x1  }
0x458: {  	[tilespmem:s20+$0x9130] =	vst v0  }
0x459: {  	v0 =	vld [tilespmem:$0x10340];
	_ =	sdelay $0x3  }
0x45a: {  	v50 =	vld [tilespmem:$0x10740]  }
0x45b: {  	v51 =	vsub.f32 v28, v10;
	v0 =	vmul.f32 v0, v16;
	_ =	sdelay $0x1  }
0x45c: {  	v0 =	vmul.f32 v0, v51;
	_ =	sdelay $0x1  }
0x45d: {  	v0 =	vadd.f32 v0, v50;
	_ =	sdelay $0x1  }
0x45e: {  	[tilespmem:s20+$0x9140] =	vst v0  }
0x45f: {  	v0 =	vld [tilespmem:$0x10350];
	_ =	sdelay $0x3  }
0x460: {  	v52 =	vld [tilespmem:$0x10750]  }
0x461: {  	v53 =	vsub.f32 v27, v10;
	v0 =	vmul.f32 v0, v16;
	_ =	sdelay $0x1  }
0x462: {  	v0 =	vmul.f32 v0, v53;
	_ =	sdelay $0x1  }
0x463: {  	v0 =	vadd.f32 v0, v52;
	_ =	sdelay $0x1  }
0x464: {  	[tilespmem:s20+$0x9150] =	vst v0  }
0x465: {  	v0 =	vld [tilespmem:$0x10360];
	_ =	sdelay $0x3  }
0x466: {  	v54 =	vld [tilespmem:$0x10760]  }
0x467: {  	v55 =	vsub.f32 v26, v10;
	v0 =	vmul.f32 v0, v16;
	_ =	sdelay $0x1  }
0x468: {  	v0 =	vmul.f32 v0, v55;
	_ =	sdelay $0x1  }
0x469: {  	v0 =	vadd.f32 v0, v54;
	_ =	sdelay $0x1  }
0x46a: {  	[tilespmem:s20+$0x9160] =	vst v0  }
0x46b: {  	v0 =	vld [tilespmem:$0x10370];
	_ =	sdelay $0x3  }
0x46c: {  	v56 =	vld [tilespmem:$0x10770]  }
0x46d: {  	v57 =	vsub.f32 v25, v10;
	v0 =	vmul.f32 v0, v16;
	_ =	sdelay $0x1  }
0x46e: {  	v0 =	vmul.f32 v0, v57;
	_ =	sdelay $0x1  }
0x46f: {  	v0 =	vadd.f32 v0, v56;
	_ =	sdelay $0x1  }
0x470: {  	[tilespmem:s20+$0x9170] =	vst v0  }
0x471: {  	v0 =	vld [tilespmem:$0x10380];
	_ =	sdelay $0x3  }
0x472: {  	v58 =	vld [tilespmem:$0x10780]  }
0x473: {  	v59 =	vsub.f32 v24, v10;
	v0 =	vmul.f32 v0, v16;
	_ =	sdelay $0x1  }
0x474: {  	v0 =	vmul.f32 v0, v59;
	_ =	sdelay $0x1  }
0x475: {  	v0 =	vadd.f32 v0, v58;
	_ =	sdelay $0x1  }
0x476: {  	[tilespmem:s20+$0x9500] =	vst v0  }
0x477: {  	v0 =	vld [tilespmem:$0x10390];
	_ =	sdelay $0x3  }
0x478: {  	v60 =	vld [tilespmem:$0x10790]  }
0x479: {  	v61 =	vsub.f32 v23, v10;
	v0 =	vmul.f32 v0, v16;
	_ =	sdelay $0x1  }
0x47a: {  	v0 =	vmul.f32 v0, v61;
	_ =	sdelay $0x1  }
0x47b: {  	v0 =	vadd.f32 v0, v60;
	_ =	sdelay $0x1  }
0x47c: {  	[tilespmem:s20+$0x9510] =	vst v0  }
0x47d: {  	v0 =	vld [tilespmem:$0x103A0];
	_ =	sdelay $0x3  }
0x47e: {  	v62 =	vld [tilespmem:$0x107A0]  }
0x47f: {  	v63 =	vsub.f32 v22, v10;
	v0 =	vmul.f32 v0, v16;
	_ =	sdelay $0x1  }
0x480: {  	v0 =	vmul.f32 v0, v63;
	_ =	sdelay $0x1  }
0x481: {  	v0 =	vadd.f32 v0, v62;
	_ =	sdelay $0x1  }
0x482: {  	[tilespmem:s20+$0x9520] =	vst v0  }
0x483: {  	v0 =	vld [tilespmem:$0x103B0];
	_ =	sdelay $0x3  }
0x484: {  	v22 =	vld [tilespmem:$0x107B0]  }
0x485: {  	v23 =	vsub.f32 v21, v10;
	v0 =	vmul.f32 v0, v16;
	_ =	sdelay $0x1  }
0x486: {  	v0 =	vmul.f32 v0, v23;
	_ =	sdelay $0x1  }
0x487: {  	v0 =	vadd.f32 v0, v22;
	_ =	sdelay $0x1  }
0x488: {  	[tilespmem:s20+$0x9530] =	vst v0  }
0x489: {  	v0 =	vld [tilespmem:$0x103C0];
	_ =	sdelay $0x3  }
0x48a: {  	v24 =	vld [tilespmem:$0x107C0]  }
0x48b: {  	v25 =	vsub.f32 v20, v10;
	v0 =	vmul.f32 v0, v16;
	_ =	sdelay $0x1  }
0x48c: {  	v0 =	vmul.f32 v0, v25;
	_ =	sdelay $0x1  }
0x48d: {  	v0 =	vadd.f32 v0, v24;
	_ =	sdelay $0x1  }
0x48e: {  	[tilespmem:s20+$0x9540] =	vst v0  }
0x48f: {  	v0 =	vld [tilespmem:$0x103D0];
	_ =	sdelay $0x3  }
0x490: {  	v26 =	vld [tilespmem:$0x107D0]  }
0x491: {  	v27 =	vsub.f32 v19, v10;
	v0 =	vmul.f32 v0, v16;
	_ =	sdelay $0x1  }
0x492: {  	v0 =	vmul.f32 v0, v27;
	_ =	sdelay $0x1  }
0x493: {  	v0 =	vadd.f32 v0, v26;
	_ =	sdelay $0x1  }
0x494: {  	[tilespmem:s20+$0x9550] =	vst v0  }
0x495: {  	v0 =	vld [tilespmem:$0x103E0];
	_ =	sdelay $0x3  }
0x496: {  	v28 =	vld [tilespmem:$0x107E0]  }
0x497: {  	v29 =	vsub.f32 v18, v10;
	v0 =	vmul.f32 v0, v16;
	_ =	sdelay $0x1  }
0x498: {  	v0 =	vmul.f32 v0, v29;
	_ =	sdelay $0x1  }
0x499: {  	v0 =	vadd.f32 v0, v28;
	_ =	sdelay $0x1  }
0x49a: {  	[tilespmem:s20+$0x9560] =	vst v0  }
0x49b: {  	v0 =	vld [tilespmem:$0x103F0];
	_ =	sdelay $0x3  }
0x49c: {  	v30 =	vld [tilespmem:$0x107F0]  }
0x49d: {  	v31 =	vsub.f32 v17, v10;
	v0 =	vmul.f32 v0, v16;
	_ =	sdelay $0x1  }
0x49e: {  	v0 =	vmul.f32 v0, v31;
	_ =	sdelay $0x1  }
0x49f: {  	v0 =	vadd.f32 v0, v30;
	_ =	sdelay $0x1  }
0x4a0: {  	[tilespmem:s20+$0x9570] =	vst v0  }
0x4a1: {  	v0 =	vld [tilespmem:$0x10400];
	_ =	sdelay $0x3  }
0x4a2: {  	v32 =	vld [tilespmem:$0x10800]  }
0x4a3: {  	v33 =	vsub.f32 v15, v10;
	v0 =	vmul.f32 v0, v16;
	_ =	sdelay $0x1  }
0x4a4: {  	v0 =	vmul.f32 v0, v33;
	_ =	sdelay $0x1  }
0x4a5: {  	v0 =	vadd.f32 v0, v32;
	_ =	sdelay $0x1  }
0x4a6: {  	[tilespmem:s20+$0x9900] =	vst v0  }
0x4a7: {  	v0 =	vld [tilespmem:$0x10410];
	_ =	sdelay $0x3  }
0x4a8: {  	v34 =	vld [tilespmem:$0x10810]  }
0x4a9: {  	v35 =	vsub.f32 v14, v10;
	v0 =	vmul.f32 v0, v16;
	_ =	sdelay $0x1  }
0x4aa: {  	v0 =	vmul.f32 v0, v35;
	_ =	sdelay $0x1  }
0x4ab: {  	v0 =	vadd.f32 v0, v34;
	_ =	sdelay $0x1  }
0x4ac: {  	[tilespmem:s20+$0x9910] =	vst v0  }
0x4ad: {  	v0 =	vld [tilespmem:$0x10420];
	_ =	sdelay $0x3  }
0x4ae: {  	v36 =	vld [tilespmem:$0x10820]  }
0x4af: {  	v37 =	vsub.f32 v13, v10;
	v0 =	vmul.f32 v0, v16;
	_ =	sdelay $0x1  }
0x4b0: {  	v0 =	vmul.f32 v0, v37;
	_ =	sdelay $0x1  }
0x4b1: {  	v0 =	vadd.f32 v0, v36;
	_ =	sdelay $0x1  }
0x4b2: {  	[tilespmem:s20+$0x9920] =	vst v0  }
0x4b3: {  	v0 =	vld [tilespmem:$0x10430];
	_ =	sdelay $0x3  }
0x4b4: {  	v38 =	vld [tilespmem:$0x10830]  }
0x4b5: {  	v39 =	vsub.f32 v12, v10;
	v0 =	vmul.f32 v0, v16;
	_ =	sdelay $0x1  }
0x4b6: {  	v0 =	vmul.f32 v0, v39;
	_ =	sdelay $0x1  }
0x4b7: {  	v0 =	vadd.f32 v0, v38;
	_ =	sdelay $0x1  }
0x4b8: {  	[tilespmem:s20+$0x9930] =	vst v0  }
0x4b9: {  	v0 =	vld [tilespmem:$0x10440];
	_ =	sdelay $0x3  }
0x4ba: {  	v40 =	vld [tilespmem:$0x10840]  }
0x4bb: {  	v41 =	vsub.f32 v11, v10;
	v0 =	vmul.f32 v0, v16;
	_ =	sdelay $0x1  }
0x4bc: {  	v0 =	vmul.f32 v0, v41;
	_ =	sdelay $0x1  }
0x4bd: {  	v0 =	vadd.f32 v0, v40;
	_ =	sdelay $0x1  }
0x4be: {  	[tilespmem:s20+$0x9940] =	vst v0  }
0x4bf: {  	v0 =	vld [tilespmem:$0x10450];
	_ =	sdelay $0x3  }
0x4c0: {  	v42 =	vld [tilespmem:$0x10850]  }
0x4c1: {  	v43 =	vsub.f32 v9, v10;
	v0 =	vmul.f32 v0, v16;
	_ =	sdelay $0x1  }
0x4c2: {  	v0 =	vmul.f32 v0, v43;
	_ =	sdelay $0x1  }
0x4c3: {  	v0 =	vadd.f32 v0, v42;
	_ =	sdelay $0x1  }
0x4c4: {  	[tilespmem:s20+$0x9950] =	vst v0  }
0x4c5: {  	v0 =	vld [tilespmem:$0x10460];
	_ =	sdelay $0x3  }
0x4c6: {  	v44 =	vld [tilespmem:$0x10860]  }
0x4c7: {  	v45 =	vsub.f32 v8, v10;
	v0 =	vmul.f32 v0, v16;
	_ =	sdelay $0x1  }
0x4c8: {  	v0 =	vmul.f32 v0, v45;
	_ =	sdelay $0x1  }
0x4c9: {  	v0 =	vadd.f32 v0, v44;
	_ =	sdelay $0x1  }
0x4ca: {  	[tilespmem:s20+$0x9960] =	vst v0  }
0x4cb: {  	v0 =	vld [tilespmem:$0x10470];
	_ =	sdelay $0x3  }
0x4cc: {  	v46 =	vld [tilespmem:$0x10870]  }
0x4cd: {  	v47 =	vsub.f32 v7, v10;
	v0 =	vmul.f32 v0, v16;
	_ =	sdelay $0x1  }
0x4ce: {  	v0 =	vmul.f32 v0, v47;
	_ =	sdelay $0x1  }
0x4cf: {  	v0 =	vadd.f32 v0, v46;
	_ =	sdelay $0x1  }
0x4d0: {  	[tilespmem:s20+$0x9970] =	vst v0  }
0x4d1: {  	v0 =	vld [tilespmem:s30+$0x8100]  }
0x4d2: {  	v48 =	vld [tilespmem:$0x10480];
	_ =	sdelay $0x3  }
0x4d3: {  	v49 =	vld [tilespmem:$0x10880]  }
0x4d4: {  	v1 =	vmul.f32 v48, v16;
	v0 =	vsub.f32 v0, v10;
	_ =	sdelay $0x1  }
0x4d5: {  	v0 =	vmul.f32 v1, v0;
	_ =	sdelay $0x1  }
0x4d6: {  	v0 =	vadd.f32 v0, v49;
	_ =	sdelay $0x1  }
0x4d7: {  	[tilespmem:s30+$0x8100] =	vst v0  }
0x4d8: {  	v0 =	vld [tilespmem:s29+$0x8100]  }
0x4d9: {  	v50 =	vld [tilespmem:$0x10490];
	_ =	sdelay $0x3  }
0x4da: {  	v51 =	vld [tilespmem:$0x10890]  }
0x4db: {  	v1 =	vmul.f32 v50, v16;
	v0 =	vsub.f32 v0, v10;
	_ =	sdelay $0x1  }
0x4dc: {  	v0 =	vmul.f32 v1, v0;
	_ =	sdelay $0x1  }
0x4dd: {  	v0 =	vadd.f32 v0, v51;
	_ =	sdelay $0x1  }
0x4de: {  	[tilespmem:s29+$0x8100] =	vst v0  }
0x4df: {  	v0 =	vld [tilespmem:s28+$0x8100]  }
0x4e0: {  	v52 =	vld [tilespmem:$0x104A0];
	_ =	sdelay $0x3  }
0x4e1: {  	v53 =	vld [tilespmem:$0x108A0]  }
0x4e2: {  	v1 =	vmul.f32 v52, v16;
	v0 =	vsub.f32 v0, v10;
	_ =	sdelay $0x1  }
0x4e3: {  	v0 =	vmul.f32 v1, v0;
	_ =	sdelay $0x1  }
0x4e4: {  	v0 =	vadd.f32 v0, v53;
	_ =	sdelay $0x1  }
0x4e5: {  	[tilespmem:s28+$0x8100] =	vst v0  }
0x4e6: {  	v0 =	vld [tilespmem:s26+$0x8100]  }
0x4e7: {  	v54 =	vld [tilespmem:$0x104B0];
	_ =	sdelay $0x3  }
0x4e8: {  	v55 =	vld [tilespmem:$0x108B0]  }
0x4e9: {  	v1 =	vmul.f32 v54, v16;
	v0 =	vsub.f32 v0, v10;
	_ =	sdelay $0x1  }
0x4ea: {  	v0 =	vmul.f32 v1, v0;
	_ =	sdelay $0x1  }
0x4eb: {  	v0 =	vadd.f32 v0, v55;
	_ =	sdelay $0x1  }
0x4ec: {  	[tilespmem:s26+$0x8100] =	vst v0  }
0x4ed: {  	v0 =	vld [tilespmem:s25+$0x8100]  }
0x4ee: {  	v56 =	vld [tilespmem:$0x104C0];
	_ =	sdelay $0x3  }
0x4ef: {  	v57 =	vld [tilespmem:$0x108C0]  }
0x4f0: {  	v1 =	vmul.f32 v56, v16;
	v0 =	vsub.f32 v0, v10;
	_ =	sdelay $0x1  }
0x4f1: {  	v0 =	vmul.f32 v1, v0;
	_ =	sdelay $0x1  }
0x4f2: {  	v0 =	vadd.f32 v0, v57;
	_ =	sdelay $0x1  }
0x4f3: {  	[tilespmem:s25+$0x8100] =	vst v0  }
0x4f4: {  	v0 =	vld [tilespmem:s24+$0x8100]  }
0x4f5: {  	v58 =	vld [tilespmem:$0x104D0];
	_ =	sdelay $0x3  }
0x4f6: {  	v59 =	vld [tilespmem:$0x108D0]  }
0x4f7: {  	v1 =	vmul.f32 v58, v16;
	v0 =	vsub.f32 v0, v10;
	_ =	sdelay $0x1  }
0x4f8: {  	v0 =	vmul.f32 v1, v0;
	_ =	sdelay $0x1  }
0x4f9: {  	v0 =	vadd.f32 v0, v59;
	_ =	sdelay $0x1  }
0x4fa: {  	[tilespmem:s24+$0x8100] =	vst v0  }
0x4fb: {  	v0 =	vld [tilespmem:s22+$0x8100]  }
0x4fc: {  	v60 =	vld [tilespmem:$0x104E0];
	_ =	sdelay $0x3  }
0x4fd: {  	v61 =	vld [tilespmem:$0x108E0]  }
0x4fe: {  	v1 =	vmul.f32 v60, v16;
	v0 =	vsub.f32 v0, v10;
	_ =	sdelay $0x1  }
0x4ff: {  	v0 =	vmul.f32 v1, v0;
	_ =	sdelay $0x1  }
0x500: {  	v0 =	vadd.f32 v0, v61;
	_ =	sdelay $0x1  }
0x501: {  	[tilespmem:s22+$0x8100] =	vst v0  }
0x502: {  	v0 =	vld [tilespmem:s21+$0x8100]  }
0x503: {  	v62 =	vld [tilespmem:$0x104F0];
	_ =	sdelay $0x3  }
0x504: {  	v63 =	vld [tilespmem:$0x108F0]  }
0x505: {  	v1 =	vmul.f32 v62, v16;
	v0 =	vsub.f32 v0, v10  }
0x506: {  	p0 =	sne.s32 s19, $0xF80  }
.Ltmp2:
0x507: {  	v0 =	vmul.f32 v1, v0;
	(pc) =	sbr.rel @p0 .LBB2_7-.Ltmp2, $4  }
0x508: {  	_ = 	snop  }
0x509: {  	v0 =	vadd.f32 v0, v63  }
0x50a: {  	s9 =	sadd.s32 $0x1, s9  }
0x50b: {  	s14 =	sadd.s32 $0x400, s14;
	s19 =	sadd.s32 $0x80, s19;
	s18 =	sadd.s32 $0x400, s18;
	[tilespmem:s21+$0x8100] =	vst v0  }
0x50c: {  	s8 =	sadd.s32 $0x1, s8  }
0x50d: {  	p0 =	sne.s32 s8, $0x8  }
.Ltmp3:
0x50e: {  	_ = 	snop;
	(pc) =	sbr.rel @p0 .LBB2_2-.Ltmp3, $4  }
0x50f: {  	_ = 	snop  }
0x510: {  	s9 =	sshll.u32 s15, $0x7  }
0x511: {  	s9 =	sadd.s32 s5, s9  }
0x512: {  	v4 =	vmov v6;
	[hbm4b:s9+s6] =	stream.linear.scatter [tilespmem:s17], [sflag:$0x4], $0x8000, $0x38;
	[tilespmem:$0x10900] =	vst v63  }
0x513: {  	s9 =	simm.s32 $0x4  }
0x514: {  	_ =	swait.ge [sflag:s9], $0x8000  }
0x515: {  	s14 =	rddreg [dreg:$0x9]  }
0x516: {  	s8 =	rddreg [dreg:$0x8];
	s14 =	sadd.s32 $0x1, s14  }
0x517: {  	p0 =	sne.s32 s14, s8  }
.Ltmp4:
0x518: {  	_ = 	snop;
	(pc) =	sbr.rel @p0 .LBB2_1-.Ltmp4, $3  }
0x519: {  	_ =	sdelay $0x1  }
0x51a: {  	[sflag:s9] =	ssyncset.done $0x0  }
0x51b: {  	[sflag:s9] =	ssyncadd.s32 $0xFFFF8000  }
0x51c: {  	_ =	sfence.sel $0x180000  }
0x51d: {  	[bflag:$0x0] =	sbarrier.arrive $0xFFFF  }
0x51e: {  	_ =	strace $0x90000047  }
0x51f: {  	s0 =	stileid.u32;
	[bflag:$0x2] =	sbarrier.arrive $0xFFFF  }
0x520: {  	p0 =	sne.s32 s0, $0x0;
	s0 =	rddreg [dreg:$0x5]  }
0x521: {  	s0 =	sadd.s32 @!p0 $0x100000, s0  }
0x522: {  	[sflag:s0] =	ssyncadd.tile.s32 @!p0 $0x1;
	_ =	shalt  }
.Lfunc_end2:
_tile_overlayer_lowered:
.L_overlay_start_2:
0x523: {  	(tag) =	ssettag $0x2  }
0x524: {  	s0 =	rddreg [dreg:$0x0];
	s2 =	stileid.u32  }
0x525: {  	s1 =	rddreg [dreg:$0x1];
	p0 =	sne.s32 s2, $0x0  }
0x526: {  	s3 =	rddreg [dreg:$0x2];
	[bflag:$0x3] =	sbarrier.arrive $0xFFFF;
	s2 =	simm.s32 @!p0 $0x1C05  }
0x527: {  	[timem:s3], [sflag:s2] =	dma.local @!p0 [hbm:s0], s1  }
0x528: {  	s0 =	simm.s32 @!p0 $0x5  }
0x529: {  	_ =	swait.ge @!p0 [sflag:s0], s1  }
0x52a: {  	s1 =	ssub.s32 @!p0 $0x0, s1;
	[sflag:s0] =	ssyncset.done @!p0 $0x0  }
0x52b: {  	[sflag:s0] =	ssyncadd.s32 @!p0 s1  }
0x52c: {  	[bflag:$0x3] =	sbarrier.arrive $0xFFFF  }
0x52d: {  	_ =	shalt  }

</sc_bundles>
